<compile_context>
chip_gen: v7x
topology: tpu7x:2x2x1
jax: 0.10.2.dev20260603
libtpu: 0.0.44.dev20260713+nightly
codegen_flags: <defaults>
</compile_context>

<pallas_src>
import functools

import jax
import jax.numpy as jnp
from jax import lax
from jax.experimental import pallas as pl
from jax.experimental.pallas import tpu as pltpu
from jax.experimental.pallas import tpu_sc as plsc

CH = 128
NB = 3


def _tile_rows(N, NS):
    rz = ((N + NS - 1) // NS + 15) // 16 * 16
    return rz



@functools.lru_cache(maxsize=None)
def _make_deg_kernel(N, E, NC, NS):
    NW = NC * NS
    NCH = -(-E // (CH * NW))
    NP = N + 16
    RZ = _tile_rows(N, NS)
    last = N - RZ * (NS - 1)
    mesh = plsc.VectorSubcoreMesh(core_axis_name="c", subcore_axis_name="s",
                                  num_cores=NC, num_subcores=NS)

    @functools.partial(
        pl.kernel,
        out_type=(
            jax.ShapeDtypeStruct((NC * N,), jnp.float32),
            jax.ShapeDtypeStruct((NC * N,), jnp.float32),
        ),
        mesh=mesh,
        scratch_types=[
            pltpu.VMEM((NCH, CH), jnp.int32),
            pltpu.VMEM((NCH, CH), jnp.int32),
            pltpu.VMEM((CH,), jnp.float32),
            pltpu.VMEM((RZ,), jnp.float32),
            pltpu.VMEM((RZ,), jnp.float32),
            pltpu.VMEM((RZ,), jnp.float32),
            pltpu.VMEM_SHARED((NP,), jnp.float32),
            pltpu.VMEM_SHARED((NP,), jnp.float32),
            pltpu.SemaphoreType.DMA,
        ],
    )
    def deg_kernel(rowd_hbm, col_hbm, odeg_out, ideg_out,
                   ridx2, cidx2, ones_v, zv, ostg, istg, oacc, iacc, sem):
        c = lax.axis_index("c")
        s = lax.axis_index("s")
        wid = s * NC + c
        r0 = s * RZ

        pltpu.sync_copy(rowd_hbm.at[wid], ridx2)
        pltpu.sync_copy(col_hbm.at[wid], cidx2)

        vone = jnp.ones((16,), jnp.float32)
        vzero = jnp.zeros((16,), jnp.float32)

        @pl.loop(0, CH // 16)
        def _(i):
            ones_v[pl.ds(i * 16, 16)] = vone

        @pl.loop(0, RZ // 16)
        def _(i):
            zv[pl.ds(i * 16, 16)] = vzero

        @pl.when(s < NS - 1)
        def _():
            pltpu.sync_copy(zv, oacc.at[pl.ds(r0, RZ)])
            pltpu.sync_copy(zv, iacc.at[pl.ds(r0, RZ)])

        @pl.when(s == NS - 1)
        def _():
            pltpu.sync_copy(zv.at[pl.ds(0, last)], oacc.at[pl.ds(r0, last)])
            pltpu.sync_copy(zv.at[pl.ds(0, last)], iacc.at[pl.ds(r0, last)])

        plsc.subcore_barrier()

        @pl.loop(0, NCH)
        def _(j):
            pltpu.async_copy(ones_v, oacc.at[ridx2.at[j]], sem, add=True)
            pltpu.async_copy(ones_v, iacc.at[cidx2.at[j]], sem, add=True)

        @pl.loop(0, 2 * NCH)
        def _(j):
            pltpu.make_async_copy(col_hbm.at[0, 0], ridx2.at[0], sem).wait()

        plsc.subcore_barrier()

        ob = pl.multiple_of(c * N + r0, 8)

        @pl.when(s < NS - 1)
        def _():
            pltpu.sync_copy(oacc.at[pl.ds(r0, RZ)], ostg)
            pltpu.sync_copy(iacc.at[pl.ds(r0, RZ)], istg)
            pltpu.sync_copy(ostg, odeg_out.at[pl.ds(ob, RZ)])
            pltpu.sync_copy(istg, ideg_out.at[pl.ds(ob, RZ)])

        @pl.when(s == NS - 1)
        def _():
            pltpu.sync_copy(oacc.at[pl.ds(r0, last)], ostg.at[pl.ds(0, last)])
            pltpu.sync_copy(iacc.at[pl.ds(r0, last)], istg.at[pl.ds(0, last)])
            pltpu.sync_copy(ostg.at[pl.ds(0, last)], odeg_out.at[pl.ds(ob, last)])
            pltpu.sync_copy(istg.at[pl.ds(0, last)], ideg_out.at[pl.ds(ob, last)])

    return deg_kernel


@functools.lru_cache(maxsize=None)
def _make_scatter_kernel(N, E, D, NC, NS):
    CHG = 128
    NW = NC * NS
    NCH = (-(-E // (CH * NW))) * (CH // CHG)
    NP = N + 16
    RZ = _tile_rows(N, NS)
    last = N - RZ * (NS - 1)
    mesh = plsc.VectorSubcoreMesh(core_axis_name="c", subcore_axis_name="s",
                                  num_cores=NC, num_subcores=NS)
    ZF = RZ // CHG
    ZFL = last // CHG
    ZREM = last - ZFL * CHG

    NI = 6

    @functools.partial(
        pl.kernel,
        out_type=jax.ShapeDtypeStruct((NC, N, D), jnp.float32),
        mesh=mesh,
        compiler_params=pltpu.CompilerParams(use_tc_tiling_on_sc=True),
        scratch_types=(
            [pltpu.VMEM_SHARED((NP, D), jnp.float32)]
            + [pltpu.VMEM((CHG,), jnp.int32)] * NI
            + [pltpu.VMEM((CHG,), jnp.int32)] * NI
            + [pltpu.VMEM((CHG, D), jnp.float32)] * NB
            + [pltpu.SemaphoreType.DMA] * NI
            + [pltpu.SemaphoreType.DMA] * NB
            + [pltpu.SemaphoreType.DMA] * NB
        ),
    )
    def scatter_kernel(xs_hbm, rowg_hbm, col_hbm, out_hbm, acc, *scr):
        ridx = scr[:NI]
        cidx = scr[NI:2 * NI]
        rows = scr[2 * NI:2 * NI + NB]
        isem = scr[2 * NI + NB:2 * NI + NB + NI]
        gsem = scr[2 * NI + NB + NI:2 * NI + NB + NI + NB]
        ssem = scr[2 * NI + NB + NI + NB:]
        c = lax.axis_index("c")
        s = lax.axis_index("s")
        wid = s * NC + c
        r0 = s * RZ

        def idx_load(j, i):
            pltpu.async_copy(rowg_hbm.at[wid, j], ridx[i], isem[i])
            pltpu.async_copy(col_hbm.at[wid, j], cidx[i], isem[i])

        def idx_wait(j, i):
            pltpu.make_async_copy(rowg_hbm.at[wid, j], ridx[i], isem[i]).wait()
            pltpu.make_async_copy(col_hbm.at[wid, j], cidx[i], isem[i]).wait()

        vzero = jnp.zeros((16,), jnp.float32)

        @pl.loop(0, CHG)
        def _(i):
            for k in range(D // 16):
                rows[0][i, pl.ds(k * 16, 16)] = vzero

        nz = jnp.where(s < NS - 1, ZF, ZFL)

        @pl.loop(0, nz)
        def _(k):
            pltpu.sync_copy(rows[0], acc.at[pl.ds(r0 + k * CHG, CHG)])

        if ZREM:
            @pl.when(s == NS - 1)
            def _():
                pltpu.sync_copy(rows[0].at[pl.ds(0, ZREM)],
                                acc.at[pl.ds(r0 + ZFL * CHG, ZREM)])

        plsc.subcore_barrier()

        for j in range(min(NI, NCH)):
            idx_load(j, j % NI)
        for j in range(min(NB, NCH)):
            idx_wait(j, j % NI)
            pltpu.async_copy(xs_hbm.at[ridx[j % NI]], rows[j % NB],
                             gsem[j % NB])

        NG = -(-NCH // NI)

        @pl.loop(0, NG)
        def _(g):
            for u in range(NI):
                j = g * NI + u
                b = u % NB
                i = u % NI

                @pl.when(j < NCH)
                def _():
                    pltpu.make_async_copy(
                        xs_hbm.at[ridx[i]], rows[b], gsem[b]).wait()
                    pltpu.async_copy(rows[b], acc.at[cidx[i]], ssem[b],
                                     add=True)

                    @pl.when((j >= 1) & (j + 2 < NCH))
                    def _():
                        b2 = (u + 2) % NB
                        i2 = (u + 2) % NI
                        pltpu.make_async_copy(
                            rows[b2], acc.at[cidx[i2]], ssem[b2]).wait()
                        idx_wait(j + 2, i2)
                        pltpu.async_copy(xs_hbm.at[ridx[i2]], rows[b2],
                                         gsem[b2])

                        @pl.when(j + NI - 1 < NCH)
                        def _():
                            idx_load(j + NI - 1, (u + NI - 1) % NI)

        for k in range(min(NB, NCH)):
            jj = NCH - 1 - k
            bb = jj % NB
            ii = jj % NI
            pltpu.make_async_copy(rows[bb], acc.at[cidx[ii]],
                                  ssem[bb]).wait()

        plsc.subcore_barrier()

        @pl.loop(0, nz)
        def _(k):
            pltpu.sync_copy(acc.at[pl.ds(r0 + k * CHG, CHG)], rows[0])
            pltpu.sync_copy(rows[0], out_hbm.at[c, pl.ds(r0 + k * CHG, CHG)])

        if ZREM:
            @pl.when(s == NS - 1)
            def _():
                pltpu.sync_copy(acc.at[pl.ds(r0 + ZFL * CHG, ZREM)],
                                rows[0].at[pl.ds(0, ZREM)])
                pltpu.sync_copy(rows[0].at[pl.ds(0, ZREM)],
                                out_hbm.at[c, pl.ds(r0 + ZFL * CHG, ZREM)])

    return scatter_kernel



def _prep_body(o0_ref, o1_ref, i0_ref, i1_ref, x_ref, dout_ref, din_ref,
               xs_ref):
    odeg = o0_ref[...] + o1_ref[...]
    ideg = i0_ref[...] + i1_ref[...]
    dout = jnp.where(odeg > 0, lax.rsqrt(odeg), 0.0)
    din = jnp.where(ideg > 0, lax.rsqrt(ideg), 0.0)
    dout_ref[...] = dout
    din_ref[...] = din
    xs_ref[...] = x_ref[...] * dout


@functools.lru_cache(maxsize=None)
def _make_prep(N, D, NC, R=1000):
    grid = N // R
    return pl.pallas_call(
        _prep_body,
        grid=(grid,),
        in_specs=[
            pl.BlockSpec((R, 1), lambda i: (i, 0)),
            pl.BlockSpec((R, 1), lambda i: (i, 0)),
            pl.BlockSpec((R, 1), lambda i: (i, 0)),
            pl.BlockSpec((R, 1), lambda i: (i, 0)),
            pl.BlockSpec((R, D), lambda i: (i, 0)),
        ],
        out_specs=[
            pl.BlockSpec((R, 1), lambda i: (i, 0)),
            pl.BlockSpec((R, 1), lambda i: (i, 0)),
            pl.BlockSpec((R, D), lambda i: (i, 0)),
        ],
        out_shape=[
            jax.ShapeDtypeStruct((N, 1), jnp.float32),
            jax.ShapeDtypeStruct((N, 1), jnp.float32),
            jax.ShapeDtypeStruct((N, D), jnp.float32),
        ],
    )


def _layer_body(act, g_ref, x_ref, din_ref, dout_ref, mw_ref, lw_ref, b_ref,
                h_ref, xs_ref):
    g = (g_ref[0] + g_ref[1]) * din_ref[...]
    acc = jnp.dot(g, mw_ref[...], preferred_element_type=jnp.float32)
    acc += jnp.dot(x_ref[...], lw_ref[...], preferred_element_type=jnp.float32)
    acc += b_ref[...]
    if act == "relu":
        h = jnp.maximum(acc, 0.0)
    else:
        h = jax.nn.sigmoid(acc)
    h_ref[...] = h
    xs_ref[...] = h * dout_ref[...]


@functools.lru_cache(maxsize=None)
def _make_layer(N, D, NC, act, R=1000):
    grid = N // R
    return pl.pallas_call(
        functools.partial(_layer_body, act),
        grid=(grid,),
        in_specs=[
            pl.BlockSpec((NC, R, D), lambda i: (0, i, 0)),
            pl.BlockSpec((R, D), lambda i: (i, 0)),
            pl.BlockSpec((R, 1), lambda i: (i, 0)),
            pl.BlockSpec((R, 1), lambda i: (i, 0)),
            pl.BlockSpec((D, D), lambda i: (0, 0)),
            pl.BlockSpec((D, D), lambda i: (0, 0)),
            pl.BlockSpec((1, D), lambda i: (0, 0)),
        ],
        out_specs=[
            pl.BlockSpec((R, D), lambda i: (i, 0)),
            pl.BlockSpec((R, D), lambda i: (i, 0)),
        ],
        out_shape=[
            jax.ShapeDtypeStruct((N, D), jnp.float32),
            jax.ShapeDtypeStruct((N, D), jnp.float32),
        ],
    )



def kernel(x, edge_index, batch, lin_w1, lin_b1, msg_w1, lin_w2, lin_b2,
           msg_w2, lin_w3, lin_b3, msg_w3):
    N, D = x.shape
    E = edge_index.shape[1]
    NC, NS = 2, 16
    NW = NC * NS
    NCH = -(-E // (CH * NW))
    EP = NW * NCH * CH
    pad = EP - E

    row = edge_index[0]
    col = edge_index[1]
    e_t = -(-E // NW)
    pad1 = NW * e_t - E
    slots = NCH * CH
    pad2 = slots - e_t
    trash1 = jnp.full((pad1,), N, jnp.int32)
    trash2 = jnp.broadcast_to(
        N + (jnp.arange(pad2, dtype=jnp.int32) % 16), (NW, pad2))

    def _tiled(base, pad1_fill, pad2_fill):
        a = jnp.concatenate([base, pad1_fill]).reshape(NW, e_t)
        return jnp.concatenate([a, pad2_fill], axis=1).reshape(NW, NCH, CH)

    zpad2 = jnp.zeros((NW, pad2), jnp.int32)
    rowg = _tiled(row, jnp.zeros((pad1,), jnp.int32), zpad2)
    rowd = _tiled(row, trash1, trash2)
    colp = _tiled(col, trash1, trash2)

    deg_k = _make_deg_kernel(N, E, NC, NS)
    odeg, ideg = deg_k(rowd, colp)

    prep = _make_prep(N, D, NC)
    dout_inv, din_inv, xs = prep(
        odeg[:N].reshape(N, 1), odeg[N:].reshape(N, 1),
        ideg[:N].reshape(N, 1), ideg[N:].reshape(N, 1), x)

    scatter = _make_scatter_kernel(N, E, D, NC, NS)
    h = x
    for lw, lb, mw, act in (
        (lin_w1, lin_b1, msg_w1, "relu"),
        (lin_w2, lin_b2, msg_w2, "relu"),
        (lin_w3, lin_b3, msg_w3, "sigmoid"),
    ):
        g = scatter(xs, rowg, colp)
        layer = _make_layer(N, D, NC, act)
        h, xs = layer(g, h, din_inv, dout_inv, mw, lw, lb.reshape(1, D))
    return h

# --- scband reference (transcript-rebuilt; emitter-appended) ---
"""Pipeline reference for scband-three-layer-directed-gcn-63986422776433 (READ-ONLY COPY).

The authoritative reference and input builder live on the scoring server;
editing this copy changes nothing except your own understanding.
"""

import jax, jax.numpy as jnp
import numpy as np

N, E, D = 10000, 320000, 128

def setup_inputs(seed: int = 0) -> dict:
    key = jax.random.key(seed)
    ks = jax.random.split(key, 12)
    x = jax.random.normal(ks[0], (N, D), dtype=jnp.float32)
    edge_index = jax.random.randint(ks[1], (2, E), 0, N, dtype=jnp.int32)
    batch = jnp.zeros((N,), dtype=jnp.int32)
    def xavier(k, shape):
        fan_in, fan_out = shape[0], shape[1]
        a = float(np.sqrt(6.0 / (fan_in + fan_out)))
        return jax.random.uniform(k, shape, dtype=jnp.float32, minval=-a, maxval=a)
    inp = {"x": x, "edge_index": edge_index, "batch": batch}
    # layer params: linear weight [in, out], linear bias [out], message weight [in, out]
    inp["lin_w1"] = xavier(ks[2], (D, D)); inp["lin_b1"] = jnp.zeros((D,), jnp.float32); inp["msg_w1"] = xavier(ks[3], (D, D))
    inp["lin_w2"] = xavier(ks[4], (D, D)); inp["lin_b2"] = jnp.zeros((D,), jnp.float32); inp["msg_w2"] = xavier(ks[5], (D, D))
    inp["lin_w3"] = xavier(ks[6], (D, D)); inp["lin_b3"] = jnp.zeros((D,), jnp.float32); inp["msg_w3"] = xavier(ks[7], (D, D))
    return inp

def _gcn_layer(x, edge_index, lin_w, lin_b, msg_w):
    row = edge_index[0]
    col = edge_index[1]
    n = x.shape[0]
    ones = jnp.ones((edge_index.shape[1],), dtype=x.dtype)
    out_deg = jax.ops.segment_sum(ones, row, num_segments=n)
    in_deg = jax.ops.segment_sum(ones, col, num_segments=n)
    out_deg_inv_sqrt = jnp.power(out_deg, -0.5)
    in_deg_inv_sqrt = jnp.power(in_deg, -0.5)
    norm = out_deg_inv_sqrt[row] * in_deg_inv_sqrt[col]
    # message: norm * x_j @ W, aggregated (sum) at destination nodes (col)
    msg = norm[:, None] * (x[row] @ msg_w)
    h_graph = jax.ops.segment_sum(msg, col, num_segments=n)
    h_node = x @ lin_w + lin_b
    return h_graph + h_node

def reference(x, edge_index, batch, lin_w1, lin_b1, msg_w1, lin_w2, lin_b2, msg_w2, lin_w3, lin_b3, msg_w3):
    h1 = jax.nn.relu(_gcn_layer(x, edge_index, lin_w1, lin_b1, msg_w1))
    h2 = jax.nn.relu(_gcn_layer(h1, edge_index, lin_w2, lin_b2, msg_w2))
    h3 = jax.nn.sigmoid(_gcn_layer(h2, edge_index, lin_w3, lin_b3, msg_w3))
    return h3

if __name__ == "__main__":
    import jax
    _d = setup_inputs()
    print(jax.jit(kernel)(*tuple(_d.values())))

</pallas_src>

<mosaic_0001>
#map = affine_map<(d0, d1) -> (0, 0, 0)>
#map1 = affine_map<(d0, d1) -> (0)>
module attributes {stable_mosaic.version = 14 : i64} {
  func.func @deg_kernel(%arg0: i32, %arg1: i32, %arg2: memref<32x79x128xi32, #tpu.memory_space<hbm>>, %arg3: memref<32x79x128xi32, #tpu.memory_space<hbm>>, %arg4: memref<20000xf32, #tpu.memory_space<hbm>>, %arg5: memref<20000xf32, #tpu.memory_space<hbm>>, %arg6: memref<79x128xi32, #tpu.memory_space<vmem>>, %arg7: memref<79x128xi32, #tpu.memory_space<vmem>>, %arg8: memref<128xf32, #tpu.memory_space<vmem>>, %arg9: memref<640xf32, #tpu.memory_space<vmem>>, %arg10: memref<640xf32, #tpu.memory_space<vmem>>, %arg11: memref<640xf32, #tpu.memory_space<vmem>>, %arg12: memref<10016xf32, #tpu.memory_space<vmem_shared>>, %arg13: memref<10016xf32, #tpu.memory_space<vmem_shared>>, %arg14: memref<!tpu.dma_semaphore, #tpu.memory_space<semaphore_mem>>) attributes {dimension_semantics = [#tpu.dimension_semantics<core_parallel>, #tpu.dimension_semantics<subcore_parallel>], iteration_bounds = array<i64: 2, 16>, scalar_prefetch = 0 : i64, scratch_operands = 9 : i64, tpu.core_type = #tpu.core_type<sc_vector_subcore>, window_params = [{transform_indices = #map}, {transform_indices = #map}, {transform_indices = #map1}, {transform_indices = #map1}]} {
    %mul3A = arith.constant 2 : i32
    %mul3A_0 = arith.muli %arg1, %mul3A : i32
    %add3A = arith.addi %mul3A_0, %arg0 : i32
    %mul3A_1 = arith.constant 640 : i32
    %mul3A_2 = arith.muli %arg1, %mul3A_1 : i32
    "tpu.region"() ({
      %run_scoped3A = tpu.sem_alloc : memref<!tpu.dma_semaphore, #tpu.memory_space<semaphore_mem>>
      %dma_start3A = arith.constant 0 : i32
      %dma_start3A_45 = arith.constant 0 : i32
      %dma_start3A_46 = tpu.memref_slice %arg2[%add3A, %dma_start3A, %dma_start3A_45] : memref<32x79x128xi32, #tpu.memory_space<hbm>> -> memref<1x79x128xi32, #tpu.memory_space<hbm>>
      %dma_start3A_47 = tpu.memref_squeeze %dma_start3A_46 : memref<1x79x128xi32, #tpu.memory_space<hbm>> -> memref<79x128xi32, #tpu.memory_space<hbm>>
      %dma_start3A_48 = arith.constant 0 : i32
      %dma_start3A_49 = arith.constant 0 : i32
      %dma_start3A_50 = tpu.memref_slice %arg2[%add3A, %dma_start3A_48, %dma_start3A_49] : memref<32x79x128xi32, #tpu.memory_space<hbm>> -> memref<1x79x128xi32, #tpu.memory_space<hbm>>
      %dma_start3A_51 = tpu.memref_squeeze %dma_start3A_50 : memref<1x79x128xi32, #tpu.memory_space<hbm>> -> memref<79x128xi32, #tpu.memory_space<hbm>>
      tpu.enqueue_dma source(%dma_start3A_51 : memref<79x128xi32, #tpu.memory_space<hbm>>) target(%arg6 : memref<79x128xi32, #tpu.memory_space<vmem>>) target_semaphore(%run_scoped3A : memref<!tpu.dma_semaphore, #tpu.memory_space<semaphore_mem>>)
      %dma_wait3A = arith.constant 0 : i32
      %dma_wait3A_52 = arith.constant 0 : i32
      %dma_wait3A_53 = tpu.memref_slice %arg2[%add3A, %dma_wait3A, %dma_wait3A_52] : memref<32x79x128xi32, #tpu.memory_space<hbm>> -> memref<1x79x128xi32, #tpu.memory_space<hbm>>
      %dma_wait3A_54 = tpu.memref_squeeze %dma_wait3A_53 : memref<1x79x128xi32, #tpu.memory_space<hbm>> -> memref<79x128xi32, #tpu.memory_space<hbm>>
      %dma_wait3A_55 = arith.constant 0 : i32
      %dma_wait3A_56 = arith.constant 0 : i32
      %dma_wait3A_57 = tpu.memref_slice %arg2[%add3A, %dma_wait3A_55, %dma_wait3A_56] : memref<32x79x128xi32, #tpu.memory_space<hbm>> -> memref<1x79x128xi32, #tpu.memory_space<hbm>>
      %dma_wait3A_58 = tpu.memref_squeeze %dma_wait3A_57 : memref<1x79x128xi32, #tpu.memory_space<hbm>> -> memref<79x128xi32, #tpu.memory_space<hbm>>
      tpu.wait_dma2 semaphore(%run_scoped3A : memref<!tpu.dma_semaphore, #tpu.memory_space<semaphore_mem>>) src(%dma_wait3A_58 : memref<79x128xi32, #tpu.memory_space<hbm>>) dst(%arg6 : memref<79x128xi32, #tpu.memory_space<vmem>>)
      tpu.yield
    }) : () -> ()
    "tpu.region"() ({
      %run_scoped3A = tpu.sem_alloc : memref<!tpu.dma_semaphore, #tpu.memory_space<semaphore_mem>>
      %dma_start3A = arith.constant 0 : i32
      %dma_start3A_45 = arith.constant 0 : i32
      %dma_start3A_46 = tpu.memref_slice %arg3[%add3A, %dma_start3A, %dma_start3A_45] : memref<32x79x128xi32, #tpu.memory_space<hbm>> -> memref<1x79x128xi32, #tpu.memory_space<hbm>>
      %dma_start3A_47 = tpu.memref_squeeze %dma_start3A_46 : memref<1x79x128xi32, #tpu.memory_space<hbm>> -> memref<79x128xi32, #tpu.memory_space<hbm>>
      %dma_start3A_48 = arith.constant 0 : i32
      %dma_start3A_49 = arith.constant 0 : i32
      %dma_start3A_50 = tpu.memref_slice %arg3[%add3A, %dma_start3A_48, %dma_start3A_49] : memref<32x79x128xi32, #tpu.memory_space<hbm>> -> memref<1x79x128xi32, #tpu.memory_space<hbm>>
      %dma_start3A_51 = tpu.memref_squeeze %dma_start3A_50 : memref<1x79x128xi32, #tpu.memory_space<hbm>> -> memref<79x128xi32, #tpu.memory_space<hbm>>
      tpu.enqueue_dma source(%dma_start3A_51 : memref<79x128xi32, #tpu.memory_space<hbm>>) target(%arg7 : memref<79x128xi32, #tpu.memory_space<vmem>>) target_semaphore(%run_scoped3A : memref<!tpu.dma_semaphore, #tpu.memory_space<semaphore_mem>>)
      %dma_wait3A = arith.constant 0 : i32
      %dma_wait3A_52 = arith.constant 0 : i32
      %dma_wait3A_53 = tpu.memref_slice %arg3[%add3A, %dma_wait3A, %dma_wait3A_52] : memref<32x79x128xi32, #tpu.memory_space<hbm>> -> memref<1x79x128xi32, #tpu.memory_space<hbm>>
      %dma_wait3A_54 = tpu.memref_squeeze %dma_wait3A_53 : memref<1x79x128xi32, #tpu.memory_space<hbm>> -> memref<79x128xi32, #tpu.memory_space<hbm>>
      %dma_wait3A_55 = arith.constant 0 : i32
      %dma_wait3A_56 = arith.constant 0 : i32
      %dma_wait3A_57 = tpu.memref_slice %arg3[%add3A, %dma_wait3A_55, %dma_wait3A_56] : memref<32x79x128xi32, #tpu.memory_space<hbm>> -> memref<1x79x128xi32, #tpu.memory_space<hbm>>
      %dma_wait3A_58 = tpu.memref_squeeze %dma_wait3A_57 : memref<1x79x128xi32, #tpu.memory_space<hbm>> -> memref<79x128xi32, #tpu.memory_space<hbm>>
      tpu.wait_dma2 semaphore(%run_scoped3A : memref<!tpu.dma_semaphore, #tpu.memory_space<semaphore_mem>>) src(%dma_wait3A_58 : memref<79x128xi32, #tpu.memory_space<hbm>>) dst(%arg7 : memref<79x128xi32, #tpu.memory_space<vmem>>)
      tpu.yield
    }) : () -> ()
    %broadcast_in_dim3A = arith.constant 1.000000e+00 : f32
    %broadcast_in_dim3A_3 = vector.broadcast %broadcast_in_dim3A : f32 to vector<16xf32>
    %broadcast_in_dim3A_4 = arith.constant 0.000000e+00 : f32
    %broadcast_in_dim3A_5 = vector.broadcast %broadcast_in_dim3A_4 : f32 to vector<16xf32>
    %scan3A = arith.constant 0 : i32
    %scan3A_6 = arith.constant 8 : i32
    %scan3A_7 = arith.addi %scan3A, %scan3A_6 : i32
    %scan3A_8 = arith.constant 1 : i32
    scf.for %scan3A_45 = %scan3A to %scan3A_7 step %scan3A_8  : i32 {
      %mul3A_46 = arith.constant 1 : i32
      %mul3A_47 = arith.muli %scan3A_45, %mul3A_46 : i32
      %add3A_48 = arith.constant 0 : i32
      %add3A_49 = arith.addi %add3A_48, %mul3A_47 : i32
      %mul3A_50 = arith.constant 16 : i32
      %mul3A_51 = arith.muli %add3A_49, %mul3A_50 : i32
      %swap3A = arith.index_cast %mul3A_51 : i32 to index
      %swap3A_52 = tpu.vector_load %arg8[%swap3A] {strides = array<i32>} : memref<128xf32, #tpu.memory_space<vmem>>, vector<16xf32>,
      %swap3A_53 = vector.shape_cast %swap3A_52 : vector<16xf32> to vector<16xf32>
      %swap3A_54 = vector.shape_cast %broadcast_in_dim3A_3 : vector<16xf32> to vector<16xf32>
      tpu.vector_store %arg8[%swap3A], %swap3A_54 {strides = array<i32>} : memref<128xf32, #tpu.memory_space<vmem>>, vector<16xf32>,
    }
    %scan3A_9 = arith.constant 8 : i32
    %scan3A_10 = arith.constant 0 : i32
    %scan3A_11 = arith.constant 40 : i32
    %scan3A_12 = arith.addi %scan3A_10, %scan3A_11 : i32
    %scan3A_13 = arith.constant 1 : i32
    scf.for %scan3A_45 = %scan3A_10 to %scan3A_12 step %scan3A_13  : i32 {
      %mul3A_46 = arith.constant 1 : i32
      %mul3A_47 = arith.muli %scan3A_45, %mul3A_46 : i32
      %add3A_48 = arith.constant 0 : i32
      %add3A_49 = arith.addi %add3A_48, %mul3A_47 : i32
      %mul3A_50 = arith.constant 16 : i32
      %mul3A_51 = arith.muli %add3A_49, %mul3A_50 : i32
      %swap3A = arith.index_cast %mul3A_51 : i32 to index
      %swap3A_52 = tpu.vector_load %arg9[%swap3A] {strides = array<i32>} : memref<640xf32, #tpu.memory_space<vmem>>, vector<16xf32>,
      %swap3A_53 = vector.shape_cast %swap3A_52 : vector<16xf32> to vector<16xf32>
      %swap3A_54 = vector.shape_cast %broadcast_in_dim3A_5 : vector<16xf32> to vector<16xf32>
      tpu.vector_store %arg9[%swap3A], %swap3A_54 {strides = array<i32>} : memref<640xf32, #tpu.memory_space<vmem>>, vector<16xf32>,
    }
    %scan3A_14 = arith.constant 40 : i32
    %lt3A = arith.constant 15 : i32
    %lt3A_15 = arith.cmpi slt, %arg1, %lt3A : i32
    %convert_element_type3A = arith.extui %lt3A_15 : i1 to i32
    %cond3A = arith.constant 0 : i32
    %cond3A_16 = arith.cmpi ne, %convert_element_type3A, %cond3A : i32
    scf.if %cond3A_16 {
      "tpu.region"() ({
        %run_scoped3A = tpu.sem_alloc : memref<!tpu.dma_semaphore, #tpu.memory_space<semaphore_mem>>
        %dma_start3A = tpu.memref_slice %arg12[%mul3A_2] : memref<10016xf32, #tpu.memory_space<vmem_shared>> -> memref<640xf32, #tpu.memory_space<vmem_shared>>
        %dma_start3A_45 = tpu.memref_slice %arg12[%mul3A_2] : memref<10016xf32, #tpu.memory_space<vmem_shared>> -> memref<640xf32, #tpu.memory_space<vmem_shared>>
        tpu.enqueue_dma source(%arg9 : memref<640xf32, #tpu.memory_space<vmem>>) target(%dma_start3A_45 : memref<640xf32, #tpu.memory_space<vmem_shared>>) target_semaphore(%run_scoped3A : memref<!tpu.dma_semaphore, #tpu.memory_space<semaphore_mem>>)
        %dma_wait3A = tpu.memref_slice %arg12[%mul3A_2] : memref<10016xf32, #tpu.memory_space<vmem_shared>> -> memref<640xf32, #tpu.memory_space<vmem_shared>>
        %dma_wait3A_46 = tpu.memref_slice %arg12[%mul3A_2] : memref<10016xf32, #tpu.memory_space<vmem_shared>> -> memref<640xf32, #tpu.memory_space<vmem_shared>>
        tpu.wait_dma2 semaphore(%run_scoped3A : memref<!tpu.dma_semaphore, #tpu.memory_space<semaphore_mem>>) src(%arg9 : memref<640xf32, #tpu.memory_space<vmem>>) dst(%dma_wait3A_46 : memref<640xf32, #tpu.memory_space<vmem_shared>>)
        tpu.yield
      }) : () -> ()
      "tpu.region"() ({
        %run_scoped3A = tpu.sem_alloc : memref<!tpu.dma_semaphore, #tpu.memory_space<semaphore_mem>>
        %dma_start3A = tpu.memref_slice %arg13[%mul3A_2] : memref<10016xf32, #tpu.memory_space<vmem_shared>> -> memref<640xf32, #tpu.memory_space<vmem_shared>>
        %dma_start3A_45 = tpu.memref_slice %arg13[%mul3A_2] : memref<10016xf32, #tpu.memory_space<vmem_shared>> -> memref<640xf32, #tpu.memory_space<vmem_shared>>
        tpu.enqueue_dma source(%arg9 : memref<640xf32, #tpu.memory_space<vmem>>) target(%dma_start3A_45 : memref<640xf32, #tpu.memory_space<vmem_shared>>) target_semaphore(%run_scoped3A : memref<!tpu.dma_semaphore, #tpu.memory_space<semaphore_mem>>)
        %dma_wait3A = tpu.memref_slice %arg13[%mul3A_2] : memref<10016xf32, #tpu.memory_space<vmem_shared>> -> memref<640xf32, #tpu.memory_space<vmem_shared>>
        %dma_wait3A_46 = tpu.memref_slice %arg13[%mul3A_2] : memref<10016xf32, #tpu.memory_space<vmem_shared>> -> memref<640xf32, #tpu.memory_space<vmem_shared>>
        tpu.wait_dma2 semaphore(%run_scoped3A : memref<!tpu.dma_semaphore, #tpu.memory_space<semaphore_mem>>) src(%arg9 : memref<640xf32, #tpu.memory_space<vmem>>) dst(%dma_wait3A_46 : memref<640xf32, #tpu.memory_space<vmem_shared>>)
        tpu.yield
      }) : () -> ()
    } else {
    }
    %eq3A = arith.constant 15 : i32
    %eq3A_17 = arith.cmpi eq, %arg1, %eq3A : i32
    %convert_element_type3A_18 = arith.extui %eq3A_17 : i1 to i32
    %cond3A_19 = arith.constant 0 : i32
    %cond3A_20 = arith.cmpi ne, %convert_element_type3A_18, %cond3A_19 : i32
    scf.if %cond3A_20 {
      "tpu.region"() ({
        %run_scoped3A = tpu.sem_alloc : memref<!tpu.dma_semaphore, #tpu.memory_space<semaphore_mem>>
        %dma_start3A = arith.constant 0 : i32
        %dma_start3A_45 = tpu.memref_slice %arg9[%dma_start3A] : memref<640xf32, #tpu.memory_space<vmem>> -> memref<400xf32, #tpu.memory_space<vmem>>
        %dma_start3A_46 = tpu.memref_slice %arg12[%mul3A_2] : memref<10016xf32, #tpu.memory_space<vmem_shared>> -> memref<400xf32, #tpu.memory_space<vmem_shared>>
        %dma_start3A_47 = tpu.memref_slice %arg12[%mul3A_2] : memref<10016xf32, #tpu.memory_space<vmem_shared>> -> memref<400xf32, #tpu.memory_space<vmem_shared>>
        %dma_start3A_48 = arith.constant 0 : i32
        %dma_start3A_49 = tpu.memref_slice %arg9[%dma_start3A_48] : memref<640xf32, #tpu.memory_space<vmem>> -> memref<400xf32, #tpu.memory_space<vmem>>
        tpu.enqueue_dma source(%dma_start3A_49 : memref<400xf32, #tpu.memory_space<vmem>>) target(%dma_start3A_47 : memref<400xf32, #tpu.memory_space<vmem_shared>>) target_semaphore(%run_scoped3A : memref<!tpu.dma_semaphore, #tpu.memory_space<semaphore_mem>>)
        %dma_wait3A = arith.constant 0 : i32
        %dma_wait3A_50 = tpu.memref_slice %arg9[%dma_wait3A] : memref<640xf32, #tpu.memory_space<vmem>> -> memref<400xf32, #tpu.memory_space<vmem>>
        %dma_wait3A_51 = tpu.memref_slice %arg12[%mul3A_2] : memref<10016xf32, #tpu.memory_space<vmem_shared>> -> memref<400xf32, #tpu.memory_space<vmem_shared>>
        %dma_wait3A_52 = tpu.memref_slice %arg12[%mul3A_2] : memref<10016xf32, #tpu.memory_space<vmem_shared>> -> memref<400xf32, #tpu.memory_space<vmem_shared>>
        %dma_wait3A_53 = arith.constant 0 : i32
        %dma_wait3A_54 = tpu.memref_slice %arg9[%dma_wait3A_53] : memref<640xf32, #tpu.memory_space<vmem>> -> memref<400xf32, #tpu.memory_space<vmem>>
        tpu.wait_dma2 semaphore(%run_scoped3A : memref<!tpu.dma_semaphore, #tpu.memory_space<semaphore_mem>>) src(%dma_wait3A_54 : memref<400xf32, #tpu.memory_space<vmem>>) dst(%dma_wait3A_52 : memref<400xf32, #tpu.memory_space<vmem_shared>>)
        tpu.yield
      }) : () -> ()
      "tpu.region"() ({
        %run_scoped3A = tpu.sem_alloc : memref<!tpu.dma_semaphore, #tpu.memory_space<semaphore_mem>>
        %dma_start3A = arith.constant 0 : i32
        %dma_start3A_45 = tpu.memref_slice %arg9[%dma_start3A] : memref<640xf32, #tpu.memory_space<vmem>> -> memref<400xf32, #tpu.memory_space<vmem>>
        %dma_start3A_46 = tpu.memref_slice %arg13[%mul3A_2] : memref<10016xf32, #tpu.memory_space<vmem_shared>> -> memref<400xf32, #tpu.memory_space<vmem_shared>>
        %dma_start3A_47 = tpu.memref_slice %arg13[%mul3A_2] : memref<10016xf32, #tpu.memory_space<vmem_shared>> -> memref<400xf32, #tpu.memory_space<vmem_shared>>
        %dma_start3A_48 = arith.constant 0 : i32
        %dma_start3A_49 = tpu.memref_slice %arg9[%dma_start3A_48] : memref<640xf32, #tpu.memory_space<vmem>> -> memref<400xf32, #tpu.memory_space<vmem>>
        tpu.enqueue_dma source(%dma_start3A_49 : memref<400xf32, #tpu.memory_space<vmem>>) target(%dma_start3A_47 : memref<400xf32, #tpu.memory_space<vmem_shared>>) target_semaphore(%run_scoped3A : memref<!tpu.dma_semaphore, #tpu.memory_space<semaphore_mem>>)
        %dma_wait3A = arith.constant 0 : i32
        %dma_wait3A_50 = tpu.memref_slice %arg9[%dma_wait3A] : memref<640xf32, #tpu.memory_space<vmem>> -> memref<400xf32, #tpu.memory_space<vmem>>
        %dma_wait3A_51 = tpu.memref_slice %arg13[%mul3A_2] : memref<10016xf32, #tpu.memory_space<vmem_shared>> -> memref<400xf32, #tpu.memory_space<vmem_shared>>
        %dma_wait3A_52 = tpu.memref_slice %arg13[%mul3A_2] : memref<10016xf32, #tpu.memory_space<vmem_shared>> -> memref<400xf32, #tpu.memory_space<vmem_shared>>
        %dma_wait3A_53 = arith.constant 0 : i32
        %dma_wait3A_54 = tpu.memref_slice %arg9[%dma_wait3A_53] : memref<640xf32, #tpu.memory_space<vmem>> -> memref<400xf32, #tpu.memory_space<vmem>>
        tpu.wait_dma2 semaphore(%run_scoped3A : memref<!tpu.dma_semaphore, #tpu.memory_space<semaphore_mem>>) src(%dma_wait3A_54 : memref<400xf32, #tpu.memory_space<vmem>>) dst(%dma_wait3A_52 : memref<400xf32, #tpu.memory_space<vmem_shared>>)
        tpu.yield
      }) : () -> ()
    } else {
    }
    %barrier3A = arith.constant 0 : index
    tpu.barrier barrier_id(%barrier3A)
    %scan3A_21 = arith.constant 0 : i32
    %scan3A_22 = arith.constant 79 : i32
    %scan3A_23 = arith.addi %scan3A_21, %scan3A_22 : i32
    %scan3A_24 = arith.constant 1 : i32
    scf.for %scan3A_45 = %scan3A_21 to %scan3A_23 step %scan3A_24  : i32 {
      %mul3A_46 = arith.constant 1 : i32
      %mul3A_47 = arith.muli %scan3A_45, %mul3A_46 : i32
      %add3A_48 = arith.constant 0 : i32
      %add3A_49 = arith.addi %add3A_48, %mul3A_47 : i32
      %dma_start3A = arith.constant 0 : i32
      %dma_start3A_50 = tpu.memref_slice %arg6[%add3A_49, %dma_start3A] : memref<79x128xi32, #tpu.memory_space<vmem>> -> memref<1x128xi32, #tpu.memory_space<vmem>>
      %dma_start3A_51 = tpu.memref_squeeze %dma_start3A_50 : memref<1x128xi32, #tpu.memory_space<vmem>> -> memref<128xi32, #tpu.memory_space<vmem>>
      %dma_start3A_52 = arith.constant 0 : i32
      %dma_start3A_53 = tpu.memref_slice %arg12[%dma_start3A_52] : memref<10016xf32, #tpu.memory_space<vmem_shared>> -> memref<10016xf32, #tpu.memory_space<vmem_shared>>
      tpu.enqueue_indirect_dma source(%arg8 : memref<128xf32, #tpu.memory_space<vmem>>) target(%dma_start3A_53 : memref<10016xf32, #tpu.memory_space<vmem_shared>>) offsets(%dma_start3A_51 : memref<128xi32, #tpu.memory_space<vmem>>) semaphore(%arg14 : memref<!tpu.dma_semaphore, #tpu.memory_space<semaphore_mem>>) {add = true}
      %dma_start3A_54 = arith.constant 0 : i32
      %dma_start3A_55 = tpu.memref_slice %arg7[%add3A_49, %dma_start3A_54] : memref<79x128xi32, #tpu.memory_space<vmem>> -> memref<1x128xi32, #tpu.memory_space<vmem>>
      %dma_start3A_56 = tpu.memref_squeeze %dma_start3A_55 : memref<1x128xi32, #tpu.memory_space<vmem>> -> memref<128xi32, #tpu.memory_space<vmem>>
      %dma_start3A_57 = arith.constant 0 : i32
      %dma_start3A_58 = tpu.memref_slice %arg13[%dma_start3A_57] : memref<10016xf32, #tpu.memory_space<vmem_shared>> -> memref<10016xf32, #tpu.memory_space<vmem_shared>>
      tpu.enqueue_indirect_dma source(%arg8 : memref<128xf32, #tpu.memory_space<vmem>>) target(%dma_start3A_58 : memref<10016xf32, #tpu.memory_space<vmem_shared>>) offsets(%dma_start3A_56 : memref<128xi32, #tpu.memory_space<vmem>>) semaphore(%arg14 : memref<!tpu.dma_semaphore, #tpu.memory_space<semaphore_mem>>) {add = true}
    }
    %scan3A_25 = arith.constant 79 : i32
    %scan3A_26 = arith.constant 0 : i32
    %scan3A_27 = arith.constant 158 : i32
    %scan3A_28 = arith.addi %scan3A_26, %scan3A_27 : i32
    %scan3A_29 = arith.constant 1 : i32
    scf.for %scan3A_45 = %scan3A_26 to %scan3A_28 step %scan3A_29  : i32 {
      %mul3A_46 = arith.constant 1 : i32
      %mul3A_47 = arith.muli %scan3A_45, %mul3A_46 : i32
      %add3A_48 = arith.constant 0 : i32
      %add3A_49 = arith.addi %add3A_48, %mul3A_47 : i32
      %dma_wait3A = arith.constant 0 : i32
      %dma_wait3A_50 = arith.constant 0 : i32
      %dma_wait3A_51 = arith.constant 0 : i32
      %dma_wait3A_52 = arith.constant 0 : i32
      %dma_wait3A_53 = tpu.memref_slice %arg6[%dma_wait3A_51, %dma_wait3A_52] : memref<79x128xi32, #tpu.memory_space<vmem>> -> memref<1x128xi32, #tpu.memory_space<vmem>>
      %dma_wait3A_54 = tpu.memref_squeeze %dma_wait3A_53 : memref<1x128xi32, #tpu.memory_space<vmem>> -> memref<128xi32, #tpu.memory_space<vmem>>
      %dma_wait3A_55 = arith.constant 0 : i32
      %dma_wait3A_56 = tpu.memref_slice %arg3[%dma_wait3A, %dma_wait3A_50, %dma_wait3A_55] : memref<32x79x128xi32, #tpu.memory_space<hbm>> -> memref<1x1x128xi32, #tpu.memory_space<hbm>>
      %dma_wait3A_57 = tpu.memref_squeeze %dma_wait3A_56 : memref<1x1x128xi32, #tpu.memory_space<hbm>> -> memref<128xi32, #tpu.memory_space<hbm>>
      %dma_wait3A_58 = arith.constant 0 : i32
      %dma_wait3A_59 = tpu.memref_slice %arg6[%dma_wait3A_51, %dma_wait3A_58] : memref<79x128xi32, #tpu.memory_space<vmem>> -> memref<1x128xi32, #tpu.memory_space<vmem>>
      %dma_wait3A_60 = tpu.memref_squeeze %dma_wait3A_59 : memref<1x128xi32, #tpu.memory_space<vmem>> -> memref<128xi32, #tpu.memory_space<vmem>>
      %dma_wait3A_61 = arith.constant 0 : i32
      %dma_wait3A_62 = tpu.memref_slice %arg3[%dma_wait3A, %dma_wait3A_50, %dma_wait3A_61] : memref<32x79x128xi32, #tpu.memory_space<hbm>> -> memref<1x1x128xi32, #tpu.memory_space<hbm>>
      %dma_wait3A_63 = tpu.memref_squeeze %dma_wait3A_62 : memref<1x1x128xi32, #tpu.memory_space<hbm>> -> memref<128xi32, #tpu.memory_space<hbm>>
      tpu.wait_dma2 semaphore(%arg14 : memref<!tpu.dma_semaphore, #tpu.memory_space<semaphore_mem>>) src(%dma_wait3A_63 : memref<128xi32, #tpu.memory_space<hbm>>) dst(%dma_wait3A_60 : memref<128xi32, #tpu.memory_space<vmem>>)
    }
    %scan3A_30 = arith.constant 158 : i32
    %barrier3A_31 = arith.constant 0 : index
    tpu.barrier barrier_id(%barrier3A_31)
    %mul3A_32 = arith.constant 10000 : i32
    %mul3A_33 = arith.muli %arg0, %mul3A_32 : i32
    %add3A_34 = arith.addi %mul3A_33, %mul3A_2 : i32
    %multiple_of3A = tpu.assume_multiple %add3A_34, 8 : i32
    %lt3A_35 = arith.constant 15 : i32
    %lt3A_36 = arith.cmpi slt, %arg1, %lt3A_35 : i32
    %convert_element_type3A_37 = arith.extui %lt3A_36 : i1 to i32
    %cond3A_38 = arith.constant 0 : i32
    %cond3A_39 = arith.cmpi ne, %convert_element_type3A_37, %cond3A_38 : i32
    scf.if %cond3A_39 {
      "tpu.region"() ({
        %run_scoped3A = tpu.sem_alloc : memref<!tpu.dma_semaphore, #tpu.memory_space<semaphore_mem>>
        %dma_start3A = tpu.memref_slice %arg12[%mul3A_2] : memref<10016xf32, #tpu.memory_space<vmem_shared>> -> memref<640xf32, #tpu.memory_space<vmem_shared>>
        %dma_start3A_45 = tpu.memref_slice %arg12[%mul3A_2] : memref<10016xf32, #tpu.memory_space<vmem_shared>> -> memref<640xf32, #tpu.memory_space<vmem_shared>>
        tpu.enqueue_dma source(%dma_start3A_45 : memref<640xf32, #tpu.memory_space<vmem_shared>>) target(%arg10 : memref<640xf32, #tpu.memory_space<vmem>>) target_semaphore(%run_scoped3A : memref<!tpu.dma_semaphore, #tpu.memory_space<semaphore_mem>>)
        %dma_wait3A = tpu.memref_slice %arg12[%mul3A_2] : memref<10016xf32, #tpu.memory_space<vmem_shared>> -> memref<640xf32, #tpu.memory_space<vmem_shared>>
        %dma_wait3A_46 = tpu.memref_slice %arg12[%mul3A_2] : memref<10016xf32, #tpu.memory_space<vmem_shared>> -> memref<640xf32, #tpu.memory_space<vmem_shared>>
        tpu.wait_dma2 semaphore(%run_scoped3A : memref<!tpu.dma_semaphore, #tpu.memory_space<semaphore_mem>>) src(%dma_wait3A_46 : memref<640xf32, #tpu.memory_space<vmem_shared>>) dst(%arg10 : memref<640xf32, #tpu.memory_space<vmem>>)
        tpu.yield
      }) : () -> ()
      "tpu.region"() ({
        %run_scoped3A = tpu.sem_alloc : memref<!tpu.dma_semaphore, #tpu.memory_space<semaphore_mem>>
        %dma_start3A = tpu.memref_slice %arg13[%mul3A_2] : memref<10016xf32, #tpu.memory_space<vmem_shared>> -> memref<640xf32, #tpu.memory_space<vmem_shared>>
        %dma_start3A_45 = tpu.memref_slice %arg13[%mul3A_2] : memref<10016xf32, #tpu.memory_space<vmem_shared>> -> memref<640xf32, #tpu.memory_space<vmem_shared>>
        tpu.enqueue_dma source(%dma_start3A_45 : memref<640xf32, #tpu.memory_space<vmem_shared>>) target(%arg11 : memref<640xf32, #tpu.memory_space<vmem>>) target_semaphore(%run_scoped3A : memref<!tpu.dma_semaphore, #tpu.memory_space<semaphore_mem>>)
        %dma_wait3A = tpu.memref_slice %arg13[%mul3A_2] : memref<10016xf32, #tpu.memory_space<vmem_shared>> -> memref<640xf32, #tpu.memory_space<vmem_shared>>
        %dma_wait3A_46 = tpu.memref_slice %arg13[%mul3A_2] : memref<10016xf32, #tpu.memory_space<vmem_shared>> -> memref<640xf32, #tpu.memory_space<vmem_shared>>
        tpu.wait_dma2 semaphore(%run_scoped3A : memref<!tpu.dma_semaphore, #tpu.memory_space<semaphore_mem>>) src(%dma_wait3A_46 : memref<640xf32, #tpu.memory_space<vmem_shared>>) dst(%arg11 : memref<640xf32, #tpu.memory_space<vmem>>)
        tpu.yield
      }) : () -> ()
      "tpu.region"() ({
        %run_scoped3A = tpu.sem_alloc : memref<!tpu.dma_semaphore, #tpu.memory_space<semaphore_mem>>
        %dma_start3A = tpu.memref_slice %arg4[%multiple_of3A] : memref<20000xf32, #tpu.memory_space<hbm>> -> memref<640xf32, #tpu.memory_space<hbm>>
        %dma_start3A_45 = tpu.memref_slice %arg4[%multiple_of3A] : memref<20000xf32, #tpu.memory_space<hbm>> -> memref<640xf32, #tpu.memory_space<hbm>>
        tpu.enqueue_dma source(%arg10 : memref<640xf32, #tpu.memory_space<vmem>>) target(%dma_start3A_45 : memref<640xf32, #tpu.memory_space<hbm>>) target_semaphore(%run_scoped3A : memref<!tpu.dma_semaphore, #tpu.memory_space<semaphore_mem>>)
        %dma_wait3A = tpu.memref_slice %arg4[%multiple_of3A] : memref<20000xf32, #tpu.memory_space<hbm>> -> memref<640xf32, #tpu.memory_space<hbm>>
        %dma_wait3A_46 = tpu.memref_slice %arg4[%multiple_of3A] : memref<20000xf32, #tpu.memory_space<hbm>> -> memref<640xf32, #tpu.memory_space<hbm>>
        tpu.wait_dma2 semaphore(%run_scoped3A : memref<!tpu.dma_semaphore, #tpu.memory_space<semaphore_mem>>) src(%arg10 : memref<640xf32, #tpu.memory_space<vmem>>) dst(%dma_wait3A_46 : memref<640xf32, #tpu.memory_space<hbm>>)
        tpu.yield
      }) : () -> ()
      "tpu.region"() ({
        %run_scoped3A = tpu.sem_alloc : memref<!tpu.dma_semaphore, #tpu.memory_space<semaphore_mem>>
        %dma_start3A = tpu.memref_slice %arg5[%multiple_of3A] : memref<20000xf32, #tpu.memory_space<hbm>> -> memref<640xf32, #tpu.memory_space<hbm>>
        %dma_start3A_45 = tpu.memref_slice %arg5[%multiple_of3A] : memref<20000xf32, #tpu.memory_space<hbm>> -> memref<640xf32, #tpu.memory_space<hbm>>
        tpu.enqueue_dma source(%arg11 : memref<640xf32, #tpu.memory_space<vmem>>) target(%dma_start3A_45 : memref<640xf32, #tpu.memory_space<hbm>>) target_semaphore(%run_scoped3A : memref<!tpu.dma_semaphore, #tpu.memory_space<semaphore_mem>>)
        %dma_wait3A = tpu.memref_slice %arg5[%multiple_of3A] : memref<20000xf32, #tpu.memory_space<hbm>> -> memref<640xf32, #tpu.memory_space<hbm>>
        %dma_wait3A_46 = tpu.memref_slice %arg5[%multiple_of3A] : memref<20000xf32, #tpu.memory_space<hbm>> -> memref<640xf32, #tpu.memory_space<hbm>>
        tpu.wait_dma2 semaphore(%run_scoped3A : memref<!tpu.dma_semaphore, #tpu.memory_space<semaphore_mem>>) src(%arg11 : memref<640xf32, #tpu.memory_space<vmem>>) dst(%dma_wait3A_46 : memref<640xf32, #tpu.memory_space<hbm>>)
        tpu.yield
      }) : () -> ()
    } else {
    }
    %eq3A_40 = arith.constant 15 : i32
    %eq3A_41 = arith.cmpi eq, %arg1, %eq3A_40 : i32
    %convert_element_type3A_42 = arith.extui %eq3A_41 : i1 to i32
    %cond3A_43 = arith.constant 0 : i32
    %cond3A_44 = arith.cmpi ne, %convert_element_type3A_42, %cond3A_43 : i32
    scf.if %cond3A_44 {
      "tpu.region"() ({
        %run_scoped3A = tpu.sem_alloc : memref<!tpu.dma_semaphore, #tpu.memory_space<semaphore_mem>>
        %dma_start3A = arith.constant 0 : i32
        %dma_start3A_45 = tpu.memref_slice %arg10[%dma_start3A] : memref<640xf32, #tpu.memory_space<vmem>> -> memref<400xf32, #tpu.memory_space<vmem>>
        %dma_start3A_46 = tpu.memref_slice %arg12[%mul3A_2] : memref<10016xf32, #tpu.memory_space<vmem_shared>> -> memref<400xf32, #tpu.memory_space<vmem_shared>>
        %dma_start3A_47 = arith.constant 0 : i32
        %dma_start3A_48 = tpu.memref_slice %arg10[%dma_start3A_47] : memref<640xf32, #tpu.memory_space<vmem>> -> memref<400xf32, #tpu.memory_space<vmem>>
        %dma_start3A_49 = tpu.memref_slice %arg12[%mul3A_2] : memref<10016xf32, #tpu.memory_space<vmem_shared>> -> memref<400xf32, #tpu.memory_space<vmem_shared>>
        tpu.enqueue_dma source(%dma_start3A_49 : memref<400xf32, #tpu.memory_space<vmem_shared>>) target(%dma_start3A_48 : memref<400xf32, #tpu.memory_space<vmem>>) target_semaphore(%run_scoped3A : memref<!tpu.dma_semaphore, #tpu.memory_space<semaphore_mem>>)
        %dma_wait3A = arith.constant 0 : i32
        %dma_wait3A_50 = tpu.memref_slice %arg10[%dma_wait3A] : memref<640xf32, #tpu.memory_space<vmem>> -> memref<400xf32, #tpu.memory_space<vmem>>
        %dma_wait3A_51 = tpu.memref_slice %arg12[%mul3A_2] : memref<10016xf32, #tpu.memory_space<vmem_shared>> -> memref<400xf32, #tpu.memory_space<vmem_shared>>
        %dma_wait3A_52 = arith.constant 0 : i32
        %dma_wait3A_53 = tpu.memref_slice %arg10[%dma_wait3A_52] : memref<640xf32, #tpu.memory_space<vmem>> -> memref<400xf32, #tpu.memory_space<vmem>>
        %dma_wait3A_54 = tpu.memref_slice %arg12[%mul3A_2] : memref<10016xf32, #tpu.memory_space<vmem_shared>> -> memref<400xf32, #tpu.memory_space<vmem_shared>>
        tpu.wait_dma2 semaphore(%run_scoped3A : memref<!tpu.dma_semaphore, #tpu.memory_space<semaphore_mem>>) src(%dma_wait3A_54 : memref<400xf32, #tpu.memory_space<vmem_shared>>) dst(%dma_wait3A_53 : memref<400xf32, #tpu.memory_space<vmem>>)
        tpu.yield
      }) : () -> ()
      "tpu.region"() ({
        %run_scoped3A = tpu.sem_alloc : memref<!tpu.dma_semaphore, #tpu.memory_space<semaphore_mem>>
        %dma_start3A = arith.constant 0 : i32
        %dma_start3A_45 = tpu.memref_slice %arg11[%dma_start3A] : memref<640xf32, #tpu.memory_space<vmem>> -> memref<400xf32, #tpu.memory_space<vmem>>
        %dma_start3A_46 = tpu.memref_slice %arg13[%mul3A_2] : memref<10016xf32, #tpu.memory_space<vmem_shared>> -> memref<400xf32, #tpu.memory_space<vmem_shared>>
        %dma_start3A_47 = arith.constant 0 : i32
        %dma_start3A_48 = tpu.memref_slice %arg11[%dma_start3A_47] : memref<640xf32, #tpu.memory_space<vmem>> -> memref<400xf32, #tpu.memory_space<vmem>>
        %dma_start3A_49 = tpu.memref_slice %arg13[%mul3A_2] : memref<10016xf32, #tpu.memory_space<vmem_shared>> -> memref<400xf32, #tpu.memory_space<vmem_shared>>
        tpu.enqueue_dma source(%dma_start3A_49 : memref<400xf32, #tpu.memory_space<vmem_shared>>) target(%dma_start3A_48 : memref<400xf32, #tpu.memory_space<vmem>>) target_semaphore(%run_scoped3A : memref<!tpu.dma_semaphore, #tpu.memory_space<semaphore_mem>>)
        %dma_wait3A = arith.constant 0 : i32
        %dma_wait3A_50 = tpu.memref_slice %arg11[%dma_wait3A] : memref<640xf32, #tpu.memory_space<vmem>> -> memref<400xf32, #tpu.memory_space<vmem>>
        %dma_wait3A_51 = tpu.memref_slice %arg13[%mul3A_2] : memref<10016xf32, #tpu.memory_space<vmem_shared>> -> memref<400xf32, #tpu.memory_space<vmem_shared>>
        %dma_wait3A_52 = arith.constant 0 : i32
        %dma_wait3A_53 = tpu.memref_slice %arg11[%dma_wait3A_52] : memref<640xf32, #tpu.memory_space<vmem>> -> memref<400xf32, #tpu.memory_space<vmem>>
        %dma_wait3A_54 = tpu.memref_slice %arg13[%mul3A_2] : memref<10016xf32, #tpu.memory_space<vmem_shared>> -> memref<400xf32, #tpu.memory_space<vmem_shared>>
        tpu.wait_dma2 semaphore(%run_scoped3A : memref<!tpu.dma_semaphore, #tpu.memory_space<semaphore_mem>>) src(%dma_wait3A_54 : memref<400xf32, #tpu.memory_space<vmem_shared>>) dst(%dma_wait3A_53 : memref<400xf32, #tpu.memory_space<vmem>>)
        tpu.yield
      }) : () -> ()
      "tpu.region"() ({
        %run_scoped3A = tpu.sem_alloc : memref<!tpu.dma_semaphore, #tpu.memory_space<semaphore_mem>>
        %dma_start3A = arith.constant 0 : i32
        %dma_start3A_45 = tpu.memref_slice %arg10[%dma_start3A] : memref<640xf32, #tpu.memory_space<vmem>> -> memref<400xf32, #tpu.memory_space<vmem>>
        %dma_start3A_46 = tpu.memref_slice %arg4[%multiple_of3A] : memref<20000xf32, #tpu.memory_space<hbm>> -> memref<400xf32, #tpu.memory_space<hbm>>
        %dma_start3A_47 = tpu.memref_slice %arg4[%multiple_of3A] : memref<20000xf32, #tpu.memory_space<hbm>> -> memref<400xf32, #tpu.memory_space<hbm>>
        %dma_start3A_48 = arith.constant 0 : i32
        %dma_start3A_49 = tpu.memref_slice %arg10[%dma_start3A_48] : memref<640xf32, #tpu.memory_space<vmem>> -> memref<400xf32, #tpu.memory_space<vmem>>
        tpu.enqueue_dma source(%dma_start3A_49 : memref<400xf32, #tpu.memory_space<vmem>>) target(%dma_start3A_47 : memref<400xf32, #tpu.memory_space<hbm>>) target_semaphore(%run_scoped3A : memref<!tpu.dma_semaphore, #tpu.memory_space<semaphore_mem>>)
        %dma_wait3A = arith.constant 0 : i32
        %dma_wait3A_50 = tpu.memref_slice %arg10[%dma_wait3A] : memref<640xf32, #tpu.memory_space<vmem>> -> memref<400xf32, #tpu.memory_space<vmem>>
        %dma_wait3A_51 = tpu.memref_slice %arg4[%multiple_of3A] : memref<20000xf32, #tpu.memory_space<hbm>> -> memref<400xf32, #tpu.memory_space<hbm>>
        %dma_wait3A_52 = tpu.memref_slice %arg4[%multiple_of3A] : memref<20000xf32, #tpu.memory_space<hbm>> -> memref<400xf32, #tpu.memory_space<hbm>>
        %dma_wait3A_53 = arith.constant 0 : i32
        %dma_wait3A_54 = tpu.memref_slice %arg10[%dma_wait3A_53] : memref<640xf32, #tpu.memory_space<vmem>> -> memref<400xf32, #tpu.memory_space<vmem>>
        tpu.wait_dma2 semaphore(%run_scoped3A : memref<!tpu.dma_semaphore, #tpu.memory_space<semaphore_mem>>) src(%dma_wait3A_54 : memref<400xf32, #tpu.memory_space<vmem>>) dst(%dma_wait3A_52 : memref<400xf32, #tpu.memory_space<hbm>>)
        tpu.yield
      }) : () -> ()
      "tpu.region"() ({
        %run_scoped3A = tpu.sem_alloc : memref<!tpu.dma_semaphore, #tpu.memory_space<semaphore_mem>>
        %dma_start3A = arith.constant 0 : i32
        %dma_start3A_45 = tpu.memref_slice %arg11[%dma_start3A] : memref<640xf32, #tpu.memory_space<vmem>> -> memref<400xf32, #tpu.memory_space<vmem>>
        %dma_start3A_46 = tpu.memref_slice %arg5[%multiple_of3A] : memref<20000xf32, #tpu.memory_space<hbm>> -> memref<400xf32, #tpu.memory_space<hbm>>
        %dma_start3A_47 = tpu.memref_slice %arg5[%multiple_of3A] : memref<20000xf32, #tpu.memory_space<hbm>> -> memref<400xf32, #tpu.memory_space<hbm>>
        %dma_start3A_48 = arith.constant 0 : i32
        %dma_start3A_49 = tpu.memref_slice %arg11[%dma_start3A_48] : memref<640xf32, #tpu.memory_space<vmem>> -> memref<400xf32, #tpu.memory_space<vmem>>
        tpu.enqueue_dma source(%dma_start3A_49 : memref<400xf32, #tpu.memory_space<vmem>>) target(%dma_start3A_47 : memref<400xf32, #tpu.memory_space<hbm>>) target_semaphore(%run_scoped3A : memref<!tpu.dma_semaphore, #tpu.memory_space<semaphore_mem>>)
        %dma_wait3A = arith.constant 0 : i32
        %dma_wait3A_50 = tpu.memref_slice %arg11[%dma_wait3A] : memref<640xf32, #tpu.memory_space<vmem>> -> memref<400xf32, #tpu.memory_space<vmem>>
        %dma_wait3A_51 = tpu.memref_slice %arg5[%multiple_of3A] : memref<20000xf32, #tpu.memory_space<hbm>> -> memref<400xf32, #tpu.memory_space<hbm>>
        %dma_wait3A_52 = tpu.memref_slice %arg5[%multiple_of3A] : memref<20000xf32, #tpu.memory_space<hbm>> -> memref<400xf32, #tpu.memory_space<hbm>>
        %dma_wait3A_53 = arith.constant 0 : i32
        %dma_wait3A_54 = tpu.memref_slice %arg11[%dma_wait3A_53] : memref<640xf32, #tpu.memory_space<vmem>> -> memref<400xf32, #tpu.memory_space<vmem>>
        tpu.wait_dma2 semaphore(%run_scoped3A : memref<!tpu.dma_semaphore, #tpu.memory_space<semaphore_mem>>) src(%dma_wait3A_54 : memref<400xf32, #tpu.memory_space<vmem>>) dst(%dma_wait3A_52 : memref<400xf32, #tpu.memory_space<hbm>>)
        tpu.yield
      }) : () -> ()
    } else {
    }
    return
  }
}

#map = affine_map<(d0, d1) -> (0, 0)>
#map1 = affine_map<(d0, d1) -> (0, 0, 0)>
module attributes {stable_mosaic.version = 14 : i64} {
  func.func @scatter_kernel(%arg0: i32, %arg1: i32, %arg2: memref<10000x128xf32, #tpu.memory_space<hbm>>, %arg3: memref<32x79x128xi32, #tpu.memory_space<hbm>>, %arg4: memref<32x79x128xi32, #tpu.memory_space<hbm>>, %arg5: memref<2x10000x128xf32, #tpu.memory_space<hbm>>, %arg6: memref<10016x128xf32, #tpu.memory_space<vmem_shared>>, %arg7: memref<128xi32, #tpu.memory_space<vmem>>, %arg8: memref<128xi32, #tpu.memory_space<vmem>>, %arg9: memref<128xi32, #tpu.memory_space<vmem>>, %arg10: memref<128xi32, #tpu.memory_space<vmem>>, %arg11: memref<128xi32, #tpu.memory_space<vmem>>, %arg12: memref<128xi32, #tpu.memory_space<vmem>>, %arg13: memref<128xi32, #tpu.memory_space<vmem>>, %arg14: memref<128xi32, #tpu.memory_space<vmem>>, %arg15: memref<128xi32, #tpu.memory_space<vmem>>, %arg16: memref<128xi32, #tpu.memory_space<vmem>>, %arg17: memref<128xi32, #tpu.memory_space<vmem>>, %arg18: memref<128xi32, #tpu.memory_space<vmem>>, %arg19: memref<128x128xf32, #tpu.memory_space<vmem>>, %arg20: memref<128x128xf32, #tpu.memory_space<vmem>>, %arg21: memref<128x128xf32, #tpu.memory_space<vmem>>, %arg22: memref<!tpu.dma_semaphore, #tpu.memory_space<semaphore_mem>>, %arg23: memref<!tpu.dma_semaphore, #tpu.memory_space<semaphore_mem>>, %arg24: memref<!tpu.dma_semaphore, #tpu.memory_space<semaphore_mem>>, %arg25: memref<!tpu.dma_semaphore, #tpu.memory_space<semaphore_mem>>, %arg26: memref<!tpu.dma_semaphore, #tpu.memory_space<semaphore_mem>>, %arg27: memref<!tpu.dma_semaphore, #tpu.memory_space<semaphore_mem>>, %arg28: memref<!tpu.dma_semaphore, #tpu.memory_space<semaphore_mem>>, %arg29: memref<!tpu.dma_semaphore, #tpu.memory_space<semaphore_mem>>, %arg30: memref<!tpu.dma_semaphore, #tpu.memory_space<semaphore_mem>>, %arg31: memref<!tpu.dma_semaphore, #tpu.memory_space<semaphore_mem>>, %arg32: memref<!tpu.dma_semaphore, #tpu.memory_space<semaphore_mem>>, %arg33: memref<!tpu.dma_semaphore, #tpu.memory_space<semaphore_mem>>) attributes {dimension_semantics = [#tpu.dimension_semantics<core_parallel>, #tpu.dimension_semantics<subcore_parallel>], iteration_bounds = array<i64: 2, 16>, scalar_prefetch = 0 : i64, scratch_operands = 28 : i64, tpu.core_type = #tpu.core_type<sc_vector_subcore>, window_params = [{transform_indices = #map}, {transform_indices = #map1}, {transform_indices = #map1}, {transform_indices = #map1}]} {
    %mul3A = arith.constant 2 : i32
    %mul3A_0 = arith.muli %arg1, %mul3A : i32
    %add3A = arith.addi %mul3A_0, %arg0 : i32
    %mul3A_1 = arith.constant 640 : i32
    %mul3A_2 = arith.muli %arg1, %mul3A_1 : i32
    %broadcast_in_dim3A = arith.constant 0.000000e+00 : f32
    %broadcast_in_dim3A_3 = vector.broadcast %broadcast_in_dim3A : f32 to vector<16xf32>
    %scan3A = arith.constant 0 : i32
    %scan3A_4 = arith.constant 128 : i32
    %scan3A_5 = arith.addi %scan3A, %scan3A_4 : i32
    %scan3A_6 = arith.constant 1 : i32
    scf.for %scan3A_200 = %scan3A to %scan3A_5 step %scan3A_6  : i32 {
      %mul3A_201 = arith.constant 1 : i32
      %mul3A_202 = arith.muli %scan3A_200, %mul3A_201 : i32
      %add3A_203 = arith.constant 0 : i32
      %add3A_204 = arith.addi %add3A_203, %mul3A_202 : i32
      %swap3A = arith.index_cast %add3A_204 : i32 to index
      %swap3A_205 = arith.constant 0 : index
      %swap3A_206 = tpu.vector_load %arg19[%swap3A, %swap3A_205] {strides = array<i32>} : memref<128x128xf32, #tpu.memory_space<vmem>>, vector<1x16xf32>,
      %swap3A_207 = vector.shape_cast %swap3A_206 : vector<1x16xf32> to vector<16xf32>
      %swap3A_208 = vector.shape_cast %broadcast_in_dim3A_3 : vector<16xf32> to vector<1x16xf32>
      tpu.vector_store %arg19[%swap3A, %swap3A_205], %swap3A_208 {strides = array<i32>} : memref<128x128xf32, #tpu.memory_space<vmem>>, vector<1x16xf32>,
      %swap3A_209 = arith.index_cast %add3A_204 : i32 to index
      %swap3A_210 = arith.constant 16 : index
      %swap3A_211 = tpu.vector_load %arg19[%swap3A_209, %swap3A_210] {strides = array<i32>} : memref<128x128xf32, #tpu.memory_space<vmem>>, vector<1x16xf32>,
      %swap3A_212 = vector.shape_cast %swap3A_211 : vector<1x16xf32> to vector<16xf32>
      %swap3A_213 = vector.shape_cast %broadcast_in_dim3A_3 : vector<16xf32> to vector<1x16xf32>
      tpu.vector_store %arg19[%swap3A_209, %swap3A_210], %swap3A_213 {strides = array<i32>} : memref<128x128xf32, #tpu.memory_space<vmem>>, vector<1x16xf32>,
      %swap3A_214 = arith.index_cast %add3A_204 : i32 to index
      %swap3A_215 = arith.constant 32 : index
      %swap3A_216 = tpu.vector_load %arg19[%swap3A_214, %swap3A_215] {strides = array<i32>} : memref<128x128xf32, #tpu.memory_space<vmem>>, vector<1x16xf32>,
      %swap3A_217 = vector.shape_cast %swap3A_216 : vector<1x16xf32> to vector<16xf32>
      %swap3A_218 = vector.shape_cast %broadcast_in_dim3A_3 : vector<16xf32> to vector<1x16xf32>
      tpu.vector_store %arg19[%swap3A_214, %swap3A_215], %swap3A_218 {strides = array<i32>} : memref<128x128xf32, #tpu.memory_space<vmem>>, vector<1x16xf32>,
      %swap3A_219 = arith.index_cast %add3A_204 : i32 to index
      %swap3A_220 = arith.constant 48 : index
      %swap3A_221 = tpu.vector_load %arg19[%swap3A_219, %swap3A_220] {strides = array<i32>} : memref<128x128xf32, #tpu.memory_space<vmem>>, vector<1x16xf32>,
      %swap3A_222 = vector.shape_cast %swap3A_221 : vector<1x16xf32> to vector<16xf32>
      %swap3A_223 = vector.shape_cast %broadcast_in_dim3A_3 : vector<16xf32> to vector<1x16xf32>
      tpu.vector_store %arg19[%swap3A_219, %swap3A_220], %swap3A_223 {strides = array<i32>} : memref<128x128xf32, #tpu.memory_space<vmem>>, vector<1x16xf32>,
      %swap3A_224 = arith.index_cast %add3A_204 : i32 to index
      %swap3A_225 = arith.constant 64 : index
      %swap3A_226 = tpu.vector_load %arg19[%swap3A_224, %swap3A_225] {strides = array<i32>} : memref<128x128xf32, #tpu.memory_space<vmem>>, vector<1x16xf32>,
      %swap3A_227 = vector.shape_cast %swap3A_226 : vector<1x16xf32> to vector<16xf32>
      %swap3A_228 = vector.shape_cast %broadcast_in_dim3A_3 : vector<16xf32> to vector<1x16xf32>
      tpu.vector_store %arg19[%swap3A_224, %swap3A_225], %swap3A_228 {strides = array<i32>} : memref<128x128xf32, #tpu.memory_space<vmem>>, vector<1x16xf32>,
      %swap3A_229 = arith.index_cast %add3A_204 : i32 to index
      %swap3A_230 = arith.constant 80 : index
      %swap3A_231 = tpu.vector_load %arg19[%swap3A_229, %swap3A_230] {strides = array<i32>} : memref<128x128xf32, #tpu.memory_space<vmem>>, vector<1x16xf32>,
      %swap3A_232 = vector.shape_cast %swap3A_231 : vector<1x16xf32> to vector<16xf32>
      %swap3A_233 = vector.shape_cast %broadcast_in_dim3A_3 : vector<16xf32> to vector<1x16xf32>
      tpu.vector_store %arg19[%swap3A_229, %swap3A_230], %swap3A_233 {strides = array<i32>} : memref<128x128xf32, #tpu.memory_space<vmem>>, vector<1x16xf32>,
      %swap3A_234 = arith.index_cast %add3A_204 : i32 to index
      %swap3A_235 = arith.constant 96 : index
      %swap3A_236 = tpu.vector_load %arg19[%swap3A_234, %swap3A_235] {strides = array<i32>} : memref<128x128xf32, #tpu.memory_space<vmem>>, vector<1x16xf32>,
      %swap3A_237 = vector.shape_cast %swap3A_236 : vector<1x16xf32> to vector<16xf32>
      %swap3A_238 = vector.shape_cast %broadcast_in_dim3A_3 : vector<16xf32> to vector<1x16xf32>
      tpu.vector_store %arg19[%swap3A_234, %swap3A_235], %swap3A_238 {strides = array<i32>} : memref<128x128xf32, #tpu.memory_space<vmem>>, vector<1x16xf32>,
      %swap3A_239 = arith.index_cast %add3A_204 : i32 to index
      %swap3A_240 = arith.constant 112 : index
      %swap3A_241 = tpu.vector_load %arg19[%swap3A_239, %swap3A_240] {strides = array<i32>} : memref<128x128xf32, #tpu.memory_space<vmem>>, vector<1x16xf32>,
      %swap3A_242 = vector.shape_cast %swap3A_241 : vector<1x16xf32> to vector<16xf32>
      %swap3A_243 = vector.shape_cast %broadcast_in_dim3A_3 : vector<16xf32> to vector<1x16xf32>
      tpu.vector_store %arg19[%swap3A_239, %swap3A_240], %swap3A_243 {strides = array<i32>} : memref<128x128xf32, #tpu.memory_space<vmem>>, vector<1x16xf32>,
    }
    %scan3A_7 = arith.constant 128 : i32
    %lt3A = arith.constant 15 : i32
    %lt3A_8 = arith.cmpi slt, %arg1, %lt3A : i32
    %jit3A = arith.constant 5 : i32
    %jit3A_9 = arith.constant 3 : i32
    %select_n3A = arith.select %lt3A_8, %jit3A, %jit3A_9 : i32
    %sub3A = arith.constant 0 : i32
    %sub3A_10 = arith.subi %select_n3A, %sub3A : i32
    %sub3A_11 = arith.constant 1 : i32
    %sub3A_12 = arith.constant 1 : i32
    %sub3A_13 = arith.subi %sub3A_11, %sub3A_12 : i32
    %add3A_14 = arith.addi %sub3A_10, %sub3A_13 : i32
    %div3A = arith.constant 1 : i32
    %div3A_15 = arith.divsi %add3A_14, %div3A : i32
    %while3A = arith.constant 1 : i32
    %while3A_16 = arith.constant 0 : i32
    %while3A_17 = arith.constant 0 : i32
    %while3A_18 = arith.subi %div3A_15, %while3A_17 : i32
    %while3A_19 = arith.addi %while3A_17, %while3A_18 : i32
    %while3A_20 = arith.constant 1 : i32
    %while3A_21 = arith.divsi %while3A_18, %while3A_20 : i32
    %while3A_22 = arith.muli %while3A_21, %while3A_20 : i32
    %while3A_23 = arith.addi %while3A_17, %while3A_22 : i32
    %while3A_24 = arith.constant 1 : i32
    scf.for %while3A_200 = %while3A_17 to %while3A_23 step %while3A_24  : i32 {
      %mul3A_201 = arith.muli %while3A_200, %while3A : i32
      %add3A_202 = arith.addi %while3A_16, %mul3A_201 : i32
      %mul3A_203 = arith.constant 128 : i32
      %mul3A_204 = arith.muli %add3A_202, %mul3A_203 : i32
      %add3A_205 = arith.addi %mul3A_2, %mul3A_204 : i32
      "tpu.region"() ({
        %run_scoped3A = tpu.sem_alloc : memref<!tpu.dma_semaphore, #tpu.memory_space<semaphore_mem>>
        %dma_start3A_206 = arith.constant 0 : i32
        %dma_start3A_207 = tpu.memref_slice %arg6[%add3A_205, %dma_start3A_206] : memref<10016x128xf32, #tpu.memory_space<vmem_shared>> -> memref<128x128xf32, #tpu.memory_space<vmem_shared>>
        %dma_start3A_208 = arith.constant 0 : i32
        %dma_start3A_209 = tpu.memref_slice %arg6[%add3A_205, %dma_start3A_208] : memref<10016x128xf32, #tpu.memory_space<vmem_shared>> -> memref<128x128xf32, #tpu.memory_space<vmem_shared>>
        tpu.enqueue_dma source(%arg19 : memref<128x128xf32, #tpu.memory_space<vmem>>) target(%dma_start3A_209 : memref<128x128xf32, #tpu.memory_space<vmem_shared>>) target_semaphore(%run_scoped3A : memref<!tpu.dma_semaphore, #tpu.memory_space<semaphore_mem>>)
        %dma_wait3A_210 = arith.constant 0 : i32
        %dma_wait3A_211 = tpu.memref_slice %arg6[%add3A_205, %dma_wait3A_210] : memref<10016x128xf32, #tpu.memory_space<vmem_shared>> -> memref<128x128xf32, #tpu.memory_space<vmem_shared>>
        %dma_wait3A_212 = arith.constant 0 : i32
        %dma_wait3A_213 = tpu.memref_slice %arg6[%add3A_205, %dma_wait3A_212] : memref<10016x128xf32, #tpu.memory_space<vmem_shared>> -> memref<128x128xf32, #tpu.memory_space<vmem_shared>>
        tpu.wait_dma2 semaphore(%run_scoped3A : memref<!tpu.dma_semaphore, #tpu.memory_space<semaphore_mem>>) src(%arg19 : memref<128x128xf32, #tpu.memory_space<vmem>>) dst(%dma_wait3A_213 : memref<128x128xf32, #tpu.memory_space<vmem_shared>>)
        tpu.yield
      }) : () -> ()
    }
    %while3A_25 = arith.constant 1 : i32
    scf.for %while3A_200 = %while3A_23 to %while3A_19 step %while3A_25  : i32 {
      %mul3A_201 = arith.muli %while3A_200, %while3A : i32
      %add3A_202 = arith.addi %while3A_16, %mul3A_201 : i32
      %mul3A_203 = arith.constant 128 : i32
      %mul3A_204 = arith.muli %add3A_202, %mul3A_203 : i32
      %add3A_205 = arith.addi %mul3A_2, %mul3A_204 : i32
      "tpu.region"() ({
        %run_scoped3A = tpu.sem_alloc : memref<!tpu.dma_semaphore, #tpu.memory_space<semaphore_mem>>
        %dma_start3A_206 = arith.constant 0 : i32
        %dma_start3A_207 = tpu.memref_slice %arg6[%add3A_205, %dma_start3A_206] : memref<10016x128xf32, #tpu.memory_space<vmem_shared>> -> memref<128x128xf32, #tpu.memory_space<vmem_shared>>
        %dma_start3A_208 = arith.constant 0 : i32
        %dma_start3A_209 = tpu.memref_slice %arg6[%add3A_205, %dma_start3A_208] : memref<10016x128xf32, #tpu.memory_space<vmem_shared>> -> memref<128x128xf32, #tpu.memory_space<vmem_shared>>
        tpu.enqueue_dma source(%arg19 : memref<128x128xf32, #tpu.memory_space<vmem>>) target(%dma_start3A_209 : memref<128x128xf32, #tpu.memory_space<vmem_shared>>) target_semaphore(%run_scoped3A : memref<!tpu.dma_semaphore, #tpu.memory_space<semaphore_mem>>)
        %dma_wait3A_210 = arith.constant 0 : i32
        %dma_wait3A_211 = tpu.memref_slice %arg6[%add3A_205, %dma_wait3A_210] : memref<10016x128xf32, #tpu.memory_space<vmem_shared>> -> memref<128x128xf32, #tpu.memory_space<vmem_shared>>
        %dma_wait3A_212 = arith.constant 0 : i32
        %dma_wait3A_213 = tpu.memref_slice %arg6[%add3A_205, %dma_wait3A_212] : memref<10016x128xf32, #tpu.memory_space<vmem_shared>> -> memref<128x128xf32, #tpu.memory_space<vmem_shared>>
        tpu.wait_dma2 semaphore(%run_scoped3A : memref<!tpu.dma_semaphore, #tpu.memory_space<semaphore_mem>>) src(%arg19 : memref<128x128xf32, #tpu.memory_space<vmem>>) dst(%dma_wait3A_213 : memref<128x128xf32, #tpu.memory_space<vmem_shared>>)
        tpu.yield
      }) : () -> ()
    }
    %eq3A = arith.constant 15 : i32
    %eq3A_26 = arith.cmpi eq, %arg1, %eq3A : i32
    %convert_element_type3A = arith.extui %eq3A_26 : i1 to i32
    %cond3A = arith.constant 0 : i32
    %cond3A_27 = arith.cmpi ne, %convert_element_type3A, %cond3A : i32
    scf.if %cond3A_27 {
      %add3A_200 = arith.constant 384 : i32
      %add3A_201 = arith.addi %mul3A_2, %add3A_200 : i32
      "tpu.region"() ({
        %run_scoped3A = tpu.sem_alloc : memref<!tpu.dma_semaphore, #tpu.memory_space<semaphore_mem>>
        %dma_start3A_202 = arith.constant 0 : i32
        %dma_start3A_203 = arith.constant 0 : i32
        %dma_start3A_204 = tpu.memref_slice %arg19[%dma_start3A_202, %dma_start3A_203] : memref<128x128xf32, #tpu.memory_space<vmem>> -> memref<16x128xf32, #tpu.memory_space<vmem>>
        %dma_start3A_205 = arith.constant 0 : i32
        %dma_start3A_206 = tpu.memref_slice %arg6[%add3A_201, %dma_start3A_205] : memref<10016x128xf32, #tpu.memory_space<vmem_shared>> -> memref<16x128xf32, #tpu.memory_space<vmem_shared>>
        %dma_start3A_207 = arith.constant 0 : i32
        %dma_start3A_208 = tpu.memref_slice %arg6[%add3A_201, %dma_start3A_207] : memref<10016x128xf32, #tpu.memory_space<vmem_shared>> -> memref<16x128xf32, #tpu.memory_space<vmem_shared>>
        %dma_start3A_209 = arith.constant 0 : i32
        %dma_start3A_210 = arith.constant 0 : i32
        %dma_start3A_211 = tpu.memref_slice %arg19[%dma_start3A_209, %dma_start3A_210] : memref<128x128xf32, #tpu.memory_space<vmem>> -> memref<16x128xf32, #tpu.memory_space<vmem>>
        tpu.enqueue_dma source(%dma_start3A_211 : memref<16x128xf32, #tpu.memory_space<vmem>>) target(%dma_start3A_208 : memref<16x128xf32, #tpu.memory_space<vmem_shared>>) target_semaphore(%run_scoped3A : memref<!tpu.dma_semaphore, #tpu.memory_space<semaphore_mem>>)
        %dma_wait3A_212 = arith.constant 0 : i32
        %dma_wait3A_213 = arith.constant 0 : i32
        %dma_wait3A_214 = tpu.memref_slice %arg19[%dma_wait3A_212, %dma_wait3A_213] : memref<128x128xf32, #tpu.memory_space<vmem>> -> memref<16x128xf32, #tpu.memory_space<vmem>>
        %dma_wait3A_215 = arith.constant 0 : i32
        %dma_wait3A_216 = tpu.memref_slice %arg6[%add3A_201, %dma_wait3A_215] : memref<10016x128xf32, #tpu.memory_space<vmem_shared>> -> memref<16x128xf32, #tpu.memory_space<vmem_shared>>
        %dma_wait3A_217 = arith.constant 0 : i32
        %dma_wait3A_218 = tpu.memref_slice %arg6[%add3A_201, %dma_wait3A_217] : memref<10016x128xf32, #tpu.memory_space<vmem_shared>> -> memref<16x128xf32, #tpu.memory_space<vmem_shared>>
        %dma_wait3A_219 = arith.constant 0 : i32
        %dma_wait3A_220 = arith.constant 0 : i32
        %dma_wait3A_221 = tpu.memref_slice %arg19[%dma_wait3A_219, %dma_wait3A_220] : memref<128x128xf32, #tpu.memory_space<vmem>> -> memref<16x128xf32, #tpu.memory_space<vmem>>
        tpu.wait_dma2 semaphore(%run_scoped3A : memref<!tpu.dma_semaphore, #tpu.memory_space<semaphore_mem>>) src(%dma_wait3A_221 : memref<16x128xf32, #tpu.memory_space<vmem>>) dst(%dma_wait3A_218 : memref<16x128xf32, #tpu.memory_space<vmem_shared>>)
        tpu.yield
      }) : () -> ()
    } else {
    }
    %barrier3A = arith.constant 0 : index
    tpu.barrier barrier_id(%barrier3A)
    %dma_start3A = arith.constant 0 : i32
    %dma_start3A_28 = arith.constant 0 : i32
    %dma_start3A_29 = tpu.memref_slice %arg3[%add3A, %dma_start3A, %dma_start3A_28] : memref<32x79x128xi32, #tpu.memory_space<hbm>> -> memref<1x1x128xi32, #tpu.memory_space<hbm>>
    %dma_start3A_30 = tpu.memref_squeeze %dma_start3A_29 : memref<1x1x128xi32, #tpu.memory_space<hbm>> -> memref<128xi32, #tpu.memory_space<hbm>>
    %dma_start3A_31 = arith.constant 0 : i32
    %dma_start3A_32 = tpu.memref_slice %arg3[%add3A, %dma_start3A, %dma_start3A_31] : memref<32x79x128xi32, #tpu.memory_space<hbm>> -> memref<1x1x128xi32, #tpu.memory_space<hbm>>
    %dma_start3A_33 = tpu.memref_squeeze %dma_start3A_32 : memref<1x1x128xi32, #tpu.memory_space<hbm>> -> memref<128xi32, #tpu.memory_space<hbm>>
    tpu.enqueue_dma source(%dma_start3A_33 : memref<128xi32, #tpu.memory_space<hbm>>) target(%arg7 : memref<128xi32, #tpu.memory_space<vmem>>) target_semaphore(%arg22 : memref<!tpu.dma_semaphore, #tpu.memory_space<semaphore_mem>>)
    %dma_start3A_34 = arith.constant 0 : i32
    %dma_start3A_35 = arith.constant 0 : i32
    %dma_start3A_36 = tpu.memref_slice %arg4[%add3A, %dma_start3A_34, %dma_start3A_35] : memref<32x79x128xi32, #tpu.memory_space<hbm>> -> memref<1x1x128xi32, #tpu.memory_space<hbm>>
    %dma_start3A_37 = tpu.memref_squeeze %dma_start3A_36 : memref<1x1x128xi32, #tpu.memory_space<hbm>> -> memref<128xi32, #tpu.memory_space<hbm>>
    %dma_start3A_38 = arith.constant 0 : i32
    %dma_start3A_39 = tpu.memref_slice %arg4[%add3A, %dma_start3A_34, %dma_start3A_38] : memref<32x79x128xi32, #tpu.memory_space<hbm>> -> memref<1x1x128xi32, #tpu.memory_space<hbm>>
    %dma_start3A_40 = tpu.memref_squeeze %dma_start3A_39 : memref<1x1x128xi32, #tpu.memory_space<hbm>> -> memref<128xi32, #tpu.memory_space<hbm>>
    tpu.enqueue_dma source(%dma_start3A_40 : memref<128xi32, #tpu.memory_space<hbm>>) target(%arg13 : memref<128xi32, #tpu.memory_space<vmem>>) target_semaphore(%arg22 : memref<!tpu.dma_semaphore, #tpu.memory_space<semaphore_mem>>)
    %dma_start3A_41 = arith.constant 1 : i32
    %dma_start3A_42 = arith.constant 0 : i32
    %dma_start3A_43 = tpu.memref_slice %arg3[%add3A, %dma_start3A_41, %dma_start3A_42] : memref<32x79x128xi32, #tpu.memory_space<hbm>> -> memref<1x1x128xi32, #tpu.memory_space<hbm>>
    %dma_start3A_44 = tpu.memref_squeeze %dma_start3A_43 : memref<1x1x128xi32, #tpu.memory_space<hbm>> -> memref<128xi32, #tpu.memory_space<hbm>>
    %dma_start3A_45 = arith.constant 0 : i32
    %dma_start3A_46 = tpu.memref_slice %arg3[%add3A, %dma_start3A_41, %dma_start3A_45] : memref<32x79x128xi32, #tpu.memory_space<hbm>> -> memref<1x1x128xi32, #tpu.memory_space<hbm>>
    %dma_start3A_47 = tpu.memref_squeeze %dma_start3A_46 : memref<1x1x128xi32, #tpu.memory_space<hbm>> -> memref<128xi32, #tpu.memory_space<hbm>>
    tpu.enqueue_dma source(%dma_start3A_47 : memref<128xi32, #tpu.memory_space<hbm>>) target(%arg8 : memref<128xi32, #tpu.memory_space<vmem>>) target_semaphore(%arg23 : memref<!tpu.dma_semaphore, #tpu.memory_space<semaphore_mem>>)
    %dma_start3A_48 = arith.constant 1 : i32
    %dma_start3A_49 = arith.constant 0 : i32
    %dma_start3A_50 = tpu.memref_slice %arg4[%add3A, %dma_start3A_48, %dma_start3A_49] : memref<32x79x128xi32, #tpu.memory_space<hbm>> -> memref<1x1x128xi32, #tpu.memory_space<hbm>>
    %dma_start3A_51 = tpu.memref_squeeze %dma_start3A_50 : memref<1x1x128xi32, #tpu.memory_space<hbm>> -> memref<128xi32, #tpu.memory_space<hbm>>
    %dma_start3A_52 = arith.constant 0 : i32
    %dma_start3A_53 = tpu.memref_slice %arg4[%add3A, %dma_start3A_48, %dma_start3A_52] : memref<32x79x128xi32, #tpu.memory_space<hbm>> -> memref<1x1x128xi32, #tpu.memory_space<hbm>>
    %dma_start3A_54 = tpu.memref_squeeze %dma_start3A_53 : memref<1x1x128xi32, #tpu.memory_space<hbm>> -> memref<128xi32, #tpu.memory_space<hbm>>
    tpu.enqueue_dma source(%dma_start3A_54 : memref<128xi32, #tpu.memory_space<hbm>>) target(%arg14 : memref<128xi32, #tpu.memory_space<vmem>>) target_semaphore(%arg23 : memref<!tpu.dma_semaphore, #tpu.memory_space<semaphore_mem>>)
    %dma_start3A_55 = arith.constant 2 : i32
    %dma_start3A_56 = arith.constant 0 : i32
    %dma_start3A_57 = tpu.memref_slice %arg3[%add3A, %dma_start3A_55, %dma_start3A_56] : memref<32x79x128xi32, #tpu.memory_space<hbm>> -> memref<1x1x128xi32, #tpu.memory_space<hbm>>
    %dma_start3A_58 = tpu.memref_squeeze %dma_start3A_57 : memref<1x1x128xi32, #tpu.memory_space<hbm>> -> memref<128xi32, #tpu.memory_space<hbm>>
    %dma_start3A_59 = arith.constant 0 : i32
    %dma_start3A_60 = tpu.memref_slice %arg3[%add3A, %dma_start3A_55, %dma_start3A_59] : memref<32x79x128xi32, #tpu.memory_space<hbm>> -> memref<1x1x128xi32, #tpu.memory_space<hbm>>
    %dma_start3A_61 = tpu.memref_squeeze %dma_start3A_60 : memref<1x1x128xi32, #tpu.memory_space<hbm>> -> memref<128xi32, #tpu.memory_space<hbm>>
    tpu.enqueue_dma source(%dma_start3A_61 : memref<128xi32, #tpu.memory_space<hbm>>) target(%arg9 : memref<128xi32, #tpu.memory_space<vmem>>) target_semaphore(%arg24 : memref<!tpu.dma_semaphore, #tpu.memory_space<semaphore_mem>>)
    %dma_start3A_62 = arith.constant 2 : i32
    %dma_start3A_63 = arith.constant 0 : i32
    %dma_start3A_64 = tpu.memref_slice %arg4[%add3A, %dma_start3A_62, %dma_start3A_63] : memref<32x79x128xi32, #tpu.memory_space<hbm>> -> memref<1x1x128xi32, #tpu.memory_space<hbm>>
    %dma_start3A_65 = tpu.memref_squeeze %dma_start3A_64 : memref<1x1x128xi32, #tpu.memory_space<hbm>> -> memref<128xi32, #tpu.memory_space<hbm>>
    %dma_start3A_66 = arith.constant 0 : i32
    %dma_start3A_67 = tpu.memref_slice %arg4[%add3A, %dma_start3A_62, %dma_start3A_66] : memref<32x79x128xi32, #tpu.memory_space<hbm>> -> memref<1x1x128xi32, #tpu.memory_space<hbm>>
    %dma_start3A_68 = tpu.memref_squeeze %dma_start3A_67 : memref<1x1x128xi32, #tpu.memory_space<hbm>> -> memref<128xi32, #tpu.memory_space<hbm>>
    tpu.enqueue_dma source(%dma_start3A_68 : memref<128xi32, #tpu.memory_space<hbm>>) target(%arg15 : memref<128xi32, #tpu.memory_space<vmem>>) target_semaphore(%arg24 : memref<!tpu.dma_semaphore, #tpu.memory_space<semaphore_mem>>)
    %dma_start3A_69 = arith.constant 3 : i32
    %dma_start3A_70 = arith.constant 0 : i32
    %dma_start3A_71 = tpu.memref_slice %arg3[%add3A, %dma_start3A_69, %dma_start3A_70] : memref<32x79x128xi32, #tpu.memory_space<hbm>> -> memref<1x1x128xi32, #tpu.memory_space<hbm>>
    %dma_start3A_72 = tpu.memref_squeeze %dma_start3A_71 : memref<1x1x128xi32, #tpu.memory_space<hbm>> -> memref<128xi32, #tpu.memory_space<hbm>>
    %dma_start3A_73 = arith.constant 0 : i32
    %dma_start3A_74 = tpu.memref_slice %arg3[%add3A, %dma_start3A_69, %dma_start3A_73] : memref<32x79x128xi32, #tpu.memory_space<hbm>> -> memref<1x1x128xi32, #tpu.memory_space<hbm>>
    %dma_start3A_75 = tpu.memref_squeeze %dma_start3A_74 : memref<1x1x128xi32, #tpu.memory_space<hbm>> -> memref<128xi32, #tpu.memory_space<hbm>>
    tpu.enqueue_dma source(%dma_start3A_75 : memref<128xi32, #tpu.memory_space<hbm>>) target(%arg10 : memref<128xi32, #tpu.memory_space<vmem>>) target_semaphore(%arg25 : memref<!tpu.dma_semaphore, #tpu.memory_space<semaphore_mem>>)
    %dma_start3A_76 = arith.constant 3 : i32
    %dma_start3A_77 = arith.constant 0 : i32
    %dma_start3A_78 = tpu.memref_slice %arg4[%add3A, %dma_start3A_76, %dma_start3A_77] : memref<32x79x128xi32, #tpu.memory_space<hbm>> -> memref<1x1x128xi32, #tpu.memory_space<hbm>>
    %dma_start3A_79 = tpu.memref_squeeze %dma_start3A_78 : memref<1x1x128xi32, #tpu.memory_space<hbm>> -> memref<128xi32, #tpu.memory_space<hbm>>
    %dma_start3A_80 = arith.constant 0 : i32
    %dma_start3A_81 = tpu.memref_slice %arg4[%add3A, %dma_start3A_76, %dma_start3A_80] : memref<32x79x128xi32, #tpu.memory_space<hbm>> -> memref<1x1x128xi32, #tpu.memory_space<hbm>>
    %dma_start3A_82 = tpu.memref_squeeze %dma_start3A_81 : memref<1x1x128xi32, #tpu.memory_space<hbm>> -> memref<128xi32, #tpu.memory_space<hbm>>
    tpu.enqueue_dma source(%dma_start3A_82 : memref<128xi32, #tpu.memory_space<hbm>>) target(%arg16 : memref<128xi32, #tpu.memory_space<vmem>>) target_semaphore(%arg25 : memref<!tpu.dma_semaphore, #tpu.memory_space<semaphore_mem>>)
    %dma_start3A_83 = arith.constant 4 : i32
    %dma_start3A_84 = arith.constant 0 : i32
    %dma_start3A_85 = tpu.memref_slice %arg3[%add3A, %dma_start3A_83, %dma_start3A_84] : memref<32x79x128xi32, #tpu.memory_space<hbm>> -> memref<1x1x128xi32, #tpu.memory_space<hbm>>
    %dma_start3A_86 = tpu.memref_squeeze %dma_start3A_85 : memref<1x1x128xi32, #tpu.memory_space<hbm>> -> memref<128xi32, #tpu.memory_space<hbm>>
    %dma_start3A_87 = arith.constant 0 : i32
    %dma_start3A_88 = tpu.memref_slice %arg3[%add3A, %dma_start3A_83, %dma_start3A_87] : memref<32x79x128xi32, #tpu.memory_space<hbm>> -> memref<1x1x128xi32, #tpu.memory_space<hbm>>
    %dma_start3A_89 = tpu.memref_squeeze %dma_start3A_88 : memref<1x1x128xi32, #tpu.memory_space<hbm>> -> memref<128xi32, #tpu.memory_space<hbm>>
    tpu.enqueue_dma source(%dma_start3A_89 : memref<128xi32, #tpu.memory_space<hbm>>) target(%arg11 : memref<128xi32, #tpu.memory_space<vmem>>) target_semaphore(%arg26 : memref<!tpu.dma_semaphore, #tpu.memory_space<semaphore_mem>>)
    %dma_start3A_90 = arith.constant 4 : i32
    %dma_start3A_91 = arith.constant 0 : i32
    %dma_start3A_92 = tpu.memref_slice %arg4[%add3A, %dma_start3A_90, %dma_start3A_91] : memref<32x79x128xi32, #tpu.memory_space<hbm>> -> memref<1x1x128xi32, #tpu.memory_space<hbm>>
    %dma_start3A_93 = tpu.memref_squeeze %dma_start3A_92 : memref<1x1x128xi32, #tpu.memory_space<hbm>> -> memref<128xi32, #tpu.memory_space<hbm>>
    %dma_start3A_94 = arith.constant 0 : i32
    %dma_start3A_95 = tpu.memref_slice %arg4[%add3A, %dma_start3A_90, %dma_start3A_94] : memref<32x79x128xi32, #tpu.memory_space<hbm>> -> memref<1x1x128xi32, #tpu.memory_space<hbm>>
    %dma_start3A_96 = tpu.memref_squeeze %dma_start3A_95 : memref<1x1x128xi32, #tpu.memory_space<hbm>> -> memref<128xi32, #tpu.memory_space<hbm>>
    tpu.enqueue_dma source(%dma_start3A_96 : memref<128xi32, #tpu.memory_space<hbm>>) target(%arg17 : memref<128xi32, #tpu.memory_space<vmem>>) target_semaphore(%arg26 : memref<!tpu.dma_semaphore, #tpu.memory_space<semaphore_mem>>)
    %dma_start3A_97 = arith.constant 5 : i32
    %dma_start3A_98 = arith.constant 0 : i32
    %dma_start3A_99 = tpu.memref_slice %arg3[%add3A, %dma_start3A_97, %dma_start3A_98] : memref<32x79x128xi32, #tpu.memory_space<hbm>> -> memref<1x1x128xi32, #tpu.memory_space<hbm>>
    %dma_start3A_100 = tpu.memref_squeeze %dma_start3A_99 : memref<1x1x128xi32, #tpu.memory_space<hbm>> -> memref<128xi32, #tpu.memory_space<hbm>>
    %dma_start3A_101 = arith.constant 0 : i32
    %dma_start3A_102 = tpu.memref_slice %arg3[%add3A, %dma_start3A_97, %dma_start3A_101] : memref<32x79x128xi32, #tpu.memory_space<hbm>> -> memref<1x1x128xi32, #tpu.memory_space<hbm>>
    %dma_start3A_103 = tpu.memref_squeeze %dma_start3A_102 : memref<1x1x128xi32, #tpu.memory_space<hbm>> -> memref<128xi32, #tpu.memory_space<hbm>>
    tpu.enqueue_dma source(%dma_start3A_103 : memref<128xi32, #tpu.memory_space<hbm>>) target(%arg12 : memref<128xi32, #tpu.memory_space<vmem>>) target_semaphore(%arg27 : memref<!tpu.dma_semaphore, #tpu.memory_space<semaphore_mem>>)
    %dma_start3A_104 = arith.constant 5 : i32
    %dma_start3A_105 = arith.constant 0 : i32
    %dma_start3A_106 = tpu.memref_slice %arg4[%add3A, %dma_start3A_104, %dma_start3A_105] : memref<32x79x128xi32, #tpu.memory_space<hbm>> -> memref<1x1x128xi32, #tpu.memory_space<hbm>>
    %dma_start3A_107 = tpu.memref_squeeze %dma_start3A_106 : memref<1x1x128xi32, #tpu.memory_space<hbm>> -> memref<128xi32, #tpu.memory_space<hbm>>
    %dma_start3A_108 = arith.constant 0 : i32
    %dma_start3A_109 = tpu.memref_slice %arg4[%add3A, %dma_start3A_104, %dma_start3A_108] : memref<32x79x128xi32, #tpu.memory_space<hbm>> -> memref<1x1x128xi32, #tpu.memory_space<hbm>>
    %dma_start3A_110 = tpu.memref_squeeze %dma_start3A_109 : memref<1x1x128xi32, #tpu.memory_space<hbm>> -> memref<128xi32, #tpu.memory_space<hbm>>
    tpu.enqueue_dma source(%dma_start3A_110 : memref<128xi32, #tpu.memory_space<hbm>>) target(%arg18 : memref<128xi32, #tpu.memory_space<vmem>>) target_semaphore(%arg27 : memref<!tpu.dma_semaphore, #tpu.memory_space<semaphore_mem>>)
    %dma_wait3A = arith.constant 0 : i32
    %dma_wait3A_111 = arith.constant 0 : i32
    %dma_wait3A_112 = tpu.memref_slice %arg3[%add3A, %dma_wait3A, %dma_wait3A_111] : memref<32x79x128xi32, #tpu.memory_space<hbm>> -> memref<1x1x128xi32, #tpu.memory_space<hbm>>
    %dma_wait3A_113 = tpu.memref_squeeze %dma_wait3A_112 : memref<1x1x128xi32, #tpu.memory_space<hbm>> -> memref<128xi32, #tpu.memory_space<hbm>>
    %dma_wait3A_114 = arith.constant 0 : i32
    %dma_wait3A_115 = tpu.memref_slice %arg3[%add3A, %dma_wait3A, %dma_wait3A_114] : memref<32x79x128xi32, #tpu.memory_space<hbm>> -> memref<1x1x128xi32, #tpu.memory_space<hbm>>
    %dma_wait3A_116 = tpu.memref_squeeze %dma_wait3A_115 : memref<1x1x128xi32, #tpu.memory_space<hbm>> -> memref<128xi32, #tpu.memory_space<hbm>>
    tpu.wait_dma2 semaphore(%arg22 : memref<!tpu.dma_semaphore, #tpu.memory_space<semaphore_mem>>) src(%dma_wait3A_116 : memref<128xi32, #tpu.memory_space<hbm>>) dst(%arg7 : memref<128xi32, #tpu.memory_space<vmem>>)
    %dma_wait3A_117 = arith.constant 0 : i32
    %dma_wait3A_118 = arith.constant 0 : i32
    %dma_wait3A_119 = tpu.memref_slice %arg4[%add3A, %dma_wait3A_117, %dma_wait3A_118] : memref<32x79x128xi32, #tpu.memory_space<hbm>> -> memref<1x1x128xi32, #tpu.memory_space<hbm>>
    %dma_wait3A_120 = tpu.memref_squeeze %dma_wait3A_119 : memref<1x1x128xi32, #tpu.memory_space<hbm>> -> memref<128xi32, #tpu.memory_space<hbm>>
    %dma_wait3A_121 = arith.constant 0 : i32
    %dma_wait3A_122 = tpu.memref_slice %arg4[%add3A, %dma_wait3A_117, %dma_wait3A_121] : memref<32x79x128xi32, #tpu.memory_space<hbm>> -> memref<1x1x128xi32, #tpu.memory_space<hbm>>
    %dma_wait3A_123 = tpu.memref_squeeze %dma_wait3A_122 : memref<1x1x128xi32, #tpu.memory_space<hbm>> -> memref<128xi32, #tpu.memory_space<hbm>>
    tpu.wait_dma2 semaphore(%arg22 : memref<!tpu.dma_semaphore, #tpu.memory_space<semaphore_mem>>) src(%dma_wait3A_123 : memref<128xi32, #tpu.memory_space<hbm>>) dst(%arg13 : memref<128xi32, #tpu.memory_space<vmem>>)
    %dma_start3A_124 = arith.constant 0 : i32
    %dma_start3A_125 = arith.constant 0 : i32
    %dma_start3A_126 = tpu.memref_slice %arg2[%dma_start3A_124, %dma_start3A_125] : memref<10000x128xf32, #tpu.memory_space<hbm>> -> memref<10000x128xf32, #tpu.memory_space<hbm>>
    tpu.enqueue_indirect_dma source(%dma_start3A_126 : memref<10000x128xf32, #tpu.memory_space<hbm>>) target(%arg19 : memref<128x128xf32, #tpu.memory_space<vmem>>) offsets(%arg7 : memref<128xi32, #tpu.memory_space<vmem>>) semaphore(%arg28 : memref<!tpu.dma_semaphore, #tpu.memory_space<semaphore_mem>>)
    %dma_wait3A_127 = arith.constant 1 : i32
    %dma_wait3A_128 = arith.constant 0 : i32
    %dma_wait3A_129 = tpu.memref_slice %arg3[%add3A, %dma_wait3A_127, %dma_wait3A_128] : memref<32x79x128xi32, #tpu.memory_space<hbm>> -> memref<1x1x128xi32, #tpu.memory_space<hbm>>
    %dma_wait3A_130 = tpu.memref_squeeze %dma_wait3A_129 : memref<1x1x128xi32, #tpu.memory_space<hbm>> -> memref<128xi32, #tpu.memory_space<hbm>>
    %dma_wait3A_131 = arith.constant 0 : i32
    %dma_wait3A_132 = tpu.memref_slice %arg3[%add3A, %dma_wait3A_127, %dma_wait3A_131] : memref<32x79x128xi32, #tpu.memory_space<hbm>> -> memref<1x1x128xi32, #tpu.memory_space<hbm>>
    %dma_wait3A_133 = tpu.memref_squeeze %dma_wait3A_132 : memref<1x1x128xi32, #tpu.memory_space<hbm>> -> memref<128xi32, #tpu.memory_space<hbm>>
    tpu.wait_dma2 semaphore(%arg23 : memref<!tpu.dma_semaphore, #tpu.memory_space<semaphore_mem>>) src(%dma_wait3A_133 : memref<128xi32, #tpu.memory_space<hbm>>) dst(%arg8 : memref<128xi32, #tpu.memory_space<vmem>>)
    %dma_wait3A_134 = arith.constant 1 : i32
    %dma_wait3A_135 = arith.constant 0 : i32
    %dma_wait3A_136 = tpu.memref_slice %arg4[%add3A, %dma_wait3A_134, %dma_wait3A_135] : memref<32x79x128xi32, #tpu.memory_space<hbm>> -> memref<1x1x128xi32, #tpu.memory_space<hbm>>
    %dma_wait3A_137 = tpu.memref_squeeze %dma_wait3A_136 : memref<1x1x128xi32, #tpu.memory_space<hbm>> -> memref<128xi32, #tpu.memory_space<hbm>>
    %dma_wait3A_138 = arith.constant 0 : i32
    %dma_wait3A_139 = tpu.memref_slice %arg4[%add3A, %dma_wait3A_134, %dma_wait3A_138] : memref<32x79x128xi32, #tpu.memory_space<hbm>> -> memref<1x1x128xi32, #tpu.memory_space<hbm>>
    %dma_wait3A_140 = tpu.memref_squeeze %dma_wait3A_139 : memref<1x1x128xi32, #tpu.memory_space<hbm>> -> memref<128xi32, #tpu.memory_space<hbm>>
    tpu.wait_dma2 semaphore(%arg23 : memref<!tpu.dma_semaphore, #tpu.memory_space<semaphore_mem>>) src(%dma_wait3A_140 : memref<128xi32, #tpu.memory_space<hbm>>) dst(%arg14 : memref<128xi32, #tpu.memory_space<vmem>>)
    %dma_start3A_141 = arith.constant 0 : i32
    %dma_start3A_142 = arith.constant 0 : i32
    %dma_start3A_143 = tpu.memref_slice %arg2[%dma_start3A_141, %dma_start3A_142] : memref<10000x128xf32, #tpu.memory_space<hbm>> -> memref<10000x128xf32, #tpu.memory_space<hbm>>
    tpu.enqueue_indirect_dma source(%dma_start3A_143 : memref<10000x128xf32, #tpu.memory_space<hbm>>) target(%arg20 : memref<128x128xf32, #tpu.memory_space<vmem>>) offsets(%arg8 : memref<128xi32, #tpu.memory_space<vmem>>) semaphore(%arg29 : memref<!tpu.dma_semaphore, #tpu.memory_space<semaphore_mem>>)
    %dma_wait3A_144 = arith.constant 2 : i32
    %dma_wait3A_145 = arith.constant 0 : i32
    %dma_wait3A_146 = tpu.memref_slice %arg3[%add3A, %dma_wait3A_144, %dma_wait3A_145] : memref<32x79x128xi32, #tpu.memory_space<hbm>> -> memref<1x1x128xi32, #tpu.memory_space<hbm>>
    %dma_wait3A_147 = tpu.memref_squeeze %dma_wait3A_146 : memref<1x1x128xi32, #tpu.memory_space<hbm>> -> memref<128xi32, #tpu.memory_space<hbm>>
    %dma_wait3A_148 = arith.constant 0 : i32
    %dma_wait3A_149 = tpu.memref_slice %arg3[%add3A, %dma_wait3A_144, %dma_wait3A_148] : memref<32x79x128xi32, #tpu.memory_space<hbm>> -> memref<1x1x128xi32, #tpu.memory_space<hbm>>
    %dma_wait3A_150 = tpu.memref_squeeze %dma_wait3A_149 : memref<1x1x128xi32, #tpu.memory_space<hbm>> -> memref<128xi32, #tpu.memory_space<hbm>>
    tpu.wait_dma2 semaphore(%arg24 : memref<!tpu.dma_semaphore, #tpu.memory_space<semaphore_mem>>) src(%dma_wait3A_150 : memref<128xi32, #tpu.memory_space<hbm>>) dst(%arg9 : memref<128xi32, #tpu.memory_space<vmem>>)
    %dma_wait3A_151 = arith.constant 2 : i32
    %dma_wait3A_152 = arith.constant 0 : i32
    %dma_wait3A_153 = tpu.memref_slice %arg4[%add3A, %dma_wait3A_151, %dma_wait3A_152] : memref<32x79x128xi32, #tpu.memory_space<hbm>> -> memref<1x1x128xi32, #tpu.memory_space<hbm>>
    %dma_wait3A_154 = tpu.memref_squeeze %dma_wait3A_153 : memref<1x1x128xi32, #tpu.memory_space<hbm>> -> memref<128xi32, #tpu.memory_space<hbm>>
    %dma_wait3A_155 = arith.constant 0 : i32
    %dma_wait3A_156 = tpu.memref_slice %arg4[%add3A, %dma_wait3A_151, %dma_wait3A_155] : memref<32x79x128xi32, #tpu.memory_space<hbm>> -> memref<1x1x128xi32, #tpu.memory_space<hbm>>
    %dma_wait3A_157 = tpu.memref_squeeze %dma_wait3A_156 : memref<1x1x128xi32, #tpu.memory_space<hbm>> -> memref<128xi32, #tpu.memory_space<hbm>>
    tpu.wait_dma2 semaphore(%arg24 : memref<!tpu.dma_semaphore, #tpu.memory_space<semaphore_mem>>) src(%dma_wait3A_157 : memref<128xi32, #tpu.memory_space<hbm>>) dst(%arg15 : memref<128xi32, #tpu.memory_space<vmem>>)
    %dma_start3A_158 = arith.constant 0 : i32
    %dma_start3A_159 = arith.constant 0 : i32
    %dma_start3A_160 = tpu.memref_slice %arg2[%dma_start3A_158, %dma_start3A_159] : memref<10000x128xf32, #tpu.memory_space<hbm>> -> memref<10000x128xf32, #tpu.memory_space<hbm>>
    tpu.enqueue_indirect_dma source(%dma_start3A_160 : memref<10000x128xf32, #tpu.memory_space<hbm>>) target(%arg21 : memref<128x128xf32, #tpu.memory_space<vmem>>) offsets(%arg9 : memref<128xi32, #tpu.memory_space<vmem>>) semaphore(%arg30 : memref<!tpu.dma_semaphore, #tpu.memory_space<semaphore_mem>>)
    %scan3A_161 = arith.constant 0 : i32
    %scan3A_162 = arith.constant 14 : i32
    %scan3A_163 = arith.addi %scan3A_161, %scan3A_162 : i32
    %scan3A_164 = arith.constant 1 : i32
    scf.for %scan3A_200 = %scan3A_161 to %scan3A_163 step %scan3A_164  : i32 {
      %mul3A_201 = arith.constant 1 : i32
      %mul3A_202 = arith.muli %scan3A_200, %mul3A_201 : i32
      %add3A_203 = arith.constant 0 : i32
      %add3A_204 = arith.addi %add3A_203, %mul3A_202 : i32
      %mul3A_205 = arith.constant 6 : i32
      %mul3A_206 = arith.muli %add3A_204, %mul3A_205 : i32
      %add3A_207 = arith.constant 0 : i32
      %add3A_208 = arith.addi %mul3A_206, %add3A_207 : i32
      %lt3A_209 = arith.constant 79 : i32
      %lt3A_210 = arith.cmpi slt, %add3A_208, %lt3A_209 : i32
      %convert_element_type3A_211 = arith.extui %lt3A_210 : i1 to i32
      %cond3A_212 = arith.constant 0 : i32
      %cond3A_213 = arith.cmpi ne, %convert_element_type3A_211, %cond3A_212 : i32
      scf.if %cond3A_213 {
        %dma_wait3A_259 = arith.constant 0 : i32
        %dma_wait3A_260 = arith.constant 0 : i32
        %dma_wait3A_261 = tpu.memref_slice %arg2[%dma_wait3A_259, %dma_wait3A_260] : memref<10000x128xf32, #tpu.memory_space<hbm>> -> memref<10000x128xf32, #tpu.memory_space<hbm>>
        tpu.wait_indirect_dma semaphore(%arg28 : memref<!tpu.dma_semaphore, #tpu.memory_space<semaphore_mem>>) src(%dma_wait3A_261 : memref<10000x128xf32, #tpu.memory_space<hbm>>) dst(%arg19 : memref<128x128xf32, #tpu.memory_space<vmem>>)
        %dma_start3A_262 = arith.constant 0 : i32
        %dma_start3A_263 = arith.constant 0 : i32
        %dma_start3A_264 = tpu.memref_slice %arg6[%dma_start3A_262, %dma_start3A_263] : memref<10016x128xf32, #tpu.memory_space<vmem_shared>> -> memref<10016x128xf32, #tpu.memory_space<vmem_shared>>
        tpu.enqueue_indirect_dma source(%arg19 : memref<128x128xf32, #tpu.memory_space<vmem>>) target(%dma_start3A_264 : memref<10016x128xf32, #tpu.memory_space<vmem_shared>>) offsets(%arg13 : memref<128xi32, #tpu.memory_space<vmem>>) semaphore(%arg31 : memref<!tpu.dma_semaphore, #tpu.memory_space<semaphore_mem>>) {add = true}
        %ge3A = arith.constant 1 : i32
        %ge3A_265 = arith.cmpi sge, %add3A_208, %ge3A : i32
        %add3A_266 = arith.constant 2 : i32
        %add3A_267 = arith.addi %add3A_208, %add3A_266 : i32
        %lt3A_268 = arith.constant 79 : i32
        %lt3A_269 = arith.cmpi slt, %add3A_267, %lt3A_268 : i32
        %and3A = arith.andi %ge3A_265, %lt3A_269 : i1
        %convert_element_type3A_270 = arith.extui %and3A : i1 to i32
        %cond3A_271 = arith.constant 0 : i32
        %cond3A_272 = arith.cmpi ne, %convert_element_type3A_270, %cond3A_271 : i32
        scf.if %cond3A_272 {
          %dma_wait3A_273 = arith.constant 0 : i32
          %dma_wait3A_274 = arith.constant 0 : i32
          %dma_wait3A_275 = tpu.memref_slice %arg6[%dma_wait3A_273, %dma_wait3A_274] : memref<10016x128xf32, #tpu.memory_space<vmem_shared>> -> memref<10016x128xf32, #tpu.memory_space<vmem_shared>>
          tpu.wait_indirect_dma semaphore(%arg33 : memref<!tpu.dma_semaphore, #tpu.memory_space<semaphore_mem>>) src(%arg21 : memref<128x128xf32, #tpu.memory_space<vmem>>) dst(%dma_wait3A_275 : memref<10016x128xf32, #tpu.memory_space<vmem_shared>>)
          %add3A_276 = arith.constant 2 : i32
          %add3A_277 = arith.addi %add3A_208, %add3A_276 : i32
          %dma_wait3A_278 = arith.constant 0 : i32
          %dma_wait3A_279 = tpu.memref_slice %arg3[%add3A, %add3A_277, %dma_wait3A_278] : memref<32x79x128xi32, #tpu.memory_space<hbm>> -> memref<1x1x128xi32, #tpu.memory_space<hbm>>
          %dma_wait3A_280 = tpu.memref_squeeze %dma_wait3A_279 : memref<1x1x128xi32, #tpu.memory_space<hbm>> -> memref<128xi32, #tpu.memory_space<hbm>>
          %dma_wait3A_281 = arith.constant 0 : i32
          %dma_wait3A_282 = tpu.memref_slice %arg3[%add3A, %add3A_277, %dma_wait3A_281] : memref<32x79x128xi32, #tpu.memory_space<hbm>> -> memref<1x1x128xi32, #tpu.memory_space<hbm>>
          %dma_wait3A_283 = tpu.memref_squeeze %dma_wait3A_282 : memref<1x1x128xi32, #tpu.memory_space<hbm>> -> memref<128xi32, #tpu.memory_space<hbm>>
          tpu.wait_dma2 semaphore(%arg24 : memref<!tpu.dma_semaphore, #tpu.memory_space<semaphore_mem>>) src(%dma_wait3A_283 : memref<128xi32, #tpu.memory_space<hbm>>) dst(%arg9 : memref<128xi32, #tpu.memory_space<vmem>>)
          %dma_wait3A_284 = arith.constant 0 : i32
          %dma_wait3A_285 = tpu.memref_slice %arg4[%add3A, %add3A_277, %dma_wait3A_284] : memref<32x79x128xi32, #tpu.memory_space<hbm>> -> memref<1x1x128xi32, #tpu.memory_space<hbm>>
          %dma_wait3A_286 = tpu.memref_squeeze %dma_wait3A_285 : memref<1x1x128xi32, #tpu.memory_space<hbm>> -> memref<128xi32, #tpu.memory_space<hbm>>
          %dma_wait3A_287 = arith.constant 0 : i32
          %dma_wait3A_288 = tpu.memref_slice %arg4[%add3A, %add3A_277, %dma_wait3A_287] : memref<32x79x128xi32, #tpu.memory_space<hbm>> -> memref<1x1x128xi32, #tpu.memory_space<hbm>>
          %dma_wait3A_289 = tpu.memref_squeeze %dma_wait3A_288 : memref<1x1x128xi32, #tpu.memory_space<hbm>> -> memref<128xi32, #tpu.memory_space<hbm>>
          tpu.wait_dma2 semaphore(%arg24 : memref<!tpu.dma_semaphore, #tpu.memory_space<semaphore_mem>>) src(%dma_wait3A_289 : memref<128xi32, #tpu.memory_space<hbm>>) dst(%arg15 : memref<128xi32, #tpu.memory_space<vmem>>)
          %dma_start3A_290 = arith.constant 0 : i32
          %dma_start3A_291 = arith.constant 0 : i32
          %dma_start3A_292 = tpu.memref_slice %arg2[%dma_start3A_290, %dma_start3A_291] : memref<10000x128xf32, #tpu.memory_space<hbm>> -> memref<10000x128xf32, #tpu.memory_space<hbm>>
          tpu.enqueue_indirect_dma source(%dma_start3A_292 : memref<10000x128xf32, #tpu.memory_space<hbm>>) target(%arg21 : memref<128x128xf32, #tpu.memory_space<vmem>>) offsets(%arg9 : memref<128xi32, #tpu.memory_space<vmem>>) semaphore(%arg30 : memref<!tpu.dma_semaphore, #tpu.memory_space<semaphore_mem>>)
          %add3A_293 = arith.constant 6 : i32
          %add3A_294 = arith.addi %add3A_208, %add3A_293 : i32
          %sub3A_295 = arith.constant 1 : i32
          %sub3A_296 = arith.subi %add3A_294, %sub3A_295 : i32
          %lt3A_297 = arith.constant 79 : i32
          %lt3A_298 = arith.cmpi slt, %sub3A_296, %lt3A_297 : i32
          %convert_element_type3A_299 = arith.extui %lt3A_298 : i1 to i32
          %cond3A_300 = arith.constant 0 : i32
          %cond3A_301 = arith.cmpi ne, %convert_element_type3A_299, %cond3A_300 : i32
          scf.if %cond3A_301 {
            %add3A_302 = arith.constant 6 : i32
            %add3A_303 = arith.addi %add3A_208, %add3A_302 : i32
            %sub3A_304 = arith.constant 1 : i32
            %sub3A_305 = arith.subi %add3A_303, %sub3A_304 : i32
            %dma_start3A_306 = arith.constant 0 : i32
            %dma_start3A_307 = tpu.memref_slice %arg3[%add3A, %sub3A_305, %dma_start3A_306] : memref<32x79x128xi32, #tpu.memory_space<hbm>> -> memref<1x1x128xi32, #tpu.memory_space<hbm>>
            %dma_start3A_308 = tpu.memref_squeeze %dma_start3A_307 : memref<1x1x128xi32, #tpu.memory_space<hbm>> -> memref<128xi32, #tpu.memory_space<hbm>>
            %dma_start3A_309 = arith.constant 0 : i32
            %dma_start3A_310 = tpu.memref_slice %arg3[%add3A, %sub3A_305, %dma_start3A_309] : memref<32x79x128xi32, #tpu.memory_space<hbm>> -> memref<1x1x128xi32, #tpu.memory_space<hbm>>
            %dma_start3A_311 = tpu.memref_squeeze %dma_start3A_310 : memref<1x1x128xi32, #tpu.memory_space<hbm>> -> memref<128xi32, #tpu.memory_space<hbm>>
            tpu.enqueue_dma source(%dma_start3A_311 : memref<128xi32, #tpu.memory_space<hbm>>) target(%arg12 : memref<128xi32, #tpu.memory_space<vmem>>) target_semaphore(%arg27 : memref<!tpu.dma_semaphore, #tpu.memory_space<semaphore_mem>>)
            %dma_start3A_312 = arith.constant 0 : i32
            %dma_start3A_313 = tpu.memref_slice %arg4[%add3A, %sub3A_305, %dma_start3A_312] : memref<32x79x128xi32, #tpu.memory_space<hbm>> -> memref<1x1x128xi32, #tpu.memory_space<hbm>>
            %dma_start3A_314 = tpu.memref_squeeze %dma_start3A_313 : memref<1x1x128xi32, #tpu.memory_space<hbm>> -> memref<128xi32, #tpu.memory_space<hbm>>
            %dma_start3A_315 = arith.constant 0 : i32
            %dma_start3A_316 = tpu.memref_slice %arg4[%add3A, %sub3A_305, %dma_start3A_315] : memref<32x79x128xi32, #tpu.memory_space<hbm>> -> memref<1x1x128xi32, #tpu.memory_space<hbm>>
            %dma_start3A_317 = tpu.memref_squeeze %dma_start3A_316 : memref<1x1x128xi32, #tpu.memory_space<hbm>> -> memref<128xi32, #tpu.memory_space<hbm>>
            tpu.enqueue_dma source(%dma_start3A_317 : memref<128xi32, #tpu.memory_space<hbm>>) target(%arg18 : memref<128xi32, #tpu.memory_space<vmem>>) target_semaphore(%arg27 : memref<!tpu.dma_semaphore, #tpu.memory_space<semaphore_mem>>)
          } else {
          }
        } else {
        }
      } else {
      }
      %mul3A_214 = arith.constant 6 : i32
      %mul3A_215 = arith.muli %add3A_204, %mul3A_214 : i32
      %add3A_216 = arith.constant 1 : i32
      %add3A_217 = arith.addi %mul3A_215, %add3A_216 : i32
      %lt3A_218 = arith.constant 79 : i32
      %lt3A_219 = arith.cmpi slt, %add3A_217, %lt3A_218 : i32
      %convert_element_type3A_220 = arith.extui %lt3A_219 : i1 to i32
      %cond3A_221 = arith.constant 0 : i32
      %cond3A_222 = arith.cmpi ne, %convert_element_type3A_220, %cond3A_221 : i32
      scf.if %cond3A_222 {
        %dma_wait3A_259 = arith.constant 0 : i32
        %dma_wait3A_260 = arith.constant 0 : i32
        %dma_wait3A_261 = tpu.memref_slice %arg2[%dma_wait3A_259, %dma_wait3A_260] : memref<10000x128xf32, #tpu.memory_space<hbm>> -> memref<10000x128xf32, #tpu.memory_space<hbm>>
        tpu.wait_indirect_dma semaphore(%arg29 : memref<!tpu.dma_semaphore, #tpu.memory_space<semaphore_mem>>) src(%dma_wait3A_261 : memref<10000x128xf32, #tpu.memory_space<hbm>>) dst(%arg20 : memref<128x128xf32, #tpu.memory_space<vmem>>)
        %dma_start3A_262 = arith.constant 0 : i32
        %dma_start3A_263 = arith.constant 0 : i32
        %dma_start3A_264 = tpu.memref_slice %arg6[%dma_start3A_262, %dma_start3A_263] : memref<10016x128xf32, #tpu.memory_space<vmem_shared>> -> memref<10016x128xf32, #tpu.memory_space<vmem_shared>>
        tpu.enqueue_indirect_dma source(%arg20 : memref<128x128xf32, #tpu.memory_space<vmem>>) target(%dma_start3A_264 : memref<10016x128xf32, #tpu.memory_space<vmem_shared>>) offsets(%arg14 : memref<128xi32, #tpu.memory_space<vmem>>) semaphore(%arg32 : memref<!tpu.dma_semaphore, #tpu.memory_space<semaphore_mem>>) {add = true}
        %ge3A = arith.constant 1 : i32
        %ge3A_265 = arith.cmpi sge, %add3A_217, %ge3A : i32
        %add3A_266 = arith.constant 2 : i32
        %add3A_267 = arith.addi %add3A_217, %add3A_266 : i32
        %lt3A_268 = arith.constant 79 : i32
        %lt3A_269 = arith.cmpi slt, %add3A_267, %lt3A_268 : i32
        %and3A = arith.andi %ge3A_265, %lt3A_269 : i1
        %convert_element_type3A_270 = arith.extui %and3A : i1 to i32
        %cond3A_271 = arith.constant 0 : i32
        %cond3A_272 = arith.cmpi ne, %convert_element_type3A_270, %cond3A_271 : i32
        scf.if %cond3A_272 {
          %dma_wait3A_273 = arith.constant 0 : i32
          %dma_wait3A_274 = arith.constant 0 : i32
          %dma_wait3A_275 = tpu.memref_slice %arg6[%dma_wait3A_273, %dma_wait3A_274] : memref<10016x128xf32, #tpu.memory_space<vmem_shared>> -> memref<10016x128xf32, #tpu.memory_space<vmem_shared>>
          tpu.wait_indirect_dma semaphore(%arg31 : memref<!tpu.dma_semaphore, #tpu.memory_space<semaphore_mem>>) src(%arg19 : memref<128x128xf32, #tpu.memory_space<vmem>>) dst(%dma_wait3A_275 : memref<10016x128xf32, #tpu.memory_space<vmem_shared>>)
          %add3A_276 = arith.constant 2 : i32
          %add3A_277 = arith.addi %add3A_217, %add3A_276 : i32
          %dma_wait3A_278 = arith.constant 0 : i32
          %dma_wait3A_279 = tpu.memref_slice %arg3[%add3A, %add3A_277, %dma_wait3A_278] : memref<32x79x128xi32, #tpu.memory_space<hbm>> -> memref<1x1x128xi32, #tpu.memory_space<hbm>>
          %dma_wait3A_280 = tpu.memref_squeeze %dma_wait3A_279 : memref<1x1x128xi32, #tpu.memory_space<hbm>> -> memref<128xi32, #tpu.memory_space<hbm>>
          %dma_wait3A_281 = arith.constant 0 : i32
          %dma_wait3A_282 = tpu.memref_slice %arg3[%add3A, %add3A_277, %dma_wait3A_281] : memref<32x79x128xi32, #tpu.memory_space<hbm>> -> memref<1x1x128xi32, #tpu.memory_space<hbm>>
          %dma_wait3A_283 = tpu.memref_squeeze %dma_wait3A_282 : memref<1x1x128xi32, #tpu.memory_space<hbm>> -> memref<128xi32, #tpu.memory_space<hbm>>
          tpu.wait_dma2 semaphore(%arg25 : memref<!tpu.dma_semaphore, #tpu.memory_space<semaphore_mem>>) src(%dma_wait3A_283 : memref<128xi32, #tpu.memory_space<hbm>>) dst(%arg10 : memref<128xi32, #tpu.memory_space<vmem>>)
          %dma_wait3A_284 = arith.constant 0 : i32
          %dma_wait3A_285 = tpu.memref_slice %arg4[%add3A, %add3A_277, %dma_wait3A_284] : memref<32x79x128xi32, #tpu.memory_space<hbm>> -> memref<1x1x128xi32, #tpu.memory_space<hbm>>
          %dma_wait3A_286 = tpu.memref_squeeze %dma_wait3A_285 : memref<1x1x128xi32, #tpu.memory_space<hbm>> -> memref<128xi32, #tpu.memory_space<hbm>>
          %dma_wait3A_287 = arith.constant 0 : i32
          %dma_wait3A_288 = tpu.memref_slice %arg4[%add3A, %add3A_277, %dma_wait3A_287] : memref<32x79x128xi32, #tpu.memory_space<hbm>> -> memref<1x1x128xi32, #tpu.memory_space<hbm>>
          %dma_wait3A_289 = tpu.memref_squeeze %dma_wait3A_288 : memref<1x1x128xi32, #tpu.memory_space<hbm>> -> memref<128xi32, #tpu.memory_space<hbm>>
          tpu.wait_dma2 semaphore(%arg25 : memref<!tpu.dma_semaphore, #tpu.memory_space<semaphore_mem>>) src(%dma_wait3A_289 : memref<128xi32, #tpu.memory_space<hbm>>) dst(%arg16 : memref<128xi32, #tpu.memory_space<vmem>>)
          %dma_start3A_290 = arith.constant 0 : i32
          %dma_start3A_291 = arith.constant 0 : i32
          %dma_start3A_292 = tpu.memref_slice %arg2[%dma_start3A_290, %dma_start3A_291] : memref<10000x128xf32, #tpu.memory_space<hbm>> -> memref<10000x128xf32, #tpu.memory_space<hbm>>
          tpu.enqueue_indirect_dma source(%dma_start3A_292 : memref<10000x128xf32, #tpu.memory_space<hbm>>) target(%arg19 : memref<128x128xf32, #tpu.memory_space<vmem>>) offsets(%arg10 : memref<128xi32, #tpu.memory_space<vmem>>) semaphore(%arg28 : memref<!tpu.dma_semaphore, #tpu.memory_space<semaphore_mem>>)
          %add3A_293 = arith.constant 6 : i32
          %add3A_294 = arith.addi %add3A_217, %add3A_293 : i32
          %sub3A_295 = arith.constant 1 : i32
          %sub3A_296 = arith.subi %add3A_294, %sub3A_295 : i32
          %lt3A_297 = arith.constant 79 : i32
          %lt3A_298 = arith.cmpi slt, %sub3A_296, %lt3A_297 : i32
          %convert_element_type3A_299 = arith.extui %lt3A_298 : i1 to i32
          %cond3A_300 = arith.constant 0 : i32
          %cond3A_301 = arith.cmpi ne, %convert_element_type3A_299, %cond3A_300 : i32
          scf.if %cond3A_301 {
            %add3A_302 = arith.constant 6 : i32
            %add3A_303 = arith.addi %add3A_217, %add3A_302 : i32
            %sub3A_304 = arith.constant 1 : i32
            %sub3A_305 = arith.subi %add3A_303, %sub3A_304 : i32
            %dma_start3A_306 = arith.constant 0 : i32
            %dma_start3A_307 = tpu.memref_slice %arg3[%add3A, %sub3A_305, %dma_start3A_306] : memref<32x79x128xi32, #tpu.memory_space<hbm>> -> memref<1x1x128xi32, #tpu.memory_space<hbm>>
            %dma_start3A_308 = tpu.memref_squeeze %dma_start3A_307 : memref<1x1x128xi32, #tpu.memory_space<hbm>> -> memref<128xi32, #tpu.memory_space<hbm>>
            %dma_start3A_309 = arith.constant 0 : i32
            %dma_start3A_310 = tpu.memref_slice %arg3[%add3A, %sub3A_305, %dma_start3A_309] : memref<32x79x128xi32, #tpu.memory_space<hbm>> -> memref<1x1x128xi32, #tpu.memory_space<hbm>>
            %dma_start3A_311 = tpu.memref_squeeze %dma_start3A_310 : memref<1x1x128xi32, #tpu.memory_space<hbm>> -> memref<128xi32, #tpu.memory_space<hbm>>
            tpu.enqueue_dma source(%dma_start3A_311 : memref<128xi32, #tpu.memory_space<hbm>>) target(%arg7 : memref<128xi32, #tpu.memory_space<vmem>>) target_semaphore(%arg22 : memref<!tpu.dma_semaphore, #tpu.memory_space<semaphore_mem>>)
            %dma_start3A_312 = arith.constant 0 : i32
            %dma_start3A_313 = tpu.memref_slice %arg4[%add3A, %sub3A_305, %dma_start3A_312] : memref<32x79x128xi32, #tpu.memory_space<hbm>> -> memref<1x1x128xi32, #tpu.memory_space<hbm>>
            %dma_start3A_314 = tpu.memref_squeeze %dma_start3A_313 : memref<1x1x128xi32, #tpu.memory_space<hbm>> -> memref<128xi32, #tpu.memory_space<hbm>>
            %dma_start3A_315 = arith.constant 0 : i32
            %dma_start3A_316 = tpu.memref_slice %arg4[%add3A, %sub3A_305, %dma_start3A_315] : memref<32x79x128xi32, #tpu.memory_space<hbm>> -> memref<1x1x128xi32, #tpu.memory_space<hbm>>
            %dma_start3A_317 = tpu.memref_squeeze %dma_start3A_316 : memref<1x1x128xi32, #tpu.memory_space<hbm>> -> memref<128xi32, #tpu.memory_space<hbm>>
            tpu.enqueue_dma source(%dma_start3A_317 : memref<128xi32, #tpu.memory_space<hbm>>) target(%arg13 : memref<128xi32, #tpu.memory_space<vmem>>) target_semaphore(%arg22 : memref<!tpu.dma_semaphore, #tpu.memory_space<semaphore_mem>>)
          } else {
          }
        } else {
        }
      } else {
      }
      %mul3A_223 = arith.constant 6 : i32
      %mul3A_224 = arith.muli %add3A_204, %mul3A_223 : i32
      %add3A_225 = arith.constant 2 : i32
      %add3A_226 = arith.addi %mul3A_224, %add3A_225 : i32
      %lt3A_227 = arith.constant 79 : i32
      %lt3A_228 = arith.cmpi slt, %add3A_226, %lt3A_227 : i32
      %convert_element_type3A_229 = arith.extui %lt3A_228 : i1 to i32
      %cond3A_230 = arith.constant 0 : i32
      %cond3A_231 = arith.cmpi ne, %convert_element_type3A_229, %cond3A_230 : i32
      scf.if %cond3A_231 {
        %dma_wait3A_259 = arith.constant 0 : i32
        %dma_wait3A_260 = arith.constant 0 : i32
        %dma_wait3A_261 = tpu.memref_slice %arg2[%dma_wait3A_259, %dma_wait3A_260] : memref<10000x128xf32, #tpu.memory_space<hbm>> -> memref<10000x128xf32, #tpu.memory_space<hbm>>
        tpu.wait_indirect_dma semaphore(%arg30 : memref<!tpu.dma_semaphore, #tpu.memory_space<semaphore_mem>>) src(%dma_wait3A_261 : memref<10000x128xf32, #tpu.memory_space<hbm>>) dst(%arg21 : memref<128x128xf32, #tpu.memory_space<vmem>>)
        %dma_start3A_262 = arith.constant 0 : i32
        %dma_start3A_263 = arith.constant 0 : i32
        %dma_start3A_264 = tpu.memref_slice %arg6[%dma_start3A_262, %dma_start3A_263] : memref<10016x128xf32, #tpu.memory_space<vmem_shared>> -> memref<10016x128xf32, #tpu.memory_space<vmem_shared>>
        tpu.enqueue_indirect_dma source(%arg21 : memref<128x128xf32, #tpu.memory_space<vmem>>) target(%dma_start3A_264 : memref<10016x128xf32, #tpu.memory_space<vmem_shared>>) offsets(%arg15 : memref<128xi32, #tpu.memory_space<vmem>>) semaphore(%arg33 : memref<!tpu.dma_semaphore, #tpu.memory_space<semaphore_mem>>) {add = true}
        %ge3A = arith.constant 1 : i32
        %ge3A_265 = arith.cmpi sge, %add3A_226, %ge3A : i32
        %add3A_266 = arith.constant 2 : i32
        %add3A_267 = arith.addi %add3A_226, %add3A_266 : i32
        %lt3A_268 = arith.constant 79 : i32
        %lt3A_269 = arith.cmpi slt, %add3A_267, %lt3A_268 : i32
        %and3A = arith.andi %ge3A_265, %lt3A_269 : i1
        %convert_element_type3A_270 = arith.extui %and3A : i1 to i32
        %cond3A_271 = arith.constant 0 : i32
        %cond3A_272 = arith.cmpi ne, %convert_element_type3A_270, %cond3A_271 : i32
        scf.if %cond3A_272 {
          %dma_wait3A_273 = arith.constant 0 : i32
          %dma_wait3A_274 = arith.constant 0 : i32
          %dma_wait3A_275 = tpu.memref_slice %arg6[%dma_wait3A_273, %dma_wait3A_274] : memref<10016x128xf32, #tpu.memory_space<vmem_shared>> -> memref<10016x128xf32, #tpu.memory_space<vmem_shared>>
          tpu.wait_indirect_dma semaphore(%arg32 : memref<!tpu.dma_semaphore, #tpu.memory_space<semaphore_mem>>) src(%arg20 : memref<128x128xf32, #tpu.memory_space<vmem>>) dst(%dma_wait3A_275 : memref<10016x128xf32, #tpu.memory_space<vmem_shared>>)
          %add3A_276 = arith.constant 2 : i32
          %add3A_277 = arith.addi %add3A_226, %add3A_276 : i32
          %dma_wait3A_278 = arith.constant 0 : i32
          %dma_wait3A_279 = tpu.memref_slice %arg3[%add3A, %add3A_277, %dma_wait3A_278] : memref<32x79x128xi32, #tpu.memory_space<hbm>> -> memref<1x1x128xi32, #tpu.memory_space<hbm>>
          %dma_wait3A_280 = tpu.memref_squeeze %dma_wait3A_279 : memref<1x1x128xi32, #tpu.memory_space<hbm>> -> memref<128xi32, #tpu.memory_space<hbm>>
          %dma_wait3A_281 = arith.constant 0 : i32
          %dma_wait3A_282 = tpu.memref_slice %arg3[%add3A, %add3A_277, %dma_wait3A_281] : memref<32x79x128xi32, #tpu.memory_space<hbm>> -> memref<1x1x128xi32, #tpu.memory_space<hbm>>
          %dma_wait3A_283 = tpu.memref_squeeze %dma_wait3A_282 : memref<1x1x128xi32, #tpu.memory_space<hbm>> -> memref<128xi32, #tpu.memory_space<hbm>>
          tpu.wait_dma2 semaphore(%arg26 : memref<!tpu.dma_semaphore, #tpu.memory_space<semaphore_mem>>) src(%dma_wait3A_283 : memref<128xi32, #tpu.memory_space<hbm>>) dst(%arg11 : memref<128xi32, #tpu.memory_space<vmem>>)
          %dma_wait3A_284 = arith.constant 0 : i32
          %dma_wait3A_285 = tpu.memref_slice %arg4[%add3A, %add3A_277, %dma_wait3A_284] : memref<32x79x128xi32, #tpu.memory_space<hbm>> -> memref<1x1x128xi32, #tpu.memory_space<hbm>>
          %dma_wait3A_286 = tpu.memref_squeeze %dma_wait3A_285 : memref<1x1x128xi32, #tpu.memory_space<hbm>> -> memref<128xi32, #tpu.memory_space<hbm>>
          %dma_wait3A_287 = arith.constant 0 : i32
          %dma_wait3A_288 = tpu.memref_slice %arg4[%add3A, %add3A_277, %dma_wait3A_287] : memref<32x79x128xi32, #tpu.memory_space<hbm>> -> memref<1x1x128xi32, #tpu.memory_space<hbm>>
          %dma_wait3A_289 = tpu.memref_squeeze %dma_wait3A_288 : memref<1x1x128xi32, #tpu.memory_space<hbm>> -> memref<128xi32, #tpu.memory_space<hbm>>
          tpu.wait_dma2 semaphore(%arg26 : memref<!tpu.dma_semaphore, #tpu.memory_space<semaphore_mem>>) src(%dma_wait3A_289 : memref<128xi32, #tpu.memory_space<hbm>>) dst(%arg17 : memref<128xi32, #tpu.memory_space<vmem>>)
          %dma_start3A_290 = arith.constant 0 : i32
          %dma_start3A_291 = arith.constant 0 : i32
          %dma_start3A_292 = tpu.memref_slice %arg2[%dma_start3A_290, %dma_start3A_291] : memref<10000x128xf32, #tpu.memory_space<hbm>> -> memref<10000x128xf32, #tpu.memory_space<hbm>>
          tpu.enqueue_indirect_dma source(%dma_start3A_292 : memref<10000x128xf32, #tpu.memory_space<hbm>>) target(%arg20 : memref<128x128xf32, #tpu.memory_space<vmem>>) offsets(%arg11 : memref<128xi32, #tpu.memory_space<vmem>>) semaphore(%arg29 : memref<!tpu.dma_semaphore, #tpu.memory_space<semaphore_mem>>)
          %add3A_293 = arith.constant 6 : i32
          %add3A_294 = arith.addi %add3A_226, %add3A_293 : i32
          %sub3A_295 = arith.constant 1 : i32
          %sub3A_296 = arith.subi %add3A_294, %sub3A_295 : i32
          %lt3A_297 = arith.constant 79 : i32
          %lt3A_298 = arith.cmpi slt, %sub3A_296, %lt3A_297 : i32
          %convert_element_type3A_299 = arith.extui %lt3A_298 : i1 to i32
          %cond3A_300 = arith.constant 0 : i32
          %cond3A_301 = arith.cmpi ne, %convert_element_type3A_299, %cond3A_300 : i32
          scf.if %cond3A_301 {
            %add3A_302 = arith.constant 6 : i32
            %add3A_303 = arith.addi %add3A_226, %add3A_302 : i32
            %sub3A_304 = arith.constant 1 : i32
            %sub3A_305 = arith.subi %add3A_303, %sub3A_304 : i32
            %dma_start3A_306 = arith.constant 0 : i32
            %dma_start3A_307 = tpu.memref_slice %arg3[%add3A, %sub3A_305, %dma_start3A_306] : memref<32x79x128xi32, #tpu.memory_space<hbm>> -> memref<1x1x128xi32, #tpu.memory_space<hbm>>
            %dma_start3A_308 = tpu.memref_squeeze %dma_start3A_307 : memref<1x1x128xi32, #tpu.memory_space<hbm>> -> memref<128xi32, #tpu.memory_space<hbm>>
            %dma_start3A_309 = arith.constant 0 : i32
            %dma_start3A_310 = tpu.memref_slice %arg3[%add3A, %sub3A_305, %dma_start3A_309] : memref<32x79x128xi32, #tpu.memory_space<hbm>> -> memref<1x1x128xi32, #tpu.memory_space<hbm>>
            %dma_start3A_311 = tpu.memref_squeeze %dma_start3A_310 : memref<1x1x128xi32, #tpu.memory_space<hbm>> -> memref<128xi32, #tpu.memory_space<hbm>>
            tpu.enqueue_dma source(%dma_start3A_311 : memref<128xi32, #tpu.memory_space<hbm>>) target(%arg8 : memref<128xi32, #tpu.memory_space<vmem>>) target_semaphore(%arg23 : memref<!tpu.dma_semaphore, #tpu.memory_space<semaphore_mem>>)
            %dma_start3A_312 = arith.constant 0 : i32
            %dma_start3A_313 = tpu.memref_slice %arg4[%add3A, %sub3A_305, %dma_start3A_312] : memref<32x79x128xi32, #tpu.memory_space<hbm>> -> memref<1x1x128xi32, #tpu.memory_space<hbm>>
            %dma_start3A_314 = tpu.memref_squeeze %dma_start3A_313 : memref<1x1x128xi32, #tpu.memory_space<hbm>> -> memref<128xi32, #tpu.memory_space<hbm>>
            %dma_start3A_315 = arith.constant 0 : i32
            %dma_start3A_316 = tpu.memref_slice %arg4[%add3A, %sub3A_305, %dma_start3A_315] : memref<32x79x128xi32, #tpu.memory_space<hbm>> -> memref<1x1x128xi32, #tpu.memory_space<hbm>>
            %dma_start3A_317 = tpu.memref_squeeze %dma_start3A_316 : memref<1x1x128xi32, #tpu.memory_space<hbm>> -> memref<128xi32, #tpu.memory_space<hbm>>
            tpu.enqueue_dma source(%dma_start3A_317 : memref<128xi32, #tpu.memory_space<hbm>>) target(%arg14 : memref<128xi32, #tpu.memory_space<vmem>>) target_semaphore(%arg23 : memref<!tpu.dma_semaphore, #tpu.memory_space<semaphore_mem>>)
          } else {
          }
        } else {
        }
      } else {
      }
      %mul3A_232 = arith.constant 6 : i32
      %mul3A_233 = arith.muli %add3A_204, %mul3A_232 : i32
      %add3A_234 = arith.constant 3 : i32
      %add3A_235 = arith.addi %mul3A_233, %add3A_234 : i32
      %lt3A_236 = arith.constant 79 : i32
      %lt3A_237 = arith.cmpi slt, %add3A_235, %lt3A_236 : i32
      %convert_element_type3A_238 = arith.extui %lt3A_237 : i1 to i32
      %cond3A_239 = arith.constant 0 : i32
      %cond3A_240 = arith.cmpi ne, %convert_element_type3A_238, %cond3A_239 : i32
      scf.if %cond3A_240 {
        %dma_wait3A_259 = arith.constant 0 : i32
        %dma_wait3A_260 = arith.constant 0 : i32
        %dma_wait3A_261 = tpu.memref_slice %arg2[%dma_wait3A_259, %dma_wait3A_260] : memref<10000x128xf32, #tpu.memory_space<hbm>> -> memref<10000x128xf32, #tpu.memory_space<hbm>>
        tpu.wait_indirect_dma semaphore(%arg28 : memref<!tpu.dma_semaphore, #tpu.memory_space<semaphore_mem>>) src(%dma_wait3A_261 : memref<10000x128xf32, #tpu.memory_space<hbm>>) dst(%arg19 : memref<128x128xf32, #tpu.memory_space<vmem>>)
        %dma_start3A_262 = arith.constant 0 : i32
        %dma_start3A_263 = arith.constant 0 : i32
        %dma_start3A_264 = tpu.memref_slice %arg6[%dma_start3A_262, %dma_start3A_263] : memref<10016x128xf32, #tpu.memory_space<vmem_shared>> -> memref<10016x128xf32, #tpu.memory_space<vmem_shared>>
        tpu.enqueue_indirect_dma source(%arg19 : memref<128x128xf32, #tpu.memory_space<vmem>>) target(%dma_start3A_264 : memref<10016x128xf32, #tpu.memory_space<vmem_shared>>) offsets(%arg16 : memref<128xi32, #tpu.memory_space<vmem>>) semaphore(%arg31 : memref<!tpu.dma_semaphore, #tpu.memory_space<semaphore_mem>>) {add = true}
        %ge3A = arith.constant 1 : i32
        %ge3A_265 = arith.cmpi sge, %add3A_235, %ge3A : i32
        %add3A_266 = arith.constant 2 : i32
        %add3A_267 = arith.addi %add3A_235, %add3A_266 : i32
        %lt3A_268 = arith.constant 79 : i32
        %lt3A_269 = arith.cmpi slt, %add3A_267, %lt3A_268 : i32
        %and3A = arith.andi %ge3A_265, %lt3A_269 : i1
        %convert_element_type3A_270 = arith.extui %and3A : i1 to i32
        %cond3A_271 = arith.constant 0 : i32
        %cond3A_272 = arith.cmpi ne, %convert_element_type3A_270, %cond3A_271 : i32
        scf.if %cond3A_272 {
          %dma_wait3A_273 = arith.constant 0 : i32
          %dma_wait3A_274 = arith.constant 0 : i32
          %dma_wait3A_275 = tpu.memref_slice %arg6[%dma_wait3A_273, %dma_wait3A_274] : memref<10016x128xf32, #tpu.memory_space<vmem_shared>> -> memref<10016x128xf32, #tpu.memory_space<vmem_shared>>
          tpu.wait_indirect_dma semaphore(%arg33 : memref<!tpu.dma_semaphore, #tpu.memory_space<semaphore_mem>>) src(%arg21 : memref<128x128xf32, #tpu.memory_space<vmem>>) dst(%dma_wait3A_275 : memref<10016x128xf32, #tpu.memory_space<vmem_shared>>)
          %add3A_276 = arith.constant 2 : i32
          %add3A_277 = arith.addi %add3A_235, %add3A_276 : i32
          %dma_wait3A_278 = arith.constant 0 : i32
          %dma_wait3A_279 = tpu.memref_slice %arg3[%add3A, %add3A_277, %dma_wait3A_278] : memref<32x79x128xi32, #tpu.memory_space<hbm>> -> memref<1x1x128xi32, #tpu.memory_space<hbm>>
          %dma_wait3A_280 = tpu.memref_squeeze %dma_wait3A_279 : memref<1x1x128xi32, #tpu.memory_space<hbm>> -> memref<128xi32, #tpu.memory_space<hbm>>
          %dma_wait3A_281 = arith.constant 0 : i32
          %dma_wait3A_282 = tpu.memref_slice %arg3[%add3A, %add3A_277, %dma_wait3A_281] : memref<32x79x128xi32, #tpu.memory_space<hbm>> -> memref<1x1x128xi32, #tpu.memory_space<hbm>>
          %dma_wait3A_283 = tpu.memref_squeeze %dma_wait3A_282 : memref<1x1x128xi32, #tpu.memory_space<hbm>> -> memref<128xi32, #tpu.memory_space<hbm>>
          tpu.wait_dma2 semaphore(%arg27 : memref<!tpu.dma_semaphore, #tpu.memory_space<semaphore_mem>>) src(%dma_wait3A_283 : memref<128xi32, #tpu.memory_space<hbm>>) dst(%arg12 : memref<128xi32, #tpu.memory_space<vmem>>)
          %dma_wait3A_284 = arith.constant 0 : i32
          %dma_wait3A_285 = tpu.memref_slice %arg4[%add3A, %add3A_277, %dma_wait3A_284] : memref<32x79x128xi32, #tpu.memory_space<hbm>> -> memref<1x1x128xi32, #tpu.memory_space<hbm>>
          %dma_wait3A_286 = tpu.memref_squeeze %dma_wait3A_285 : memref<1x1x128xi32, #tpu.memory_space<hbm>> -> memref<128xi32, #tpu.memory_space<hbm>>
          %dma_wait3A_287 = arith.constant 0 : i32
          %dma_wait3A_288 = tpu.memref_slice %arg4[%add3A, %add3A_277, %dma_wait3A_287] : memref<32x79x128xi32, #tpu.memory_space<hbm>> -> memref<1x1x128xi32, #tpu.memory_space<hbm>>
          %dma_wait3A_289 = tpu.memref_squeeze %dma_wait3A_288 : memref<1x1x128xi32, #tpu.memory_space<hbm>> -> memref<128xi32, #tpu.memory_space<hbm>>
          tpu.wait_dma2 semaphore(%arg27 : memref<!tpu.dma_semaphore, #tpu.memory_space<semaphore_mem>>) src(%dma_wait3A_289 : memref<128xi32, #tpu.memory_space<hbm>>) dst(%arg18 : memref<128xi32, #tpu.memory_space<vmem>>)
          %dma_start3A_290 = arith.constant 0 : i32
          %dma_start3A_291 = arith.constant 0 : i32
          %dma_start3A_292 = tpu.memref_slice %arg2[%dma_start3A_290, %dma_start3A_291] : memref<10000x128xf32, #tpu.memory_space<hbm>> -> memref<10000x128xf32, #tpu.memory_space<hbm>>
          tpu.enqueue_indirect_dma source(%dma_start3A_292 : memref<10000x128xf32, #tpu.memory_space<hbm>>) target(%arg21 : memref<128x128xf32, #tpu.memory_space<vmem>>) offsets(%arg12 : memref<128xi32, #tpu.memory_space<vmem>>) semaphore(%arg30 : memref<!tpu.dma_semaphore, #tpu.memory_space<semaphore_mem>>)
          %add3A_293 = arith.constant 6 : i32
          %add3A_294 = arith.addi %add3A_235, %add3A_293 : i32
          %sub3A_295 = arith.constant 1 : i32
          %sub3A_296 = arith.subi %add3A_294, %sub3A_295 : i32
          %lt3A_297 = arith.constant 79 : i32
          %lt3A_298 = arith.cmpi slt, %sub3A_296, %lt3A_297 : i32
          %convert_element_type3A_299 = arith.extui %lt3A_298 : i1 to i32
          %cond3A_300 = arith.constant 0 : i32
          %cond3A_301 = arith.cmpi ne, %convert_element_type3A_299, %cond3A_300 : i32
          scf.if %cond3A_301 {
            %add3A_302 = arith.constant 6 : i32
            %add3A_303 = arith.addi %add3A_235, %add3A_302 : i32
            %sub3A_304 = arith.constant 1 : i32
            %sub3A_305 = arith.subi %add3A_303, %sub3A_304 : i32
            %dma_start3A_306 = arith.constant 0 : i32
            %dma_start3A_307 = tpu.memref_slice %arg3[%add3A, %sub3A_305, %dma_start3A_306] : memref<32x79x128xi32, #tpu.memory_space<hbm>> -> memref<1x1x128xi32, #tpu.memory_space<hbm>>
            %dma_start3A_308 = tpu.memref_squeeze %dma_start3A_307 : memref<1x1x128xi32, #tpu.memory_space<hbm>> -> memref<128xi32, #tpu.memory_space<hbm>>
            %dma_start3A_309 = arith.constant 0 : i32
            %dma_start3A_310 = tpu.memref_slice %arg3[%add3A, %sub3A_305, %dma_start3A_309] : memref<32x79x128xi32, #tpu.memory_space<hbm>> -> memref<1x1x128xi32, #tpu.memory_space<hbm>>
            %dma_start3A_311 = tpu.memref_squeeze %dma_start3A_310 : memref<1x1x128xi32, #tpu.memory_space<hbm>> -> memref<128xi32, #tpu.memory_space<hbm>>
            tpu.enqueue_dma source(%dma_start3A_311 : memref<128xi32, #tpu.memory_space<hbm>>) target(%arg9 : memref<128xi32, #tpu.memory_space<vmem>>) target_semaphore(%arg24 : memref<!tpu.dma_semaphore, #tpu.memory_space<semaphore_mem>>)
            %dma_start3A_312 = arith.constant 0 : i32
            %dma_start3A_313 = tpu.memref_slice %arg4[%add3A, %sub3A_305, %dma_start3A_312] : memref<32x79x128xi32, #tpu.memory_space<hbm>> -> memref<1x1x128xi32, #tpu.memory_space<hbm>>
            %dma_start3A_314 = tpu.memref_squeeze %dma_start3A_313 : memref<1x1x128xi32, #tpu.memory_space<hbm>> -> memref<128xi32, #tpu.memory_space<hbm>>
            %dma_start3A_315 = arith.constant 0 : i32
            %dma_start3A_316 = tpu.memref_slice %arg4[%add3A, %sub3A_305, %dma_start3A_315] : memref<32x79x128xi32, #tpu.memory_space<hbm>> -> memref<1x1x128xi32, #tpu.memory_space<hbm>>
            %dma_start3A_317 = tpu.memref_squeeze %dma_start3A_316 : memref<1x1x128xi32, #tpu.memory_space<hbm>> -> memref<128xi32, #tpu.memory_space<hbm>>
            tpu.enqueue_dma source(%dma_start3A_317 : memref<128xi32, #tpu.memory_space<hbm>>) target(%arg15 : memref<128xi32, #tpu.memory_space<vmem>>) target_semaphore(%arg24 : memref<!tpu.dma_semaphore, #tpu.memory_space<semaphore_mem>>)
          } else {
          }
        } else {
        }
      } else {
      }
      %mul3A_241 = arith.constant 6 : i32
      %mul3A_242 = arith.muli %add3A_204, %mul3A_241 : i32
      %add3A_243 = arith.constant 4 : i32
      %add3A_244 = arith.addi %mul3A_242, %add3A_243 : i32
      %lt3A_245 = arith.constant 79 : i32
      %lt3A_246 = arith.cmpi slt, %add3A_244, %lt3A_245 : i32
      %convert_element_type3A_247 = arith.extui %lt3A_246 : i1 to i32
      %cond3A_248 = arith.constant 0 : i32
      %cond3A_249 = arith.cmpi ne, %convert_element_type3A_247, %cond3A_248 : i32
      scf.if %cond3A_249 {
        %dma_wait3A_259 = arith.constant 0 : i32
        %dma_wait3A_260 = arith.constant 0 : i32
        %dma_wait3A_261 = tpu.memref_slice %arg2[%dma_wait3A_259, %dma_wait3A_260] : memref<10000x128xf32, #tpu.memory_space<hbm>> -> memref<10000x128xf32, #tpu.memory_space<hbm>>
        tpu.wait_indirect_dma semaphore(%arg29 : memref<!tpu.dma_semaphore, #tpu.memory_space<semaphore_mem>>) src(%dma_wait3A_261 : memref<10000x128xf32, #tpu.memory_space<hbm>>) dst(%arg20 : memref<128x128xf32, #tpu.memory_space<vmem>>)
        %dma_start3A_262 = arith.constant 0 : i32
        %dma_start3A_263 = arith.constant 0 : i32
        %dma_start3A_264 = tpu.memref_slice %arg6[%dma_start3A_262, %dma_start3A_263] : memref<10016x128xf32, #tpu.memory_space<vmem_shared>> -> memref<10016x128xf32, #tpu.memory_space<vmem_shared>>
        tpu.enqueue_indirect_dma source(%arg20 : memref<128x128xf32, #tpu.memory_space<vmem>>) target(%dma_start3A_264 : memref<10016x128xf32, #tpu.memory_space<vmem_shared>>) offsets(%arg17 : memref<128xi32, #tpu.memory_space<vmem>>) semaphore(%arg32 : memref<!tpu.dma_semaphore, #tpu.memory_space<semaphore_mem>>) {add = true}
        %ge3A = arith.constant 1 : i32
        %ge3A_265 = arith.cmpi sge, %add3A_244, %ge3A : i32
        %add3A_266 = arith.constant 2 : i32
        %add3A_267 = arith.addi %add3A_244, %add3A_266 : i32
        %lt3A_268 = arith.constant 79 : i32
        %lt3A_269 = arith.cmpi slt, %add3A_267, %lt3A_268 : i32
        %and3A = arith.andi %ge3A_265, %lt3A_269 : i1
        %convert_element_type3A_270 = arith.extui %and3A : i1 to i32
        %cond3A_271 = arith.constant 0 : i32
        %cond3A_272 = arith.cmpi ne, %convert_element_type3A_270, %cond3A_271 : i32
        scf.if %cond3A_272 {
          %dma_wait3A_273 = arith.constant 0 : i32
          %dma_wait3A_274 = arith.constant 0 : i32
          %dma_wait3A_275 = tpu.memref_slice %arg6[%dma_wait3A_273, %dma_wait3A_274] : memref<10016x128xf32, #tpu.memory_space<vmem_shared>> -> memref<10016x128xf32, #tpu.memory_space<vmem_shared>>
          tpu.wait_indirect_dma semaphore(%arg31 : memref<!tpu.dma_semaphore, #tpu.memory_space<semaphore_mem>>) src(%arg19 : memref<128x128xf32, #tpu.memory_space<vmem>>) dst(%dma_wait3A_275 : memref<10016x128xf32, #tpu.memory_space<vmem_shared>>)
          %add3A_276 = arith.constant 2 : i32
          %add3A_277 = arith.addi %add3A_244, %add3A_276 : i32
          %dma_wait3A_278 = arith.constant 0 : i32
          %dma_wait3A_279 = tpu.memref_slice %arg3[%add3A, %add3A_277, %dma_wait3A_278] : memref<32x79x128xi32, #tpu.memory_space<hbm>> -> memref<1x1x128xi32, #tpu.memory_space<hbm>>
          %dma_wait3A_280 = tpu.memref_squeeze %dma_wait3A_279 : memref<1x1x128xi32, #tpu.memory_space<hbm>> -> memref<128xi32, #tpu.memory_space<hbm>>
          %dma_wait3A_281 = arith.constant 0 : i32
          %dma_wait3A_282 = tpu.memref_slice %arg3[%add3A, %add3A_277, %dma_wait3A_281] : memref<32x79x128xi32, #tpu.memory_space<hbm>> -> memref<1x1x128xi32, #tpu.memory_space<hbm>>
          %dma_wait3A_283 = tpu.memref_squeeze %dma_wait3A_282 : memref<1x1x128xi32, #tpu.memory_space<hbm>> -> memref<128xi32, #tpu.memory_space<hbm>>
          tpu.wait_dma2 semaphore(%arg22 : memref<!tpu.dma_semaphore, #tpu.memory_space<semaphore_mem>>) src(%dma_wait3A_283 : memref<128xi32, #tpu.memory_space<hbm>>) dst(%arg7 : memref<128xi32, #tpu.memory_space<vmem>>)
          %dma_wait3A_284 = arith.constant 0 : i32
          %dma_wait3A_285 = tpu.memref_slice %arg4[%add3A, %add3A_277, %dma_wait3A_284] : memref<32x79x128xi32, #tpu.memory_space<hbm>> -> memref<1x1x128xi32, #tpu.memory_space<hbm>>
          %dma_wait3A_286 = tpu.memref_squeeze %dma_wait3A_285 : memref<1x1x128xi32, #tpu.memory_space<hbm>> -> memref<128xi32, #tpu.memory_space<hbm>>
          %dma_wait3A_287 = arith.constant 0 : i32
          %dma_wait3A_288 = tpu.memref_slice %arg4[%add3A, %add3A_277, %dma_wait3A_287] : memref<32x79x128xi32, #tpu.memory_space<hbm>> -> memref<1x1x128xi32, #tpu.memory_space<hbm>>
          %dma_wait3A_289 = tpu.memref_squeeze %dma_wait3A_288 : memref<1x1x128xi32, #tpu.memory_space<hbm>> -> memref<128xi32, #tpu.memory_space<hbm>>
          tpu.wait_dma2 semaphore(%arg22 : memref<!tpu.dma_semaphore, #tpu.memory_space<semaphore_mem>>) src(%dma_wait3A_289 : memref<128xi32, #tpu.memory_space<hbm>>) dst(%arg13 : memref<128xi32, #tpu.memory_space<vmem>>)
          %dma_start3A_290 = arith.constant 0 : i32
          %dma_start3A_291 = arith.constant 0 : i32
          %dma_start3A_292 = tpu.memref_slice %arg2[%dma_start3A_290, %dma_start3A_291] : memref<10000x128xf32, #tpu.memory_space<hbm>> -> memref<10000x128xf32, #tpu.memory_space<hbm>>
          tpu.enqueue_indirect_dma source(%dma_start3A_292 : memref<10000x128xf32, #tpu.memory_space<hbm>>) target(%arg19 : memref<128x128xf32, #tpu.memory_space<vmem>>) offsets(%arg7 : memref<128xi32, #tpu.memory_space<vmem>>) semaphore(%arg28 : memref<!tpu.dma_semaphore, #tpu.memory_space<semaphore_mem>>)
          %add3A_293 = arith.constant 6 : i32
          %add3A_294 = arith.addi %add3A_244, %add3A_293 : i32
          %sub3A_295 = arith.constant 1 : i32
          %sub3A_296 = arith.subi %add3A_294, %sub3A_295 : i32
          %lt3A_297 = arith.constant 79 : i32
          %lt3A_298 = arith.cmpi slt, %sub3A_296, %lt3A_297 : i32
          %convert_element_type3A_299 = arith.extui %lt3A_298 : i1 to i32
          %cond3A_300 = arith.constant 0 : i32
          %cond3A_301 = arith.cmpi ne, %convert_element_type3A_299, %cond3A_300 : i32
          scf.if %cond3A_301 {
            %add3A_302 = arith.constant 6 : i32
            %add3A_303 = arith.addi %add3A_244, %add3A_302 : i32
            %sub3A_304 = arith.constant 1 : i32
            %sub3A_305 = arith.subi %add3A_303, %sub3A_304 : i32
            %dma_start3A_306 = arith.constant 0 : i32
            %dma_start3A_307 = tpu.memref_slice %arg3[%add3A, %sub3A_305, %dma_start3A_306] : memref<32x79x128xi32, #tpu.memory_space<hbm>> -> memref<1x1x128xi32, #tpu.memory_space<hbm>>
            %dma_start3A_308 = tpu.memref_squeeze %dma_start3A_307 : memref<1x1x128xi32, #tpu.memory_space<hbm>> -> memref<128xi32, #tpu.memory_space<hbm>>
            %dma_start3A_309 = arith.constant 0 : i32
            %dma_start3A_310 = tpu.memref_slice %arg3[%add3A, %sub3A_305, %dma_start3A_309] : memref<32x79x128xi32, #tpu.memory_space<hbm>> -> memref<1x1x128xi32, #tpu.memory_space<hbm>>
            %dma_start3A_311 = tpu.memref_squeeze %dma_start3A_310 : memref<1x1x128xi32, #tpu.memory_space<hbm>> -> memref<128xi32, #tpu.memory_space<hbm>>
            tpu.enqueue_dma source(%dma_start3A_311 : memref<128xi32, #tpu.memory_space<hbm>>) target(%arg10 : memref<128xi32, #tpu.memory_space<vmem>>) target_semaphore(%arg25 : memref<!tpu.dma_semaphore, #tpu.memory_space<semaphore_mem>>)
            %dma_start3A_312 = arith.constant 0 : i32
            %dma_start3A_313 = tpu.memref_slice %arg4[%add3A, %sub3A_305, %dma_start3A_312] : memref<32x79x128xi32, #tpu.memory_space<hbm>> -> memref<1x1x128xi32, #tpu.memory_space<hbm>>
            %dma_start3A_314 = tpu.memref_squeeze %dma_start3A_313 : memref<1x1x128xi32, #tpu.memory_space<hbm>> -> memref<128xi32, #tpu.memory_space<hbm>>
            %dma_start3A_315 = arith.constant 0 : i32
            %dma_start3A_316 = tpu.memref_slice %arg4[%add3A, %sub3A_305, %dma_start3A_315] : memref<32x79x128xi32, #tpu.memory_space<hbm>> -> memref<1x1x128xi32, #tpu.memory_space<hbm>>
            %dma_start3A_317 = tpu.memref_squeeze %dma_start3A_316 : memref<1x1x128xi32, #tpu.memory_space<hbm>> -> memref<128xi32, #tpu.memory_space<hbm>>
            tpu.enqueue_dma source(%dma_start3A_317 : memref<128xi32, #tpu.memory_space<hbm>>) target(%arg16 : memref<128xi32, #tpu.memory_space<vmem>>) target_semaphore(%arg25 : memref<!tpu.dma_semaphore, #tpu.memory_space<semaphore_mem>>)
          } else {
          }
        } else {
        }
      } else {
      }
      %mul3A_250 = arith.constant 6 : i32
      %mul3A_251 = arith.muli %add3A_204, %mul3A_250 : i32
      %add3A_252 = arith.constant 5 : i32
      %add3A_253 = arith.addi %mul3A_251, %add3A_252 : i32
      %lt3A_254 = arith.constant 79 : i32
      %lt3A_255 = arith.cmpi slt, %add3A_253, %lt3A_254 : i32
      %convert_element_type3A_256 = arith.extui %lt3A_255 : i1 to i32
      %cond3A_257 = arith.constant 0 : i32
      %cond3A_258 = arith.cmpi ne, %convert_element_type3A_256, %cond3A_257 : i32
      scf.if %cond3A_258 {
        %dma_wait3A_259 = arith.constant 0 : i32
        %dma_wait3A_260 = arith.constant 0 : i32
        %dma_wait3A_261 = tpu.memref_slice %arg2[%dma_wait3A_259, %dma_wait3A_260] : memref<10000x128xf32, #tpu.memory_space<hbm>> -> memref<10000x128xf32, #tpu.memory_space<hbm>>
        tpu.wait_indirect_dma semaphore(%arg30 : memref<!tpu.dma_semaphore, #tpu.memory_space<semaphore_mem>>) src(%dma_wait3A_261 : memref<10000x128xf32, #tpu.memory_space<hbm>>) dst(%arg21 : memref<128x128xf32, #tpu.memory_space<vmem>>)
        %dma_start3A_262 = arith.constant 0 : i32
        %dma_start3A_263 = arith.constant 0 : i32
        %dma_start3A_264 = tpu.memref_slice %arg6[%dma_start3A_262, %dma_start3A_263] : memref<10016x128xf32, #tpu.memory_space<vmem_shared>> -> memref<10016x128xf32, #tpu.memory_space<vmem_shared>>
        tpu.enqueue_indirect_dma source(%arg21 : memref<128x128xf32, #tpu.memory_space<vmem>>) target(%dma_start3A_264 : memref<10016x128xf32, #tpu.memory_space<vmem_shared>>) offsets(%arg18 : memref<128xi32, #tpu.memory_space<vmem>>) semaphore(%arg33 : memref<!tpu.dma_semaphore, #tpu.memory_space<semaphore_mem>>) {add = true}
        %ge3A = arith.constant 1 : i32
        %ge3A_265 = arith.cmpi sge, %add3A_253, %ge3A : i32
        %add3A_266 = arith.constant 2 : i32
        %add3A_267 = arith.addi %add3A_253, %add3A_266 : i32
        %lt3A_268 = arith.constant 79 : i32
        %lt3A_269 = arith.cmpi slt, %add3A_267, %lt3A_268 : i32
        %and3A = arith.andi %ge3A_265, %lt3A_269 : i1
        %convert_element_type3A_270 = arith.extui %and3A : i1 to i32
        %cond3A_271 = arith.constant 0 : i32
        %cond3A_272 = arith.cmpi ne, %convert_element_type3A_270, %cond3A_271 : i32
        scf.if %cond3A_272 {
          %dma_wait3A_273 = arith.constant 0 : i32
          %dma_wait3A_274 = arith.constant 0 : i32
          %dma_wait3A_275 = tpu.memref_slice %arg6[%dma_wait3A_273, %dma_wait3A_274] : memref<10016x128xf32, #tpu.memory_space<vmem_shared>> -> memref<10016x128xf32, #tpu.memory_space<vmem_shared>>
          tpu.wait_indirect_dma semaphore(%arg32 : memref<!tpu.dma_semaphore, #tpu.memory_space<semaphore_mem>>) src(%arg20 : memref<128x128xf32, #tpu.memory_space<vmem>>) dst(%dma_wait3A_275 : memref<10016x128xf32, #tpu.memory_space<vmem_shared>>)
          %add3A_276 = arith.constant 2 : i32
          %add3A_277 = arith.addi %add3A_253, %add3A_276 : i32
          %dma_wait3A_278 = arith.constant 0 : i32
          %dma_wait3A_279 = tpu.memref_slice %arg3[%add3A, %add3A_277, %dma_wait3A_278] : memref<32x79x128xi32, #tpu.memory_space<hbm>> -> memref<1x1x128xi32, #tpu.memory_space<hbm>>
          %dma_wait3A_280 = tpu.memref_squeeze %dma_wait3A_279 : memref<1x1x128xi32, #tpu.memory_space<hbm>> -> memref<128xi32, #tpu.memory_space<hbm>>
          %dma_wait3A_281 = arith.constant 0 : i32
          %dma_wait3A_282 = tpu.memref_slice %arg3[%add3A, %add3A_277, %dma_wait3A_281] : memref<32x79x128xi32, #tpu.memory_space<hbm>> -> memref<1x1x128xi32, #tpu.memory_space<hbm>>
          %dma_wait3A_283 = tpu.memref_squeeze %dma_wait3A_282 : memref<1x1x128xi32, #tpu.memory_space<hbm>> -> memref<128xi32, #tpu.memory_space<hbm>>
          tpu.wait_dma2 semaphore(%arg23 : memref<!tpu.dma_semaphore, #tpu.memory_space<semaphore_mem>>) src(%dma_wait3A_283 : memref<128xi32, #tpu.memory_space<hbm>>) dst(%arg8 : memref<128xi32, #tpu.memory_space<vmem>>)
          %dma_wait3A_284 = arith.constant 0 : i32
          %dma_wait3A_285 = tpu.memref_slice %arg4[%add3A, %add3A_277, %dma_wait3A_284] : memref<32x79x128xi32, #tpu.memory_space<hbm>> -> memref<1x1x128xi32, #tpu.memory_space<hbm>>
          %dma_wait3A_286 = tpu.memref_squeeze %dma_wait3A_285 : memref<1x1x128xi32, #tpu.memory_space<hbm>> -> memref<128xi32, #tpu.memory_space<hbm>>
          %dma_wait3A_287 = arith.constant 0 : i32
          %dma_wait3A_288 = tpu.memref_slice %arg4[%add3A, %add3A_277, %dma_wait3A_287] : memref<32x79x128xi32, #tpu.memory_space<hbm>> -> memref<1x1x128xi32, #tpu.memory_space<hbm>>
          %dma_wait3A_289 = tpu.memref_squeeze %dma_wait3A_288 : memref<1x1x128xi32, #tpu.memory_space<hbm>> -> memref<128xi32, #tpu.memory_space<hbm>>
          tpu.wait_dma2 semaphore(%arg23 : memref<!tpu.dma_semaphore, #tpu.memory_space<semaphore_mem>>) src(%dma_wait3A_289 : memref<128xi32, #tpu.memory_space<hbm>>) dst(%arg14 : memref<128xi32, #tpu.memory_space<vmem>>)
          %dma_start3A_290 = arith.constant 0 : i32
          %dma_start3A_291 = arith.constant 0 : i32
          %dma_start3A_292 = tpu.memref_slice %arg2[%dma_start3A_290, %dma_start3A_291] : memref<10000x128xf32, #tpu.memory_space<hbm>> -> memref<10000x128xf32, #tpu.memory_space<hbm>>
          tpu.enqueue_indirect_dma source(%dma_start3A_292 : memref<10000x128xf32, #tpu.memory_space<hbm>>) target(%arg20 : memref<128x128xf32, #tpu.memory_space<vmem>>) offsets(%arg8 : memref<128xi32, #tpu.memory_space<vmem>>) semaphore(%arg29 : memref<!tpu.dma_semaphore, #tpu.memory_space<semaphore_mem>>)
          %add3A_293 = arith.constant 6 : i32
          %add3A_294 = arith.addi %add3A_253, %add3A_293 : i32
          %sub3A_295 = arith.constant 1 : i32
          %sub3A_296 = arith.subi %add3A_294, %sub3A_295 : i32
          %lt3A_297 = arith.constant 79 : i32
          %lt3A_298 = arith.cmpi slt, %sub3A_296, %lt3A_297 : i32
          %convert_element_type3A_299 = arith.extui %lt3A_298 : i1 to i32
          %cond3A_300 = arith.constant 0 : i32
          %cond3A_301 = arith.cmpi ne, %convert_element_type3A_299, %cond3A_300 : i32
          scf.if %cond3A_301 {
            %add3A_302 = arith.constant 6 : i32
            %add3A_303 = arith.addi %add3A_253, %add3A_302 : i32
            %sub3A_304 = arith.constant 1 : i32
            %sub3A_305 = arith.subi %add3A_303, %sub3A_304 : i32
            %dma_start3A_306 = arith.constant 0 : i32
            %dma_start3A_307 = tpu.memref_slice %arg3[%add3A, %sub3A_305, %dma_start3A_306] : memref<32x79x128xi32, #tpu.memory_space<hbm>> -> memref<1x1x128xi32, #tpu.memory_space<hbm>>
            %dma_start3A_308 = tpu.memref_squeeze %dma_start3A_307 : memref<1x1x128xi32, #tpu.memory_space<hbm>> -> memref<128xi32, #tpu.memory_space<hbm>>
            %dma_start3A_309 = arith.constant 0 : i32
            %dma_start3A_310 = tpu.memref_slice %arg3[%add3A, %sub3A_305, %dma_start3A_309] : memref<32x79x128xi32, #tpu.memory_space<hbm>> -> memref<1x1x128xi32, #tpu.memory_space<hbm>>
            %dma_start3A_311 = tpu.memref_squeeze %dma_start3A_310 : memref<1x1x128xi32, #tpu.memory_space<hbm>> -> memref<128xi32, #tpu.memory_space<hbm>>
            tpu.enqueue_dma source(%dma_start3A_311 : memref<128xi32, #tpu.memory_space<hbm>>) target(%arg11 : memref<128xi32, #tpu.memory_space<vmem>>) target_semaphore(%arg26 : memref<!tpu.dma_semaphore, #tpu.memory_space<semaphore_mem>>)
            %dma_start3A_312 = arith.constant 0 : i32
            %dma_start3A_313 = tpu.memref_slice %arg4[%add3A, %sub3A_305, %dma_start3A_312] : memref<32x79x128xi32, #tpu.memory_space<hbm>> -> memref<1x1x128xi32, #tpu.memory_space<hbm>>
            %dma_start3A_314 = tpu.memref_squeeze %dma_start3A_313 : memref<1x1x128xi32, #tpu.memory_space<hbm>> -> memref<128xi32, #tpu.memory_space<hbm>>
            %dma_start3A_315 = arith.constant 0 : i32
            %dma_start3A_316 = tpu.memref_slice %arg4[%add3A, %sub3A_305, %dma_start3A_315] : memref<32x79x128xi32, #tpu.memory_space<hbm>> -> memref<1x1x128xi32, #tpu.memory_space<hbm>>
            %dma_start3A_317 = tpu.memref_squeeze %dma_start3A_316 : memref<1x1x128xi32, #tpu.memory_space<hbm>> -> memref<128xi32, #tpu.memory_space<hbm>>
            tpu.enqueue_dma source(%dma_start3A_317 : memref<128xi32, #tpu.memory_space<hbm>>) target(%arg17 : memref<128xi32, #tpu.memory_space<vmem>>) target_semaphore(%arg26 : memref<!tpu.dma_semaphore, #tpu.memory_space<semaphore_mem>>)
          } else {
          }
        } else {
        }
      } else {
      }
    }
    %scan3A_165 = arith.constant 14 : i32
    %dma_wait3A_166 = arith.constant 0 : i32
    %dma_wait3A_167 = arith.constant 0 : i32
    %dma_wait3A_168 = tpu.memref_slice %arg6[%dma_wait3A_166, %dma_wait3A_167] : memref<10016x128xf32, #tpu.memory_space<vmem_shared>> -> memref<10016x128xf32, #tpu.memory_space<vmem_shared>>
    tpu.wait_indirect_dma semaphore(%arg31 : memref<!tpu.dma_semaphore, #tpu.memory_space<semaphore_mem>>) src(%arg19 : memref<128x128xf32, #tpu.memory_space<vmem>>) dst(%dma_wait3A_168 : memref<10016x128xf32, #tpu.memory_space<vmem_shared>>)
    %dma_wait3A_169 = arith.constant 0 : i32
    %dma_wait3A_170 = arith.constant 0 : i32
    %dma_wait3A_171 = tpu.memref_slice %arg6[%dma_wait3A_169, %dma_wait3A_170] : memref<10016x128xf32, #tpu.memory_space<vmem_shared>> -> memref<10016x128xf32, #tpu.memory_space<vmem_shared>>
    tpu.wait_indirect_dma semaphore(%arg33 : memref<!tpu.dma_semaphore, #tpu.memory_space<semaphore_mem>>) src(%arg21 : memref<128x128xf32, #tpu.memory_space<vmem>>) dst(%dma_wait3A_171 : memref<10016x128xf32, #tpu.memory_space<vmem_shared>>)
    %dma_wait3A_172 = arith.constant 0 : i32
    %dma_wait3A_173 = arith.constant 0 : i32
    %dma_wait3A_174 = tpu.memref_slice %arg6[%dma_wait3A_172, %dma_wait3A_173] : memref<10016x128xf32, #tpu.memory_space<vmem_shared>> -> memref<10016x128xf32, #tpu.memory_space<vmem_shared>>
    tpu.wait_indirect_dma semaphore(%arg32 : memref<!tpu.dma_semaphore, #tpu.memory_space<semaphore_mem>>) src(%arg20 : memref<128x128xf32, #tpu.memory_space<vmem>>) dst(%dma_wait3A_174 : memref<10016x128xf32, #tpu.memory_space<vmem_shared>>)
    %barrier3A_175 = arith.constant 0 : index
    tpu.barrier barrier_id(%barrier3A_175)
    %sub3A_176 = arith.constant 0 : i32
    %sub3A_177 = arith.subi %select_n3A, %sub3A_176 : i32
    %sub3A_178 = arith.constant 1 : i32
    %sub3A_179 = arith.constant 1 : i32
    %sub3A_180 = arith.subi %sub3A_178, %sub3A_179 : i32
    %add3A_181 = arith.addi %sub3A_177, %sub3A_180 : i32
    %div3A_182 = arith.constant 1 : i32
    %div3A_183 = arith.divsi %add3A_181, %div3A_182 : i32
    %while3A_184 = arith.constant 1 : i32
    %while3A_185 = arith.constant 0 : i32
    %while3A_186 = arith.constant 0 : i32
    %while3A_187 = arith.subi %div3A_183, %while3A_186 : i32
    %while3A_188 = arith.addi %while3A_186, %while3A_187 : i32
    %while3A_189 = arith.constant 1 : i32
    %while3A_190 = arith.divsi %while3A_187, %while3A_189 : i32
    %while3A_191 = arith.muli %while3A_190, %while3A_189 : i32
    %while3A_192 = arith.addi %while3A_186, %while3A_191 : i32
    %while3A_193 = arith.constant 1 : i32
    scf.for %while3A_200 = %while3A_186 to %while3A_192 step %while3A_193  : i32 {
      %mul3A_201 = arith.muli %while3A_200, %while3A_184 : i32
      %add3A_202 = arith.addi %while3A_185, %mul3A_201 : i32
      %mul3A_203 = arith.constant 128 : i32
      %mul3A_204 = arith.muli %add3A_202, %mul3A_203 : i32
      %add3A_205 = arith.addi %mul3A_2, %mul3A_204 : i32
      "tpu.region"() ({
        %run_scoped3A = tpu.sem_alloc : memref<!tpu.dma_semaphore, #tpu.memory_space<semaphore_mem>>
        %dma_start3A_209 = arith.constant 0 : i32
        %dma_start3A_210 = tpu.memref_slice %arg6[%add3A_205, %dma_start3A_209] : memref<10016x128xf32, #tpu.memory_space<vmem_shared>> -> memref<128x128xf32, #tpu.memory_space<vmem_shared>>
        %dma_start3A_211 = arith.constant 0 : i32
        %dma_start3A_212 = tpu.memref_slice %arg6[%add3A_205, %dma_start3A_211] : memref<10016x128xf32, #tpu.memory_space<vmem_shared>> -> memref<128x128xf32, #tpu.memory_space<vmem_shared>>
        tpu.enqueue_dma source(%dma_start3A_212 : memref<128x128xf32, #tpu.memory_space<vmem_shared>>) target(%arg19 : memref<128x128xf32, #tpu.memory_space<vmem>>) target_semaphore(%run_scoped3A : memref<!tpu.dma_semaphore, #tpu.memory_space<semaphore_mem>>)
        %dma_wait3A_213 = arith.constant 0 : i32
        %dma_wait3A_214 = tpu.memref_slice %arg6[%add3A_205, %dma_wait3A_213] : memref<10016x128xf32, #tpu.memory_space<vmem_shared>> -> memref<128x128xf32, #tpu.memory_space<vmem_shared>>
        %dma_wait3A_215 = arith.constant 0 : i32
        %dma_wait3A_216 = tpu.memref_slice %arg6[%add3A_205, %dma_wait3A_215] : memref<10016x128xf32, #tpu.memory_space<vmem_shared>> -> memref<128x128xf32, #tpu.memory_space<vmem_shared>>
        tpu.wait_dma2 semaphore(%run_scoped3A : memref<!tpu.dma_semaphore, #tpu.memory_space<semaphore_mem>>) src(%dma_wait3A_216 : memref<128x128xf32, #tpu.memory_space<vmem_shared>>) dst(%arg19 : memref<128x128xf32, #tpu.memory_space<vmem>>)
        tpu.yield
      }) : () -> ()
      %mul3A_206 = arith.constant 128 : i32
      %mul3A_207 = arith.muli %add3A_202, %mul3A_206 : i32
      %add3A_208 = arith.addi %mul3A_2, %mul3A_207 : i32
      "tpu.region"() ({
        %run_scoped3A = tpu.sem_alloc : memref<!tpu.dma_semaphore, #tpu.memory_space<semaphore_mem>>
        %dma_start3A_209 = arith.constant 0 : i32
        %dma_start3A_210 = tpu.memref_slice %arg5[%arg0, %add3A_208, %dma_start3A_209] : memref<2x10000x128xf32, #tpu.memory_space<hbm>> -> memref<1x128x128xf32, #tpu.memory_space<hbm>>
        %dma_start3A_211 = tpu.memref_squeeze %dma_start3A_210 : memref<1x128x128xf32, #tpu.memory_space<hbm>> -> memref<128x128xf32, #tpu.memory_space<hbm>>
        %dma_start3A_212 = arith.constant 0 : i32
        %dma_start3A_213 = tpu.memref_slice %arg5[%arg0, %add3A_208, %dma_start3A_212] : memref<2x10000x128xf32, #tpu.memory_space<hbm>> -> memref<1x128x128xf32, #tpu.memory_space<hbm>>
        %dma_start3A_214 = tpu.memref_squeeze %dma_start3A_213 : memref<1x128x128xf32, #tpu.memory_space<hbm>> -> memref<128x128xf32, #tpu.memory_space<hbm>>
        tpu.enqueue_dma source(%arg19 : memref<128x128xf32, #tpu.memory_space<vmem>>) target(%dma_start3A_214 : memref<128x128xf32, #tpu.memory_space<hbm>>) target_semaphore(%run_scoped3A : memref<!tpu.dma_semaphore, #tpu.memory_space<semaphore_mem>>)
        %dma_wait3A_215 = arith.constant 0 : i32
        %dma_wait3A_216 = tpu.memref_slice %arg5[%arg0, %add3A_208, %dma_wait3A_215] : memref<2x10000x128xf32, #tpu.memory_space<hbm>> -> memref<1x128x128xf32, #tpu.memory_space<hbm>>
        %dma_wait3A_217 = tpu.memref_squeeze %dma_wait3A_216 : memref<1x128x128xf32, #tpu.memory_space<hbm>> -> memref<128x128xf32, #tpu.memory_space<hbm>>
        %dma_wait3A_218 = arith.constant 0 : i32
        %dma_wait3A_219 = tpu.memref_slice %arg5[%arg0, %add3A_208, %dma_wait3A_218] : memref<2x10000x128xf32, #tpu.memory_space<hbm>> -> memref<1x128x128xf32, #tpu.memory_space<hbm>>
        %dma_wait3A_220 = tpu.memref_squeeze %dma_wait3A_219 : memref<1x128x128xf32, #tpu.memory_space<hbm>> -> memref<128x128xf32, #tpu.memory_space<hbm>>
        tpu.wait_dma2 semaphore(%run_scoped3A : memref<!tpu.dma_semaphore, #tpu.memory_space<semaphore_mem>>) src(%arg19 : memref<128x128xf32, #tpu.memory_space<vmem>>) dst(%dma_wait3A_220 : memref<128x128xf32, #tpu.memory_space<hbm>>)
        tpu.yield
      }) : () -> ()
    }
    %while3A_194 = arith.constant 1 : i32
    scf.for %while3A_200 = %while3A_192 to %while3A_188 step %while3A_194  : i32 {
      %mul3A_201 = arith.muli %while3A_200, %while3A_184 : i32
      %add3A_202 = arith.addi %while3A_185, %mul3A_201 : i32
      %mul3A_203 = arith.constant 128 : i32
      %mul3A_204 = arith.muli %add3A_202, %mul3A_203 : i32
      %add3A_205 = arith.addi %mul3A_2, %mul3A_204 : i32
      "tpu.region"() ({
        %run_scoped3A = tpu.sem_alloc : memref<!tpu.dma_semaphore, #tpu.memory_space<semaphore_mem>>
        %dma_start3A_209 = arith.constant 0 : i32
        %dma_start3A_210 = tpu.memref_slice %arg6[%add3A_205, %dma_start3A_209] : memref<10016x128xf32, #tpu.memory_space<vmem_shared>> -> memref<128x128xf32, #tpu.memory_space<vmem_shared>>
        %dma_start3A_211 = arith.constant 0 : i32
        %dma_start3A_212 = tpu.memref_slice %arg6[%add3A_205, %dma_start3A_211] : memref<10016x128xf32, #tpu.memory_space<vmem_shared>> -> memref<128x128xf32, #tpu.memory_space<vmem_shared>>
        tpu.enqueue_dma source(%dma_start3A_212 : memref<128x128xf32, #tpu.memory_space<vmem_shared>>) target(%arg19 : memref<128x128xf32, #tpu.memory_space<vmem>>) target_semaphore(%run_scoped3A : memref<!tpu.dma_semaphore, #tpu.memory_space<semaphore_mem>>)
        %dma_wait3A_213 = arith.constant 0 : i32
        %dma_wait3A_214 = tpu.memref_slice %arg6[%add3A_205, %dma_wait3A_213] : memref<10016x128xf32, #tpu.memory_space<vmem_shared>> -> memref<128x128xf32, #tpu.memory_space<vmem_shared>>
        %dma_wait3A_215 = arith.constant 0 : i32
        %dma_wait3A_216 = tpu.memref_slice %arg6[%add3A_205, %dma_wait3A_215] : memref<10016x128xf32, #tpu.memory_space<vmem_shared>> -> memref<128x128xf32, #tpu.memory_space<vmem_shared>>
        tpu.wait_dma2 semaphore(%run_scoped3A : memref<!tpu.dma_semaphore, #tpu.memory_space<semaphore_mem>>) src(%dma_wait3A_216 : memref<128x128xf32, #tpu.memory_space<vmem_shared>>) dst(%arg19 : memref<128x128xf32, #tpu.memory_space<vmem>>)
        tpu.yield
      }) : () -> ()
      %mul3A_206 = arith.constant 128 : i32
      %mul3A_207 = arith.muli %add3A_202, %mul3A_206 : i32
      %add3A_208 = arith.addi %mul3A_2, %mul3A_207 : i32
      "tpu.region"() ({
        %run_scoped3A = tpu.sem_alloc : memref<!tpu.dma_semaphore, #tpu.memory_space<semaphore_mem>>
        %dma_start3A_209 = arith.constant 0 : i32
        %dma_start3A_210 = tpu.memref_slice %arg5[%arg0, %add3A_208, %dma_start3A_209] : memref<2x10000x128xf32, #tpu.memory_space<hbm>> -> memref<1x128x128xf32, #tpu.memory_space<hbm>>
        %dma_start3A_211 = tpu.memref_squeeze %dma_start3A_210 : memref<1x128x128xf32, #tpu.memory_space<hbm>> -> memref<128x128xf32, #tpu.memory_space<hbm>>
        %dma_start3A_212 = arith.constant 0 : i32
        %dma_start3A_213 = tpu.memref_slice %arg5[%arg0, %add3A_208, %dma_start3A_212] : memref<2x10000x128xf32, #tpu.memory_space<hbm>> -> memref<1x128x128xf32, #tpu.memory_space<hbm>>
        %dma_start3A_214 = tpu.memref_squeeze %dma_start3A_213 : memref<1x128x128xf32, #tpu.memory_space<hbm>> -> memref<128x128xf32, #tpu.memory_space<hbm>>
        tpu.enqueue_dma source(%arg19 : memref<128x128xf32, #tpu.memory_space<vmem>>) target(%dma_start3A_214 : memref<128x128xf32, #tpu.memory_space<hbm>>) target_semaphore(%run_scoped3A : memref<!tpu.dma_semaphore, #tpu.memory_space<semaphore_mem>>)
        %dma_wait3A_215 = arith.constant 0 : i32
        %dma_wait3A_216 = tpu.memref_slice %arg5[%arg0, %add3A_208, %dma_wait3A_215] : memref<2x10000x128xf32, #tpu.memory_space<hbm>> -> memref<1x128x128xf32, #tpu.memory_space<hbm>>
        %dma_wait3A_217 = tpu.memref_squeeze %dma_wait3A_216 : memref<1x128x128xf32, #tpu.memory_space<hbm>> -> memref<128x128xf32, #tpu.memory_space<hbm>>
        %dma_wait3A_218 = arith.constant 0 : i32
        %dma_wait3A_219 = tpu.memref_slice %arg5[%arg0, %add3A_208, %dma_wait3A_218] : memref<2x10000x128xf32, #tpu.memory_space<hbm>> -> memref<1x128x128xf32, #tpu.memory_space<hbm>>
        %dma_wait3A_220 = tpu.memref_squeeze %dma_wait3A_219 : memref<1x128x128xf32, #tpu.memory_space<hbm>> -> memref<128x128xf32, #tpu.memory_space<hbm>>
        tpu.wait_dma2 semaphore(%run_scoped3A : memref<!tpu.dma_semaphore, #tpu.memory_space<semaphore_mem>>) src(%arg19 : memref<128x128xf32, #tpu.memory_space<vmem>>) dst(%dma_wait3A_220 : memref<128x128xf32, #tpu.memory_space<hbm>>)
        tpu.yield
      }) : () -> ()
    }
    %eq3A_195 = arith.constant 15 : i32
    %eq3A_196 = arith.cmpi eq, %arg1, %eq3A_195 : i32
    %convert_element_type3A_197 = arith.extui %eq3A_196 : i1 to i32
    %cond3A_198 = arith.constant 0 : i32
    %cond3A_199 = arith.cmpi ne, %convert_element_type3A_197, %cond3A_198 : i32
    scf.if %cond3A_199 {
      %add3A_200 = arith.constant 384 : i32
      %add3A_201 = arith.addi %mul3A_2, %add3A_200 : i32
      "tpu.region"() ({
        %run_scoped3A = tpu.sem_alloc : memref<!tpu.dma_semaphore, #tpu.memory_space<semaphore_mem>>
        %dma_start3A_204 = arith.constant 0 : i32
        %dma_start3A_205 = arith.constant 0 : i32
        %dma_start3A_206 = tpu.memref_slice %arg19[%dma_start3A_204, %dma_start3A_205] : memref<128x128xf32, #tpu.memory_space<vmem>> -> memref<16x128xf32, #tpu.memory_space<vmem>>
        %dma_start3A_207 = arith.constant 0 : i32
        %dma_start3A_208 = tpu.memref_slice %arg6[%add3A_201, %dma_start3A_207] : memref<10016x128xf32, #tpu.memory_space<vmem_shared>> -> memref<16x128xf32, #tpu.memory_space<vmem_shared>>
        %dma_start3A_209 = arith.constant 0 : i32
        %dma_start3A_210 = arith.constant 0 : i32
        %dma_start3A_211 = tpu.memref_slice %arg19[%dma_start3A_209, %dma_start3A_210] : memref<128x128xf32, #tpu.memory_space<vmem>> -> memref<16x128xf32, #tpu.memory_space<vmem>>
        %dma_start3A_212 = arith.constant 0 : i32
        %dma_start3A_213 = tpu.memref_slice %arg6[%add3A_201, %dma_start3A_212] : memref<10016x128xf32, #tpu.memory_space<vmem_shared>> -> memref<16x128xf32, #tpu.memory_space<vmem_shared>>
        tpu.enqueue_dma source(%dma_start3A_213 : memref<16x128xf32, #tpu.memory_space<vmem_shared>>) target(%dma_start3A_211 : memref<16x128xf32, #tpu.memory_space<vmem>>) target_semaphore(%run_scoped3A : memref<!tpu.dma_semaphore, #tpu.memory_space<semaphore_mem>>)
        %dma_wait3A_214 = arith.constant 0 : i32
        %dma_wait3A_215 = arith.constant 0 : i32
        %dma_wait3A_216 = tpu.memref_slice %arg19[%dma_wait3A_214, %dma_wait3A_215] : memref<128x128xf32, #tpu.memory_space<vmem>> -> memref<16x128xf32, #tpu.memory_space<vmem>>
        %dma_wait3A_217 = arith.constant 0 : i32
        %dma_wait3A_218 = tpu.memref_slice %arg6[%add3A_201, %dma_wait3A_217] : memref<10016x128xf32, #tpu.memory_space<vmem_shared>> -> memref<16x128xf32, #tpu.memory_space<vmem_shared>>
        %dma_wait3A_219 = arith.constant 0 : i32
        %dma_wait3A_220 = arith.constant 0 : i32
        %dma_wait3A_221 = tpu.memref_slice %arg19[%dma_wait3A_219, %dma_wait3A_220] : memref<128x128xf32, #tpu.memory_space<vmem>> -> memref<16x128xf32, #tpu.memory_space<vmem>>
        %dma_wait3A_222 = arith.constant 0 : i32
        %dma_wait3A_223 = tpu.memref_slice %arg6[%add3A_201, %dma_wait3A_222] : memref<10016x128xf32, #tpu.memory_space<vmem_shared>> -> memref<16x128xf32, #tpu.memory_space<vmem_shared>>
        tpu.wait_dma2 semaphore(%run_scoped3A : memref<!tpu.dma_semaphore, #tpu.memory_space<semaphore_mem>>) src(%dma_wait3A_223 : memref<16x128xf32, #tpu.memory_space<vmem_shared>>) dst(%dma_wait3A_221 : memref<16x128xf32, #tpu.memory_space<vmem>>)
        tpu.yield
      }) : () -> ()
      %add3A_202 = arith.constant 384 : i32
      %add3A_203 = arith.addi %mul3A_2, %add3A_202 : i32
      "tpu.region"() ({
        %run_scoped3A = tpu.sem_alloc : memref<!tpu.dma_semaphore, #tpu.memory_space<semaphore_mem>>
        %dma_start3A_204 = arith.constant 0 : i32
        %dma_start3A_205 = arith.constant 0 : i32
        %dma_start3A_206 = tpu.memref_slice %arg19[%dma_start3A_204, %dma_start3A_205] : memref<128x128xf32, #tpu.memory_space<vmem>> -> memref<16x128xf32, #tpu.memory_space<vmem>>
        %dma_start3A_207 = arith.constant 0 : i32
        %dma_start3A_208 = tpu.memref_slice %arg5[%arg0, %add3A_203, %dma_start3A_207] : memref<2x10000x128xf32, #tpu.memory_space<hbm>> -> memref<1x16x128xf32, #tpu.memory_space<hbm>>
        %dma_start3A_209 = tpu.memref_squeeze %dma_start3A_208 : memref<1x16x128xf32, #tpu.memory_space<hbm>> -> memref<16x128xf32, #tpu.memory_space<hbm>>
        %dma_start3A_210 = arith.constant 0 : i32
        %dma_start3A_211 = tpu.memref_slice %arg5[%arg0, %add3A_203, %dma_start3A_210] : memref<2x10000x128xf32, #tpu.memory_space<hbm>> -> memref<1x16x128xf32, #tpu.memory_space<hbm>>
        %dma_start3A_212 = tpu.memref_squeeze %dma_start3A_211 : memref<1x16x128xf32, #tpu.memory_space<hbm>> -> memref<16x128xf32, #tpu.memory_space<hbm>>
        %dma_start3A_213 = arith.constant 0 : i32
        %dma_start3A_214 = arith.constant 0 : i32
        %dma_start3A_215 = tpu.memref_slice %arg19[%dma_start3A_213, %dma_start3A_214] : memref<128x128xf32, #tpu.memory_space<vmem>> -> memref<16x128xf32, #tpu.memory_space<vmem>>
        tpu.enqueue_dma source(%dma_start3A_215 : memref<16x128xf32, #tpu.memory_space<vmem>>) target(%dma_start3A_212 : memref<16x128xf32, #tpu.memory_space<hbm>>) target_semaphore(%run_scoped3A : memref<!tpu.dma_semaphore, #tpu.memory_space<semaphore_mem>>)
        %dma_wait3A_216 = arith.constant 0 : i32
        %dma_wait3A_217 = arith.constant 0 : i32
        %dma_wait3A_218 = tpu.memref_slice %arg19[%dma_wait3A_216, %dma_wait3A_217] : memref<128x128xf32, #tpu.memory_space<vmem>> -> memref<16x128xf32, #tpu.memory_space<vmem>>
        %dma_wait3A_219 = arith.constant 0 : i32
        %dma_wait3A_220 = tpu.memref_slice %arg5[%arg0, %add3A_203, %dma_wait3A_219] : memref<2x10000x128xf32, #tpu.memory_space<hbm>> -> memref<1x16x128xf32, #tpu.memory_space<hbm>>
        %dma_wait3A_221 = tpu.memref_squeeze %dma_wait3A_220 : memref<1x16x128xf32, #tpu.memory_space<hbm>> -> memref<16x128xf32, #tpu.memory_space<hbm>>
        %dma_wait3A_222 = arith.constant 0 : i32
        %dma_wait3A_223 = tpu.memref_slice %arg5[%arg0, %add3A_203, %dma_wait3A_222] : memref<2x10000x128xf32, #tpu.memory_space<hbm>> -> memref<1x16x128xf32, #tpu.memory_space<hbm>>
        %dma_wait3A_224 = tpu.memref_squeeze %dma_wait3A_223 : memref<1x16x128xf32, #tpu.memory_space<hbm>> -> memref<16x128xf32, #tpu.memory_space<hbm>>
        %dma_wait3A_225 = arith.constant 0 : i32
        %dma_wait3A_226 = arith.constant 0 : i32
        %dma_wait3A_227 = tpu.memref_slice %arg19[%dma_wait3A_225, %dma_wait3A_226] : memref<128x128xf32, #tpu.memory_space<vmem>> -> memref<16x128xf32, #tpu.memory_space<vmem>>
        tpu.wait_dma2 semaphore(%run_scoped3A : memref<!tpu.dma_semaphore, #tpu.memory_space<semaphore_mem>>) src(%dma_wait3A_227 : memref<16x128xf32, #tpu.memory_space<vmem>>) dst(%dma_wait3A_224 : memref<16x128xf32, #tpu.memory_space<hbm>>)
        tpu.yield
      }) : () -> ()
    } else {
    }
    return
  }
}

#map = affine_map<(d0, d1) -> (0, 0)>
#map1 = affine_map<(d0, d1) -> (0, 0, 0)>
module attributes {stable_mosaic.version = 14 : i64} {
  func.func @scatter_kernel(%arg0: i32, %arg1: i32, %arg2: memref<10000x128xf32, #tpu.memory_space<hbm>>, %arg3: memref<32x79x128xi32, #tpu.memory_space<hbm>>, %arg4: memref<32x79x128xi32, #tpu.memory_space<hbm>>, %arg5: memref<2x10000x128xf32, #tpu.memory_space<hbm>>, %arg6: memref<10016x128xf32, #tpu.memory_space<vmem_shared>>, %arg7: memref<128xi32, #tpu.memory_space<vmem>>, %arg8: memref<128xi32, #tpu.memory_space<vmem>>, %arg9: memref<128xi32, #tpu.memory_space<vmem>>, %arg10: memref<128xi32, #tpu.memory_space<vmem>>, %arg11: memref<128xi32, #tpu.memory_space<vmem>>, %arg12: memref<128xi32, #tpu.memory_space<vmem>>, %arg13: memref<128xi32, #tpu.memory_space<vmem>>, %arg14: memref<128xi32, #tpu.memory_space<vmem>>, %arg15: memref<128xi32, #tpu.memory_space<vmem>>, %arg16: memref<128xi32, #tpu.memory_space<vmem>>, %arg17: memref<128xi32, #tpu.memory_space<vmem>>, %arg18: memref<128xi32, #tpu.memory_space<vmem>>, %arg19: memref<128x128xf32, #tpu.memory_space<vmem>>, %arg20: memref<128x128xf32, #tpu.memory_space<vmem>>, %arg21: memref<128x128xf32, #tpu.memory_space<vmem>>, %arg22: memref<!tpu.dma_semaphore, #tpu.memory_space<semaphore_mem>>, %arg23: memref<!tpu.dma_semaphore, #tpu.memory_space<semaphore_mem>>, %arg24: memref<!tpu.dma_semaphore, #tpu.memory_space<semaphore_mem>>, %arg25: memref<!tpu.dma_semaphore, #tpu.memory_space<semaphore_mem>>, %arg26: memref<!tpu.dma_semaphore, #tpu.memory_space<semaphore_mem>>, %arg27: memref<!tpu.dma_semaphore, #tpu.memory_space<semaphore_mem>>, %arg28: memref<!tpu.dma_semaphore, #tpu.memory_space<semaphore_mem>>, %arg29: memref<!tpu.dma_semaphore, #tpu.memory_space<semaphore_mem>>, %arg30: memref<!tpu.dma_semaphore, #tpu.memory_space<semaphore_mem>>, %arg31: memref<!tpu.dma_semaphore, #tpu.memory_space<semaphore_mem>>, %arg32: memref<!tpu.dma_semaphore, #tpu.memory_space<semaphore_mem>>, %arg33: memref<!tpu.dma_semaphore, #tpu.memory_space<semaphore_mem>>) attributes {dimension_semantics = [#tpu.dimension_semantics<core_parallel>, #tpu.dimension_semantics<subcore_parallel>], iteration_bounds = array<i64: 2, 16>, scalar_prefetch = 0 : i64, scratch_operands = 28 : i64, tpu.core_type = #tpu.core_type<sc_vector_subcore>, window_params = [{transform_indices = #map}, {transform_indices = #map1}, {transform_indices = #map1}, {transform_indices = #map1}]} {
    %mul3A = arith.constant 2 : i32
    %mul3A_0 = arith.muli %arg1, %mul3A : i32
    %add3A = arith.addi %mul3A_0, %arg0 : i32
    %mul3A_1 = arith.constant 640 : i32
    %mul3A_2 = arith.muli %arg1, %mul3A_1 : i32
    %broadcast_in_dim3A = arith.constant 0.000000e+00 : f32
    %broadcast_in_dim3A_3 = vector.broadcast %broadcast_in_dim3A : f32 to vector<16xf32>
    %scan3A = arith.constant 0 : i32
    %scan3A_4 = arith.constant 128 : i32
    %scan3A_5 = arith.addi %scan3A, %scan3A_4 : i32
    %scan3A_6 = arith.constant 1 : i32
    scf.for %scan3A_200 = %scan3A to %scan3A_5 step %scan3A_6  : i32 {
      %mul3A_201 = arith.constant 1 : i32
      %mul3A_202 = arith.muli %scan3A_200, %mul3A_201 : i32
      %add3A_203 = arith.constant 0 : i32
      %add3A_204 = arith.addi %add3A_203, %mul3A_202 : i32
      %swap3A = arith.index_cast %add3A_204 : i32 to index
      %swap3A_205 = arith.constant 0 : index
      %swap3A_206 = tpu.vector_load %arg19[%swap3A, %swap3A_205] {strides = array<i32>} : memref<128x128xf32, #tpu.memory_space<vmem>>, vector<1x16xf32>,
      %swap3A_207 = vector.shape_cast %swap3A_206 : vector<1x16xf32> to vector<16xf32>
      %swap3A_208 = vector.shape_cast %broadcast_in_dim3A_3 : vector<16xf32> to vector<1x16xf32>
      tpu.vector_store %arg19[%swap3A, %swap3A_205], %swap3A_208 {strides = array<i32>} : memref<128x128xf32, #tpu.memory_space<vmem>>, vector<1x16xf32>,
      %swap3A_209 = arith.index_cast %add3A_204 : i32 to index
      %swap3A_210 = arith.constant 16 : index
      %swap3A_211 = tpu.vector_load %arg19[%swap3A_209, %swap3A_210] {strides = array<i32>} : memref<128x128xf32, #tpu.memory_space<vmem>>, vector<1x16xf32>,
      %swap3A_212 = vector.shape_cast %swap3A_211 : vector<1x16xf32> to vector<16xf32>
      %swap3A_213 = vector.shape_cast %broadcast_in_dim3A_3 : vector<16xf32> to vector<1x16xf32>
      tpu.vector_store %arg19[%swap3A_209, %swap3A_210], %swap3A_213 {strides = array<i32>} : memref<128x128xf32, #tpu.memory_space<vmem>>, vector<1x16xf32>,
      %swap3A_214 = arith.index_cast %add3A_204 : i32 to index
      %swap3A_215 = arith.constant 32 : index
      %swap3A_216 = tpu.vector_load %arg19[%swap3A_214, %swap3A_215] {strides = array<i32>} : memref<128x128xf32, #tpu.memory_space<vmem>>, vector<1x16xf32>,
      %swap3A_217 = vector.shape_cast %swap3A_216 : vector<1x16xf32> to vector<16xf32>
      %swap3A_218 = vector.shape_cast %broadcast_in_dim3A_3 : vector<16xf32> to vector<1x16xf32>
      tpu.vector_store %arg19[%swap3A_214, %swap3A_215], %swap3A_218 {strides = array<i32>} : memref<128x128xf32, #tpu.memory_space<vmem>>, vector<1x16xf32>,
      %swap3A_219 = arith.index_cast %add3A_204 : i32 to index
      %swap3A_220 = arith.constant 48 : index
      %swap3A_221 = tpu.vector_load %arg19[%swap3A_219, %swap3A_220] {strides = array<i32>} : memref<128x128xf32, #tpu.memory_space<vmem>>, vector<1x16xf32>,
      %swap3A_222 = vector.shape_cast %swap3A_221 : vector<1x16xf32> to vector<16xf32>
      %swap3A_223 = vector.shape_cast %broadcast_in_dim3A_3 : vector<16xf32> to vector<1x16xf32>
      tpu.vector_store %arg19[%swap3A_219, %swap3A_220], %swap3A_223 {strides = array<i32>} : memref<128x128xf32, #tpu.memory_space<vmem>>, vector<1x16xf32>,
      %swap3A_224 = arith.index_cast %add3A_204 : i32 to index
      %swap3A_225 = arith.constant 64 : index
      %swap3A_226 = tpu.vector_load %arg19[%swap3A_224, %swap3A_225] {strides = array<i32>} : memref<128x128xf32, #tpu.memory_space<vmem>>, vector<1x16xf32>,
      %swap3A_227 = vector.shape_cast %swap3A_226 : vector<1x16xf32> to vector<16xf32>
      %swap3A_228 = vector.shape_cast %broadcast_in_dim3A_3 : vector<16xf32> to vector<1x16xf32>
      tpu.vector_store %arg19[%swap3A_224, %swap3A_225], %swap3A_228 {strides = array<i32>} : memref<128x128xf32, #tpu.memory_space<vmem>>, vector<1x16xf32>,
      %swap3A_229 = arith.index_cast %add3A_204 : i32 to index
      %swap3A_230 = arith.constant 80 : index
      %swap3A_231 = tpu.vector_load %arg19[%swap3A_229, %swap3A_230] {strides = array<i32>} : memref<128x128xf32, #tpu.memory_space<vmem>>, vector<1x16xf32>,
      %swap3A_232 = vector.shape_cast %swap3A_231 : vector<1x16xf32> to vector<16xf32>
      %swap3A_233 = vector.shape_cast %broadcast_in_dim3A_3 : vector<16xf32> to vector<1x16xf32>
      tpu.vector_store %arg19[%swap3A_229, %swap3A_230], %swap3A_233 {strides = array<i32>} : memref<128x128xf32, #tpu.memory_space<vmem>>, vector<1x16xf32>,
      %swap3A_234 = arith.index_cast %add3A_204 : i32 to index
      %swap3A_235 = arith.constant 96 : index
      %swap3A_236 = tpu.vector_load %arg19[%swap3A_234, %swap3A_235] {strides = array<i32>} : memref<128x128xf32, #tpu.memory_space<vmem>>, vector<1x16xf32>,
      %swap3A_237 = vector.shape_cast %swap3A_236 : vector<1x16xf32> to vector<16xf32>
      %swap3A_238 = vector.shape_cast %broadcast_in_dim3A_3 : vector<16xf32> to vector<1x16xf32>
      tpu.vector_store %arg19[%swap3A_234, %swap3A_235], %swap3A_238 {strides = array<i32>} : memref<128x128xf32, #tpu.memory_space<vmem>>, vector<1x16xf32>,
      %swap3A_239 = arith.index_cast %add3A_204 : i32 to index
      %swap3A_240 = arith.constant 112 : index
      %swap3A_241 = tpu.vector_load %arg19[%swap3A_239, %swap3A_240] {strides = array<i32>} : memref<128x128xf32, #tpu.memory_space<vmem>>, vector<1x16xf32>,
      %swap3A_242 = vector.shape_cast %swap3A_241 : vector<1x16xf32> to vector<16xf32>
      %swap3A_243 = vector.shape_cast %broadcast_in_dim3A_3 : vector<16xf32> to vector<1x16xf32>
      tpu.vector_store %arg19[%swap3A_239, %swap3A_240], %swap3A_243 {strides = array<i32>} : memref<128x128xf32, #tpu.memory_space<vmem>>, vector<1x16xf32>,
    }
    %scan3A_7 = arith.constant 128 : i32
    %lt3A = arith.constant 15 : i32
    %lt3A_8 = arith.cmpi slt, %arg1, %lt3A : i32
    %jit3A = arith.constant 5 : i32
    %jit3A_9 = arith.constant 3 : i32
    %select_n3A = arith.select %lt3A_8, %jit3A, %jit3A_9 : i32
    %sub3A = arith.constant 0 : i32
    %sub3A_10 = arith.subi %select_n3A, %sub3A : i32
    %sub3A_11 = arith.constant 1 : i32
    %sub3A_12 = arith.constant 1 : i32
    %sub3A_13 = arith.subi %sub3A_11, %sub3A_12 : i32
    %add3A_14 = arith.addi %sub3A_10, %sub3A_13 : i32
    %div3A = arith.constant 1 : i32
    %div3A_15 = arith.divsi %add3A_14, %div3A : i32
    %while3A = arith.constant 1 : i32
    %while3A_16 = arith.constant 0 : i32
    %while3A_17 = arith.constant 0 : i32
    %while3A_18 = arith.subi %div3A_15, %while3A_17 : i32
    %while3A_19 = arith.addi %while3A_17, %while3A_18 : i32
    %while3A_20 = arith.constant 1 : i32
    %while3A_21 = arith.divsi %while3A_18, %while3A_20 : i32
    %while3A_22 = arith.muli %while3A_21, %while3A_20 : i32
    %while3A_23 = arith.addi %while3A_17, %while3A_22 : i32
    %while3A_24 = arith.constant 1 : i32
    scf.for %while3A_200 = %while3A_17 to %while3A_23 step %while3A_24  : i32 {
      %mul3A_201 = arith.muli %while3A_200, %while3A : i32
      %add3A_202 = arith.addi %while3A_16, %mul3A_201 : i32
      %mul3A_203 = arith.constant 128 : i32
      %mul3A_204 = arith.muli %add3A_202, %mul3A_203 : i32
      %add3A_205 = arith.addi %mul3A_2, %mul3A_204 : i32
      "tpu.region"() ({
        %run_scoped3A = tpu.sem_alloc : memref<!tpu.dma_semaphore, #tpu.memory_space<semaphore_mem>>
        %dma_start3A_206 = arith.constant 0 : i32
        %dma_start3A_207 = tpu.memref_slice %arg6[%add3A_205, %dma_start3A_206] : memref<10016x128xf32, #tpu.memory_space<vmem_shared>> -> memref<128x128xf32, #tpu.memory_space<vmem_shared>>
        %dma_start3A_208 = arith.constant 0 : i32
        %dma_start3A_209 = tpu.memref_slice %arg6[%add3A_205, %dma_start3A_208] : memref<10016x128xf32, #tpu.memory_space<vmem_shared>> -> memref<128x128xf32, #tpu.memory_space<vmem_shared>>
        tpu.enqueue_dma source(%arg19 : memref<128x128xf32, #tpu.memory_space<vmem>>) target(%dma_start3A_209 : memref<128x128xf32, #tpu.memory_space<vmem_shared>>) target_semaphore(%run_scoped3A : memref<!tpu.dma_semaphore, #tpu.memory_space<semaphore_mem>>)
        %dma_wait3A_210 = arith.constant 0 : i32
        %dma_wait3A_211 = tpu.memref_slice %arg6[%add3A_205, %dma_wait3A_210] : memref<10016x128xf32, #tpu.memory_space<vmem_shared>> -> memref<128x128xf32, #tpu.memory_space<vmem_shared>>
        %dma_wait3A_212 = arith.constant 0 : i32
        %dma_wait3A_213 = tpu.memref_slice %arg6[%add3A_205, %dma_wait3A_212] : memref<10016x128xf32, #tpu.memory_space<vmem_shared>> -> memref<128x128xf32, #tpu.memory_space<vmem_shared>>
        tpu.wait_dma2 semaphore(%run_scoped3A : memref<!tpu.dma_semaphore, #tpu.memory_space<semaphore_mem>>) src(%arg19 : memref<128x128xf32, #tpu.memory_space<vmem>>) dst(%dma_wait3A_213 : memref<128x128xf32, #tpu.memory_space<vmem_shared>>)
        tpu.yield
      }) : () -> ()
    }
    %while3A_25 = arith.constant 1 : i32
    scf.for %while3A_200 = %while3A_23 to %while3A_19 step %while3A_25  : i32 {
      %mul3A_201 = arith.muli %while3A_200, %while3A : i32
      %add3A_202 = arith.addi %while3A_16, %mul3A_201 : i32
      %mul3A_203 = arith.constant 128 : i32
      %mul3A_204 = arith.muli %add3A_202, %mul3A_203 : i32
      %add3A_205 = arith.addi %mul3A_2, %mul3A_204 : i32
      "tpu.region"() ({
        %run_scoped3A = tpu.sem_alloc : memref<!tpu.dma_semaphore, #tpu.memory_space<semaphore_mem>>
        %dma_start3A_206 = arith.constant 0 : i32
        %dma_start3A_207 = tpu.memref_slice %arg6[%add3A_205, %dma_start3A_206] : memref<10016x128xf32, #tpu.memory_space<vmem_shared>> -> memref<128x128xf32, #tpu.memory_space<vmem_shared>>
        %dma_start3A_208 = arith.constant 0 : i32
        %dma_start3A_209 = tpu.memref_slice %arg6[%add3A_205, %dma_start3A_208] : memref<10016x128xf32, #tpu.memory_space<vmem_shared>> -> memref<128x128xf32, #tpu.memory_space<vmem_shared>>
        tpu.enqueue_dma source(%arg19 : memref<128x128xf32, #tpu.memory_space<vmem>>) target(%dma_start3A_209 : memref<128x128xf32, #tpu.memory_space<vmem_shared>>) target_semaphore(%run_scoped3A : memref<!tpu.dma_semaphore, #tpu.memory_space<semaphore_mem>>)
        %dma_wait3A_210 = arith.constant 0 : i32
        %dma_wait3A_211 = tpu.memref_slice %arg6[%add3A_205, %dma_wait3A_210] : memref<10016x128xf32, #tpu.memory_space<vmem_shared>> -> memref<128x128xf32, #tpu.memory_space<vmem_shared>>
        %dma_wait3A_212 = arith.constant 0 : i32
        %dma_wait3A_213 = tpu.memref_slice %arg6[%add3A_205, %dma_wait3A_212] : memref<10016x128xf32, #tpu.memory_space<vmem_shared>> -> memref<128x128xf32, #tpu.memory_space<vmem_shared>>
        tpu.wait_dma2 semaphore(%run_scoped3A : memref<!tpu.dma_semaphore, #tpu.memory_space<semaphore_mem>>) src(%arg19 : memref<128x128xf32, #tpu.memory_space<vmem>>) dst(%dma_wait3A_213 : memref<128x128xf32, #tpu.memory_space<vmem_shared>>)
        tpu.yield
      }) : () -> ()
    }
    %eq3A = arith.constant 15 : i32
    %eq3A_26 = arith.cmpi eq, %arg1, %eq3A : i32
    %convert_element_type3A = arith.extui %eq3A_26 : i1 to i32
    %cond3A = arith.constant 0 : i32
    %cond3A_27 = arith.cmpi ne, %convert_element_type3A, %cond3A : i32
    scf.if %cond3A_27 {
      %add3A_200 = arith.constant 384 : i32
      %add3A_201 = arith.addi %mul3A_2, %add3A_200 : i32
      "tpu.region"() ({
        %run_scoped3A = tpu.sem_alloc : memref<!tpu.dma_semaphore, #tpu.memory_space<semaphore_mem>>
        %dma_start3A_202 = arith.constant 0 : i32
        %dma_start3A_203 = arith.constant 0 : i32
        %dma_start3A_204 = tpu.memref_slice %arg19[%dma_start3A_202, %dma_start3A_203] : memref<128x128xf32, #tpu.memory_space<vmem>> -> memref<16x128xf32, #tpu.memory_space<vmem>>
        %dma_start3A_205 = arith.constant 0 : i32
        %dma_start3A_206 = tpu.memref_slice %arg6[%add3A_201, %dma_start3A_205] : memref<10016x128xf32, #tpu.memory_space<vmem_shared>> -> memref<16x128xf32, #tpu.memory_space<vmem_shared>>
        %dma_start3A_207 = arith.constant 0 : i32
        %dma_start3A_208 = tpu.memref_slice %arg6[%add3A_201, %dma_start3A_207] : memref<10016x128xf32, #tpu.memory_space<vmem_shared>> -> memref<16x128xf32, #tpu.memory_space<vmem_shared>>
        %dma_start3A_209 = arith.constant 0 : i32
        %dma_start3A_210 = arith.constant 0 : i32
        %dma_start3A_211 = tpu.memref_slice %arg19[%dma_start3A_209, %dma_start3A_210] : memref<128x128xf32, #tpu.memory_space<vmem>> -> memref<16x128xf32, #tpu.memory_space<vmem>>
        tpu.enqueue_dma source(%dma_start3A_211 : memref<16x128xf32, #tpu.memory_space<vmem>>) target(%dma_start3A_208 : memref<16x128xf32, #tpu.memory_space<vmem_shared>>) target_semaphore(%run_scoped3A : memref<!tpu.dma_semaphore, #tpu.memory_space<semaphore_mem>>)
        %dma_wait3A_212 = arith.constant 0 : i32
        %dma_wait3A_213 = arith.constant 0 : i32
        %dma_wait3A_214 = tpu.memref_slice %arg19[%dma_wait3A_212, %dma_wait3A_213] : memref<128x128xf32, #tpu.memory_space<vmem>> -> memref<16x128xf32, #tpu.memory_space<vmem>>
        %dma_wait3A_215 = arith.constant 0 : i32
        %dma_wait3A_216 = tpu.memref_slice %arg6[%add3A_201, %dma_wait3A_215] : memref<10016x128xf32, #tpu.memory_space<vmem_shared>> -> memref<16x128xf32, #tpu.memory_space<vmem_shared>>
        %dma_wait3A_217 = arith.constant 0 : i32
        %dma_wait3A_218 = tpu.memref_slice %arg6[%add3A_201, %dma_wait3A_217] : memref<10016x128xf32, #tpu.memory_space<vmem_shared>> -> memref<16x128xf32, #tpu.memory_space<vmem_shared>>
        %dma_wait3A_219 = arith.constant 0 : i32
        %dma_wait3A_220 = arith.constant 0 : i32
        %dma_wait3A_221 = tpu.memref_slice %arg19[%dma_wait3A_219, %dma_wait3A_220] : memref<128x128xf32, #tpu.memory_space<vmem>> -> memref<16x128xf32, #tpu.memory_space<vmem>>
        tpu.wait_dma2 semaphore(%run_scoped3A : memref<!tpu.dma_semaphore, #tpu.memory_space<semaphore_mem>>) src(%dma_wait3A_221 : memref<16x128xf32, #tpu.memory_space<vmem>>) dst(%dma_wait3A_218 : memref<16x128xf32, #tpu.memory_space<vmem_shared>>)
        tpu.yield
      }) : () -> ()
    } else {
    }
    %barrier3A = arith.constant 0 : index
    tpu.barrier barrier_id(%barrier3A)
    %dma_start3A = arith.constant 0 : i32
    %dma_start3A_28 = arith.constant 0 : i32
    %dma_start3A_29 = tpu.memref_slice %arg3[%add3A, %dma_start3A, %dma_start3A_28] : memref<32x79x128xi32, #tpu.memory_space<hbm>> -> memref<1x1x128xi32, #tpu.memory_space<hbm>>
    %dma_start3A_30 = tpu.memref_squeeze %dma_start3A_29 : memref<1x1x128xi32, #tpu.memory_space<hbm>> -> memref<128xi32, #tpu.memory_space<hbm>>
    %dma_start3A_31 = arith.constant 0 : i32
    %dma_start3A_32 = tpu.memref_slice %arg3[%add3A, %dma_start3A, %dma_start3A_31] : memref<32x79x128xi32, #tpu.memory_space<hbm>> -> memref<1x1x128xi32, #tpu.memory_space<hbm>>
    %dma_start3A_33 = tpu.memref_squeeze %dma_start3A_32 : memref<1x1x128xi32, #tpu.memory_space<hbm>> -> memref<128xi32, #tpu.memory_space<hbm>>
    tpu.enqueue_dma source(%dma_start3A_33 : memref<128xi32, #tpu.memory_space<hbm>>) target(%arg7 : memref<128xi32, #tpu.memory_space<vmem>>) target_semaphore(%arg22 : memref<!tpu.dma_semaphore, #tpu.memory_space<semaphore_mem>>)
    %dma_start3A_34 = arith.constant 0 : i32
    %dma_start3A_35 = arith.constant 0 : i32
    %dma_start3A_36 = tpu.memref_slice %arg4[%add3A, %dma_start3A_34, %dma_start3A_35] : memref<32x79x128xi32, #tpu.memory_space<hbm>> -> memref<1x1x128xi32, #tpu.memory_space<hbm>>
    %dma_start3A_37 = tpu.memref_squeeze %dma_start3A_36 : memref<1x1x128xi32, #tpu.memory_space<hbm>> -> memref<128xi32, #tpu.memory_space<hbm>>
    %dma_start3A_38 = arith.constant 0 : i32
    %dma_start3A_39 = tpu.memref_slice %arg4[%add3A, %dma_start3A_34, %dma_start3A_38] : memref<32x79x128xi32, #tpu.memory_space<hbm>> -> memref<1x1x128xi32, #tpu.memory_space<hbm>>
    %dma_start3A_40 = tpu.memref_squeeze %dma_start3A_39 : memref<1x1x128xi32, #tpu.memory_space<hbm>> -> memref<128xi32, #tpu.memory_space<hbm>>
    tpu.enqueue_dma source(%dma_start3A_40 : memref<128xi32, #tpu.memory_space<hbm>>) target(%arg13 : memref<128xi32, #tpu.memory_space<vmem>>) target_semaphore(%arg22 : memref<!tpu.dma_semaphore, #tpu.memory_space<semaphore_mem>>)
    %dma_start3A_41 = arith.constant 1 : i32
    %dma_start3A_42 = arith.constant 0 : i32
    %dma_start3A_43 = tpu.memref_slice %arg3[%add3A, %dma_start3A_41, %dma_start3A_42] : memref<32x79x128xi32, #tpu.memory_space<hbm>> -> memref<1x1x128xi32, #tpu.memory_space<hbm>>
    %dma_start3A_44 = tpu.memref_squeeze %dma_start3A_43 : memref<1x1x128xi32, #tpu.memory_space<hbm>> -> memref<128xi32, #tpu.memory_space<hbm>>
    %dma_start3A_45 = arith.constant 0 : i32
    %dma_start3A_46 = tpu.memref_slice %arg3[%add3A, %dma_start3A_41, %dma_start3A_45] : memref<32x79x128xi32, #tpu.memory_space<hbm>> -> memref<1x1x128xi32, #tpu.memory_space<hbm>>
    %dma_start3A_47 = tpu.memref_squeeze %dma_start3A_46 : memref<1x1x128xi32, #tpu.memory_space<hbm>> -> memref<128xi32, #tpu.memory_space<hbm>>
    tpu.enqueue_dma source(%dma_start3A_47 : memref<128xi32, #tpu.memory_space<hbm>>) target(%arg8 : memref<128xi32, #tpu.memory_space<vmem>>) target_semaphore(%arg23 : memref<!tpu.dma_semaphore, #tpu.memory_space<semaphore_mem>>)
    %dma_start3A_48 = arith.constant 1 : i32
    %dma_start3A_49 = arith.constant 0 : i32
    %dma_start3A_50 = tpu.memref_slice %arg4[%add3A, %dma_start3A_48, %dma_start3A_49] : memref<32x79x128xi32, #tpu.memory_space<hbm>> -> memref<1x1x128xi32, #tpu.memory_space<hbm>>
    %dma_start3A_51 = tpu.memref_squeeze %dma_start3A_50 : memref<1x1x128xi32, #tpu.memory_space<hbm>> -> memref<128xi32, #tpu.memory_space<hbm>>
    %dma_start3A_52 = arith.constant 0 : i32
    %dma_start3A_53 = tpu.memref_slice %arg4[%add3A, %dma_start3A_48, %dma_start3A_52] : memref<32x79x128xi32, #tpu.memory_space<hbm>> -> memref<1x1x128xi32, #tpu.memory_space<hbm>>
    %dma_start3A_54 = tpu.memref_squeeze %dma_start3A_53 : memref<1x1x128xi32, #tpu.memory_space<hbm>> -> memref<128xi32, #tpu.memory_space<hbm>>
    tpu.enqueue_dma source(%dma_start3A_54 : memref<128xi32, #tpu.memory_space<hbm>>) target(%arg14 : memref<128xi32, #tpu.memory_space<vmem>>) target_semaphore(%arg23 : memref<!tpu.dma_semaphore, #tpu.memory_space<semaphore_mem>>)
    %dma_start3A_55 = arith.constant 2 : i32
    %dma_start3A_56 = arith.constant 0 : i32
    %dma_start3A_57 = tpu.memref_slice %arg3[%add3A, %dma_start3A_55, %dma_start3A_56] : memref<32x79x128xi32, #tpu.memory_space<hbm>> -> memref<1x1x128xi32, #tpu.memory_space<hbm>>
    %dma_start3A_58 = tpu.memref_squeeze %dma_start3A_57 : memref<1x1x128xi32, #tpu.memory_space<hbm>> -> memref<128xi32, #tpu.memory_space<hbm>>
    %dma_start3A_59 = arith.constant 0 : i32
    %dma_start3A_60 = tpu.memref_slice %arg3[%add3A, %dma_start3A_55, %dma_start3A_59] : memref<32x79x128xi32, #tpu.memory_space<hbm>> -> memref<1x1x128xi32, #tpu.memory_space<hbm>>
    %dma_start3A_61 = tpu.memref_squeeze %dma_start3A_60 : memref<1x1x128xi32, #tpu.memory_space<hbm>> -> memref<128xi32, #tpu.memory_space<hbm>>
    tpu.enqueue_dma source(%dma_start3A_61 : memref<128xi32, #tpu.memory_space<hbm>>) target(%arg9 : memref<128xi32, #tpu.memory_space<vmem>>) target_semaphore(%arg24 : memref<!tpu.dma_semaphore, #tpu.memory_space<semaphore_mem>>)
    %dma_start3A_62 = arith.constant 2 : i32
    %dma_start3A_63 = arith.constant 0 : i32
    %dma_start3A_64 = tpu.memref_slice %arg4[%add3A, %dma_start3A_62, %dma_start3A_63] : memref<32x79x128xi32, #tpu.memory_space<hbm>> -> memref<1x1x128xi32, #tpu.memory_space<hbm>>
    %dma_start3A_65 = tpu.memref_squeeze %dma_start3A_64 : memref<1x1x128xi32, #tpu.memory_space<hbm>> -> memref<128xi32, #tpu.memory_space<hbm>>
    %dma_start3A_66 = arith.constant 0 : i32
    %dma_start3A_67 = tpu.memref_slice %arg4[%add3A, %dma_start3A_62, %dma_start3A_66] : memref<32x79x128xi32, #tpu.memory_space<hbm>> -> memref<1x1x128xi32, #tpu.memory_space<hbm>>
    %dma_start3A_68 = tpu.memref_squeeze %dma_start3A_67 : memref<1x1x128xi32, #tpu.memory_space<hbm>> -> memref<128xi32, #tpu.memory_space<hbm>>
    tpu.enqueue_dma source(%dma_start3A_68 : memref<128xi32, #tpu.memory_space<hbm>>) target(%arg15 : memref<128xi32, #tpu.memory_space<vmem>>) target_semaphore(%arg24 : memref<!tpu.dma_semaphore, #tpu.memory_space<semaphore_mem>>)
    %dma_start3A_69 = arith.constant 3 : i32
    %dma_start3A_70 = arith.constant 0 : i32
    %dma_start3A_71 = tpu.memref_slice %arg3[%add3A, %dma_start3A_69, %dma_start3A_70] : memref<32x79x128xi32, #tpu.memory_space<hbm>> -> memref<1x1x128xi32, #tpu.memory_space<hbm>>
    %dma_start3A_72 = tpu.memref_squeeze %dma_start3A_71 : memref<1x1x128xi32, #tpu.memory_space<hbm>> -> memref<128xi32, #tpu.memory_space<hbm>>
    %dma_start3A_73 = arith.constant 0 : i32
    %dma_start3A_74 = tpu.memref_slice %arg3[%add3A, %dma_start3A_69, %dma_start3A_73] : memref<32x79x128xi32, #tpu.memory_space<hbm>> -> memref<1x1x128xi32, #tpu.memory_space<hbm>>
    %dma_start3A_75 = tpu.memref_squeeze %dma_start3A_74 : memref<1x1x128xi32, #tpu.memory_space<hbm>> -> memref<128xi32, #tpu.memory_space<hbm>>
    tpu.enqueue_dma source(%dma_start3A_75 : memref<128xi32, #tpu.memory_space<hbm>>) target(%arg10 : memref<128xi32, #tpu.memory_space<vmem>>) target_semaphore(%arg25 : memref<!tpu.dma_semaphore, #tpu.memory_space<semaphore_mem>>)
    %dma_start3A_76 = arith.constant 3 : i32
    %dma_start3A_77 = arith.constant 0 : i32
    %dma_start3A_78 = tpu.memref_slice %arg4[%add3A, %dma_start3A_76, %dma_start3A_77] : memref<32x79x128xi32, #tpu.memory_space<hbm>> -> memref<1x1x128xi32, #tpu.memory_space<hbm>>
    %dma_start3A_79 = tpu.memref_squeeze %dma_start3A_78 : memref<1x1x128xi32, #tpu.memory_space<hbm>> -> memref<128xi32, #tpu.memory_space<hbm>>
    %dma_start3A_80 = arith.constant 0 : i32
    %dma_start3A_81 = tpu.memref_slice %arg4[%add3A, %dma_start3A_76, %dma_start3A_80] : memref<32x79x128xi32, #tpu.memory_space<hbm>> -> memref<1x1x128xi32, #tpu.memory_space<hbm>>
    %dma_start3A_82 = tpu.memref_squeeze %dma_start3A_81 : memref<1x1x128xi32, #tpu.memory_space<hbm>> -> memref<128xi32, #tpu.memory_space<hbm>>
    tpu.enqueue_dma source(%dma_start3A_82 : memref<128xi32, #tpu.memory_space<hbm>>) target(%arg16 : memref<128xi32, #tpu.memory_space<vmem>>) target_semaphore(%arg25 : memref<!tpu.dma_semaphore, #tpu.memory_space<semaphore_mem>>)
    %dma_start3A_83 = arith.constant 4 : i32
    %dma_start3A_84 = arith.constant 0 : i32
    %dma_start3A_85 = tpu.memref_slice %arg3[%add3A, %dma_start3A_83, %dma_start3A_84] : memref<32x79x128xi32, #tpu.memory_space<hbm>> -> memref<1x1x128xi32, #tpu.memory_space<hbm>>
    %dma_start3A_86 = tpu.memref_squeeze %dma_start3A_85 : memref<1x1x128xi32, #tpu.memory_space<hbm>> -> memref<128xi32, #tpu.memory_space<hbm>>
    %dma_start3A_87 = arith.constant 0 : i32
    %dma_start3A_88 = tpu.memref_slice %arg3[%add3A, %dma_start3A_83, %dma_start3A_87] : memref<32x79x128xi32, #tpu.memory_space<hbm>> -> memref<1x1x128xi32, #tpu.memory_space<hbm>>
    %dma_start3A_89 = tpu.memref_squeeze %dma_start3A_88 : memref<1x1x128xi32, #tpu.memory_space<hbm>> -> memref<128xi32, #tpu.memory_space<hbm>>
    tpu.enqueue_dma source(%dma_start3A_89 : memref<128xi32, #tpu.memory_space<hbm>>) target(%arg11 : memref<128xi32, #tpu.memory_space<vmem>>) target_semaphore(%arg26 : memref<!tpu.dma_semaphore, #tpu.memory_space<semaphore_mem>>)
    %dma_start3A_90 = arith.constant 4 : i32
    %dma_start3A_91 = arith.constant 0 : i32
    %dma_start3A_92 = tpu.memref_slice %arg4[%add3A, %dma_start3A_90, %dma_start3A_91] : memref<32x79x128xi32, #tpu.memory_space<hbm>> -> memref<1x1x128xi32, #tpu.memory_space<hbm>>
    %dma_start3A_93 = tpu.memref_squeeze %dma_start3A_92 : memref<1x1x128xi32, #tpu.memory_space<hbm>> -> memref<128xi32, #tpu.memory_space<hbm>>
    %dma_start3A_94 = arith.constant 0 : i32
    %dma_start3A_95 = tpu.memref_slice %arg4[%add3A, %dma_start3A_90, %dma_start3A_94] : memref<32x79x128xi32, #tpu.memory_space<hbm>> -> memref<1x1x128xi32, #tpu.memory_space<hbm>>
    %dma_start3A_96 = tpu.memref_squeeze %dma_start3A_95 : memref<1x1x128xi32, #tpu.memory_space<hbm>> -> memref<128xi32, #tpu.memory_space<hbm>>
    tpu.enqueue_dma source(%dma_start3A_96 : memref<128xi32, #tpu.memory_space<hbm>>) target(%arg17 : memref<128xi32, #tpu.memory_space<vmem>>) target_semaphore(%arg26 : memref<!tpu.dma_semaphore, #tpu.memory_space<semaphore_mem>>)
    %dma_start3A_97 = arith.constant 5 : i32
    %dma_start3A_98 = arith.constant 0 : i32
    %dma_start3A_99 = tpu.memref_slice %arg3[%add3A, %dma_start3A_97, %dma_start3A_98] : memref<32x79x128xi32, #tpu.memory_space<hbm>> -> memref<1x1x128xi32, #tpu.memory_space<hbm>>
    %dma_start3A_100 = tpu.memref_squeeze %dma_start3A_99 : memref<1x1x128xi32, #tpu.memory_space<hbm>> -> memref<128xi32, #tpu.memory_space<hbm>>
    %dma_start3A_101 = arith.constant 0 : i32
    %dma_start3A_102 = tpu.memref_slice %arg3[%add3A, %dma_start3A_97, %dma_start3A_101] : memref<32x79x128xi32, #tpu.memory_space<hbm>> -> memref<1x1x128xi32, #tpu.memory_space<hbm>>
    %dma_start3A_103 = tpu.memref_squeeze %dma_start3A_102 : memref<1x1x128xi32, #tpu.memory_space<hbm>> -> memref<128xi32, #tpu.memory_space<hbm>>
    tpu.enqueue_dma source(%dma_start3A_103 : memref<128xi32, #tpu.memory_space<hbm>>) target(%arg12 : memref<128xi32, #tpu.memory_space<vmem>>) target_semaphore(%arg27 : memref<!tpu.dma_semaphore, #tpu.memory_space<semaphore_mem>>)
    %dma_start3A_104 = arith.constant 5 : i32
    %dma_start3A_105 = arith.constant 0 : i32
    %dma_start3A_106 = tpu.memref_slice %arg4[%add3A, %dma_start3A_104, %dma_start3A_105] : memref<32x79x128xi32, #tpu.memory_space<hbm>> -> memref<1x1x128xi32, #tpu.memory_space<hbm>>
    %dma_start3A_107 = tpu.memref_squeeze %dma_start3A_106 : memref<1x1x128xi32, #tpu.memory_space<hbm>> -> memref<128xi32, #tpu.memory_space<hbm>>
    %dma_start3A_108 = arith.constant 0 : i32
    %dma_start3A_109 = tpu.memref_slice %arg4[%add3A, %dma_start3A_104, %dma_start3A_108] : memref<32x79x128xi32, #tpu.memory_space<hbm>> -> memref<1x1x128xi32, #tpu.memory_space<hbm>>
    %dma_start3A_110 = tpu.memref_squeeze %dma_start3A_109 : memref<1x1x128xi32, #tpu.memory_space<hbm>> -> memref<128xi32, #tpu.memory_space<hbm>>
    tpu.enqueue_dma source(%dma_start3A_110 : memref<128xi32, #tpu.memory_space<hbm>>) target(%arg18 : memref<128xi32, #tpu.memory_space<vmem>>) target_semaphore(%arg27 : memref<!tpu.dma_semaphore, #tpu.memory_space<semaphore_mem>>)
    %dma_wait3A = arith.constant 0 : i32
    %dma_wait3A_111 = arith.constant 0 : i32
    %dma_wait3A_112 = tpu.memref_slice %arg3[%add3A, %dma_wait3A, %dma_wait3A_111] : memref<32x79x128xi32, #tpu.memory_space<hbm>> -> memref<1x1x128xi32, #tpu.memory_space<hbm>>
    %dma_wait3A_113 = tpu.memref_squeeze %dma_wait3A_112 : memref<1x1x128xi32, #tpu.memory_space<hbm>> -> memref<128xi32, #tpu.memory_space<hbm>>
    %dma_wait3A_114 = arith.constant 0 : i32
    %dma_wait3A_115 = tpu.memref_slice %arg3[%add3A, %dma_wait3A, %dma_wait3A_114] : memref<32x79x128xi32, #tpu.memory_space<hbm>> -> memref<1x1x128xi32, #tpu.memory_space<hbm>>
    %dma_wait3A_116 = tpu.memref_squeeze %dma_wait3A_115 : memref<1x1x128xi32, #tpu.memory_space<hbm>> -> memref<128xi32, #tpu.memory_space<hbm>>
    tpu.wait_dma2 semaphore(%arg22 : memref<!tpu.dma_semaphore, #tpu.memory_space<semaphore_mem>>) src(%dma_wait3A_116 : memref<128xi32, #tpu.memory_space<hbm>>) dst(%arg7 : memref<128xi32, #tpu.memory_space<vmem>>)
    %dma_wait3A_117 = arith.constant 0 : i32
    %dma_wait3A_118 = arith.constant 0 : i32
    %dma_wait3A_119 = tpu.memref_slice %arg4[%add3A, %dma_wait3A_117, %dma_wait3A_118] : memref<32x79x128xi32, #tpu.memory_space<hbm>> -> memref<1x1x128xi32, #tpu.memory_space<hbm>>
    %dma_wait3A_120 = tpu.memref_squeeze %dma_wait3A_119 : memref<1x1x128xi32, #tpu.memory_space<hbm>> -> memref<128xi32, #tpu.memory_space<hbm>>
    %dma_wait3A_121 = arith.constant 0 : i32
    %dma_wait3A_122 = tpu.memref_slice %arg4[%add3A, %dma_wait3A_117, %dma_wait3A_121] : memref<32x79x128xi32, #tpu.memory_space<hbm>> -> memref<1x1x128xi32, #tpu.memory_space<hbm>>
    %dma_wait3A_123 = tpu.memref_squeeze %dma_wait3A_122 : memref<1x1x128xi32, #tpu.memory_space<hbm>> -> memref<128xi32, #tpu.memory_space<hbm>>
    tpu.wait_dma2 semaphore(%arg22 : memref<!tpu.dma_semaphore, #tpu.memory_space<semaphore_mem>>) src(%dma_wait3A_123 : memref<128xi32, #tpu.memory_space<hbm>>) dst(%arg13 : memref<128xi32, #tpu.memory_space<vmem>>)
    %dma_start3A_124 = arith.constant 0 : i32
    %dma_start3A_125 = arith.constant 0 : i32
    %dma_start3A_126 = tpu.memref_slice %arg2[%dma_start3A_124, %dma_start3A_125] : memref<10000x128xf32, #tpu.memory_space<hbm>> -> memref<10000x128xf32, #tpu.memory_space<hbm>>
    tpu.enqueue_indirect_dma source(%dma_start3A_126 : memref<10000x128xf32, #tpu.memory_space<hbm>>) target(%arg19 : memref<128x128xf32, #tpu.memory_space<vmem>>) offsets(%arg7 : memref<128xi32, #tpu.memory_space<vmem>>) semaphore(%arg28 : memref<!tpu.dma_semaphore, #tpu.memory_space<semaphore_mem>>)
    %dma_wait3A_127 = arith.constant 1 : i32
    %dma_wait3A_128 = arith.constant 0 : i32
    %dma_wait3A_129 = tpu.memref_slice %arg3[%add3A, %dma_wait3A_127, %dma_wait3A_128] : memref<32x79x128xi32, #tpu.memory_space<hbm>> -> memref<1x1x128xi32, #tpu.memory_space<hbm>>
    %dma_wait3A_130 = tpu.memref_squeeze %dma_wait3A_129 : memref<1x1x128xi32, #tpu.memory_space<hbm>> -> memref<128xi32, #tpu.memory_space<hbm>>
    %dma_wait3A_131 = arith.constant 0 : i32
    %dma_wait3A_132 = tpu.memref_slice %arg3[%add3A, %dma_wait3A_127, %dma_wait3A_131] : memref<32x79x128xi32, #tpu.memory_space<hbm>> -> memref<1x1x128xi32, #tpu.memory_space<hbm>>
    %dma_wait3A_133 = tpu.memref_squeeze %dma_wait3A_132 : memref<1x1x128xi32, #tpu.memory_space<hbm>> -> memref<128xi32, #tpu.memory_space<hbm>>
    tpu.wait_dma2 semaphore(%arg23 : memref<!tpu.dma_semaphore, #tpu.memory_space<semaphore_mem>>) src(%dma_wait3A_133 : memref<128xi32, #tpu.memory_space<hbm>>) dst(%arg8 : memref<128xi32, #tpu.memory_space<vmem>>)
    %dma_wait3A_134 = arith.constant 1 : i32
    %dma_wait3A_135 = arith.constant 0 : i32
    %dma_wait3A_136 = tpu.memref_slice %arg4[%add3A, %dma_wait3A_134, %dma_wait3A_135] : memref<32x79x128xi32, #tpu.memory_space<hbm>> -> memref<1x1x128xi32, #tpu.memory_space<hbm>>
    %dma_wait3A_137 = tpu.memref_squeeze %dma_wait3A_136 : memref<1x1x128xi32, #tpu.memory_space<hbm>> -> memref<128xi32, #tpu.memory_space<hbm>>
    %dma_wait3A_138 = arith.constant 0 : i32
    %dma_wait3A_139 = tpu.memref_slice %arg4[%add3A, %dma_wait3A_134, %dma_wait3A_138] : memref<32x79x128xi32, #tpu.memory_space<hbm>> -> memref<1x1x128xi32, #tpu.memory_space<hbm>>
    %dma_wait3A_140 = tpu.memref_squeeze %dma_wait3A_139 : memref<1x1x128xi32, #tpu.memory_space<hbm>> -> memref<128xi32, #tpu.memory_space<hbm>>
    tpu.wait_dma2 semaphore(%arg23 : memref<!tpu.dma_semaphore, #tpu.memory_space<semaphore_mem>>) src(%dma_wait3A_140 : memref<128xi32, #tpu.memory_space<hbm>>) dst(%arg14 : memref<128xi32, #tpu.memory_space<vmem>>)
    %dma_start3A_141 = arith.constant 0 : i32
    %dma_start3A_142 = arith.constant 0 : i32
    %dma_start3A_143 = tpu.memref_slice %arg2[%dma_start3A_141, %dma_start3A_142] : memref<10000x128xf32, #tpu.memory_space<hbm>> -> memref<10000x128xf32, #tpu.memory_space<hbm>>
    tpu.enqueue_indirect_dma source(%dma_start3A_143 : memref<10000x128xf32, #tpu.memory_space<hbm>>) target(%arg20 : memref<128x128xf32, #tpu.memory_space<vmem>>) offsets(%arg8 : memref<128xi32, #tpu.memory_space<vmem>>) semaphore(%arg29 : memref<!tpu.dma_semaphore, #tpu.memory_space<semaphore_mem>>)
    %dma_wait3A_144 = arith.constant 2 : i32
    %dma_wait3A_145 = arith.constant 0 : i32
    %dma_wait3A_146 = tpu.memref_slice %arg3[%add3A, %dma_wait3A_144, %dma_wait3A_145] : memref<32x79x128xi32, #tpu.memory_space<hbm>> -> memref<1x1x128xi32, #tpu.memory_space<hbm>>
    %dma_wait3A_147 = tpu.memref_squeeze %dma_wait3A_146 : memref<1x1x128xi32, #tpu.memory_space<hbm>> -> memref<128xi32, #tpu.memory_space<hbm>>
    %dma_wait3A_148 = arith.constant 0 : i32
    %dma_wait3A_149 = tpu.memref_slice %arg3[%add3A, %dma_wait3A_144, %dma_wait3A_148] : memref<32x79x128xi32, #tpu.memory_space<hbm>> -> memref<1x1x128xi32, #tpu.memory_space<hbm>>
    %dma_wait3A_150 = tpu.memref_squeeze %dma_wait3A_149 : memref<1x1x128xi32, #tpu.memory_space<hbm>> -> memref<128xi32, #tpu.memory_space<hbm>>
    tpu.wait_dma2 semaphore(%arg24 : memref<!tpu.dma_semaphore, #tpu.memory_space<semaphore_mem>>) src(%dma_wait3A_150 : memref<128xi32, #tpu.memory_space<hbm>>) dst(%arg9 : memref<128xi32, #tpu.memory_space<vmem>>)
    %dma_wait3A_151 = arith.constant 2 : i32
    %dma_wait3A_152 = arith.constant 0 : i32
    %dma_wait3A_153 = tpu.memref_slice %arg4[%add3A, %dma_wait3A_151, %dma_wait3A_152] : memref<32x79x128xi32, #tpu.memory_space<hbm>> -> memref<1x1x128xi32, #tpu.memory_space<hbm>>
    %dma_wait3A_154 = tpu.memref_squeeze %dma_wait3A_153 : memref<1x1x128xi32, #tpu.memory_space<hbm>> -> memref<128xi32, #tpu.memory_space<hbm>>
    %dma_wait3A_155 = arith.constant 0 : i32
    %dma_wait3A_156 = tpu.memref_slice %arg4[%add3A, %dma_wait3A_151, %dma_wait3A_155] : memref<32x79x128xi32, #tpu.memory_space<hbm>> -> memref<1x1x128xi32, #tpu.memory_space<hbm>>
    %dma_wait3A_157 = tpu.memref_squeeze %dma_wait3A_156 : memref<1x1x128xi32, #tpu.memory_space<hbm>> -> memref<128xi32, #tpu.memory_space<hbm>>
    tpu.wait_dma2 semaphore(%arg24 : memref<!tpu.dma_semaphore, #tpu.memory_space<semaphore_mem>>) src(%dma_wait3A_157 : memref<128xi32, #tpu.memory_space<hbm>>) dst(%arg15 : memref<128xi32, #tpu.memory_space<vmem>>)
    %dma_start3A_158 = arith.constant 0 : i32
    %dma_start3A_159 = arith.constant 0 : i32
    %dma_start3A_160 = tpu.memref_slice %arg2[%dma_start3A_158, %dma_start3A_159] : memref<10000x128xf32, #tpu.memory_space<hbm>> -> memref<10000x128xf32, #tpu.memory_space<hbm>>
    tpu.enqueue_indirect_dma source(%dma_start3A_160 : memref<10000x128xf32, #tpu.memory_space<hbm>>) target(%arg21 : memref<128x128xf32, #tpu.memory_space<vmem>>) offsets(%arg9 : memref<128xi32, #tpu.memory_space<vmem>>) semaphore(%arg30 : memref<!tpu.dma_semaphore, #tpu.memory_space<semaphore_mem>>)
    %scan3A_161 = arith.constant 0 : i32
    %scan3A_162 = arith.constant 14 : i32
    %scan3A_163 = arith.addi %scan3A_161, %scan3A_162 : i32
    %scan3A_164 = arith.constant 1 : i32
    scf.for %scan3A_200 = %scan3A_161 to %scan3A_163 step %scan3A_164  : i32 {
      %mul3A_201 = arith.constant 1 : i32
      %mul3A_202 = arith.muli %scan3A_200, %mul3A_201 : i32
      %add3A_203 = arith.constant 0 : i32
      %add3A_204 = arith.addi %add3A_203, %mul3A_202 : i32
      %mul3A_205 = arith.constant 6 : i32
      %mul3A_206 = arith.muli %add3A_204, %mul3A_205 : i32
      %add3A_207 = arith.constant 0 : i32
      %add3A_208 = arith.addi %mul3A_206, %add3A_207 : i32
      %lt3A_209 = arith.constant 79 : i32
      %lt3A_210 = arith.cmpi slt, %add3A_208, %lt3A_209 : i32
      %convert_element_type3A_211 = arith.extui %lt3A_210 : i1 to i32
      %cond3A_212 = arith.constant 0 : i32
      %cond3A_213 = arith.cmpi ne, %convert_element_type3A_211, %cond3A_212 : i32
      scf.if %cond3A_213 {
        %dma_wait3A_259 = arith.constant 0 : i32
        %dma_wait3A_260 = arith.constant 0 : i32
        %dma_wait3A_261 = tpu.memref_slice %arg2[%dma_wait3A_259, %dma_wait3A_260] : memref<10000x128xf32, #tpu.memory_space<hbm>> -> memref<10000x128xf32, #tpu.memory_space<hbm>>
        tpu.wait_indirect_dma semaphore(%arg28 : memref<!tpu.dma_semaphore, #tpu.memory_space<semaphore_mem>>) src(%dma_wait3A_261 : memref<10000x128xf32, #tpu.memory_space<hbm>>) dst(%arg19 : memref<128x128xf32, #tpu.memory_space<vmem>>)
        %dma_start3A_262 = arith.constant 0 : i32
        %dma_start3A_263 = arith.constant 0 : i32
        %dma_start3A_264 = tpu.memref_slice %arg6[%dma_start3A_262, %dma_start3A_263] : memref<10016x128xf32, #tpu.memory_space<vmem_shared>> -> memref<10016x128xf32, #tpu.memory_space<vmem_shared>>
        tpu.enqueue_indirect_dma source(%arg19 : memref<128x128xf32, #tpu.memory_space<vmem>>) target(%dma_start3A_264 : memref<10016x128xf32, #tpu.memory_space<vmem_shared>>) offsets(%arg13 : memref<128xi32, #tpu.memory_space<vmem>>) semaphore(%arg31 : memref<!tpu.dma_semaphore, #tpu.memory_space<semaphore_mem>>) {add = true}
        %ge3A = arith.constant 1 : i32
        %ge3A_265 = arith.cmpi sge, %add3A_208, %ge3A : i32
        %add3A_266 = arith.constant 2 : i32
        %add3A_267 = arith.addi %add3A_208, %add3A_266 : i32
        %lt3A_268 = arith.constant 79 : i32
        %lt3A_269 = arith.cmpi slt, %add3A_267, %lt3A_268 : i32
        %and3A = arith.andi %ge3A_265, %lt3A_269 : i1
        %convert_element_type3A_270 = arith.extui %and3A : i1 to i32
        %cond3A_271 = arith.constant 0 : i32
        %cond3A_272 = arith.cmpi ne, %convert_element_type3A_270, %cond3A_271 : i32
        scf.if %cond3A_272 {
          %dma_wait3A_273 = arith.constant 0 : i32
          %dma_wait3A_274 = arith.constant 0 : i32
          %dma_wait3A_275 = tpu.memref_slice %arg6[%dma_wait3A_273, %dma_wait3A_274] : memref<10016x128xf32, #tpu.memory_space<vmem_shared>> -> memref<10016x128xf32, #tpu.memory_space<vmem_shared>>
          tpu.wait_indirect_dma semaphore(%arg33 : memref<!tpu.dma_semaphore, #tpu.memory_space<semaphore_mem>>) src(%arg21 : memref<128x128xf32, #tpu.memory_space<vmem>>) dst(%dma_wait3A_275 : memref<10016x128xf32, #tpu.memory_space<vmem_shared>>)
          %add3A_276 = arith.constant 2 : i32
          %add3A_277 = arith.addi %add3A_208, %add3A_276 : i32
          %dma_wait3A_278 = arith.constant 0 : i32
          %dma_wait3A_279 = tpu.memref_slice %arg3[%add3A, %add3A_277, %dma_wait3A_278] : memref<32x79x128xi32, #tpu.memory_space<hbm>> -> memref<1x1x128xi32, #tpu.memory_space<hbm>>
          %dma_wait3A_280 = tpu.memref_squeeze %dma_wait3A_279 : memref<1x1x128xi32, #tpu.memory_space<hbm>> -> memref<128xi32, #tpu.memory_space<hbm>>
          %dma_wait3A_281 = arith.constant 0 : i32
          %dma_wait3A_282 = tpu.memref_slice %arg3[%add3A, %add3A_277, %dma_wait3A_281] : memref<32x79x128xi32, #tpu.memory_space<hbm>> -> memref<1x1x128xi32, #tpu.memory_space<hbm>>
          %dma_wait3A_283 = tpu.memref_squeeze %dma_wait3A_282 : memref<1x1x128xi32, #tpu.memory_space<hbm>> -> memref<128xi32, #tpu.memory_space<hbm>>
          tpu.wait_dma2 semaphore(%arg24 : memref<!tpu.dma_semaphore, #tpu.memory_space<semaphore_mem>>) src(%dma_wait3A_283 : memref<128xi32, #tpu.memory_space<hbm>>) dst(%arg9 : memref<128xi32, #tpu.memory_space<vmem>>)
          %dma_wait3A_284 = arith.constant 0 : i32
          %dma_wait3A_285 = tpu.memref_slice %arg4[%add3A, %add3A_277, %dma_wait3A_284] : memref<32x79x128xi32, #tpu.memory_space<hbm>> -> memref<1x1x128xi32, #tpu.memory_space<hbm>>
          %dma_wait3A_286 = tpu.memref_squeeze %dma_wait3A_285 : memref<1x1x128xi32, #tpu.memory_space<hbm>> -> memref<128xi32, #tpu.memory_space<hbm>>
          %dma_wait3A_287 = arith.constant 0 : i32
          %dma_wait3A_288 = tpu.memref_slice %arg4[%add3A, %add3A_277, %dma_wait3A_287] : memref<32x79x128xi32, #tpu.memory_space<hbm>> -> memref<1x1x128xi32, #tpu.memory_space<hbm>>
          %dma_wait3A_289 = tpu.memref_squeeze %dma_wait3A_288 : memref<1x1x128xi32, #tpu.memory_space<hbm>> -> memref<128xi32, #tpu.memory_space<hbm>>
          tpu.wait_dma2 semaphore(%arg24 : memref<!tpu.dma_semaphore, #tpu.memory_space<semaphore_mem>>) src(%dma_wait3A_289 : memref<128xi32, #tpu.memory_space<hbm>>) dst(%arg15 : memref<128xi32, #tpu.memory_space<vmem>>)
          %dma_start3A_290 = arith.constant 0 : i32
          %dma_start3A_291 = arith.constant 0 : i32
          %dma_start3A_292 = tpu.memref_slice %arg2[%dma_start3A_290, %dma_start3A_291] : memref<10000x128xf32, #tpu.memory_space<hbm>> -> memref<10000x128xf32, #tpu.memory_space<hbm>>
          tpu.enqueue_indirect_dma source(%dma_start3A_292 : memref<10000x128xf32, #tpu.memory_space<hbm>>) target(%arg21 : memref<128x128xf32, #tpu.memory_space<vmem>>) offsets(%arg9 : memref<128xi32, #tpu.memory_space<vmem>>) semaphore(%arg30 : memref<!tpu.dma_semaphore, #tpu.memory_space<semaphore_mem>>)
          %add3A_293 = arith.constant 6 : i32
          %add3A_294 = arith.addi %add3A_208, %add3A_293 : i32
          %sub3A_295 = arith.constant 1 : i32
          %sub3A_296 = arith.subi %add3A_294, %sub3A_295 : i32
          %lt3A_297 = arith.constant 79 : i32
          %lt3A_298 = arith.cmpi slt, %sub3A_296, %lt3A_297 : i32
          %convert_element_type3A_299 = arith.extui %lt3A_298 : i1 to i32
          %cond3A_300 = arith.constant 0 : i32
          %cond3A_301 = arith.cmpi ne, %convert_element_type3A_299, %cond3A_300 : i32
          scf.if %cond3A_301 {
            %add3A_302 = arith.constant 6 : i32
            %add3A_303 = arith.addi %add3A_208, %add3A_302 : i32
            %sub3A_304 = arith.constant 1 : i32
            %sub3A_305 = arith.subi %add3A_303, %sub3A_304 : i32
            %dma_start3A_306 = arith.constant 0 : i32
            %dma_start3A_307 = tpu.memref_slice %arg3[%add3A, %sub3A_305, %dma_start3A_306] : memref<32x79x128xi32, #tpu.memory_space<hbm>> -> memref<1x1x128xi32, #tpu.memory_space<hbm>>
            %dma_start3A_308 = tpu.memref_squeeze %dma_start3A_307 : memref<1x1x128xi32, #tpu.memory_space<hbm>> -> memref<128xi32, #tpu.memory_space<hbm>>
            %dma_start3A_309 = arith.constant 0 : i32
            %dma_start3A_310 = tpu.memref_slice %arg3[%add3A, %sub3A_305, %dma_start3A_309] : memref<32x79x128xi32, #tpu.memory_space<hbm>> -> memref<1x1x128xi32, #tpu.memory_space<hbm>>
            %dma_start3A_311 = tpu.memref_squeeze %dma_start3A_310 : memref<1x1x128xi32, #tpu.memory_space<hbm>> -> memref<128xi32, #tpu.memory_space<hbm>>
            tpu.enqueue_dma source(%dma_start3A_311 : memref<128xi32, #tpu.memory_space<hbm>>) target(%arg12 : memref<128xi32, #tpu.memory_space<vmem>>) target_semaphore(%arg27 : memref<!tpu.dma_semaphore, #tpu.memory_space<semaphore_mem>>)
            %dma_start3A_312 = arith.constant 0 : i32
            %dma_start3A_313 = tpu.memref_slice %arg4[%add3A, %sub3A_305, %dma_start3A_312] : memref<32x79x128xi32, #tpu.memory_space<hbm>> -> memref<1x1x128xi32, #tpu.memory_space<hbm>>
            %dma_start3A_314 = tpu.memref_squeeze %dma_start3A_313 : memref<1x1x128xi32, #tpu.memory_space<hbm>> -> memref<128xi32, #tpu.memory_space<hbm>>
            %dma_start3A_315 = arith.constant 0 : i32
            %dma_start3A_316 = tpu.memref_slice %arg4[%add3A, %sub3A_305, %dma_start3A_315] : memref<32x79x128xi32, #tpu.memory_space<hbm>> -> memref<1x1x128xi32, #tpu.memory_space<hbm>>
            %dma_start3A_317 = tpu.memref_squeeze %dma_start3A_316 : memref<1x1x128xi32, #tpu.memory_space<hbm>> -> memref<128xi32, #tpu.memory_space<hbm>>
            tpu.enqueue_dma source(%dma_start3A_317 : memref<128xi32, #tpu.memory_space<hbm>>) target(%arg18 : memref<128xi32, #tpu.memory_space<vmem>>) target_semaphore(%arg27 : memref<!tpu.dma_semaphore, #tpu.memory_space<semaphore_mem>>)
          } else {
          }
        } else {
        }
      } else {
      }
      %mul3A_214 = arith.constant 6 : i32
      %mul3A_215 = arith.muli %add3A_204, %mul3A_214 : i32
      %add3A_216 = arith.constant 1 : i32
      %add3A_217 = arith.addi %mul3A_215, %add3A_216 : i32
      %lt3A_218 = arith.constant 79 : i32
      %lt3A_219 = arith.cmpi slt, %add3A_217, %lt3A_218 : i32
      %convert_element_type3A_220 = arith.extui %lt3A_219 : i1 to i32
      %cond3A_221 = arith.constant 0 : i32
      %cond3A_222 = arith.cmpi ne, %convert_element_type3A_220, %cond3A_221 : i32
      scf.if %cond3A_222 {
        %dma_wait3A_259 = arith.constant 0 : i32
        %dma_wait3A_260 = arith.constant 0 : i32
        %dma_wait3A_261 = tpu.memref_slice %arg2[%dma_wait3A_259, %dma_wait3A_260] : memref<10000x128xf32, #tpu.memory_space<hbm>> -> memref<10000x128xf32, #tpu.memory_space<hbm>>
        tpu.wait_indirect_dma semaphore(%arg29 : memref<!tpu.dma_semaphore, #tpu.memory_space<semaphore_mem>>) src(%dma_wait3A_261 : memref<10000x128xf32, #tpu.memory_space<hbm>>) dst(%arg20 : memref<128x128xf32, #tpu.memory_space<vmem>>)
        %dma_start3A_262 = arith.constant 0 : i32
        %dma_start3A_263 = arith.constant 0 : i32
        %dma_start3A_264 = tpu.memref_slice %arg6[%dma_start3A_262, %dma_start3A_263] : memref<10016x128xf32, #tpu.memory_space<vmem_shared>> -> memref<10016x128xf32, #tpu.memory_space<vmem_shared>>
        tpu.enqueue_indirect_dma source(%arg20 : memref<128x128xf32, #tpu.memory_space<vmem>>) target(%dma_start3A_264 : memref<10016x128xf32, #tpu.memory_space<vmem_shared>>) offsets(%arg14 : memref<128xi32, #tpu.memory_space<vmem>>) semaphore(%arg32 : memref<!tpu.dma_semaphore, #tpu.memory_space<semaphore_mem>>) {add = true}
        %ge3A = arith.constant 1 : i32
        %ge3A_265 = arith.cmpi sge, %add3A_217, %ge3A : i32
        %add3A_266 = arith.constant 2 : i32
        %add3A_267 = arith.addi %add3A_217, %add3A_266 : i32
        %lt3A_268 = arith.constant 79 : i32
        %lt3A_269 = arith.cmpi slt, %add3A_267, %lt3A_268 : i32
        %and3A = arith.andi %ge3A_265, %lt3A_269 : i1
        %convert_element_type3A_270 = arith.extui %and3A : i1 to i32
        %cond3A_271 = arith.constant 0 : i32
        %cond3A_272 = arith.cmpi ne, %convert_element_type3A_270, %cond3A_271 : i32
        scf.if %cond3A_272 {
          %dma_wait3A_273 = arith.constant 0 : i32
          %dma_wait3A_274 = arith.constant 0 : i32
          %dma_wait3A_275 = tpu.memref_slice %arg6[%dma_wait3A_273, %dma_wait3A_274] : memref<10016x128xf32, #tpu.memory_space<vmem_shared>> -> memref<10016x128xf32, #tpu.memory_space<vmem_shared>>
          tpu.wait_indirect_dma semaphore(%arg31 : memref<!tpu.dma_semaphore, #tpu.memory_space<semaphore_mem>>) src(%arg19 : memref<128x128xf32, #tpu.memory_space<vmem>>) dst(%dma_wait3A_275 : memref<10016x128xf32, #tpu.memory_space<vmem_shared>>)
          %add3A_276 = arith.constant 2 : i32
          %add3A_277 = arith.addi %add3A_217, %add3A_276 : i32
          %dma_wait3A_278 = arith.constant 0 : i32
          %dma_wait3A_279 = tpu.memref_slice %arg3[%add3A, %add3A_277, %dma_wait3A_278] : memref<32x79x128xi32, #tpu.memory_space<hbm>> -> memref<1x1x128xi32, #tpu.memory_space<hbm>>
          %dma_wait3A_280 = tpu.memref_squeeze %dma_wait3A_279 : memref<1x1x128xi32, #tpu.memory_space<hbm>> -> memref<128xi32, #tpu.memory_space<hbm>>
          %dma_wait3A_281 = arith.constant 0 : i32
          %dma_wait3A_282 = tpu.memref_slice %arg3[%add3A, %add3A_277, %dma_wait3A_281] : memref<32x79x128xi32, #tpu.memory_space<hbm>> -> memref<1x1x128xi32, #tpu.memory_space<hbm>>
          %dma_wait3A_283 = tpu.memref_squeeze %dma_wait3A_282 : memref<1x1x128xi32, #tpu.memory_space<hbm>> -> memref<128xi32, #tpu.memory_space<hbm>>
          tpu.wait_dma2 semaphore(%arg25 : memref<!tpu.dma_semaphore, #tpu.memory_space<semaphore_mem>>) src(%dma_wait3A_283 : memref<128xi32, #tpu.memory_space<hbm>>) dst(%arg10 : memref<128xi32, #tpu.memory_space<vmem>>)
          %dma_wait3A_284 = arith.constant 0 : i32
          %dma_wait3A_285 = tpu.memref_slice %arg4[%add3A, %add3A_277, %dma_wait3A_284] : memref<32x79x128xi32, #tpu.memory_space<hbm>> -> memref<1x1x128xi32, #tpu.memory_space<hbm>>
          %dma_wait3A_286 = tpu.memref_squeeze %dma_wait3A_285 : memref<1x1x128xi32, #tpu.memory_space<hbm>> -> memref<128xi32, #tpu.memory_space<hbm>>
          %dma_wait3A_287 = arith.constant 0 : i32
          %dma_wait3A_288 = tpu.memref_slice %arg4[%add3A, %add3A_277, %dma_wait3A_287] : memref<32x79x128xi32, #tpu.memory_space<hbm>> -> memref<1x1x128xi32, #tpu.memory_space<hbm>>
          %dma_wait3A_289 = tpu.memref_squeeze %dma_wait3A_288 : memref<1x1x128xi32, #tpu.memory_space<hbm>> -> memref<128xi32, #tpu.memory_space<hbm>>
          tpu.wait_dma2 semaphore(%arg25 : memref<!tpu.dma_semaphore, #tpu.memory_space<semaphore_mem>>) src(%dma_wait3A_289 : memref<128xi32, #tpu.memory_space<hbm>>) dst(%arg16 : memref<128xi32, #tpu.memory_space<vmem>>)
          %dma_start3A_290 = arith.constant 0 : i32
          %dma_start3A_291 = arith.constant 0 : i32
          %dma_start3A_292 = tpu.memref_slice %arg2[%dma_start3A_290, %dma_start3A_291] : memref<10000x128xf32, #tpu.memory_space<hbm>> -> memref<10000x128xf32, #tpu.memory_space<hbm>>
          tpu.enqueue_indirect_dma source(%dma_start3A_292 : memref<10000x128xf32, #tpu.memory_space<hbm>>) target(%arg19 : memref<128x128xf32, #tpu.memory_space<vmem>>) offsets(%arg10 : memref<128xi32, #tpu.memory_space<vmem>>) semaphore(%arg28 : memref<!tpu.dma_semaphore, #tpu.memory_space<semaphore_mem>>)
          %add3A_293 = arith.constant 6 : i32
          %add3A_294 = arith.addi %add3A_217, %add3A_293 : i32
          %sub3A_295 = arith.constant 1 : i32
          %sub3A_296 = arith.subi %add3A_294, %sub3A_295 : i32
          %lt3A_297 = arith.constant 79 : i32
          %lt3A_298 = arith.cmpi slt, %sub3A_296, %lt3A_297 : i32
          %convert_element_type3A_299 = arith.extui %lt3A_298 : i1 to i32
          %cond3A_300 = arith.constant 0 : i32
          %cond3A_301 = arith.cmpi ne, %convert_element_type3A_299, %cond3A_300 : i32
          scf.if %cond3A_301 {
            %add3A_302 = arith.constant 6 : i32
            %add3A_303 = arith.addi %add3A_217, %add3A_302 : i32
            %sub3A_304 = arith.constant 1 : i32
            %sub3A_305 = arith.subi %add3A_303, %sub3A_304 : i32
            %dma_start3A_306 = arith.constant 0 : i32
            %dma_start3A_307 = tpu.memref_slice %arg3[%add3A, %sub3A_305, %dma_start3A_306] : memref<32x79x128xi32, #tpu.memory_space<hbm>> -> memref<1x1x128xi32, #tpu.memory_space<hbm>>
            %dma_start3A_308 = tpu.memref_squeeze %dma_start3A_307 : memref<1x1x128xi32, #tpu.memory_space<hbm>> -> memref<128xi32, #tpu.memory_space<hbm>>
            %dma_start3A_309 = arith.constant 0 : i32
            %dma_start3A_310 = tpu.memref_slice %arg3[%add3A, %sub3A_305, %dma_start3A_309] : memref<32x79x128xi32, #tpu.memory_space<hbm>> -> memref<1x1x128xi32, #tpu.memory_space<hbm>>
            %dma_start3A_311 = tpu.memref_squeeze %dma_start3A_310 : memref<1x1x128xi32, #tpu.memory_space<hbm>> -> memref<128xi32, #tpu.memory_space<hbm>>
            tpu.enqueue_dma source(%dma_start3A_311 : memref<128xi32, #tpu.memory_space<hbm>>) target(%arg7 : memref<128xi32, #tpu.memory_space<vmem>>) target_semaphore(%arg22 : memref<!tpu.dma_semaphore, #tpu.memory_space<semaphore_mem>>)
            %dma_start3A_312 = arith.constant 0 : i32
            %dma_start3A_313 = tpu.memref_slice %arg4[%add3A, %sub3A_305, %dma_start3A_312] : memref<32x79x128xi32, #tpu.memory_space<hbm>> -> memref<1x1x128xi32, #tpu.memory_space<hbm>>
            %dma_start3A_314 = tpu.memref_squeeze %dma_start3A_313 : memref<1x1x128xi32, #tpu.memory_space<hbm>> -> memref<128xi32, #tpu.memory_space<hbm>>
            %dma_start3A_315 = arith.constant 0 : i32
            %dma_start3A_316 = tpu.memref_slice %arg4[%add3A, %sub3A_305, %dma_start3A_315] : memref<32x79x128xi32, #tpu.memory_space<hbm>> -> memref<1x1x128xi32, #tpu.memory_space<hbm>>
            %dma_start3A_317 = tpu.memref_squeeze %dma_start3A_316 : memref<1x1x128xi32, #tpu.memory_space<hbm>> -> memref<128xi32, #tpu.memory_space<hbm>>
            tpu.enqueue_dma source(%dma_start3A_317 : memref<128xi32, #tpu.memory_space<hbm>>) target(%arg13 : memref<128xi32, #tpu.memory_space<vmem>>) target_semaphore(%arg22 : memref<!tpu.dma_semaphore, #tpu.memory_space<semaphore_mem>>)
          } else {
          }
        } else {
        }
      } else {
      }
      %mul3A_223 = arith.constant 6 : i32
      %mul3A_224 = arith.muli %add3A_204, %mul3A_223 : i32
      %add3A_225 = arith.constant 2 : i32
      %add3A_226 = arith.addi %mul3A_224, %add3A_225 : i32
      %lt3A_227 = arith.constant 79 : i32
      %lt3A_228 = arith.cmpi slt, %add3A_226, %lt3A_227 : i32
      %convert_element_type3A_229 = arith.extui %lt3A_228 : i1 to i32
      %cond3A_230 = arith.constant 0 : i32
      %cond3A_231 = arith.cmpi ne, %convert_element_type3A_229, %cond3A_230 : i32
      scf.if %cond3A_231 {
        %dma_wait3A_259 = arith.constant 0 : i32
        %dma_wait3A_260 = arith.constant 0 : i32
        %dma_wait3A_261 = tpu.memref_slice %arg2[%dma_wait3A_259, %dma_wait3A_260] : memref<10000x128xf32, #tpu.memory_space<hbm>> -> memref<10000x128xf32, #tpu.memory_space<hbm>>
        tpu.wait_indirect_dma semaphore(%arg30 : memref<!tpu.dma_semaphore, #tpu.memory_space<semaphore_mem>>) src(%dma_wait3A_261 : memref<10000x128xf32, #tpu.memory_space<hbm>>) dst(%arg21 : memref<128x128xf32, #tpu.memory_space<vmem>>)
        %dma_start3A_262 = arith.constant 0 : i32
        %dma_start3A_263 = arith.constant 0 : i32
        %dma_start3A_264 = tpu.memref_slice %arg6[%dma_start3A_262, %dma_start3A_263] : memref<10016x128xf32, #tpu.memory_space<vmem_shared>> -> memref<10016x128xf32, #tpu.memory_space<vmem_shared>>
        tpu.enqueue_indirect_dma source(%arg21 : memref<128x128xf32, #tpu.memory_space<vmem>>) target(%dma_start3A_264 : memref<10016x128xf32, #tpu.memory_space<vmem_shared>>) offsets(%arg15 : memref<128xi32, #tpu.memory_space<vmem>>) semaphore(%arg33 : memref<!tpu.dma_semaphore, #tpu.memory_space<semaphore_mem>>) {add = true}
        %ge3A = arith.constant 1 : i32
        %ge3A_265 = arith.cmpi sge, %add3A_226, %ge3A : i32
        %add3A_266 = arith.constant 2 : i32
        %add3A_267 = arith.addi %add3A_226, %add3A_266 : i32
        %lt3A_268 = arith.constant 79 : i32
        %lt3A_269 = arith.cmpi slt, %add3A_267, %lt3A_268 : i32
        %and3A = arith.andi %ge3A_265, %lt3A_269 : i1
        %convert_element_type3A_270 = arith.extui %and3A : i1 to i32
        %cond3A_271 = arith.constant 0 : i32
        %cond3A_272 = arith.cmpi ne, %convert_element_type3A_270, %cond3A_271 : i32
        scf.if %cond3A_272 {
          %dma_wait3A_273 = arith.constant 0 : i32
          %dma_wait3A_274 = arith.constant 0 : i32
          %dma_wait3A_275 = tpu.memref_slice %arg6[%dma_wait3A_273, %dma_wait3A_274] : memref<10016x128xf32, #tpu.memory_space<vmem_shared>> -> memref<10016x128xf32, #tpu.memory_space<vmem_shared>>
          tpu.wait_indirect_dma semaphore(%arg32 : memref<!tpu.dma_semaphore, #tpu.memory_space<semaphore_mem>>) src(%arg20 : memref<128x128xf32, #tpu.memory_space<vmem>>) dst(%dma_wait3A_275 : memref<10016x128xf32, #tpu.memory_space<vmem_shared>>)
          %add3A_276 = arith.constant 2 : i32
          %add3A_277 = arith.addi %add3A_226, %add3A_276 : i32
          %dma_wait3A_278 = arith.constant 0 : i32
          %dma_wait3A_279 = tpu.memref_slice %arg3[%add3A, %add3A_277, %dma_wait3A_278] : memref<32x79x128xi32, #tpu.memory_space<hbm>> -> memref<1x1x128xi32, #tpu.memory_space<hbm>>
          %dma_wait3A_280 = tpu.memref_squeeze %dma_wait3A_279 : memref<1x1x128xi32, #tpu.memory_space<hbm>> -> memref<128xi32, #tpu.memory_space<hbm>>
          %dma_wait3A_281 = arith.constant 0 : i32
          %dma_wait3A_282 = tpu.memref_slice %arg3[%add3A, %add3A_277, %dma_wait3A_281] : memref<32x79x128xi32, #tpu.memory_space<hbm>> -> memref<1x1x128xi32, #tpu.memory_space<hbm>>
          %dma_wait3A_283 = tpu.memref_squeeze %dma_wait3A_282 : memref<1x1x128xi32, #tpu.memory_space<hbm>> -> memref<128xi32, #tpu.memory_space<hbm>>
          tpu.wait_dma2 semaphore(%arg26 : memref<!tpu.dma_semaphore, #tpu.memory_space<semaphore_mem>>) src(%dma_wait3A_283 : memref<128xi32, #tpu.memory_space<hbm>>) dst(%arg11 : memref<128xi32, #tpu.memory_space<vmem>>)
          %dma_wait3A_284 = arith.constant 0 : i32
          %dma_wait3A_285 = tpu.memref_slice %arg4[%add3A, %add3A_277, %dma_wait3A_284] : memref<32x79x128xi32, #tpu.memory_space<hbm>> -> memref<1x1x128xi32, #tpu.memory_space<hbm>>
          %dma_wait3A_286 = tpu.memref_squeeze %dma_wait3A_285 : memref<1x1x128xi32, #tpu.memory_space<hbm>> -> memref<128xi32, #tpu.memory_space<hbm>>
          %dma_wait3A_287 = arith.constant 0 : i32
          %dma_wait3A_288 = tpu.memref_slice %arg4[%add3A, %add3A_277, %dma_wait3A_287] : memref<32x79x128xi32, #tpu.memory_space<hbm>> -> memref<1x1x128xi32, #tpu.memory_space<hbm>>
          %dma_wait3A_289 = tpu.memref_squeeze %dma_wait3A_288 : memref<1x1x128xi32, #tpu.memory_space<hbm>> -> memref<128xi32, #tpu.memory_space<hbm>>
          tpu.wait_dma2 semaphore(%arg26 : memref<!tpu.dma_semaphore, #tpu.memory_space<semaphore_mem>>) src(%dma_wait3A_289 : memref<128xi32, #tpu.memory_space<hbm>>) dst(%arg17 : memref<128xi32, #tpu.memory_space<vmem>>)
          %dma_start3A_290 = arith.constant 0 : i32
          %dma_start3A_291 = arith.constant 0 : i32
          %dma_start3A_292 = tpu.memref_slice %arg2[%dma_start3A_290, %dma_start3A_291] : memref<10000x128xf32, #tpu.memory_space<hbm>> -> memref<10000x128xf32, #tpu.memory_space<hbm>>
          tpu.enqueue_indirect_dma source(%dma_start3A_292 : memref<10000x128xf32, #tpu.memory_space<hbm>>) target(%arg20 : memref<128x128xf32, #tpu.memory_space<vmem>>) offsets(%arg11 : memref<128xi32, #tpu.memory_space<vmem>>) semaphore(%arg29 : memref<!tpu.dma_semaphore, #tpu.memory_space<semaphore_mem>>)
          %add3A_293 = arith.constant 6 : i32
          %add3A_294 = arith.addi %add3A_226, %add3A_293 : i32
          %sub3A_295 = arith.constant 1 : i32
          %sub3A_296 = arith.subi %add3A_294, %sub3A_295 : i32
          %lt3A_297 = arith.constant 79 : i32
          %lt3A_298 = arith.cmpi slt, %sub3A_296, %lt3A_297 : i32
          %convert_element_type3A_299 = arith.extui %lt3A_298 : i1 to i32
          %cond3A_300 = arith.constant 0 : i32
          %cond3A_301 = arith.cmpi ne, %convert_element_type3A_299, %cond3A_300 : i32
          scf.if %cond3A_301 {
            %add3A_302 = arith.constant 6 : i32
            %add3A_303 = arith.addi %add3A_226, %add3A_302 : i32
            %sub3A_304 = arith.constant 1 : i32
            %sub3A_305 = arith.subi %add3A_303, %sub3A_304 : i32
            %dma_start3A_306 = arith.constant 0 : i32
            %dma_start3A_307 = tpu.memref_slice %arg3[%add3A, %sub3A_305, %dma_start3A_306] : memref<32x79x128xi32, #tpu.memory_space<hbm>> -> memref<1x1x128xi32, #tpu.memory_space<hbm>>
            %dma_start3A_308 = tpu.memref_squeeze %dma_start3A_307 : memref<1x1x128xi32, #tpu.memory_space<hbm>> -> memref<128xi32, #tpu.memory_space<hbm>>
            %dma_start3A_309 = arith.constant 0 : i32
            %dma_start3A_310 = tpu.memref_slice %arg3[%add3A, %sub3A_305, %dma_start3A_309] : memref<32x79x128xi32, #tpu.memory_space<hbm>> -> memref<1x1x128xi32, #tpu.memory_space<hbm>>
            %dma_start3A_311 = tpu.memref_squeeze %dma_start3A_310 : memref<1x1x128xi32, #tpu.memory_space<hbm>> -> memref<128xi32, #tpu.memory_space<hbm>>
            tpu.enqueue_dma source(%dma_start3A_311 : memref<128xi32, #tpu.memory_space<hbm>>) target(%arg8 : memref<128xi32, #tpu.memory_space<vmem>>) target_semaphore(%arg23 : memref<!tpu.dma_semaphore, #tpu.memory_space<semaphore_mem>>)
            %dma_start3A_312 = arith.constant 0 : i32
            %dma_start3A_313 = tpu.memref_slice %arg4[%add3A, %sub3A_305, %dma_start3A_312] : memref<32x79x128xi32, #tpu.memory_space<hbm>> -> memref<1x1x128xi32, #tpu.memory_space<hbm>>
            %dma_start3A_314 = tpu.memref_squeeze %dma_start3A_313 : memref<1x1x128xi32, #tpu.memory_space<hbm>> -> memref<128xi32, #tpu.memory_space<hbm>>
            %dma_start3A_315 = arith.constant 0 : i32
            %dma_start3A_316 = tpu.memref_slice %arg4[%add3A, %sub3A_305, %dma_start3A_315] : memref<32x79x128xi32, #tpu.memory_space<hbm>> -> memref<1x1x128xi32, #tpu.memory_space<hbm>>
            %dma_start3A_317 = tpu.memref_squeeze %dma_start3A_316 : memref<1x1x128xi32, #tpu.memory_space<hbm>> -> memref<128xi32, #tpu.memory_space<hbm>>
            tpu.enqueue_dma source(%dma_start3A_317 : memref<128xi32, #tpu.memory_space<hbm>>) target(%arg14 : memref<128xi32, #tpu.memory_space<vmem>>) target_semaphore(%arg23 : memref<!tpu.dma_semaphore, #tpu.memory_space<semaphore_mem>>)
          } else {
          }
        } else {
        }
      } else {
      }
      %mul3A_232 = arith.constant 6 : i32
      %mul3A_233 = arith.muli %add3A_204, %mul3A_232 : i32
      %add3A_234 = arith.constant 3 : i32
      %add3A_235 = arith.addi %mul3A_233, %add3A_234 : i32
      %lt3A_236 = arith.constant 79 : i32
      %lt3A_237 = arith.cmpi slt, %add3A_235, %lt3A_236 : i32
      %convert_element_type3A_238 = arith.extui %lt3A_237 : i1 to i32
      %cond3A_239 = arith.constant 0 : i32
      %cond3A_240 = arith.cmpi ne, %convert_element_type3A_238, %cond3A_239 : i32
      scf.if %cond3A_240 {
        %dma_wait3A_259 = arith.constant 0 : i32
        %dma_wait3A_260 = arith.constant 0 : i32
        %dma_wait3A_261 = tpu.memref_slice %arg2[%dma_wait3A_259, %dma_wait3A_260] : memref<10000x128xf32, #tpu.memory_space<hbm>> -> memref<10000x128xf32, #tpu.memory_space<hbm>>
        tpu.wait_indirect_dma semaphore(%arg28 : memref<!tpu.dma_semaphore, #tpu.memory_space<semaphore_mem>>) src(%dma_wait3A_261 : memref<10000x128xf32, #tpu.memory_space<hbm>>) dst(%arg19 : memref<128x128xf32, #tpu.memory_space<vmem>>)
        %dma_start3A_262 = arith.constant 0 : i32
        %dma_start3A_263 = arith.constant 0 : i32
        %dma_start3A_264 = tpu.memref_slice %arg6[%dma_start3A_262, %dma_start3A_263] : memref<10016x128xf32, #tpu.memory_space<vmem_shared>> -> memref<10016x128xf32, #tpu.memory_space<vmem_shared>>
        tpu.enqueue_indirect_dma source(%arg19 : memref<128x128xf32, #tpu.memory_space<vmem>>) target(%dma_start3A_264 : memref<10016x128xf32, #tpu.memory_space<vmem_shared>>) offsets(%arg16 : memref<128xi32, #tpu.memory_space<vmem>>) semaphore(%arg31 : memref<!tpu.dma_semaphore, #tpu.memory_space<semaphore_mem>>) {add = true}
        %ge3A = arith.constant 1 : i32
        %ge3A_265 = arith.cmpi sge, %add3A_235, %ge3A : i32
        %add3A_266 = arith.constant 2 : i32
        %add3A_267 = arith.addi %add3A_235, %add3A_266 : i32
        %lt3A_268 = arith.constant 79 : i32
        %lt3A_269 = arith.cmpi slt, %add3A_267, %lt3A_268 : i32
        %and3A = arith.andi %ge3A_265, %lt3A_269 : i1
        %convert_element_type3A_270 = arith.extui %and3A : i1 to i32
        %cond3A_271 = arith.constant 0 : i32
        %cond3A_272 = arith.cmpi ne, %convert_element_type3A_270, %cond3A_271 : i32
        scf.if %cond3A_272 {
          %dma_wait3A_273 = arith.constant 0 : i32
          %dma_wait3A_274 = arith.constant 0 : i32
          %dma_wait3A_275 = tpu.memref_slice %arg6[%dma_wait3A_273, %dma_wait3A_274] : memref<10016x128xf32, #tpu.memory_space<vmem_shared>> -> memref<10016x128xf32, #tpu.memory_space<vmem_shared>>
          tpu.wait_indirect_dma semaphore(%arg33 : memref<!tpu.dma_semaphore, #tpu.memory_space<semaphore_mem>>) src(%arg21 : memref<128x128xf32, #tpu.memory_space<vmem>>) dst(%dma_wait3A_275 : memref<10016x128xf32, #tpu.memory_space<vmem_shared>>)
          %add3A_276 = arith.constant 2 : i32
          %add3A_277 = arith.addi %add3A_235, %add3A_276 : i32
          %dma_wait3A_278 = arith.constant 0 : i32
          %dma_wait3A_279 = tpu.memref_slice %arg3[%add3A, %add3A_277, %dma_wait3A_278] : memref<32x79x128xi32, #tpu.memory_space<hbm>> -> memref<1x1x128xi32, #tpu.memory_space<hbm>>
          %dma_wait3A_280 = tpu.memref_squeeze %dma_wait3A_279 : memref<1x1x128xi32, #tpu.memory_space<hbm>> -> memref<128xi32, #tpu.memory_space<hbm>>
          %dma_wait3A_281 = arith.constant 0 : i32
          %dma_wait3A_282 = tpu.memref_slice %arg3[%add3A, %add3A_277, %dma_wait3A_281] : memref<32x79x128xi32, #tpu.memory_space<hbm>> -> memref<1x1x128xi32, #tpu.memory_space<hbm>>
          %dma_wait3A_283 = tpu.memref_squeeze %dma_wait3A_282 : memref<1x1x128xi32, #tpu.memory_space<hbm>> -> memref<128xi32, #tpu.memory_space<hbm>>
          tpu.wait_dma2 semaphore(%arg27 : memref<!tpu.dma_semaphore, #tpu.memory_space<semaphore_mem>>) src(%dma_wait3A_283 : memref<128xi32, #tpu.memory_space<hbm>>) dst(%arg12 : memref<128xi32, #tpu.memory_space<vmem>>)
          %dma_wait3A_284 = arith.constant 0 : i32
          %dma_wait3A_285 = tpu.memref_slice %arg4[%add3A, %add3A_277, %dma_wait3A_284] : memref<32x79x128xi32, #tpu.memory_space<hbm>> -> memref<1x1x128xi32, #tpu.memory_space<hbm>>
          %dma_wait3A_286 = tpu.memref_squeeze %dma_wait3A_285 : memref<1x1x128xi32, #tpu.memory_space<hbm>> -> memref<128xi32, #tpu.memory_space<hbm>>
          %dma_wait3A_287 = arith.constant 0 : i32
          %dma_wait3A_288 = tpu.memref_slice %arg4[%add3A, %add3A_277, %dma_wait3A_287] : memref<32x79x128xi32, #tpu.memory_space<hbm>> -> memref<1x1x128xi32, #tpu.memory_space<hbm>>
          %dma_wait3A_289 = tpu.memref_squeeze %dma_wait3A_288 : memref<1x1x128xi32, #tpu.memory_space<hbm>> -> memref<128xi32, #tpu.memory_space<hbm>>
          tpu.wait_dma2 semaphore(%arg27 : memref<!tpu.dma_semaphore, #tpu.memory_space<semaphore_mem>>) src(%dma_wait3A_289 : memref<128xi32, #tpu.memory_space<hbm>>) dst(%arg18 : memref<128xi32, #tpu.memory_space<vmem>>)
          %dma_start3A_290 = arith.constant 0 : i32
          %dma_start3A_291 = arith.constant 0 : i32
          %dma_start3A_292 = tpu.memref_slice %arg2[%dma_start3A_290, %dma_start3A_291] : memref<10000x128xf32, #tpu.memory_space<hbm>> -> memref<10000x128xf32, #tpu.memory_space<hbm>>
          tpu.enqueue_indirect_dma source(%dma_start3A_292 : memref<10000x128xf32, #tpu.memory_space<hbm>>) target(%arg21 : memref<128x128xf32, #tpu.memory_space<vmem>>) offsets(%arg12 : memref<128xi32, #tpu.memory_space<vmem>>) semaphore(%arg30 : memref<!tpu.dma_semaphore, #tpu.memory_space<semaphore_mem>>)
          %add3A_293 = arith.constant 6 : i32
          %add3A_294 = arith.addi %add3A_235, %add3A_293 : i32
          %sub3A_295 = arith.constant 1 : i32
          %sub3A_296 = arith.subi %add3A_294, %sub3A_295 : i32
          %lt3A_297 = arith.constant 79 : i32
          %lt3A_298 = arith.cmpi slt, %sub3A_296, %lt3A_297 : i32
          %convert_element_type3A_299 = arith.extui %lt3A_298 : i1 to i32
          %cond3A_300 = arith.constant 0 : i32
          %cond3A_301 = arith.cmpi ne, %convert_element_type3A_299, %cond3A_300 : i32
          scf.if %cond3A_301 {
            %add3A_302 = arith.constant 6 : i32
            %add3A_303 = arith.addi %add3A_235, %add3A_302 : i32
            %sub3A_304 = arith.constant 1 : i32
            %sub3A_305 = arith.subi %add3A_303, %sub3A_304 : i32
            %dma_start3A_306 = arith.constant 0 : i32
            %dma_start3A_307 = tpu.memref_slice %arg3[%add3A, %sub3A_305, %dma_start3A_306] : memref<32x79x128xi32, #tpu.memory_space<hbm>> -> memref<1x1x128xi32, #tpu.memory_space<hbm>>
            %dma_start3A_308 = tpu.memref_squeeze %dma_start3A_307 : memref<1x1x128xi32, #tpu.memory_space<hbm>> -> memref<128xi32, #tpu.memory_space<hbm>>
            %dma_start3A_309 = arith.constant 0 : i32
            %dma_start3A_310 = tpu.memref_slice %arg3[%add3A, %sub3A_305, %dma_start3A_309] : memref<32x79x128xi32, #tpu.memory_space<hbm>> -> memref<1x1x128xi32, #tpu.memory_space<hbm>>
            %dma_start3A_311 = tpu.memref_squeeze %dma_start3A_310 : memref<1x1x128xi32, #tpu.memory_space<hbm>> -> memref<128xi32, #tpu.memory_space<hbm>>
            tpu.enqueue_dma source(%dma_start3A_311 : memref<128xi32, #tpu.memory_space<hbm>>) target(%arg9 : memref<128xi32, #tpu.memory_space<vmem>>) target_semaphore(%arg24 : memref<!tpu.dma_semaphore, #tpu.memory_space<semaphore_mem>>)
            %dma_start3A_312 = arith.constant 0 : i32
            %dma_start3A_313 = tpu.memref_slice %arg4[%add3A, %sub3A_305, %dma_start3A_312] : memref<32x79x128xi32, #tpu.memory_space<hbm>> -> memref<1x1x128xi32, #tpu.memory_space<hbm>>
            %dma_start3A_314 = tpu.memref_squeeze %dma_start3A_313 : memref<1x1x128xi32, #tpu.memory_space<hbm>> -> memref<128xi32, #tpu.memory_space<hbm>>
            %dma_start3A_315 = arith.constant 0 : i32
            %dma_start3A_316 = tpu.memref_slice %arg4[%add3A, %sub3A_305, %dma_start3A_315] : memref<32x79x128xi32, #tpu.memory_space<hbm>> -> memref<1x1x128xi32, #tpu.memory_space<hbm>>
            %dma_start3A_317 = tpu.memref_squeeze %dma_start3A_316 : memref<1x1x128xi32, #tpu.memory_space<hbm>> -> memref<128xi32, #tpu.memory_space<hbm>>
            tpu.enqueue_dma source(%dma_start3A_317 : memref<128xi32, #tpu.memory_space<hbm>>) target(%arg15 : memref<128xi32, #tpu.memory_space<vmem>>) target_semaphore(%arg24 : memref<!tpu.dma_semaphore, #tpu.memory_space<semaphore_mem>>)
          } else {
          }
        } else {
        }
      } else {
      }
      %mul3A_241 = arith.constant 6 : i32
      %mul3A_242 = arith.muli %add3A_204, %mul3A_241 : i32
      %add3A_243 = arith.constant 4 : i32
      %add3A_244 = arith.addi %mul3A_242, %add3A_243 : i32
      %lt3A_245 = arith.constant 79 : i32
      %lt3A_246 = arith.cmpi slt, %add3A_244, %lt3A_245 : i32
      %convert_element_type3A_247 = arith.extui %lt3A_246 : i1 to i32
      %cond3A_248 = arith.constant 0 : i32
      %cond3A_249 = arith.cmpi ne, %convert_element_type3A_247, %cond3A_248 : i32
      scf.if %cond3A_249 {
        %dma_wait3A_259 = arith.constant 0 : i32
        %dma_wait3A_260 = arith.constant 0 : i32
        %dma_wait3A_261 = tpu.memref_slice %arg2[%dma_wait3A_259, %dma_wait3A_260] : memref<10000x128xf32, #tpu.memory_space<hbm>> -> memref<10000x128xf32, #tpu.memory_space<hbm>>
        tpu.wait_indirect_dma semaphore(%arg29 : memref<!tpu.dma_semaphore, #tpu.memory_space<semaphore_mem>>) src(%dma_wait3A_261 : memref<10000x128xf32, #tpu.memory_space<hbm>>) dst(%arg20 : memref<128x128xf32, #tpu.memory_space<vmem>>)
        %dma_start3A_262 = arith.constant 0 : i32
        %dma_start3A_263 = arith.constant 0 : i32
        %dma_start3A_264 = tpu.memref_slice %arg6[%dma_start3A_262, %dma_start3A_263] : memref<10016x128xf32, #tpu.memory_space<vmem_shared>> -> memref<10016x128xf32, #tpu.memory_space<vmem_shared>>
        tpu.enqueue_indirect_dma source(%arg20 : memref<128x128xf32, #tpu.memory_space<vmem>>) target(%dma_start3A_264 : memref<10016x128xf32, #tpu.memory_space<vmem_shared>>) offsets(%arg17 : memref<128xi32, #tpu.memory_space<vmem>>) semaphore(%arg32 : memref<!tpu.dma_semaphore, #tpu.memory_space<semaphore_mem>>) {add = true}
        %ge3A = arith.constant 1 : i32
        %ge3A_265 = arith.cmpi sge, %add3A_244, %ge3A : i32
        %add3A_266 = arith.constant 2 : i32
        %add3A_267 = arith.addi %add3A_244, %add3A_266 : i32
        %lt3A_268 = arith.constant 79 : i32
        %lt3A_269 = arith.cmpi slt, %add3A_267, %lt3A_268 : i32
        %and3A = arith.andi %ge3A_265, %lt3A_269 : i1
        %convert_element_type3A_270 = arith.extui %and3A : i1 to i32
        %cond3A_271 = arith.constant 0 : i32
        %cond3A_272 = arith.cmpi ne, %convert_element_type3A_270, %cond3A_271 : i32
        scf.if %cond3A_272 {
          %dma_wait3A_273 = arith.constant 0 : i32
          %dma_wait3A_274 = arith.constant 0 : i32
          %dma_wait3A_275 = tpu.memref_slice %arg6[%dma_wait3A_273, %dma_wait3A_274] : memref<10016x128xf32, #tpu.memory_space<vmem_shared>> -> memref<10016x128xf32, #tpu.memory_space<vmem_shared>>
          tpu.wait_indirect_dma semaphore(%arg31 : memref<!tpu.dma_semaphore, #tpu.memory_space<semaphore_mem>>) src(%arg19 : memref<128x128xf32, #tpu.memory_space<vmem>>) dst(%dma_wait3A_275 : memref<10016x128xf32, #tpu.memory_space<vmem_shared>>)
          %add3A_276 = arith.constant 2 : i32
          %add3A_277 = arith.addi %add3A_244, %add3A_276 : i32
          %dma_wait3A_278 = arith.constant 0 : i32
          %dma_wait3A_279 = tpu.memref_slice %arg3[%add3A, %add3A_277, %dma_wait3A_278] : memref<32x79x128xi32, #tpu.memory_space<hbm>> -> memref<1x1x128xi32, #tpu.memory_space<hbm>>
          %dma_wait3A_280 = tpu.memref_squeeze %dma_wait3A_279 : memref<1x1x128xi32, #tpu.memory_space<hbm>> -> memref<128xi32, #tpu.memory_space<hbm>>
          %dma_wait3A_281 = arith.constant 0 : i32
          %dma_wait3A_282 = tpu.memref_slice %arg3[%add3A, %add3A_277, %dma_wait3A_281] : memref<32x79x128xi32, #tpu.memory_space<hbm>> -> memref<1x1x128xi32, #tpu.memory_space<hbm>>
          %dma_wait3A_283 = tpu.memref_squeeze %dma_wait3A_282 : memref<1x1x128xi32, #tpu.memory_space<hbm>> -> memref<128xi32, #tpu.memory_space<hbm>>
          tpu.wait_dma2 semaphore(%arg22 : memref<!tpu.dma_semaphore, #tpu.memory_space<semaphore_mem>>) src(%dma_wait3A_283 : memref<128xi32, #tpu.memory_space<hbm>>) dst(%arg7 : memref<128xi32, #tpu.memory_space<vmem>>)
          %dma_wait3A_284 = arith.constant 0 : i32
          %dma_wait3A_285 = tpu.memref_slice %arg4[%add3A, %add3A_277, %dma_wait3A_284] : memref<32x79x128xi32, #tpu.memory_space<hbm>> -> memref<1x1x128xi32, #tpu.memory_space<hbm>>
          %dma_wait3A_286 = tpu.memref_squeeze %dma_wait3A_285 : memref<1x1x128xi32, #tpu.memory_space<hbm>> -> memref<128xi32, #tpu.memory_space<hbm>>
          %dma_wait3A_287 = arith.constant 0 : i32
          %dma_wait3A_288 = tpu.memref_slice %arg4[%add3A, %add3A_277, %dma_wait3A_287] : memref<32x79x128xi32, #tpu.memory_space<hbm>> -> memref<1x1x128xi32, #tpu.memory_space<hbm>>
          %dma_wait3A_289 = tpu.memref_squeeze %dma_wait3A_288 : memref<1x1x128xi32, #tpu.memory_space<hbm>> -> memref<128xi32, #tpu.memory_space<hbm>>
          tpu.wait_dma2 semaphore(%arg22 : memref<!tpu.dma_semaphore, #tpu.memory_space<semaphore_mem>>) src(%dma_wait3A_289 : memref<128xi32, #tpu.memory_space<hbm>>) dst(%arg13 : memref<128xi32, #tpu.memory_space<vmem>>)
          %dma_start3A_290 = arith.constant 0 : i32
          %dma_start3A_291 = arith.constant 0 : i32
          %dma_start3A_292 = tpu.memref_slice %arg2[%dma_start3A_290, %dma_start3A_291] : memref<10000x128xf32, #tpu.memory_space<hbm>> -> memref<10000x128xf32, #tpu.memory_space<hbm>>
          tpu.enqueue_indirect_dma source(%dma_start3A_292 : memref<10000x128xf32, #tpu.memory_space<hbm>>) target(%arg19 : memref<128x128xf32, #tpu.memory_space<vmem>>) offsets(%arg7 : memref<128xi32, #tpu.memory_space<vmem>>) semaphore(%arg28 : memref<!tpu.dma_semaphore, #tpu.memory_space<semaphore_mem>>)
          %add3A_293 = arith.constant 6 : i32
          %add3A_294 = arith.addi %add3A_244, %add3A_293 : i32
          %sub3A_295 = arith.constant 1 : i32
          %sub3A_296 = arith.subi %add3A_294, %sub3A_295 : i32
          %lt3A_297 = arith.constant 79 : i32
          %lt3A_298 = arith.cmpi slt, %sub3A_296, %lt3A_297 : i32
          %convert_element_type3A_299 = arith.extui %lt3A_298 : i1 to i32
          %cond3A_300 = arith.constant 0 : i32
          %cond3A_301 = arith.cmpi ne, %convert_element_type3A_299, %cond3A_300 : i32
          scf.if %cond3A_301 {
            %add3A_302 = arith.constant 6 : i32
            %add3A_303 = arith.addi %add3A_244, %add3A_302 : i32
            %sub3A_304 = arith.constant 1 : i32
            %sub3A_305 = arith.subi %add3A_303, %sub3A_304 : i32
            %dma_start3A_306 = arith.constant 0 : i32
            %dma_start3A_307 = tpu.memref_slice %arg3[%add3A, %sub3A_305, %dma_start3A_306] : memref<32x79x128xi32, #tpu.memory_space<hbm>> -> memref<1x1x128xi32, #tpu.memory_space<hbm>>
            %dma_start3A_308 = tpu.memref_squeeze %dma_start3A_307 : memref<1x1x128xi32, #tpu.memory_space<hbm>> -> memref<128xi32, #tpu.memory_space<hbm>>
            %dma_start3A_309 = arith.constant 0 : i32
            %dma_start3A_310 = tpu.memref_slice %arg3[%add3A, %sub3A_305, %dma_start3A_309] : memref<32x79x128xi32, #tpu.memory_space<hbm>> -> memref<1x1x128xi32, #tpu.memory_space<hbm>>
            %dma_start3A_311 = tpu.memref_squeeze %dma_start3A_310 : memref<1x1x128xi32, #tpu.memory_space<hbm>> -> memref<128xi32, #tpu.memory_space<hbm>>
            tpu.enqueue_dma source(%dma_start3A_311 : memref<128xi32, #tpu.memory_space<hbm>>) target(%arg10 : memref<128xi32, #tpu.memory_space<vmem>>) target_semaphore(%arg25 : memref<!tpu.dma_semaphore, #tpu.memory_space<semaphore_mem>>)
            %dma_start3A_312 = arith.constant 0 : i32
            %dma_start3A_313 = tpu.memref_slice %arg4[%add3A, %sub3A_305, %dma_start3A_312] : memref<32x79x128xi32, #tpu.memory_space<hbm>> -> memref<1x1x128xi32, #tpu.memory_space<hbm>>
            %dma_start3A_314 = tpu.memref_squeeze %dma_start3A_313 : memref<1x1x128xi32, #tpu.memory_space<hbm>> -> memref<128xi32, #tpu.memory_space<hbm>>
            %dma_start3A_315 = arith.constant 0 : i32
            %dma_start3A_316 = tpu.memref_slice %arg4[%add3A, %sub3A_305, %dma_start3A_315] : memref<32x79x128xi32, #tpu.memory_space<hbm>> -> memref<1x1x128xi32, #tpu.memory_space<hbm>>
            %dma_start3A_317 = tpu.memref_squeeze %dma_start3A_316 : memref<1x1x128xi32, #tpu.memory_space<hbm>> -> memref<128xi32, #tpu.memory_space<hbm>>
            tpu.enqueue_dma source(%dma_start3A_317 : memref<128xi32, #tpu.memory_space<hbm>>) target(%arg16 : memref<128xi32, #tpu.memory_space<vmem>>) target_semaphore(%arg25 : memref<!tpu.dma_semaphore, #tpu.memory_space<semaphore_mem>>)
          } else {
          }
        } else {
        }
      } else {
      }
      %mul3A_250 = arith.constant 6 : i32
      %mul3A_251 = arith.muli %add3A_204, %mul3A_250 : i32
      %add3A_252 = arith.constant 5 : i32
      %add3A_253 = arith.addi %mul3A_251, %add3A_252 : i32
      %lt3A_254 = arith.constant 79 : i32
      %lt3A_255 = arith.cmpi slt, %add3A_253, %lt3A_254 : i32
      %convert_element_type3A_256 = arith.extui %lt3A_255 : i1 to i32
      %cond3A_257 = arith.constant 0 : i32
      %cond3A_258 = arith.cmpi ne, %convert_element_type3A_256, %cond3A_257 : i32
      scf.if %cond3A_258 {
        %dma_wait3A_259 = arith.constant 0 : i32
        %dma_wait3A_260 = arith.constant 0 : i32
        %dma_wait3A_261 = tpu.memref_slice %arg2[%dma_wait3A_259, %dma_wait3A_260] : memref<10000x128xf32, #tpu.memory_space<hbm>> -> memref<10000x128xf32, #tpu.memory_space<hbm>>
        tpu.wait_indirect_dma semaphore(%arg30 : memref<!tpu.dma_semaphore, #tpu.memory_space<semaphore_mem>>) src(%dma_wait3A_261 : memref<10000x128xf32, #tpu.memory_space<hbm>>) dst(%arg21 : memref<128x128xf32, #tpu.memory_space<vmem>>)
        %dma_start3A_262 = arith.constant 0 : i32
        %dma_start3A_263 = arith.constant 0 : i32
        %dma_start3A_264 = tpu.memref_slice %arg6[%dma_start3A_262, %dma_start3A_263] : memref<10016x128xf32, #tpu.memory_space<vmem_shared>> -> memref<10016x128xf32, #tpu.memory_space<vmem_shared>>
        tpu.enqueue_indirect_dma source(%arg21 : memref<128x128xf32, #tpu.memory_space<vmem>>) target(%dma_start3A_264 : memref<10016x128xf32, #tpu.memory_space<vmem_shared>>) offsets(%arg18 : memref<128xi32, #tpu.memory_space<vmem>>) semaphore(%arg33 : memref<!tpu.dma_semaphore, #tpu.memory_space<semaphore_mem>>) {add = true}
        %ge3A = arith.constant 1 : i32
        %ge3A_265 = arith.cmpi sge, %add3A_253, %ge3A : i32
        %add3A_266 = arith.constant 2 : i32
        %add3A_267 = arith.addi %add3A_253, %add3A_266 : i32
        %lt3A_268 = arith.constant 79 : i32
        %lt3A_269 = arith.cmpi slt, %add3A_267, %lt3A_268 : i32
        %and3A = arith.andi %ge3A_265, %lt3A_269 : i1
        %convert_element_type3A_270 = arith.extui %and3A : i1 to i32
        %cond3A_271 = arith.constant 0 : i32
        %cond3A_272 = arith.cmpi ne, %convert_element_type3A_270, %cond3A_271 : i32
        scf.if %cond3A_272 {
          %dma_wait3A_273 = arith.constant 0 : i32
          %dma_wait3A_274 = arith.constant 0 : i32
          %dma_wait3A_275 = tpu.memref_slice %arg6[%dma_wait3A_273, %dma_wait3A_274] : memref<10016x128xf32, #tpu.memory_space<vmem_shared>> -> memref<10016x128xf32, #tpu.memory_space<vmem_shared>>
          tpu.wait_indirect_dma semaphore(%arg32 : memref<!tpu.dma_semaphore, #tpu.memory_space<semaphore_mem>>) src(%arg20 : memref<128x128xf32, #tpu.memory_space<vmem>>) dst(%dma_wait3A_275 : memref<10016x128xf32, #tpu.memory_space<vmem_shared>>)
          %add3A_276 = arith.constant 2 : i32
          %add3A_277 = arith.addi %add3A_253, %add3A_276 : i32
          %dma_wait3A_278 = arith.constant 0 : i32
          %dma_wait3A_279 = tpu.memref_slice %arg3[%add3A, %add3A_277, %dma_wait3A_278] : memref<32x79x128xi32, #tpu.memory_space<hbm>> -> memref<1x1x128xi32, #tpu.memory_space<hbm>>
          %dma_wait3A_280 = tpu.memref_squeeze %dma_wait3A_279 : memref<1x1x128xi32, #tpu.memory_space<hbm>> -> memref<128xi32, #tpu.memory_space<hbm>>
          %dma_wait3A_281 = arith.constant 0 : i32
          %dma_wait3A_282 = tpu.memref_slice %arg3[%add3A, %add3A_277, %dma_wait3A_281] : memref<32x79x128xi32, #tpu.memory_space<hbm>> -> memref<1x1x128xi32, #tpu.memory_space<hbm>>
          %dma_wait3A_283 = tpu.memref_squeeze %dma_wait3A_282 : memref<1x1x128xi32, #tpu.memory_space<hbm>> -> memref<128xi32, #tpu.memory_space<hbm>>
          tpu.wait_dma2 semaphore(%arg23 : memref<!tpu.dma_semaphore, #tpu.memory_space<semaphore_mem>>) src(%dma_wait3A_283 : memref<128xi32, #tpu.memory_space<hbm>>) dst(%arg8 : memref<128xi32, #tpu.memory_space<vmem>>)
          %dma_wait3A_284 = arith.constant 0 : i32
          %dma_wait3A_285 = tpu.memref_slice %arg4[%add3A, %add3A_277, %dma_wait3A_284] : memref<32x79x128xi32, #tpu.memory_space<hbm>> -> memref<1x1x128xi32, #tpu.memory_space<hbm>>
          %dma_wait3A_286 = tpu.memref_squeeze %dma_wait3A_285 : memref<1x1x128xi32, #tpu.memory_space<hbm>> -> memref<128xi32, #tpu.memory_space<hbm>>
          %dma_wait3A_287 = arith.constant 0 : i32
          %dma_wait3A_288 = tpu.memref_slice %arg4[%add3A, %add3A_277, %dma_wait3A_287] : memref<32x79x128xi32, #tpu.memory_space<hbm>> -> memref<1x1x128xi32, #tpu.memory_space<hbm>>
          %dma_wait3A_289 = tpu.memref_squeeze %dma_wait3A_288 : memref<1x1x128xi32, #tpu.memory_space<hbm>> -> memref<128xi32, #tpu.memory_space<hbm>>
          tpu.wait_dma2 semaphore(%arg23 : memref<!tpu.dma_semaphore, #tpu.memory_space<semaphore_mem>>) src(%dma_wait3A_289 : memref<128xi32, #tpu.memory_space<hbm>>) dst(%arg14 : memref<128xi32, #tpu.memory_space<vmem>>)
          %dma_start3A_290 = arith.constant 0 : i32
          %dma_start3A_291 = arith.constant 0 : i32
          %dma_start3A_292 = tpu.memref_slice %arg2[%dma_start3A_290, %dma_start3A_291] : memref<10000x128xf32, #tpu.memory_space<hbm>> -> memref<10000x128xf32, #tpu.memory_space<hbm>>
          tpu.enqueue_indirect_dma source(%dma_start3A_292 : memref<10000x128xf32, #tpu.memory_space<hbm>>) target(%arg20 : memref<128x128xf32, #tpu.memory_space<vmem>>) offsets(%arg8 : memref<128xi32, #tpu.memory_space<vmem>>) semaphore(%arg29 : memref<!tpu.dma_semaphore, #tpu.memory_space<semaphore_mem>>)
          %add3A_293 = arith.constant 6 : i32
          %add3A_294 = arith.addi %add3A_253, %add3A_293 : i32
          %sub3A_295 = arith.constant 1 : i32
          %sub3A_296 = arith.subi %add3A_294, %sub3A_295 : i32
          %lt3A_297 = arith.constant 79 : i32
          %lt3A_298 = arith.cmpi slt, %sub3A_296, %lt3A_297 : i32
          %convert_element_type3A_299 = arith.extui %lt3A_298 : i1 to i32
          %cond3A_300 = arith.constant 0 : i32
          %cond3A_301 = arith.cmpi ne, %convert_element_type3A_299, %cond3A_300 : i32
          scf.if %cond3A_301 {
            %add3A_302 = arith.constant 6 : i32
            %add3A_303 = arith.addi %add3A_253, %add3A_302 : i32
            %sub3A_304 = arith.constant 1 : i32
            %sub3A_305 = arith.subi %add3A_303, %sub3A_304 : i32
            %dma_start3A_306 = arith.constant 0 : i32
            %dma_start3A_307 = tpu.memref_slice %arg3[%add3A, %sub3A_305, %dma_start3A_306] : memref<32x79x128xi32, #tpu.memory_space<hbm>> -> memref<1x1x128xi32, #tpu.memory_space<hbm>>
            %dma_start3A_308 = tpu.memref_squeeze %dma_start3A_307 : memref<1x1x128xi32, #tpu.memory_space<hbm>> -> memref<128xi32, #tpu.memory_space<hbm>>
            %dma_start3A_309 = arith.constant 0 : i32
            %dma_start3A_310 = tpu.memref_slice %arg3[%add3A, %sub3A_305, %dma_start3A_309] : memref<32x79x128xi32, #tpu.memory_space<hbm>> -> memref<1x1x128xi32, #tpu.memory_space<hbm>>
            %dma_start3A_311 = tpu.memref_squeeze %dma_start3A_310 : memref<1x1x128xi32, #tpu.memory_space<hbm>> -> memref<128xi32, #tpu.memory_space<hbm>>
            tpu.enqueue_dma source(%dma_start3A_311 : memref<128xi32, #tpu.memory_space<hbm>>) target(%arg11 : memref<128xi32, #tpu.memory_space<vmem>>) target_semaphore(%arg26 : memref<!tpu.dma_semaphore, #tpu.memory_space<semaphore_mem>>)
            %dma_start3A_312 = arith.constant 0 : i32
            %dma_start3A_313 = tpu.memref_slice %arg4[%add3A, %sub3A_305, %dma_start3A_312] : memref<32x79x128xi32, #tpu.memory_space<hbm>> -> memref<1x1x128xi32, #tpu.memory_space<hbm>>
            %dma_start3A_314 = tpu.memref_squeeze %dma_start3A_313 : memref<1x1x128xi32, #tpu.memory_space<hbm>> -> memref<128xi32, #tpu.memory_space<hbm>>
            %dma_start3A_315 = arith.constant 0 : i32
            %dma_start3A_316 = tpu.memref_slice %arg4[%add3A, %sub3A_305, %dma_start3A_315] : memref<32x79x128xi32, #tpu.memory_space<hbm>> -> memref<1x1x128xi32, #tpu.memory_space<hbm>>
            %dma_start3A_317 = tpu.memref_squeeze %dma_start3A_316 : memref<1x1x128xi32, #tpu.memory_space<hbm>> -> memref<128xi32, #tpu.memory_space<hbm>>
            tpu.enqueue_dma source(%dma_start3A_317 : memref<128xi32, #tpu.memory_space<hbm>>) target(%arg17 : memref<128xi32, #tpu.memory_space<vmem>>) target_semaphore(%arg26 : memref<!tpu.dma_semaphore, #tpu.memory_space<semaphore_mem>>)
          } else {
          }
        } else {
        }
      } else {
      }
    }
    %scan3A_165 = arith.constant 14 : i32
    %dma_wait3A_166 = arith.constant 0 : i32
    %dma_wait3A_167 = arith.constant 0 : i32
    %dma_wait3A_168 = tpu.memref_slice %arg6[%dma_wait3A_166, %dma_wait3A_167] : memref<10016x128xf32, #tpu.memory_space<vmem_shared>> -> memref<10016x128xf32, #tpu.memory_space<vmem_shared>>
    tpu.wait_indirect_dma semaphore(%arg31 : memref<!tpu.dma_semaphore, #tpu.memory_space<semaphore_mem>>) src(%arg19 : memref<128x128xf32, #tpu.memory_space<vmem>>) dst(%dma_wait3A_168 : memref<10016x128xf32, #tpu.memory_space<vmem_shared>>)
    %dma_wait3A_169 = arith.constant 0 : i32
    %dma_wait3A_170 = arith.constant 0 : i32
    %dma_wait3A_171 = tpu.memref_slice %arg6[%dma_wait3A_169, %dma_wait3A_170] : memref<10016x128xf32, #tpu.memory_space<vmem_shared>> -> memref<10016x128xf32, #tpu.memory_space<vmem_shared>>
    tpu.wait_indirect_dma semaphore(%arg33 : memref<!tpu.dma_semaphore, #tpu.memory_space<semaphore_mem>>) src(%arg21 : memref<128x128xf32, #tpu.memory_space<vmem>>) dst(%dma_wait3A_171 : memref<10016x128xf32, #tpu.memory_space<vmem_shared>>)
    %dma_wait3A_172 = arith.constant 0 : i32
    %dma_wait3A_173 = arith.constant 0 : i32
    %dma_wait3A_174 = tpu.memref_slice %arg6[%dma_wait3A_172, %dma_wait3A_173] : memref<10016x128xf32, #tpu.memory_space<vmem_shared>> -> memref<10016x128xf32, #tpu.memory_space<vmem_shared>>
    tpu.wait_indirect_dma semaphore(%arg32 : memref<!tpu.dma_semaphore, #tpu.memory_space<semaphore_mem>>) src(%arg20 : memref<128x128xf32, #tpu.memory_space<vmem>>) dst(%dma_wait3A_174 : memref<10016x128xf32, #tpu.memory_space<vmem_shared>>)
    %barrier3A_175 = arith.constant 0 : index
    tpu.barrier barrier_id(%barrier3A_175)
    %sub3A_176 = arith.constant 0 : i32
    %sub3A_177 = arith.subi %select_n3A, %sub3A_176 : i32
    %sub3A_178 = arith.constant 1 : i32
    %sub3A_179 = arith.constant 1 : i32
    %sub3A_180 = arith.subi %sub3A_178, %sub3A_179 : i32
    %add3A_181 = arith.addi %sub3A_177, %sub3A_180 : i32
    %div3A_182 = arith.constant 1 : i32
    %div3A_183 = arith.divsi %add3A_181, %div3A_182 : i32
    %while3A_184 = arith.constant 1 : i32
    %while3A_185 = arith.constant 0 : i32
    %while3A_186 = arith.constant 0 : i32
    %while3A_187 = arith.subi %div3A_183, %while3A_186 : i32
    %while3A_188 = arith.addi %while3A_186, %while3A_187 : i32
    %while3A_189 = arith.constant 1 : i32
    %while3A_190 = arith.divsi %while3A_187, %while3A_189 : i32
    %while3A_191 = arith.muli %while3A_190, %while3A_189 : i32
    %while3A_192 = arith.addi %while3A_186, %while3A_191 : i32
    %while3A_193 = arith.constant 1 : i32
    scf.for %while3A_200 = %while3A_186 to %while3A_192 step %while3A_193  : i32 {
      %mul3A_201 = arith.muli %while3A_200, %while3A_184 : i32
      %add3A_202 = arith.addi %while3A_185, %mul3A_201 : i32
      %mul3A_203 = arith.constant 128 : i32
      %mul3A_204 = arith.muli %add3A_202, %mul3A_203 : i32
      %add3A_205 = arith.addi %mul3A_2, %mul3A_204 : i32
      "tpu.region"() ({
        %run_scoped3A = tpu.sem_alloc : memref<!tpu.dma_semaphore, #tpu.memory_space<semaphore_mem>>
        %dma_start3A_209 = arith.constant 0 : i32
        %dma_start3A_210 = tpu.memref_slice %arg6[%add3A_205, %dma_start3A_209] : memref<10016x128xf32, #tpu.memory_space<vmem_shared>> -> memref<128x128xf32, #tpu.memory_space<vmem_shared>>
        %dma_start3A_211 = arith.constant 0 : i32
        %dma_start3A_212 = tpu.memref_slice %arg6[%add3A_205, %dma_start3A_211] : memref<10016x128xf32, #tpu.memory_space<vmem_shared>> -> memref<128x128xf32, #tpu.memory_space<vmem_shared>>
        tpu.enqueue_dma source(%dma_start3A_212 : memref<128x128xf32, #tpu.memory_space<vmem_shared>>) target(%arg19 : memref<128x128xf32, #tpu.memory_space<vmem>>) target_semaphore(%run_scoped3A : memref<!tpu.dma_semaphore, #tpu.memory_space<semaphore_mem>>)
        %dma_wait3A_213 = arith.constant 0 : i32
        %dma_wait3A_214 = tpu.memref_slice %arg6[%add3A_205, %dma_wait3A_213] : memref<10016x128xf32, #tpu.memory_space<vmem_shared>> -> memref<128x128xf32, #tpu.memory_space<vmem_shared>>
        %dma_wait3A_215 = arith.constant 0 : i32
        %dma_wait3A_216 = tpu.memref_slice %arg6[%add3A_205, %dma_wait3A_215] : memref<10016x128xf32, #tpu.memory_space<vmem_shared>> -> memref<128x128xf32, #tpu.memory_space<vmem_shared>>
        tpu.wait_dma2 semaphore(%run_scoped3A : memref<!tpu.dma_semaphore, #tpu.memory_space<semaphore_mem>>) src(%dma_wait3A_216 : memref<128x128xf32, #tpu.memory_space<vmem_shared>>) dst(%arg19 : memref<128x128xf32, #tpu.memory_space<vmem>>)
        tpu.yield
      }) : () -> ()
      %mul3A_206 = arith.constant 128 : i32
      %mul3A_207 = arith.muli %add3A_202, %mul3A_206 : i32
      %add3A_208 = arith.addi %mul3A_2, %mul3A_207 : i32
      "tpu.region"() ({
        %run_scoped3A = tpu.sem_alloc : memref<!tpu.dma_semaphore, #tpu.memory_space<semaphore_mem>>
        %dma_start3A_209 = arith.constant 0 : i32
        %dma_start3A_210 = tpu.memref_slice %arg5[%arg0, %add3A_208, %dma_start3A_209] : memref<2x10000x128xf32, #tpu.memory_space<hbm>> -> memref<1x128x128xf32, #tpu.memory_space<hbm>>
        %dma_start3A_211 = tpu.memref_squeeze %dma_start3A_210 : memref<1x128x128xf32, #tpu.memory_space<hbm>> -> memref<128x128xf32, #tpu.memory_space<hbm>>
        %dma_start3A_212 = arith.constant 0 : i32
        %dma_start3A_213 = tpu.memref_slice %arg5[%arg0, %add3A_208, %dma_start3A_212] : memref<2x10000x128xf32, #tpu.memory_space<hbm>> -> memref<1x128x128xf32, #tpu.memory_space<hbm>>
        %dma_start3A_214 = tpu.memref_squeeze %dma_start3A_213 : memref<1x128x128xf32, #tpu.memory_space<hbm>> -> memref<128x128xf32, #tpu.memory_space<hbm>>
        tpu.enqueue_dma source(%arg19 : memref<128x128xf32, #tpu.memory_space<vmem>>) target(%dma_start3A_214 : memref<128x128xf32, #tpu.memory_space<hbm>>) target_semaphore(%run_scoped3A : memref<!tpu.dma_semaphore, #tpu.memory_space<semaphore_mem>>)
        %dma_wait3A_215 = arith.constant 0 : i32
        %dma_wait3A_216 = tpu.memref_slice %arg5[%arg0, %add3A_208, %dma_wait3A_215] : memref<2x10000x128xf32, #tpu.memory_space<hbm>> -> memref<1x128x128xf32, #tpu.memory_space<hbm>>
        %dma_wait3A_217 = tpu.memref_squeeze %dma_wait3A_216 : memref<1x128x128xf32, #tpu.memory_space<hbm>> -> memref<128x128xf32, #tpu.memory_space<hbm>>
        %dma_wait3A_218 = arith.constant 0 : i32
        %dma_wait3A_219 = tpu.memref_slice %arg5[%arg0, %add3A_208, %dma_wait3A_218] : memref<2x10000x128xf32, #tpu.memory_space<hbm>> -> memref<1x128x128xf32, #tpu.memory_space<hbm>>
        %dma_wait3A_220 = tpu.memref_squeeze %dma_wait3A_219 : memref<1x128x128xf32, #tpu.memory_space<hbm>> -> memref<128x128xf32, #tpu.memory_space<hbm>>
        tpu.wait_dma2 semaphore(%run_scoped3A : memref<!tpu.dma_semaphore, #tpu.memory_space<semaphore_mem>>) src(%arg19 : memref<128x128xf32, #tpu.memory_space<vmem>>) dst(%dma_wait3A_220 : memref<128x128xf32, #tpu.memory_space<hbm>>)
        tpu.yield
      }) : () -> ()
    }
    %while3A_194 = arith.constant 1 : i32
    scf.for %while3A_200 = %while3A_192 to %while3A_188 step %while3A_194  : i32 {
      %mul3A_201 = arith.muli %while3A_200, %while3A_184 : i32
      %add3A_202 = arith.addi %while3A_185, %mul3A_201 : i32
      %mul3A_203 = arith.constant 128 : i32
      %mul3A_204 = arith.muli %add3A_202, %mul3A_203 : i32
      %add3A_205 = arith.addi %mul3A_2, %mul3A_204 : i32
      "tpu.region"() ({
        %run_scoped3A = tpu.sem_alloc : memref<!tpu.dma_semaphore, #tpu.memory_space<semaphore_mem>>
        %dma_start3A_209 = arith.constant 0 : i32
        %dma_start3A_210 = tpu.memref_slice %arg6[%add3A_205, %dma_start3A_209] : memref<10016x128xf32, #tpu.memory_space<vmem_shared>> -> memref<128x128xf32, #tpu.memory_space<vmem_shared>>
        %dma_start3A_211 = arith.constant 0 : i32
        %dma_start3A_212 = tpu.memref_slice %arg6[%add3A_205, %dma_start3A_211] : memref<10016x128xf32, #tpu.memory_space<vmem_shared>> -> memref<128x128xf32, #tpu.memory_space<vmem_shared>>
        tpu.enqueue_dma source(%dma_start3A_212 : memref<128x128xf32, #tpu.memory_space<vmem_shared>>) target(%arg19 : memref<128x128xf32, #tpu.memory_space<vmem>>) target_semaphore(%run_scoped3A : memref<!tpu.dma_semaphore, #tpu.memory_space<semaphore_mem>>)
        %dma_wait3A_213 = arith.constant 0 : i32
        %dma_wait3A_214 = tpu.memref_slice %arg6[%add3A_205, %dma_wait3A_213] : memref<10016x128xf32, #tpu.memory_space<vmem_shared>> -> memref<128x128xf32, #tpu.memory_space<vmem_shared>>
        %dma_wait3A_215 = arith.constant 0 : i32
        %dma_wait3A_216 = tpu.memref_slice %arg6[%add3A_205, %dma_wait3A_215] : memref<10016x128xf32, #tpu.memory_space<vmem_shared>> -> memref<128x128xf32, #tpu.memory_space<vmem_shared>>
        tpu.wait_dma2 semaphore(%run_scoped3A : memref<!tpu.dma_semaphore, #tpu.memory_space<semaphore_mem>>) src(%dma_wait3A_216 : memref<128x128xf32, #tpu.memory_space<vmem_shared>>) dst(%arg19 : memref<128x128xf32, #tpu.memory_space<vmem>>)
        tpu.yield
      }) : () -> ()
      %mul3A_206 = arith.constant 128 : i32
      %mul3A_207 = arith.muli %add3A_202, %mul3A_206 : i32
      %add3A_208 = arith.addi %mul3A_2, %mul3A_207 : i32
      "tpu.region"() ({
        %run_scoped3A = tpu.sem_alloc : memref<!tpu.dma_semaphore, #tpu.memory_space<semaphore_mem>>
        %dma_start3A_209 = arith.constant 0 : i32
        %dma_start3A_210 = tpu.memref_slice %arg5[%arg0, %add3A_208, %dma_start3A_209] : memref<2x10000x128xf32, #tpu.memory_space<hbm>> -> memref<1x128x128xf32, #tpu.memory_space<hbm>>
        %dma_start3A_211 = tpu.memref_squeeze %dma_start3A_210 : memref<1x128x128xf32, #tpu.memory_space<hbm>> -> memref<128x128xf32, #tpu.memory_space<hbm>>
        %dma_start3A_212 = arith.constant 0 : i32
        %dma_start3A_213 = tpu.memref_slice %arg5[%arg0, %add3A_208, %dma_start3A_212] : memref<2x10000x128xf32, #tpu.memory_space<hbm>> -> memref<1x128x128xf32, #tpu.memory_space<hbm>>
        %dma_start3A_214 = tpu.memref_squeeze %dma_start3A_213 : memref<1x128x128xf32, #tpu.memory_space<hbm>> -> memref<128x128xf32, #tpu.memory_space<hbm>>
        tpu.enqueue_dma source(%arg19 : memref<128x128xf32, #tpu.memory_space<vmem>>) target(%dma_start3A_214 : memref<128x128xf32, #tpu.memory_space<hbm>>) target_semaphore(%run_scoped3A : memref<!tpu.dma_semaphore, #tpu.memory_space<semaphore_mem>>)
        %dma_wait3A_215 = arith.constant 0 : i32
        %dma_wait3A_216 = tpu.memref_slice %arg5[%arg0, %add3A_208, %dma_wait3A_215] : memref<2x10000x128xf32, #tpu.memory_space<hbm>> -> memref<1x128x128xf32, #tpu.memory_space<hbm>>
        %dma_wait3A_217 = tpu.memref_squeeze %dma_wait3A_216 : memref<1x128x128xf32, #tpu.memory_space<hbm>> -> memref<128x128xf32, #tpu.memory_space<hbm>>
        %dma_wait3A_218 = arith.constant 0 : i32
        %dma_wait3A_219 = tpu.memref_slice %arg5[%arg0, %add3A_208, %dma_wait3A_218] : memref<2x10000x128xf32, #tpu.memory_space<hbm>> -> memref<1x128x128xf32, #tpu.memory_space<hbm>>
        %dma_wait3A_220 = tpu.memref_squeeze %dma_wait3A_219 : memref<1x128x128xf32, #tpu.memory_space<hbm>> -> memref<128x128xf32, #tpu.memory_space<hbm>>
        tpu.wait_dma2 semaphore(%run_scoped3A : memref<!tpu.dma_semaphore, #tpu.memory_space<semaphore_mem>>) src(%arg19 : memref<128x128xf32, #tpu.memory_space<vmem>>) dst(%dma_wait3A_220 : memref<128x128xf32, #tpu.memory_space<hbm>>)
        tpu.yield
      }) : () -> ()
    }
    %eq3A_195 = arith.constant 15 : i32
    %eq3A_196 = arith.cmpi eq, %arg1, %eq3A_195 : i32
    %convert_element_type3A_197 = arith.extui %eq3A_196 : i1 to i32
    %cond3A_198 = arith.constant 0 : i32
    %cond3A_199 = arith.cmpi ne, %convert_element_type3A_197, %cond3A_198 : i32
    scf.if %cond3A_199 {
      %add3A_200 = arith.constant 384 : i32
      %add3A_201 = arith.addi %mul3A_2, %add3A_200 : i32
      "tpu.region"() ({
        %run_scoped3A = tpu.sem_alloc : memref<!tpu.dma_semaphore, #tpu.memory_space<semaphore_mem>>
        %dma_start3A_204 = arith.constant 0 : i32
        %dma_start3A_205 = arith.constant 0 : i32
        %dma_start3A_206 = tpu.memref_slice %arg19[%dma_start3A_204, %dma_start3A_205] : memref<128x128xf32, #tpu.memory_space<vmem>> -> memref<16x128xf32, #tpu.memory_space<vmem>>
        %dma_start3A_207 = arith.constant 0 : i32
        %dma_start3A_208 = tpu.memref_slice %arg6[%add3A_201, %dma_start3A_207] : memref<10016x128xf32, #tpu.memory_space<vmem_shared>> -> memref<16x128xf32, #tpu.memory_space<vmem_shared>>
        %dma_start3A_209 = arith.constant 0 : i32
        %dma_start3A_210 = arith.constant 0 : i32
        %dma_start3A_211 = tpu.memref_slice %arg19[%dma_start3A_209, %dma_start3A_210] : memref<128x128xf32, #tpu.memory_space<vmem>> -> memref<16x128xf32, #tpu.memory_space<vmem>>
        %dma_start3A_212 = arith.constant 0 : i32
        %dma_start3A_213 = tpu.memref_slice %arg6[%add3A_201, %dma_start3A_212] : memref<10016x128xf32, #tpu.memory_space<vmem_shared>> -> memref<16x128xf32, #tpu.memory_space<vmem_shared>>
        tpu.enqueue_dma source(%dma_start3A_213 : memref<16x128xf32, #tpu.memory_space<vmem_shared>>) target(%dma_start3A_211 : memref<16x128xf32, #tpu.memory_space<vmem>>) target_semaphore(%run_scoped3A : memref<!tpu.dma_semaphore, #tpu.memory_space<semaphore_mem>>)
        %dma_wait3A_214 = arith.constant 0 : i32
        %dma_wait3A_215 = arith.constant 0 : i32
        %dma_wait3A_216 = tpu.memref_slice %arg19[%dma_wait3A_214, %dma_wait3A_215] : memref<128x128xf32, #tpu.memory_space<vmem>> -> memref<16x128xf32, #tpu.memory_space<vmem>>
        %dma_wait3A_217 = arith.constant 0 : i32
        %dma_wait3A_218 = tpu.memref_slice %arg6[%add3A_201, %dma_wait3A_217] : memref<10016x128xf32, #tpu.memory_space<vmem_shared>> -> memref<16x128xf32, #tpu.memory_space<vmem_shared>>
        %dma_wait3A_219 = arith.constant 0 : i32
        %dma_wait3A_220 = arith.constant 0 : i32
        %dma_wait3A_221 = tpu.memref_slice %arg19[%dma_wait3A_219, %dma_wait3A_220] : memref<128x128xf32, #tpu.memory_space<vmem>> -> memref<16x128xf32, #tpu.memory_space<vmem>>
        %dma_wait3A_222 = arith.constant 0 : i32
        %dma_wait3A_223 = tpu.memref_slice %arg6[%add3A_201, %dma_wait3A_222] : memref<10016x128xf32, #tpu.memory_space<vmem_shared>> -> memref<16x128xf32, #tpu.memory_space<vmem_shared>>
        tpu.wait_dma2 semaphore(%run_scoped3A : memref<!tpu.dma_semaphore, #tpu.memory_space<semaphore_mem>>) src(%dma_wait3A_223 : memref<16x128xf32, #tpu.memory_space<vmem_shared>>) dst(%dma_wait3A_221 : memref<16x128xf32, #tpu.memory_space<vmem>>)
        tpu.yield
      }) : () -> ()
      %add3A_202 = arith.constant 384 : i32
      %add3A_203 = arith.addi %mul3A_2, %add3A_202 : i32
      "tpu.region"() ({
        %run_scoped3A = tpu.sem_alloc : memref<!tpu.dma_semaphore, #tpu.memory_space<semaphore_mem>>
        %dma_start3A_204 = arith.constant 0 : i32
        %dma_start3A_205 = arith.constant 0 : i32
        %dma_start3A_206 = tpu.memref_slice %arg19[%dma_start3A_204, %dma_start3A_205] : memref<128x128xf32, #tpu.memory_space<vmem>> -> memref<16x128xf32, #tpu.memory_space<vmem>>
        %dma_start3A_207 = arith.constant 0 : i32
        %dma_start3A_208 = tpu.memref_slice %arg5[%arg0, %add3A_203, %dma_start3A_207] : memref<2x10000x128xf32, #tpu.memory_space<hbm>> -> memref<1x16x128xf32, #tpu.memory_space<hbm>>
        %dma_start3A_209 = tpu.memref_squeeze %dma_start3A_208 : memref<1x16x128xf32, #tpu.memory_space<hbm>> -> memref<16x128xf32, #tpu.memory_space<hbm>>
        %dma_start3A_210 = arith.constant 0 : i32
        %dma_start3A_211 = tpu.memref_slice %arg5[%arg0, %add3A_203, %dma_start3A_210] : memref<2x10000x128xf32, #tpu.memory_space<hbm>> -> memref<1x16x128xf32, #tpu.memory_space<hbm>>
        %dma_start3A_212 = tpu.memref_squeeze %dma_start3A_211 : memref<1x16x128xf32, #tpu.memory_space<hbm>> -> memref<16x128xf32, #tpu.memory_space<hbm>>
        %dma_start3A_213 = arith.constant 0 : i32
        %dma_start3A_214 = arith.constant 0 : i32
        %dma_start3A_215 = tpu.memref_slice %arg19[%dma_start3A_213, %dma_start3A_214] : memref<128x128xf32, #tpu.memory_space<vmem>> -> memref<16x128xf32, #tpu.memory_space<vmem>>
        tpu.enqueue_dma source(%dma_start3A_215 : memref<16x128xf32, #tpu.memory_space<vmem>>) target(%dma_start3A_212 : memref<16x128xf32, #tpu.memory_space<hbm>>) target_semaphore(%run_scoped3A : memref<!tpu.dma_semaphore, #tpu.memory_space<semaphore_mem>>)
        %dma_wait3A_216 = arith.constant 0 : i32
        %dma_wait3A_217 = arith.constant 0 : i32
        %dma_wait3A_218 = tpu.memref_slice %arg19[%dma_wait3A_216, %dma_wait3A_217] : memref<128x128xf32, #tpu.memory_space<vmem>> -> memref<16x128xf32, #tpu.memory_space<vmem>>
        %dma_wait3A_219 = arith.constant 0 : i32
        %dma_wait3A_220 = tpu.memref_slice %arg5[%arg0, %add3A_203, %dma_wait3A_219] : memref<2x10000x128xf32, #tpu.memory_space<hbm>> -> memref<1x16x128xf32, #tpu.memory_space<hbm>>
        %dma_wait3A_221 = tpu.memref_squeeze %dma_wait3A_220 : memref<1x16x128xf32, #tpu.memory_space<hbm>> -> memref<16x128xf32, #tpu.memory_space<hbm>>
        %dma_wait3A_222 = arith.constant 0 : i32
        %dma_wait3A_223 = tpu.memref_slice %arg5[%arg0, %add3A_203, %dma_wait3A_222] : memref<2x10000x128xf32, #tpu.memory_space<hbm>> -> memref<1x16x128xf32, #tpu.memory_space<hbm>>
        %dma_wait3A_224 = tpu.memref_squeeze %dma_wait3A_223 : memref<1x16x128xf32, #tpu.memory_space<hbm>> -> memref<16x128xf32, #tpu.memory_space<hbm>>
        %dma_wait3A_225 = arith.constant 0 : i32
        %dma_wait3A_226 = arith.constant 0 : i32
        %dma_wait3A_227 = tpu.memref_slice %arg19[%dma_wait3A_225, %dma_wait3A_226] : memref<128x128xf32, #tpu.memory_space<vmem>> -> memref<16x128xf32, #tpu.memory_space<vmem>>
        tpu.wait_dma2 semaphore(%run_scoped3A : memref<!tpu.dma_semaphore, #tpu.memory_space<semaphore_mem>>) src(%dma_wait3A_227 : memref<16x128xf32, #tpu.memory_space<vmem>>) dst(%dma_wait3A_224 : memref<16x128xf32, #tpu.memory_space<hbm>>)
        tpu.yield
      }) : () -> ()
    } else {
    }
    return
  }
}

#map = affine_map<(d0, d1) -> (0, 0)>
#map1 = affine_map<(d0, d1) -> (0, 0, 0)>
module attributes {stable_mosaic.version = 14 : i64} {
  func.func @scatter_kernel(%arg0: i32, %arg1: i32, %arg2: memref<10000x128xf32, #tpu.memory_space<hbm>>, %arg3: memref<32x79x128xi32, #tpu.memory_space<hbm>>, %arg4: memref<32x79x128xi32, #tpu.memory_space<hbm>>, %arg5: memref<2x10000x128xf32, #tpu.memory_space<hbm>>, %arg6: memref<10016x128xf32, #tpu.memory_space<vmem_shared>>, %arg7: memref<128xi32, #tpu.memory_space<vmem>>, %arg8: memref<128xi32, #tpu.memory_space<vmem>>, %arg9: memref<128xi32, #tpu.memory_space<vmem>>, %arg10: memref<128xi32, #tpu.memory_space<vmem>>, %arg11: memref<128xi32, #tpu.memory_space<vmem>>, %arg12: memref<128xi32, #tpu.memory_space<vmem>>, %arg13: memref<128xi32, #tpu.memory_space<vmem>>, %arg14: memref<128xi32, #tpu.memory_space<vmem>>, %arg15: memref<128xi32, #tpu.memory_space<vmem>>, %arg16: memref<128xi32, #tpu.memory_space<vmem>>, %arg17: memref<128xi32, #tpu.memory_space<vmem>>, %arg18: memref<128xi32, #tpu.memory_space<vmem>>, %arg19: memref<128x128xf32, #tpu.memory_space<vmem>>, %arg20: memref<128x128xf32, #tpu.memory_space<vmem>>, %arg21: memref<128x128xf32, #tpu.memory_space<vmem>>, %arg22: memref<!tpu.dma_semaphore, #tpu.memory_space<semaphore_mem>>, %arg23: memref<!tpu.dma_semaphore, #tpu.memory_space<semaphore_mem>>, %arg24: memref<!tpu.dma_semaphore, #tpu.memory_space<semaphore_mem>>, %arg25: memref<!tpu.dma_semaphore, #tpu.memory_space<semaphore_mem>>, %arg26: memref<!tpu.dma_semaphore, #tpu.memory_space<semaphore_mem>>, %arg27: memref<!tpu.dma_semaphore, #tpu.memory_space<semaphore_mem>>, %arg28: memref<!tpu.dma_semaphore, #tpu.memory_space<semaphore_mem>>, %arg29: memref<!tpu.dma_semaphore, #tpu.memory_space<semaphore_mem>>, %arg30: memref<!tpu.dma_semaphore, #tpu.memory_space<semaphore_mem>>, %arg31: memref<!tpu.dma_semaphore, #tpu.memory_space<semaphore_mem>>, %arg32: memref<!tpu.dma_semaphore, #tpu.memory_space<semaphore_mem>>, %arg33: memref<!tpu.dma_semaphore, #tpu.memory_space<semaphore_mem>>) attributes {dimension_semantics = [#tpu.dimension_semantics<core_parallel>, #tpu.dimension_semantics<subcore_parallel>], iteration_bounds = array<i64: 2, 16>, scalar_prefetch = 0 : i64, scratch_operands = 28 : i64, tpu.core_type = #tpu.core_type<sc_vector_subcore>, window_params = [{transform_indices = #map}, {transform_indices = #map1}, {transform_indices = #map1}, {transform_indices = #map1}]} {
    %mul3A = arith.constant 2 : i32
    %mul3A_0 = arith.muli %arg1, %mul3A : i32
    %add3A = arith.addi %mul3A_0, %arg0 : i32
    %mul3A_1 = arith.constant 640 : i32
    %mul3A_2 = arith.muli %arg1, %mul3A_1 : i32
    %broadcast_in_dim3A = arith.constant 0.000000e+00 : f32
    %broadcast_in_dim3A_3 = vector.broadcast %broadcast_in_dim3A : f32 to vector<16xf32>
    %scan3A = arith.constant 0 : i32
    %scan3A_4 = arith.constant 128 : i32
    %scan3A_5 = arith.addi %scan3A, %scan3A_4 : i32
    %scan3A_6 = arith.constant 1 : i32
    scf.for %scan3A_200 = %scan3A to %scan3A_5 step %scan3A_6  : i32 {
      %mul3A_201 = arith.constant 1 : i32
      %mul3A_202 = arith.muli %scan3A_200, %mul3A_201 : i32
      %add3A_203 = arith.constant 0 : i32
      %add3A_204 = arith.addi %add3A_203, %mul3A_202 : i32
      %swap3A = arith.index_cast %add3A_204 : i32 to index
      %swap3A_205 = arith.constant 0 : index
      %swap3A_206 = tpu.vector_load %arg19[%swap3A, %swap3A_205] {strides = array<i32>} : memref<128x128xf32, #tpu.memory_space<vmem>>, vector<1x16xf32>,
      %swap3A_207 = vector.shape_cast %swap3A_206 : vector<1x16xf32> to vector<16xf32>
      %swap3A_208 = vector.shape_cast %broadcast_in_dim3A_3 : vector<16xf32> to vector<1x16xf32>
      tpu.vector_store %arg19[%swap3A, %swap3A_205], %swap3A_208 {strides = array<i32>} : memref<128x128xf32, #tpu.memory_space<vmem>>, vector<1x16xf32>,
      %swap3A_209 = arith.index_cast %add3A_204 : i32 to index
      %swap3A_210 = arith.constant 16 : index
      %swap3A_211 = tpu.vector_load %arg19[%swap3A_209, %swap3A_210] {strides = array<i32>} : memref<128x128xf32, #tpu.memory_space<vmem>>, vector<1x16xf32>,
      %swap3A_212 = vector.shape_cast %swap3A_211 : vector<1x16xf32> to vector<16xf32>
      %swap3A_213 = vector.shape_cast %broadcast_in_dim3A_3 : vector<16xf32> to vector<1x16xf32>
      tpu.vector_store %arg19[%swap3A_209, %swap3A_210], %swap3A_213 {strides = array<i32>} : memref<128x128xf32, #tpu.memory_space<vmem>>, vector<1x16xf32>,
      %swap3A_214 = arith.index_cast %add3A_204 : i32 to index
      %swap3A_215 = arith.constant 32 : index
      %swap3A_216 = tpu.vector_load %arg19[%swap3A_214, %swap3A_215] {strides = array<i32>} : memref<128x128xf32, #tpu.memory_space<vmem>>, vector<1x16xf32>,
      %swap3A_217 = vector.shape_cast %swap3A_216 : vector<1x16xf32> to vector<16xf32>
      %swap3A_218 = vector.shape_cast %broadcast_in_dim3A_3 : vector<16xf32> to vector<1x16xf32>
      tpu.vector_store %arg19[%swap3A_214, %swap3A_215], %swap3A_218 {strides = array<i32>} : memref<128x128xf32, #tpu.memory_space<vmem>>, vector<1x16xf32>,
      %swap3A_219 = arith.index_cast %add3A_204 : i32 to index
      %swap3A_220 = arith.constant 48 : index
      %swap3A_221 = tpu.vector_load %arg19[%swap3A_219, %swap3A_220] {strides = array<i32>} : memref<128x128xf32, #tpu.memory_space<vmem>>, vector<1x16xf32>,
      %swap3A_222 = vector.shape_cast %swap3A_221 : vector<1x16xf32> to vector<16xf32>
      %swap3A_223 = vector.shape_cast %broadcast_in_dim3A_3 : vector<16xf32> to vector<1x16xf32>
      tpu.vector_store %arg19[%swap3A_219, %swap3A_220], %swap3A_223 {strides = array<i32>} : memref<128x128xf32, #tpu.memory_space<vmem>>, vector<1x16xf32>,
      %swap3A_224 = arith.index_cast %add3A_204 : i32 to index
      %swap3A_225 = arith.constant 64 : index
      %swap3A_226 = tpu.vector_load %arg19[%swap3A_224, %swap3A_225] {strides = array<i32>} : memref<128x128xf32, #tpu.memory_space<vmem>>, vector<1x16xf32>,
      %swap3A_227 = vector.shape_cast %swap3A_226 : vector<1x16xf32> to vector<16xf32>
      %swap3A_228 = vector.shape_cast %broadcast_in_dim3A_3 : vector<16xf32> to vector<1x16xf32>
      tpu.vector_store %arg19[%swap3A_224, %swap3A_225], %swap3A_228 {strides = array<i32>} : memref<128x128xf32, #tpu.memory_space<vmem>>, vector<1x16xf32>,
      %swap3A_229 = arith.index_cast %add3A_204 : i32 to index
      %swap3A_230 = arith.constant 80 : index
      %swap3A_231 = tpu.vector_load %arg19[%swap3A_229, %swap3A_230] {strides = array<i32>} : memref<128x128xf32, #tpu.memory_space<vmem>>, vector<1x16xf32>,
      %swap3A_232 = vector.shape_cast %swap3A_231 : vector<1x16xf32> to vector<16xf32>
      %swap3A_233 = vector.shape_cast %broadcast_in_dim3A_3 : vector<16xf32> to vector<1x16xf32>
      tpu.vector_store %arg19[%swap3A_229, %swap3A_230], %swap3A_233 {strides = array<i32>} : memref<128x128xf32, #tpu.memory_space<vmem>>, vector<1x16xf32>,
      %swap3A_234 = arith.index_cast %add3A_204 : i32 to index
      %swap3A_235 = arith.constant 96 : index
      %swap3A_236 = tpu.vector_load %arg19[%swap3A_234, %swap3A_235] {strides = array<i32>} : memref<128x128xf32, #tpu.memory_space<vmem>>, vector<1x16xf32>,
      %swap3A_237 = vector.shape_cast %swap3A_236 : vector<1x16xf32> to vector<16xf32>
      %swap3A_238 = vector.shape_cast %broadcast_in_dim3A_3 : vector<16xf32> to vector<1x16xf32>
      tpu.vector_store %arg19[%swap3A_234, %swap3A_235], %swap3A_238 {strides = array<i32>} : memref<128x128xf32, #tpu.memory_space<vmem>>, vector<1x16xf32>,
      %swap3A_239 = arith.index_cast %add3A_204 : i32 to index
      %swap3A_240 = arith.constant 112 : index
      %swap3A_241 = tpu.vector_load %arg19[%swap3A_239, %swap3A_240] {strides = array<i32>} : memref<128x128xf32, #tpu.memory_space<vmem>>, vector<1x16xf32>,
      %swap3A_242 = vector.shape_cast %swap3A_241 : vector<1x16xf32> to vector<16xf32>
      %swap3A_243 = vector.shape_cast %broadcast_in_dim3A_3 : vector<16xf32> to vector<1x16xf32>
      tpu.vector_store %arg19[%swap3A_239, %swap3A_240], %swap3A_243 {strides = array<i32>} : memref<128x128xf32, #tpu.memory_space<vmem>>, vector<1x16xf32>,
    }
    %scan3A_7 = arith.constant 128 : i32
    %lt3A = arith.constant 15 : i32
    %lt3A_8 = arith.cmpi slt, %arg1, %lt3A : i32
    %jit3A = arith.constant 5 : i32
    %jit3A_9 = arith.constant 3 : i32
    %select_n3A = arith.select %lt3A_8, %jit3A, %jit3A_9 : i32
    %sub3A = arith.constant 0 : i32
    %sub3A_10 = arith.subi %select_n3A, %sub3A : i32
    %sub3A_11 = arith.constant 1 : i32
    %sub3A_12 = arith.constant 1 : i32
    %sub3A_13 = arith.subi %sub3A_11, %sub3A_12 : i32
    %add3A_14 = arith.addi %sub3A_10, %sub3A_13 : i32
    %div3A = arith.constant 1 : i32
    %div3A_15 = arith.divsi %add3A_14, %div3A : i32
    %while3A = arith.constant 1 : i32
    %while3A_16 = arith.constant 0 : i32
    %while3A_17 = arith.constant 0 : i32
    %while3A_18 = arith.subi %div3A_15, %while3A_17 : i32
    %while3A_19 = arith.addi %while3A_17, %while3A_18 : i32
    %while3A_20 = arith.constant 1 : i32
    %while3A_21 = arith.divsi %while3A_18, %while3A_20 : i32
    %while3A_22 = arith.muli %while3A_21, %while3A_20 : i32
    %while3A_23 = arith.addi %while3A_17, %while3A_22 : i32
    %while3A_24 = arith.constant 1 : i32
    scf.for %while3A_200 = %while3A_17 to %while3A_23 step %while3A_24  : i32 {
      %mul3A_201 = arith.muli %while3A_200, %while3A : i32
      %add3A_202 = arith.addi %while3A_16, %mul3A_201 : i32
      %mul3A_203 = arith.constant 128 : i32
      %mul3A_204 = arith.muli %add3A_202, %mul3A_203 : i32
      %add3A_205 = arith.addi %mul3A_2, %mul3A_204 : i32
      "tpu.region"() ({
        %run_scoped3A = tpu.sem_alloc : memref<!tpu.dma_semaphore, #tpu.memory_space<semaphore_mem>>
        %dma_start3A_206 = arith.constant 0 : i32
        %dma_start3A_207 = tpu.memref_slice %arg6[%add3A_205, %dma_start3A_206] : memref<10016x128xf32, #tpu.memory_space<vmem_shared>> -> memref<128x128xf32, #tpu.memory_space<vmem_shared>>
        %dma_start3A_208 = arith.constant 0 : i32
        %dma_start3A_209 = tpu.memref_slice %arg6[%add3A_205, %dma_start3A_208] : memref<10016x128xf32, #tpu.memory_space<vmem_shared>> -> memref<128x128xf32, #tpu.memory_space<vmem_shared>>
        tpu.enqueue_dma source(%arg19 : memref<128x128xf32, #tpu.memory_space<vmem>>) target(%dma_start3A_209 : memref<128x128xf32, #tpu.memory_space<vmem_shared>>) target_semaphore(%run_scoped3A : memref<!tpu.dma_semaphore, #tpu.memory_space<semaphore_mem>>)
        %dma_wait3A_210 = arith.constant 0 : i32
        %dma_wait3A_211 = tpu.memref_slice %arg6[%add3A_205, %dma_wait3A_210] : memref<10016x128xf32, #tpu.memory_space<vmem_shared>> -> memref<128x128xf32, #tpu.memory_space<vmem_shared>>
        %dma_wait3A_212 = arith.constant 0 : i32
        %dma_wait3A_213 = tpu.memref_slice %arg6[%add3A_205, %dma_wait3A_212] : memref<10016x128xf32, #tpu.memory_space<vmem_shared>> -> memref<128x128xf32, #tpu.memory_space<vmem_shared>>
        tpu.wait_dma2 semaphore(%run_scoped3A : memref<!tpu.dma_semaphore, #tpu.memory_space<semaphore_mem>>) src(%arg19 : memref<128x128xf32, #tpu.memory_space<vmem>>) dst(%dma_wait3A_213 : memref<128x128xf32, #tpu.memory_space<vmem_shared>>)
        tpu.yield
      }) : () -> ()
    }
    %while3A_25 = arith.constant 1 : i32
    scf.for %while3A_200 = %while3A_23 to %while3A_19 step %while3A_25  : i32 {
      %mul3A_201 = arith.muli %while3A_200, %while3A : i32
      %add3A_202 = arith.addi %while3A_16, %mul3A_201 : i32
      %mul3A_203 = arith.constant 128 : i32
      %mul3A_204 = arith.muli %add3A_202, %mul3A_203 : i32
      %add3A_205 = arith.addi %mul3A_2, %mul3A_204 : i32
      "tpu.region"() ({
        %run_scoped3A = tpu.sem_alloc : memref<!tpu.dma_semaphore, #tpu.memory_space<semaphore_mem>>
        %dma_start3A_206 = arith.constant 0 : i32
        %dma_start3A_207 = tpu.memref_slice %arg6[%add3A_205, %dma_start3A_206] : memref<10016x128xf32, #tpu.memory_space<vmem_shared>> -> memref<128x128xf32, #tpu.memory_space<vmem_shared>>
        %dma_start3A_208 = arith.constant 0 : i32
        %dma_start3A_209 = tpu.memref_slice %arg6[%add3A_205, %dma_start3A_208] : memref<10016x128xf32, #tpu.memory_space<vmem_shared>> -> memref<128x128xf32, #tpu.memory_space<vmem_shared>>
        tpu.enqueue_dma source(%arg19 : memref<128x128xf32, #tpu.memory_space<vmem>>) target(%dma_start3A_209 : memref<128x128xf32, #tpu.memory_space<vmem_shared>>) target_semaphore(%run_scoped3A : memref<!tpu.dma_semaphore, #tpu.memory_space<semaphore_mem>>)
        %dma_wait3A_210 = arith.constant 0 : i32
        %dma_wait3A_211 = tpu.memref_slice %arg6[%add3A_205, %dma_wait3A_210] : memref<10016x128xf32, #tpu.memory_space<vmem_shared>> -> memref<128x128xf32, #tpu.memory_space<vmem_shared>>
        %dma_wait3A_212 = arith.constant 0 : i32
        %dma_wait3A_213 = tpu.memref_slice %arg6[%add3A_205, %dma_wait3A_212] : memref<10016x128xf32, #tpu.memory_space<vmem_shared>> -> memref<128x128xf32, #tpu.memory_space<vmem_shared>>
        tpu.wait_dma2 semaphore(%run_scoped3A : memref<!tpu.dma_semaphore, #tpu.memory_space<semaphore_mem>>) src(%arg19 : memref<128x128xf32, #tpu.memory_space<vmem>>) dst(%dma_wait3A_213 : memref<128x128xf32, #tpu.memory_space<vmem_shared>>)
        tpu.yield
      }) : () -> ()
    }
    %eq3A = arith.constant 15 : i32
    %eq3A_26 = arith.cmpi eq, %arg1, %eq3A : i32
    %convert_element_type3A = arith.extui %eq3A_26 : i1 to i32
    %cond3A = arith.constant 0 : i32
    %cond3A_27 = arith.cmpi ne, %convert_element_type3A, %cond3A : i32
    scf.if %cond3A_27 {
      %add3A_200 = arith.constant 384 : i32
      %add3A_201 = arith.addi %mul3A_2, %add3A_200 : i32
      "tpu.region"() ({
        %run_scoped3A = tpu.sem_alloc : memref<!tpu.dma_semaphore, #tpu.memory_space<semaphore_mem>>
        %dma_start3A_202 = arith.constant 0 : i32
        %dma_start3A_203 = arith.constant 0 : i32
        %dma_start3A_204 = tpu.memref_slice %arg19[%dma_start3A_202, %dma_start3A_203] : memref<128x128xf32, #tpu.memory_space<vmem>> -> memref<16x128xf32, #tpu.memory_space<vmem>>
        %dma_start3A_205 = arith.constant 0 : i32
        %dma_start3A_206 = tpu.memref_slice %arg6[%add3A_201, %dma_start3A_205] : memref<10016x128xf32, #tpu.memory_space<vmem_shared>> -> memref<16x128xf32, #tpu.memory_space<vmem_shared>>
        %dma_start3A_207 = arith.constant 0 : i32
        %dma_start3A_208 = tpu.memref_slice %arg6[%add3A_201, %dma_start3A_207] : memref<10016x128xf32, #tpu.memory_space<vmem_shared>> -> memref<16x128xf32, #tpu.memory_space<vmem_shared>>
        %dma_start3A_209 = arith.constant 0 : i32
        %dma_start3A_210 = arith.constant 0 : i32
        %dma_start3A_211 = tpu.memref_slice %arg19[%dma_start3A_209, %dma_start3A_210] : memref<128x128xf32, #tpu.memory_space<vmem>> -> memref<16x128xf32, #tpu.memory_space<vmem>>
        tpu.enqueue_dma source(%dma_start3A_211 : memref<16x128xf32, #tpu.memory_space<vmem>>) target(%dma_start3A_208 : memref<16x128xf32, #tpu.memory_space<vmem_shared>>) target_semaphore(%run_scoped3A : memref<!tpu.dma_semaphore, #tpu.memory_space<semaphore_mem>>)
        %dma_wait3A_212 = arith.constant 0 : i32
        %dma_wait3A_213 = arith.constant 0 : i32
        %dma_wait3A_214 = tpu.memref_slice %arg19[%dma_wait3A_212, %dma_wait3A_213] : memref<128x128xf32, #tpu.memory_space<vmem>> -> memref<16x128xf32, #tpu.memory_space<vmem>>
        %dma_wait3A_215 = arith.constant 0 : i32
        %dma_wait3A_216 = tpu.memref_slice %arg6[%add3A_201, %dma_wait3A_215] : memref<10016x128xf32, #tpu.memory_space<vmem_shared>> -> memref<16x128xf32, #tpu.memory_space<vmem_shared>>
        %dma_wait3A_217 = arith.constant 0 : i32
        %dma_wait3A_218 = tpu.memref_slice %arg6[%add3A_201, %dma_wait3A_217] : memref<10016x128xf32, #tpu.memory_space<vmem_shared>> -> memref<16x128xf32, #tpu.memory_space<vmem_shared>>
        %dma_wait3A_219 = arith.constant 0 : i32
        %dma_wait3A_220 = arith.constant 0 : i32
        %dma_wait3A_221 = tpu.memref_slice %arg19[%dma_wait3A_219, %dma_wait3A_220] : memref<128x128xf32, #tpu.memory_space<vmem>> -> memref<16x128xf32, #tpu.memory_space<vmem>>
        tpu.wait_dma2 semaphore(%run_scoped3A : memref<!tpu.dma_semaphore, #tpu.memory_space<semaphore_mem>>) src(%dma_wait3A_221 : memref<16x128xf32, #tpu.memory_space<vmem>>) dst(%dma_wait3A_218 : memref<16x128xf32, #tpu.memory_space<vmem_shared>>)
        tpu.yield
      }) : () -> ()
    } else {
    }
    %barrier3A = arith.constant 0 : index
    tpu.barrier barrier_id(%barrier3A)
    %dma_start3A = arith.constant 0 : i32
    %dma_start3A_28 = arith.constant 0 : i32
    %dma_start3A_29 = tpu.memref_slice %arg3[%add3A, %dma_start3A, %dma_start3A_28] : memref<32x79x128xi32, #tpu.memory_space<hbm>> -> memref<1x1x128xi32, #tpu.memory_space<hbm>>
    %dma_start3A_30 = tpu.memref_squeeze %dma_start3A_29 : memref<1x1x128xi32, #tpu.memory_space<hbm>> -> memref<128xi32, #tpu.memory_space<hbm>>
    %dma_start3A_31 = arith.constant 0 : i32
    %dma_start3A_32 = tpu.memref_slice %arg3[%add3A, %dma_start3A, %dma_start3A_31] : memref<32x79x128xi32, #tpu.memory_space<hbm>> -> memref<1x1x128xi32, #tpu.memory_space<hbm>>
    %dma_start3A_33 = tpu.memref_squeeze %dma_start3A_32 : memref<1x1x128xi32, #tpu.memory_space<hbm>> -> memref<128xi32, #tpu.memory_space<hbm>>
    tpu.enqueue_dma source(%dma_start3A_33 : memref<128xi32, #tpu.memory_space<hbm>>) target(%arg7 : memref<128xi32, #tpu.memory_space<vmem>>) target_semaphore(%arg22 : memref<!tpu.dma_semaphore, #tpu.memory_space<semaphore_mem>>)
    %dma_start3A_34 = arith.constant 0 : i32
    %dma_start3A_35 = arith.constant 0 : i32
    %dma_start3A_36 = tpu.memref_slice %arg4[%add3A, %dma_start3A_34, %dma_start3A_35] : memref<32x79x128xi32, #tpu.memory_space<hbm>> -> memref<1x1x128xi32, #tpu.memory_space<hbm>>
    %dma_start3A_37 = tpu.memref_squeeze %dma_start3A_36 : memref<1x1x128xi32, #tpu.memory_space<hbm>> -> memref<128xi32, #tpu.memory_space<hbm>>
    %dma_start3A_38 = arith.constant 0 : i32
    %dma_start3A_39 = tpu.memref_slice %arg4[%add3A, %dma_start3A_34, %dma_start3A_38] : memref<32x79x128xi32, #tpu.memory_space<hbm>> -> memref<1x1x128xi32, #tpu.memory_space<hbm>>
    %dma_start3A_40 = tpu.memref_squeeze %dma_start3A_39 : memref<1x1x128xi32, #tpu.memory_space<hbm>> -> memref<128xi32, #tpu.memory_space<hbm>>
    tpu.enqueue_dma source(%dma_start3A_40 : memref<128xi32, #tpu.memory_space<hbm>>) target(%arg13 : memref<128xi32, #tpu.memory_space<vmem>>) target_semaphore(%arg22 : memref<!tpu.dma_semaphore, #tpu.memory_space<semaphore_mem>>)
    %dma_start3A_41 = arith.constant 1 : i32
    %dma_start3A_42 = arith.constant 0 : i32
    %dma_start3A_43 = tpu.memref_slice %arg3[%add3A, %dma_start3A_41, %dma_start3A_42] : memref<32x79x128xi32, #tpu.memory_space<hbm>> -> memref<1x1x128xi32, #tpu.memory_space<hbm>>
    %dma_start3A_44 = tpu.memref_squeeze %dma_start3A_43 : memref<1x1x128xi32, #tpu.memory_space<hbm>> -> memref<128xi32, #tpu.memory_space<hbm>>
    %dma_start3A_45 = arith.constant 0 : i32
    %dma_start3A_46 = tpu.memref_slice %arg3[%add3A, %dma_start3A_41, %dma_start3A_45] : memref<32x79x128xi32, #tpu.memory_space<hbm>> -> memref<1x1x128xi32, #tpu.memory_space<hbm>>
    %dma_start3A_47 = tpu.memref_squeeze %dma_start3A_46 : memref<1x1x128xi32, #tpu.memory_space<hbm>> -> memref<128xi32, #tpu.memory_space<hbm>>
    tpu.enqueue_dma source(%dma_start3A_47 : memref<128xi32, #tpu.memory_space<hbm>>) target(%arg8 : memref<128xi32, #tpu.memory_space<vmem>>) target_semaphore(%arg23 : memref<!tpu.dma_semaphore, #tpu.memory_space<semaphore_mem>>)
    %dma_start3A_48 = arith.constant 1 : i32
    %dma_start3A_49 = arith.constant 0 : i32
    %dma_start3A_50 = tpu.memref_slice %arg4[%add3A, %dma_start3A_48, %dma_start3A_49] : memref<32x79x128xi32, #tpu.memory_space<hbm>> -> memref<1x1x128xi32, #tpu.memory_space<hbm>>
    %dma_start3A_51 = tpu.memref_squeeze %dma_start3A_50 : memref<1x1x128xi32, #tpu.memory_space<hbm>> -> memref<128xi32, #tpu.memory_space<hbm>>
    %dma_start3A_52 = arith.constant 0 : i32
    %dma_start3A_53 = tpu.memref_slice %arg4[%add3A, %dma_start3A_48, %dma_start3A_52] : memref<32x79x128xi32, #tpu.memory_space<hbm>> -> memref<1x1x128xi32, #tpu.memory_space<hbm>>
    %dma_start3A_54 = tpu.memref_squeeze %dma_start3A_53 : memref<1x1x128xi32, #tpu.memory_space<hbm>> -> memref<128xi32, #tpu.memory_space<hbm>>
    tpu.enqueue_dma source(%dma_start3A_54 : memref<128xi32, #tpu.memory_space<hbm>>) target(%arg14 : memref<128xi32, #tpu.memory_space<vmem>>) target_semaphore(%arg23 : memref<!tpu.dma_semaphore, #tpu.memory_space<semaphore_mem>>)
    %dma_start3A_55 = arith.constant 2 : i32
    %dma_start3A_56 = arith.constant 0 : i32
    %dma_start3A_57 = tpu.memref_slice %arg3[%add3A, %dma_start3A_55, %dma_start3A_56] : memref<32x79x128xi32, #tpu.memory_space<hbm>> -> memref<1x1x128xi32, #tpu.memory_space<hbm>>
    %dma_start3A_58 = tpu.memref_squeeze %dma_start3A_57 : memref<1x1x128xi32, #tpu.memory_space<hbm>> -> memref<128xi32, #tpu.memory_space<hbm>>
    %dma_start3A_59 = arith.constant 0 : i32
    %dma_start3A_60 = tpu.memref_slice %arg3[%add3A, %dma_start3A_55, %dma_start3A_59] : memref<32x79x128xi32, #tpu.memory_space<hbm>> -> memref<1x1x128xi32, #tpu.memory_space<hbm>>
    %dma_start3A_61 = tpu.memref_squeeze %dma_start3A_60 : memref<1x1x128xi32, #tpu.memory_space<hbm>> -> memref<128xi32, #tpu.memory_space<hbm>>
    tpu.enqueue_dma source(%dma_start3A_61 : memref<128xi32, #tpu.memory_space<hbm>>) target(%arg9 : memref<128xi32, #tpu.memory_space<vmem>>) target_semaphore(%arg24 : memref<!tpu.dma_semaphore, #tpu.memory_space<semaphore_mem>>)
    %dma_start3A_62 = arith.constant 2 : i32
    %dma_start3A_63 = arith.constant 0 : i32
    %dma_start3A_64 = tpu.memref_slice %arg4[%add3A, %dma_start3A_62, %dma_start3A_63] : memref<32x79x128xi32, #tpu.memory_space<hbm>> -> memref<1x1x128xi32, #tpu.memory_space<hbm>>
    %dma_start3A_65 = tpu.memref_squeeze %dma_start3A_64 : memref<1x1x128xi32, #tpu.memory_space<hbm>> -> memref<128xi32, #tpu.memory_space<hbm>>
    %dma_start3A_66 = arith.constant 0 : i32
    %dma_start3A_67 = tpu.memref_slice %arg4[%add3A, %dma_start3A_62, %dma_start3A_66] : memref<32x79x128xi32, #tpu.memory_space<hbm>> -> memref<1x1x128xi32, #tpu.memory_space<hbm>>
    %dma_start3A_68 = tpu.memref_squeeze %dma_start3A_67 : memref<1x1x128xi32, #tpu.memory_space<hbm>> -> memref<128xi32, #tpu.memory_space<hbm>>
    tpu.enqueue_dma source(%dma_start3A_68 : memref<128xi32, #tpu.memory_space<hbm>>) target(%arg15 : memref<128xi32, #tpu.memory_space<vmem>>) target_semaphore(%arg24 : memref<!tpu.dma_semaphore, #tpu.memory_space<semaphore_mem>>)
    %dma_start3A_69 = arith.constant 3 : i32
    %dma_start3A_70 = arith.constant 0 : i32
    %dma_start3A_71 = tpu.memref_slice %arg3[%add3A, %dma_start3A_69, %dma_start3A_70] : memref<32x79x128xi32, #tpu.memory_space<hbm>> -> memref<1x1x128xi32, #tpu.memory_space<hbm>>
    %dma_start3A_72 = tpu.memref_squeeze %dma_start3A_71 : memref<1x1x128xi32, #tpu.memory_space<hbm>> -> memref<128xi32, #tpu.memory_space<hbm>>
    %dma_start3A_73 = arith.constant 0 : i32
    %dma_start3A_74 = tpu.memref_slice %arg3[%add3A, %dma_start3A_69, %dma_start3A_73] : memref<32x79x128xi32, #tpu.memory_space<hbm>> -> memref<1x1x128xi32, #tpu.memory_space<hbm>>
    %dma_start3A_75 = tpu.memref_squeeze %dma_start3A_74 : memref<1x1x128xi32, #tpu.memory_space<hbm>> -> memref<128xi32, #tpu.memory_space<hbm>>
    tpu.enqueue_dma source(%dma_start3A_75 : memref<128xi32, #tpu.memory_space<hbm>>) target(%arg10 : memref<128xi32, #tpu.memory_space<vmem>>) target_semaphore(%arg25 : memref<!tpu.dma_semaphore, #tpu.memory_space<semaphore_mem>>)
    %dma_start3A_76 = arith.constant 3 : i32
    %dma_start3A_77 = arith.constant 0 : i32
    %dma_start3A_78 = tpu.memref_slice %arg4[%add3A, %dma_start3A_76, %dma_start3A_77] : memref<32x79x128xi32, #tpu.memory_space<hbm>> -> memref<1x1x128xi32, #tpu.memory_space<hbm>>
    %dma_start3A_79 = tpu.memref_squeeze %dma_start3A_78 : memref<1x1x128xi32, #tpu.memory_space<hbm>> -> memref<128xi32, #tpu.memory_space<hbm>>
    %dma_start3A_80 = arith.constant 0 : i32
    %dma_start3A_81 = tpu.memref_slice %arg4[%add3A, %dma_start3A_76, %dma_start3A_80] : memref<32x79x128xi32, #tpu.memory_space<hbm>> -> memref<1x1x128xi32, #tpu.memory_space<hbm>>
    %dma_start3A_82 = tpu.memref_squeeze %dma_start3A_81 : memref<1x1x128xi32, #tpu.memory_space<hbm>> -> memref<128xi32, #tpu.memory_space<hbm>>
    tpu.enqueue_dma source(%dma_start3A_82 : memref<128xi32, #tpu.memory_space<hbm>>) target(%arg16 : memref<128xi32, #tpu.memory_space<vmem>>) target_semaphore(%arg25 : memref<!tpu.dma_semaphore, #tpu.memory_space<semaphore_mem>>)
    %dma_start3A_83 = arith.constant 4 : i32
    %dma_start3A_84 = arith.constant 0 : i32
    %dma_start3A_85 = tpu.memref_slice %arg3[%add3A, %dma_start3A_83, %dma_start3A_84] : memref<32x79x128xi32, #tpu.memory_space<hbm>> -> memref<1x1x128xi32, #tpu.memory_space<hbm>>
    %dma_start3A_86 = tpu.memref_squeeze %dma_start3A_85 : memref<1x1x128xi32, #tpu.memory_space<hbm>> -> memref<128xi32, #tpu.memory_space<hbm>>
    %dma_start3A_87 = arith.constant 0 : i32
    %dma_start3A_88 = tpu.memref_slice %arg3[%add3A, %dma_start3A_83, %dma_start3A_87] : memref<32x79x128xi32, #tpu.memory_space<hbm>> -> memref<1x1x128xi32, #tpu.memory_space<hbm>>
    %dma_start3A_89 = tpu.memref_squeeze %dma_start3A_88 : memref<1x1x128xi32, #tpu.memory_space<hbm>> -> memref<128xi32, #tpu.memory_space<hbm>>
    tpu.enqueue_dma source(%dma_start3A_89 : memref<128xi32, #tpu.memory_space<hbm>>) target(%arg11 : memref<128xi32, #tpu.memory_space<vmem>>) target_semaphore(%arg26 : memref<!tpu.dma_semaphore, #tpu.memory_space<semaphore_mem>>)
    %dma_start3A_90 = arith.constant 4 : i32
    %dma_start3A_91 = arith.constant 0 : i32
    %dma_start3A_92 = tpu.memref_slice %arg4[%add3A, %dma_start3A_90, %dma_start3A_91] : memref<32x79x128xi32, #tpu.memory_space<hbm>> -> memref<1x1x128xi32, #tpu.memory_space<hbm>>
    %dma_start3A_93 = tpu.memref_squeeze %dma_start3A_92 : memref<1x1x128xi32, #tpu.memory_space<hbm>> -> memref<128xi32, #tpu.memory_space<hbm>>
    %dma_start3A_94 = arith.constant 0 : i32
    %dma_start3A_95 = tpu.memref_slice %arg4[%add3A, %dma_start3A_90, %dma_start3A_94] : memref<32x79x128xi32, #tpu.memory_space<hbm>> -> memref<1x1x128xi32, #tpu.memory_space<hbm>>
    %dma_start3A_96 = tpu.memref_squeeze %dma_start3A_95 : memref<1x1x128xi32, #tpu.memory_space<hbm>> -> memref<128xi32, #tpu.memory_space<hbm>>
    tpu.enqueue_dma source(%dma_start3A_96 : memref<128xi32, #tpu.memory_space<hbm>>) target(%arg17 : memref<128xi32, #tpu.memory_space<vmem>>) target_semaphore(%arg26 : memref<!tpu.dma_semaphore, #tpu.memory_space<semaphore_mem>>)
    %dma_start3A_97 = arith.constant 5 : i32
    %dma_start3A_98 = arith.constant 0 : i32
    %dma_start3A_99 = tpu.memref_slice %arg3[%add3A, %dma_start3A_97, %dma_start3A_98] : memref<32x79x128xi32, #tpu.memory_space<hbm>> -> memref<1x1x128xi32, #tpu.memory_space<hbm>>
    %dma_start3A_100 = tpu.memref_squeeze %dma_start3A_99 : memref<1x1x128xi32, #tpu.memory_space<hbm>> -> memref<128xi32, #tpu.memory_space<hbm>>
    %dma_start3A_101 = arith.constant 0 : i32
    %dma_start3A_102 = tpu.memref_slice %arg3[%add3A, %dma_start3A_97, %dma_start3A_101] : memref<32x79x128xi32, #tpu.memory_space<hbm>> -> memref<1x1x128xi32, #tpu.memory_space<hbm>>
    %dma_start3A_103 = tpu.memref_squeeze %dma_start3A_102 : memref<1x1x128xi32, #tpu.memory_space<hbm>> -> memref<128xi32, #tpu.memory_space<hbm>>
    tpu.enqueue_dma source(%dma_start3A_103 : memref<128xi32, #tpu.memory_space<hbm>>) target(%arg12 : memref<128xi32, #tpu.memory_space<vmem>>) target_semaphore(%arg27 : memref<!tpu.dma_semaphore, #tpu.memory_space<semaphore_mem>>)
    %dma_start3A_104 = arith.constant 5 : i32
    %dma_start3A_105 = arith.constant 0 : i32
    %dma_start3A_106 = tpu.memref_slice %arg4[%add3A, %dma_start3A_104, %dma_start3A_105] : memref<32x79x128xi32, #tpu.memory_space<hbm>> -> memref<1x1x128xi32, #tpu.memory_space<hbm>>
    %dma_start3A_107 = tpu.memref_squeeze %dma_start3A_106 : memref<1x1x128xi32, #tpu.memory_space<hbm>> -> memref<128xi32, #tpu.memory_space<hbm>>
    %dma_start3A_108 = arith.constant 0 : i32
    %dma_start3A_109 = tpu.memref_slice %arg4[%add3A, %dma_start3A_104, %dma_start3A_108] : memref<32x79x128xi32, #tpu.memory_space<hbm>> -> memref<1x1x128xi32, #tpu.memory_space<hbm>>
    %dma_start3A_110 = tpu.memref_squeeze %dma_start3A_109 : memref<1x1x128xi32, #tpu.memory_space<hbm>> -> memref<128xi32, #tpu.memory_space<hbm>>
    tpu.enqueue_dma source(%dma_start3A_110 : memref<128xi32, #tpu.memory_space<hbm>>) target(%arg18 : memref<128xi32, #tpu.memory_space<vmem>>) target_semaphore(%arg27 : memref<!tpu.dma_semaphore, #tpu.memory_space<semaphore_mem>>)
    %dma_wait3A = arith.constant 0 : i32
    %dma_wait3A_111 = arith.constant 0 : i32
    %dma_wait3A_112 = tpu.memref_slice %arg3[%add3A, %dma_wait3A, %dma_wait3A_111] : memref<32x79x128xi32, #tpu.memory_space<hbm>> -> memref<1x1x128xi32, #tpu.memory_space<hbm>>
    %dma_wait3A_113 = tpu.memref_squeeze %dma_wait3A_112 : memref<1x1x128xi32, #tpu.memory_space<hbm>> -> memref<128xi32, #tpu.memory_space<hbm>>
    %dma_wait3A_114 = arith.constant 0 : i32
    %dma_wait3A_115 = tpu.memref_slice %arg3[%add3A, %dma_wait3A, %dma_wait3A_114] : memref<32x79x128xi32, #tpu.memory_space<hbm>> -> memref<1x1x128xi32, #tpu.memory_space<hbm>>
    %dma_wait3A_116 = tpu.memref_squeeze %dma_wait3A_115 : memref<1x1x128xi32, #tpu.memory_space<hbm>> -> memref<128xi32, #tpu.memory_space<hbm>>
    tpu.wait_dma2 semaphore(%arg22 : memref<!tpu.dma_semaphore, #tpu.memory_space<semaphore_mem>>) src(%dma_wait3A_116 : memref<128xi32, #tpu.memory_space<hbm>>) dst(%arg7 : memref<128xi32, #tpu.memory_space<vmem>>)
    %dma_wait3A_117 = arith.constant 0 : i32
    %dma_wait3A_118 = arith.constant 0 : i32
    %dma_wait3A_119 = tpu.memref_slice %arg4[%add3A, %dma_wait3A_117, %dma_wait3A_118] : memref<32x79x128xi32, #tpu.memory_space<hbm>> -> memref<1x1x128xi32, #tpu.memory_space<hbm>>
    %dma_wait3A_120 = tpu.memref_squeeze %dma_wait3A_119 : memref<1x1x128xi32, #tpu.memory_space<hbm>> -> memref<128xi32, #tpu.memory_space<hbm>>
    %dma_wait3A_121 = arith.constant 0 : i32
    %dma_wait3A_122 = tpu.memref_slice %arg4[%add3A, %dma_wait3A_117, %dma_wait3A_121] : memref<32x79x128xi32, #tpu.memory_space<hbm>> -> memref<1x1x128xi32, #tpu.memory_space<hbm>>
    %dma_wait3A_123 = tpu.memref_squeeze %dma_wait3A_122 : memref<1x1x128xi32, #tpu.memory_space<hbm>> -> memref<128xi32, #tpu.memory_space<hbm>>
    tpu.wait_dma2 semaphore(%arg22 : memref<!tpu.dma_semaphore, #tpu.memory_space<semaphore_mem>>) src(%dma_wait3A_123 : memref<128xi32, #tpu.memory_space<hbm>>) dst(%arg13 : memref<128xi32, #tpu.memory_space<vmem>>)
    %dma_start3A_124 = arith.constant 0 : i32
    %dma_start3A_125 = arith.constant 0 : i32
    %dma_start3A_126 = tpu.memref_slice %arg2[%dma_start3A_124, %dma_start3A_125] : memref<10000x128xf32, #tpu.memory_space<hbm>> -> memref<10000x128xf32, #tpu.memory_space<hbm>>
    tpu.enqueue_indirect_dma source(%dma_start3A_126 : memref<10000x128xf32, #tpu.memory_space<hbm>>) target(%arg19 : memref<128x128xf32, #tpu.memory_space<vmem>>) offsets(%arg7 : memref<128xi32, #tpu.memory_space<vmem>>) semaphore(%arg28 : memref<!tpu.dma_semaphore, #tpu.memory_space<semaphore_mem>>)
    %dma_wait3A_127 = arith.constant 1 : i32
    %dma_wait3A_128 = arith.constant 0 : i32
    %dma_wait3A_129 = tpu.memref_slice %arg3[%add3A, %dma_wait3A_127, %dma_wait3A_128] : memref<32x79x128xi32, #tpu.memory_space<hbm>> -> memref<1x1x128xi32, #tpu.memory_space<hbm>>
    %dma_wait3A_130 = tpu.memref_squeeze %dma_wait3A_129 : memref<1x1x128xi32, #tpu.memory_space<hbm>> -> memref<128xi32, #tpu.memory_space<hbm>>
    %dma_wait3A_131 = arith.constant 0 : i32
    %dma_wait3A_132 = tpu.memref_slice %arg3[%add3A, %dma_wait3A_127, %dma_wait3A_131] : memref<32x79x128xi32, #tpu.memory_space<hbm>> -> memref<1x1x128xi32, #tpu.memory_space<hbm>>
    %dma_wait3A_133 = tpu.memref_squeeze %dma_wait3A_132 : memref<1x1x128xi32, #tpu.memory_space<hbm>> -> memref<128xi32, #tpu.memory_space<hbm>>
    tpu.wait_dma2 semaphore(%arg23 : memref<!tpu.dma_semaphore, #tpu.memory_space<semaphore_mem>>) src(%dma_wait3A_133 : memref<128xi32, #tpu.memory_space<hbm>>) dst(%arg8 : memref<128xi32, #tpu.memory_space<vmem>>)
    %dma_wait3A_134 = arith.constant 1 : i32
    %dma_wait3A_135 = arith.constant 0 : i32
    %dma_wait3A_136 = tpu.memref_slice %arg4[%add3A, %dma_wait3A_134, %dma_wait3A_135] : memref<32x79x128xi32, #tpu.memory_space<hbm>> -> memref<1x1x128xi32, #tpu.memory_space<hbm>>
    %dma_wait3A_137 = tpu.memref_squeeze %dma_wait3A_136 : memref<1x1x128xi32, #tpu.memory_space<hbm>> -> memref<128xi32, #tpu.memory_space<hbm>>
    %dma_wait3A_138 = arith.constant 0 : i32
    %dma_wait3A_139 = tpu.memref_slice %arg4[%add3A, %dma_wait3A_134, %dma_wait3A_138] : memref<32x79x128xi32, #tpu.memory_space<hbm>> -> memref<1x1x128xi32, #tpu.memory_space<hbm>>
    %dma_wait3A_140 = tpu.memref_squeeze %dma_wait3A_139 : memref<1x1x128xi32, #tpu.memory_space<hbm>> -> memref<128xi32, #tpu.memory_space<hbm>>
    tpu.wait_dma2 semaphore(%arg23 : memref<!tpu.dma_semaphore, #tpu.memory_space<semaphore_mem>>) src(%dma_wait3A_140 : memref<128xi32, #tpu.memory_space<hbm>>) dst(%arg14 : memref<128xi32, #tpu.memory_space<vmem>>)
    %dma_start3A_141 = arith.constant 0 : i32
    %dma_start3A_142 = arith.constant 0 : i32
    %dma_start3A_143 = tpu.memref_slice %arg2[%dma_start3A_141, %dma_start3A_142] : memref<10000x128xf32, #tpu.memory_space<hbm>> -> memref<10000x128xf32, #tpu.memory_space<hbm>>
    tpu.enqueue_indirect_dma source(%dma_start3A_143 : memref<10000x128xf32, #tpu.memory_space<hbm>>) target(%arg20 : memref<128x128xf32, #tpu.memory_space<vmem>>) offsets(%arg8 : memref<128xi32, #tpu.memory_space<vmem>>) semaphore(%arg29 : memref<!tpu.dma_semaphore, #tpu.memory_space<semaphore_mem>>)
    %dma_wait3A_144 = arith.constant 2 : i32
    %dma_wait3A_145 = arith.constant 0 : i32
    %dma_wait3A_146 = tpu.memref_slice %arg3[%add3A, %dma_wait3A_144, %dma_wait3A_145] : memref<32x79x128xi32, #tpu.memory_space<hbm>> -> memref<1x1x128xi32, #tpu.memory_space<hbm>>
    %dma_wait3A_147 = tpu.memref_squeeze %dma_wait3A_146 : memref<1x1x128xi32, #tpu.memory_space<hbm>> -> memref<128xi32, #tpu.memory_space<hbm>>
    %dma_wait3A_148 = arith.constant 0 : i32
    %dma_wait3A_149 = tpu.memref_slice %arg3[%add3A, %dma_wait3A_144, %dma_wait3A_148] : memref<32x79x128xi32, #tpu.memory_space<hbm>> -> memref<1x1x128xi32, #tpu.memory_space<hbm>>
    %dma_wait3A_150 = tpu.memref_squeeze %dma_wait3A_149 : memref<1x1x128xi32, #tpu.memory_space<hbm>> -> memref<128xi32, #tpu.memory_space<hbm>>
    tpu.wait_dma2 semaphore(%arg24 : memref<!tpu.dma_semaphore, #tpu.memory_space<semaphore_mem>>) src(%dma_wait3A_150 : memref<128xi32, #tpu.memory_space<hbm>>) dst(%arg9 : memref<128xi32, #tpu.memory_space<vmem>>)
    %dma_wait3A_151 = arith.constant 2 : i32
    %dma_wait3A_152 = arith.constant 0 : i32
    %dma_wait3A_153 = tpu.memref_slice %arg4[%add3A, %dma_wait3A_151, %dma_wait3A_152] : memref<32x79x128xi32, #tpu.memory_space<hbm>> -> memref<1x1x128xi32, #tpu.memory_space<hbm>>
    %dma_wait3A_154 = tpu.memref_squeeze %dma_wait3A_153 : memref<1x1x128xi32, #tpu.memory_space<hbm>> -> memref<128xi32, #tpu.memory_space<hbm>>
    %dma_wait3A_155 = arith.constant 0 : i32
    %dma_wait3A_156 = tpu.memref_slice %arg4[%add3A, %dma_wait3A_151, %dma_wait3A_155] : memref<32x79x128xi32, #tpu.memory_space<hbm>> -> memref<1x1x128xi32, #tpu.memory_space<hbm>>
    %dma_wait3A_157 = tpu.memref_squeeze %dma_wait3A_156 : memref<1x1x128xi32, #tpu.memory_space<hbm>> -> memref<128xi32, #tpu.memory_space<hbm>>
    tpu.wait_dma2 semaphore(%arg24 : memref<!tpu.dma_semaphore, #tpu.memory_space<semaphore_mem>>) src(%dma_wait3A_157 : memref<128xi32, #tpu.memory_space<hbm>>) dst(%arg15 : memref<128xi32, #tpu.memory_space<vmem>>)
    %dma_start3A_158 = arith.constant 0 : i32
    %dma_start3A_159 = arith.constant 0 : i32
    %dma_start3A_160 = tpu.memref_slice %arg2[%dma_start3A_158, %dma_start3A_159] : memref<10000x128xf32, #tpu.memory_space<hbm>> -> memref<10000x128xf32, #tpu.memory_space<hbm>>
    tpu.enqueue_indirect_dma source(%dma_start3A_160 : memref<10000x128xf32, #tpu.memory_space<hbm>>) target(%arg21 : memref<128x128xf32, #tpu.memory_space<vmem>>) offsets(%arg9 : memref<128xi32, #tpu.memory_space<vmem>>) semaphore(%arg30 : memref<!tpu.dma_semaphore, #tpu.memory_space<semaphore_mem>>)
    %scan3A_161 = arith.constant 0 : i32
    %scan3A_162 = arith.constant 14 : i32
    %scan3A_163 = arith.addi %scan3A_161, %scan3A_162 : i32
    %scan3A_164 = arith.constant 1 : i32
    scf.for %scan3A_200 = %scan3A_161 to %scan3A_163 step %scan3A_164  : i32 {
      %mul3A_201 = arith.constant 1 : i32
      %mul3A_202 = arith.muli %scan3A_200, %mul3A_201 : i32
      %add3A_203 = arith.constant 0 : i32
      %add3A_204 = arith.addi %add3A_203, %mul3A_202 : i32
      %mul3A_205 = arith.constant 6 : i32
      %mul3A_206 = arith.muli %add3A_204, %mul3A_205 : i32
      %add3A_207 = arith.constant 0 : i32
      %add3A_208 = arith.addi %mul3A_206, %add3A_207 : i32
      %lt3A_209 = arith.constant 79 : i32
      %lt3A_210 = arith.cmpi slt, %add3A_208, %lt3A_209 : i32
      %convert_element_type3A_211 = arith.extui %lt3A_210 : i1 to i32
      %cond3A_212 = arith.constant 0 : i32
      %cond3A_213 = arith.cmpi ne, %convert_element_type3A_211, %cond3A_212 : i32
      scf.if %cond3A_213 {
        %dma_wait3A_259 = arith.constant 0 : i32
        %dma_wait3A_260 = arith.constant 0 : i32
        %dma_wait3A_261 = tpu.memref_slice %arg2[%dma_wait3A_259, %dma_wait3A_260] : memref<10000x128xf32, #tpu.memory_space<hbm>> -> memref<10000x128xf32, #tpu.memory_space<hbm>>
        tpu.wait_indirect_dma semaphore(%arg28 : memref<!tpu.dma_semaphore, #tpu.memory_space<semaphore_mem>>) src(%dma_wait3A_261 : memref<10000x128xf32, #tpu.memory_space<hbm>>) dst(%arg19 : memref<128x128xf32, #tpu.memory_space<vmem>>)
        %dma_start3A_262 = arith.constant 0 : i32
        %dma_start3A_263 = arith.constant 0 : i32
        %dma_start3A_264 = tpu.memref_slice %arg6[%dma_start3A_262, %dma_start3A_263] : memref<10016x128xf32, #tpu.memory_space<vmem_shared>> -> memref<10016x128xf32, #tpu.memory_space<vmem_shared>>
        tpu.enqueue_indirect_dma source(%arg19 : memref<128x128xf32, #tpu.memory_space<vmem>>) target(%dma_start3A_264 : memref<10016x128xf32, #tpu.memory_space<vmem_shared>>) offsets(%arg13 : memref<128xi32, #tpu.memory_space<vmem>>) semaphore(%arg31 : memref<!tpu.dma_semaphore, #tpu.memory_space<semaphore_mem>>) {add = true}
        %ge3A = arith.constant 1 : i32
        %ge3A_265 = arith.cmpi sge, %add3A_208, %ge3A : i32
        %add3A_266 = arith.constant 2 : i32
        %add3A_267 = arith.addi %add3A_208, %add3A_266 : i32
        %lt3A_268 = arith.constant 79 : i32
        %lt3A_269 = arith.cmpi slt, %add3A_267, %lt3A_268 : i32
        %and3A = arith.andi %ge3A_265, %lt3A_269 : i1
        %convert_element_type3A_270 = arith.extui %and3A : i1 to i32
        %cond3A_271 = arith.constant 0 : i32
        %cond3A_272 = arith.cmpi ne, %convert_element_type3A_270, %cond3A_271 : i32
        scf.if %cond3A_272 {
          %dma_wait3A_273 = arith.constant 0 : i32
          %dma_wait3A_274 = arith.constant 0 : i32
          %dma_wait3A_275 = tpu.memref_slice %arg6[%dma_wait3A_273, %dma_wait3A_274] : memref<10016x128xf32, #tpu.memory_space<vmem_shared>> -> memref<10016x128xf32, #tpu.memory_space<vmem_shared>>
          tpu.wait_indirect_dma semaphore(%arg33 : memref<!tpu.dma_semaphore, #tpu.memory_space<semaphore_mem>>) src(%arg21 : memref<128x128xf32, #tpu.memory_space<vmem>>) dst(%dma_wait3A_275 : memref<10016x128xf32, #tpu.memory_space<vmem_shared>>)
          %add3A_276 = arith.constant 2 : i32
          %add3A_277 = arith.addi %add3A_208, %add3A_276 : i32
          %dma_wait3A_278 = arith.constant 0 : i32
          %dma_wait3A_279 = tpu.memref_slice %arg3[%add3A, %add3A_277, %dma_wait3A_278] : memref<32x79x128xi32, #tpu.memory_space<hbm>> -> memref<1x1x128xi32, #tpu.memory_space<hbm>>
          %dma_wait3A_280 = tpu.memref_squeeze %dma_wait3A_279 : memref<1x1x128xi32, #tpu.memory_space<hbm>> -> memref<128xi32, #tpu.memory_space<hbm>>
          %dma_wait3A_281 = arith.constant 0 : i32
          %dma_wait3A_282 = tpu.memref_slice %arg3[%add3A, %add3A_277, %dma_wait3A_281] : memref<32x79x128xi32, #tpu.memory_space<hbm>> -> memref<1x1x128xi32, #tpu.memory_space<hbm>>
          %dma_wait3A_283 = tpu.memref_squeeze %dma_wait3A_282 : memref<1x1x128xi32, #tpu.memory_space<hbm>> -> memref<128xi32, #tpu.memory_space<hbm>>
          tpu.wait_dma2 semaphore(%arg24 : memref<!tpu.dma_semaphore, #tpu.memory_space<semaphore_mem>>) src(%dma_wait3A_283 : memref<128xi32, #tpu.memory_space<hbm>>) dst(%arg9 : memref<128xi32, #tpu.memory_space<vmem>>)
          %dma_wait3A_284 = arith.constant 0 : i32
          %dma_wait3A_285 = tpu.memref_slice %arg4[%add3A, %add3A_277, %dma_wait3A_284] : memref<32x79x128xi32, #tpu.memory_space<hbm>> -> memref<1x1x128xi32, #tpu.memory_space<hbm>>
          %dma_wait3A_286 = tpu.memref_squeeze %dma_wait3A_285 : memref<1x1x128xi32, #tpu.memory_space<hbm>> -> memref<128xi32, #tpu.memory_space<hbm>>
          %dma_wait3A_287 = arith.constant 0 : i32
          %dma_wait3A_288 = tpu.memref_slice %arg4[%add3A, %add3A_277, %dma_wait3A_287] : memref<32x79x128xi32, #tpu.memory_space<hbm>> -> memref<1x1x128xi32, #tpu.memory_space<hbm>>
          %dma_wait3A_289 = tpu.memref_squeeze %dma_wait3A_288 : memref<1x1x128xi32, #tpu.memory_space<hbm>> -> memref<128xi32, #tpu.memory_space<hbm>>
          tpu.wait_dma2 semaphore(%arg24 : memref<!tpu.dma_semaphore, #tpu.memory_space<semaphore_mem>>) src(%dma_wait3A_289 : memref<128xi32, #tpu.memory_space<hbm>>) dst(%arg15 : memref<128xi32, #tpu.memory_space<vmem>>)
          %dma_start3A_290 = arith.constant 0 : i32
          %dma_start3A_291 = arith.constant 0 : i32
          %dma_start3A_292 = tpu.memref_slice %arg2[%dma_start3A_290, %dma_start3A_291] : memref<10000x128xf32, #tpu.memory_space<hbm>> -> memref<10000x128xf32, #tpu.memory_space<hbm>>
          tpu.enqueue_indirect_dma source(%dma_start3A_292 : memref<10000x128xf32, #tpu.memory_space<hbm>>) target(%arg21 : memref<128x128xf32, #tpu.memory_space<vmem>>) offsets(%arg9 : memref<128xi32, #tpu.memory_space<vmem>>) semaphore(%arg30 : memref<!tpu.dma_semaphore, #tpu.memory_space<semaphore_mem>>)
          %add3A_293 = arith.constant 6 : i32
          %add3A_294 = arith.addi %add3A_208, %add3A_293 : i32
          %sub3A_295 = arith.constant 1 : i32
          %sub3A_296 = arith.subi %add3A_294, %sub3A_295 : i32
          %lt3A_297 = arith.constant 79 : i32
          %lt3A_298 = arith.cmpi slt, %sub3A_296, %lt3A_297 : i32
          %convert_element_type3A_299 = arith.extui %lt3A_298 : i1 to i32
          %cond3A_300 = arith.constant 0 : i32
          %cond3A_301 = arith.cmpi ne, %convert_element_type3A_299, %cond3A_300 : i32
          scf.if %cond3A_301 {
            %add3A_302 = arith.constant 6 : i32
            %add3A_303 = arith.addi %add3A_208, %add3A_302 : i32
            %sub3A_304 = arith.constant 1 : i32
            %sub3A_305 = arith.subi %add3A_303, %sub3A_304 : i32
            %dma_start3A_306 = arith.constant 0 : i32
            %dma_start3A_307 = tpu.memref_slice %arg3[%add3A, %sub3A_305, %dma_start3A_306] : memref<32x79x128xi32, #tpu.memory_space<hbm>> -> memref<1x1x128xi32, #tpu.memory_space<hbm>>
            %dma_start3A_308 = tpu.memref_squeeze %dma_start3A_307 : memref<1x1x128xi32, #tpu.memory_space<hbm>> -> memref<128xi32, #tpu.memory_space<hbm>>
            %dma_start3A_309 = arith.constant 0 : i32
            %dma_start3A_310 = tpu.memref_slice %arg3[%add3A, %sub3A_305, %dma_start3A_309] : memref<32x79x128xi32, #tpu.memory_space<hbm>> -> memref<1x1x128xi32, #tpu.memory_space<hbm>>
            %dma_start3A_311 = tpu.memref_squeeze %dma_start3A_310 : memref<1x1x128xi32, #tpu.memory_space<hbm>> -> memref<128xi32, #tpu.memory_space<hbm>>
            tpu.enqueue_dma source(%dma_start3A_311 : memref<128xi32, #tpu.memory_space<hbm>>) target(%arg12 : memref<128xi32, #tpu.memory_space<vmem>>) target_semaphore(%arg27 : memref<!tpu.dma_semaphore, #tpu.memory_space<semaphore_mem>>)
            %dma_start3A_312 = arith.constant 0 : i32
            %dma_start3A_313 = tpu.memref_slice %arg4[%add3A, %sub3A_305, %dma_start3A_312] : memref<32x79x128xi32, #tpu.memory_space<hbm>> -> memref<1x1x128xi32, #tpu.memory_space<hbm>>
            %dma_start3A_314 = tpu.memref_squeeze %dma_start3A_313 : memref<1x1x128xi32, #tpu.memory_space<hbm>> -> memref<128xi32, #tpu.memory_space<hbm>>
            %dma_start3A_315 = arith.constant 0 : i32
            %dma_start3A_316 = tpu.memref_slice %arg4[%add3A, %sub3A_305, %dma_start3A_315] : memref<32x79x128xi32, #tpu.memory_space<hbm>> -> memref<1x1x128xi32, #tpu.memory_space<hbm>>
            %dma_start3A_317 = tpu.memref_squeeze %dma_start3A_316 : memref<1x1x128xi32, #tpu.memory_space<hbm>> -> memref<128xi32, #tpu.memory_space<hbm>>
            tpu.enqueue_dma source(%dma_start3A_317 : memref<128xi32, #tpu.memory_space<hbm>>) target(%arg18 : memref<128xi32, #tpu.memory_space<vmem>>) target_semaphore(%arg27 : memref<!tpu.dma_semaphore, #tpu.memory_space<semaphore_mem>>)
          } else {
          }
        } else {
        }
      } else {
      }
      %mul3A_214 = arith.constant 6 : i32
      %mul3A_215 = arith.muli %add3A_204, %mul3A_214 : i32
      %add3A_216 = arith.constant 1 : i32
      %add3A_217 = arith.addi %mul3A_215, %add3A_216 : i32
      %lt3A_218 = arith.constant 79 : i32
      %lt3A_219 = arith.cmpi slt, %add3A_217, %lt3A_218 : i32
      %convert_element_type3A_220 = arith.extui %lt3A_219 : i1 to i32
      %cond3A_221 = arith.constant 0 : i32
      %cond3A_222 = arith.cmpi ne, %convert_element_type3A_220, %cond3A_221 : i32
      scf.if %cond3A_222 {
        %dma_wait3A_259 = arith.constant 0 : i32
        %dma_wait3A_260 = arith.constant 0 : i32
        %dma_wait3A_261 = tpu.memref_slice %arg2[%dma_wait3A_259, %dma_wait3A_260] : memref<10000x128xf32, #tpu.memory_space<hbm>> -> memref<10000x128xf32, #tpu.memory_space<hbm>>
        tpu.wait_indirect_dma semaphore(%arg29 : memref<!tpu.dma_semaphore, #tpu.memory_space<semaphore_mem>>) src(%dma_wait3A_261 : memref<10000x128xf32, #tpu.memory_space<hbm>>) dst(%arg20 : memref<128x128xf32, #tpu.memory_space<vmem>>)
        %dma_start3A_262 = arith.constant 0 : i32
        %dma_start3A_263 = arith.constant 0 : i32
        %dma_start3A_264 = tpu.memref_slice %arg6[%dma_start3A_262, %dma_start3A_263] : memref<10016x128xf32, #tpu.memory_space<vmem_shared>> -> memref<10016x128xf32, #tpu.memory_space<vmem_shared>>
        tpu.enqueue_indirect_dma source(%arg20 : memref<128x128xf32, #tpu.memory_space<vmem>>) target(%dma_start3A_264 : memref<10016x128xf32, #tpu.memory_space<vmem_shared>>) offsets(%arg14 : memref<128xi32, #tpu.memory_space<vmem>>) semaphore(%arg32 : memref<!tpu.dma_semaphore, #tpu.memory_space<semaphore_mem>>) {add = true}
        %ge3A = arith.constant 1 : i32
        %ge3A_265 = arith.cmpi sge, %add3A_217, %ge3A : i32
        %add3A_266 = arith.constant 2 : i32
        %add3A_267 = arith.addi %add3A_217, %add3A_266 : i32
        %lt3A_268 = arith.constant 79 : i32
        %lt3A_269 = arith.cmpi slt, %add3A_267, %lt3A_268 : i32
        %and3A = arith.andi %ge3A_265, %lt3A_269 : i1
        %convert_element_type3A_270 = arith.extui %and3A : i1 to i32
        %cond3A_271 = arith.constant 0 : i32
        %cond3A_272 = arith.cmpi ne, %convert_element_type3A_270, %cond3A_271 : i32
        scf.if %cond3A_272 {
          %dma_wait3A_273 = arith.constant 0 : i32
          %dma_wait3A_274 = arith.constant 0 : i32
          %dma_wait3A_275 = tpu.memref_slice %arg6[%dma_wait3A_273, %dma_wait3A_274] : memref<10016x128xf32, #tpu.memory_space<vmem_shared>> -> memref<10016x128xf32, #tpu.memory_space<vmem_shared>>
          tpu.wait_indirect_dma semaphore(%arg31 : memref<!tpu.dma_semaphore, #tpu.memory_space<semaphore_mem>>) src(%arg19 : memref<128x128xf32, #tpu.memory_space<vmem>>) dst(%dma_wait3A_275 : memref<10016x128xf32, #tpu.memory_space<vmem_shared>>)
          %add3A_276 = arith.constant 2 : i32
          %add3A_277 = arith.addi %add3A_217, %add3A_276 : i32
          %dma_wait3A_278 = arith.constant 0 : i32
          %dma_wait3A_279 = tpu.memref_slice %arg3[%add3A, %add3A_277, %dma_wait3A_278] : memref<32x79x128xi32, #tpu.memory_space<hbm>> -> memref<1x1x128xi32, #tpu.memory_space<hbm>>
          %dma_wait3A_280 = tpu.memref_squeeze %dma_wait3A_279 : memref<1x1x128xi32, #tpu.memory_space<hbm>> -> memref<128xi32, #tpu.memory_space<hbm>>
          %dma_wait3A_281 = arith.constant 0 : i32
          %dma_wait3A_282 = tpu.memref_slice %arg3[%add3A, %add3A_277, %dma_wait3A_281] : memref<32x79x128xi32, #tpu.memory_space<hbm>> -> memref<1x1x128xi32, #tpu.memory_space<hbm>>
          %dma_wait3A_283 = tpu.memref_squeeze %dma_wait3A_282 : memref<1x1x128xi32, #tpu.memory_space<hbm>> -> memref<128xi32, #tpu.memory_space<hbm>>
          tpu.wait_dma2 semaphore(%arg25 : memref<!tpu.dma_semaphore, #tpu.memory_space<semaphore_mem>>) src(%dma_wait3A_283 : memref<128xi32, #tpu.memory_space<hbm>>) dst(%arg10 : memref<128xi32, #tpu.memory_space<vmem>>)
          %dma_wait3A_284 = arith.constant 0 : i32
          %dma_wait3A_285 = tpu.memref_slice %arg4[%add3A, %add3A_277, %dma_wait3A_284] : memref<32x79x128xi32, #tpu.memory_space<hbm>> -> memref<1x1x128xi32, #tpu.memory_space<hbm>>
          %dma_wait3A_286 = tpu.memref_squeeze %dma_wait3A_285 : memref<1x1x128xi32, #tpu.memory_space<hbm>> -> memref<128xi32, #tpu.memory_space<hbm>>
          %dma_wait3A_287 = arith.constant 0 : i32
          %dma_wait3A_288 = tpu.memref_slice %arg4[%add3A, %add3A_277, %dma_wait3A_287] : memref<32x79x128xi32, #tpu.memory_space<hbm>> -> memref<1x1x128xi32, #tpu.memory_space<hbm>>
          %dma_wait3A_289 = tpu.memref_squeeze %dma_wait3A_288 : memref<1x1x128xi32, #tpu.memory_space<hbm>> -> memref<128xi32, #tpu.memory_space<hbm>>
          tpu.wait_dma2 semaphore(%arg25 : memref<!tpu.dma_semaphore, #tpu.memory_space<semaphore_mem>>) src(%dma_wait3A_289 : memref<128xi32, #tpu.memory_space<hbm>>) dst(%arg16 : memref<128xi32, #tpu.memory_space<vmem>>)
          %dma_start3A_290 = arith.constant 0 : i32
          %dma_start3A_291 = arith.constant 0 : i32
          %dma_start3A_292 = tpu.memref_slice %arg2[%dma_start3A_290, %dma_start3A_291] : memref<10000x128xf32, #tpu.memory_space<hbm>> -> memref<10000x128xf32, #tpu.memory_space<hbm>>
          tpu.enqueue_indirect_dma source(%dma_start3A_292 : memref<10000x128xf32, #tpu.memory_space<hbm>>) target(%arg19 : memref<128x128xf32, #tpu.memory_space<vmem>>) offsets(%arg10 : memref<128xi32, #tpu.memory_space<vmem>>) semaphore(%arg28 : memref<!tpu.dma_semaphore, #tpu.memory_space<semaphore_mem>>)
          %add3A_293 = arith.constant 6 : i32
          %add3A_294 = arith.addi %add3A_217, %add3A_293 : i32
          %sub3A_295 = arith.constant 1 : i32
          %sub3A_296 = arith.subi %add3A_294, %sub3A_295 : i32
          %lt3A_297 = arith.constant 79 : i32
          %lt3A_298 = arith.cmpi slt, %sub3A_296, %lt3A_297 : i32
          %convert_element_type3A_299 = arith.extui %lt3A_298 : i1 to i32
          %cond3A_300 = arith.constant 0 : i32
          %cond3A_301 = arith.cmpi ne, %convert_element_type3A_299, %cond3A_300 : i32
          scf.if %cond3A_301 {
            %add3A_302 = arith.constant 6 : i32
            %add3A_303 = arith.addi %add3A_217, %add3A_302 : i32
            %sub3A_304 = arith.constant 1 : i32
            %sub3A_305 = arith.subi %add3A_303, %sub3A_304 : i32
            %dma_start3A_306 = arith.constant 0 : i32
            %dma_start3A_307 = tpu.memref_slice %arg3[%add3A, %sub3A_305, %dma_start3A_306] : memref<32x79x128xi32, #tpu.memory_space<hbm>> -> memref<1x1x128xi32, #tpu.memory_space<hbm>>
            %dma_start3A_308 = tpu.memref_squeeze %dma_start3A_307 : memref<1x1x128xi32, #tpu.memory_space<hbm>> -> memref<128xi32, #tpu.memory_space<hbm>>
            %dma_start3A_309 = arith.constant 0 : i32
            %dma_start3A_310 = tpu.memref_slice %arg3[%add3A, %sub3A_305, %dma_start3A_309] : memref<32x79x128xi32, #tpu.memory_space<hbm>> -> memref<1x1x128xi32, #tpu.memory_space<hbm>>
            %dma_start3A_311 = tpu.memref_squeeze %dma_start3A_310 : memref<1x1x128xi32, #tpu.memory_space<hbm>> -> memref<128xi32, #tpu.memory_space<hbm>>
            tpu.enqueue_dma source(%dma_start3A_311 : memref<128xi32, #tpu.memory_space<hbm>>) target(%arg7 : memref<128xi32, #tpu.memory_space<vmem>>) target_semaphore(%arg22 : memref<!tpu.dma_semaphore, #tpu.memory_space<semaphore_mem>>)
            %dma_start3A_312 = arith.constant 0 : i32
            %dma_start3A_313 = tpu.memref_slice %arg4[%add3A, %sub3A_305, %dma_start3A_312] : memref<32x79x128xi32, #tpu.memory_space<hbm>> -> memref<1x1x128xi32, #tpu.memory_space<hbm>>
            %dma_start3A_314 = tpu.memref_squeeze %dma_start3A_313 : memref<1x1x128xi32, #tpu.memory_space<hbm>> -> memref<128xi32, #tpu.memory_space<hbm>>
            %dma_start3A_315 = arith.constant 0 : i32
            %dma_start3A_316 = tpu.memref_slice %arg4[%add3A, %sub3A_305, %dma_start3A_315] : memref<32x79x128xi32, #tpu.memory_space<hbm>> -> memref<1x1x128xi32, #tpu.memory_space<hbm>>
            %dma_start3A_317 = tpu.memref_squeeze %dma_start3A_316 : memref<1x1x128xi32, #tpu.memory_space<hbm>> -> memref<128xi32, #tpu.memory_space<hbm>>
            tpu.enqueue_dma source(%dma_start3A_317 : memref<128xi32, #tpu.memory_space<hbm>>) target(%arg13 : memref<128xi32, #tpu.memory_space<vmem>>) target_semaphore(%arg22 : memref<!tpu.dma_semaphore, #tpu.memory_space<semaphore_mem>>)
          } else {
          }
        } else {
        }
      } else {
      }
      %mul3A_223 = arith.constant 6 : i32
      %mul3A_224 = arith.muli %add3A_204, %mul3A_223 : i32
      %add3A_225 = arith.constant 2 : i32
      %add3A_226 = arith.addi %mul3A_224, %add3A_225 : i32
      %lt3A_227 = arith.constant 79 : i32
      %lt3A_228 = arith.cmpi slt, %add3A_226, %lt3A_227 : i32
      %convert_element_type3A_229 = arith.extui %lt3A_228 : i1 to i32
      %cond3A_230 = arith.constant 0 : i32
      %cond3A_231 = arith.cmpi ne, %convert_element_type3A_229, %cond3A_230 : i32
      scf.if %cond3A_231 {
        %dma_wait3A_259 = arith.constant 0 : i32
        %dma_wait3A_260 = arith.constant 0 : i32
        %dma_wait3A_261 = tpu.memref_slice %arg2[%dma_wait3A_259, %dma_wait3A_260] : memref<10000x128xf32, #tpu.memory_space<hbm>> -> memref<10000x128xf32, #tpu.memory_space<hbm>>
        tpu.wait_indirect_dma semaphore(%arg30 : memref<!tpu.dma_semaphore, #tpu.memory_space<semaphore_mem>>) src(%dma_wait3A_261 : memref<10000x128xf32, #tpu.memory_space<hbm>>) dst(%arg21 : memref<128x128xf32, #tpu.memory_space<vmem>>)
        %dma_start3A_262 = arith.constant 0 : i32
        %dma_start3A_263 = arith.constant 0 : i32
        %dma_start3A_264 = tpu.memref_slice %arg6[%dma_start3A_262, %dma_start3A_263] : memref<10016x128xf32, #tpu.memory_space<vmem_shared>> -> memref<10016x128xf32, #tpu.memory_space<vmem_shared>>
        tpu.enqueue_indirect_dma source(%arg21 : memref<128x128xf32, #tpu.memory_space<vmem>>) target(%dma_start3A_264 : memref<10016x128xf32, #tpu.memory_space<vmem_shared>>) offsets(%arg15 : memref<128xi32, #tpu.memory_space<vmem>>) semaphore(%arg33 : memref<!tpu.dma_semaphore, #tpu.memory_space<semaphore_mem>>) {add = true}
        %ge3A = arith.constant 1 : i32
        %ge3A_265 = arith.cmpi sge, %add3A_226, %ge3A : i32
        %add3A_266 = arith.constant 2 : i32
        %add3A_267 = arith.addi %add3A_226, %add3A_266 : i32
        %lt3A_268 = arith.constant 79 : i32
        %lt3A_269 = arith.cmpi slt, %add3A_267, %lt3A_268 : i32
        %and3A = arith.andi %ge3A_265, %lt3A_269 : i1
        %convert_element_type3A_270 = arith.extui %and3A : i1 to i32
        %cond3A_271 = arith.constant 0 : i32
        %cond3A_272 = arith.cmpi ne, %convert_element_type3A_270, %cond3A_271 : i32
        scf.if %cond3A_272 {
          %dma_wait3A_273 = arith.constant 0 : i32
          %dma_wait3A_274 = arith.constant 0 : i32
          %dma_wait3A_275 = tpu.memref_slice %arg6[%dma_wait3A_273, %dma_wait3A_274] : memref<10016x128xf32, #tpu.memory_space<vmem_shared>> -> memref<10016x128xf32, #tpu.memory_space<vmem_shared>>
          tpu.wait_indirect_dma semaphore(%arg32 : memref<!tpu.dma_semaphore, #tpu.memory_space<semaphore_mem>>) src(%arg20 : memref<128x128xf32, #tpu.memory_space<vmem>>) dst(%dma_wait3A_275 : memref<10016x128xf32, #tpu.memory_space<vmem_shared>>)
          %add3A_276 = arith.constant 2 : i32
          %add3A_277 = arith.addi %add3A_226, %add3A_276 : i32
          %dma_wait3A_278 = arith.constant 0 : i32
          %dma_wait3A_279 = tpu.memref_slice %arg3[%add3A, %add3A_277, %dma_wait3A_278] : memref<32x79x128xi32, #tpu.memory_space<hbm>> -> memref<1x1x128xi32, #tpu.memory_space<hbm>>
          %dma_wait3A_280 = tpu.memref_squeeze %dma_wait3A_279 : memref<1x1x128xi32, #tpu.memory_space<hbm>> -> memref<128xi32, #tpu.memory_space<hbm>>
          %dma_wait3A_281 = arith.constant 0 : i32
          %dma_wait3A_282 = tpu.memref_slice %arg3[%add3A, %add3A_277, %dma_wait3A_281] : memref<32x79x128xi32, #tpu.memory_space<hbm>> -> memref<1x1x128xi32, #tpu.memory_space<hbm>>
          %dma_wait3A_283 = tpu.memref_squeeze %dma_wait3A_282 : memref<1x1x128xi32, #tpu.memory_space<hbm>> -> memref<128xi32, #tpu.memory_space<hbm>>
          tpu.wait_dma2 semaphore(%arg26 : memref<!tpu.dma_semaphore, #tpu.memory_space<semaphore_mem>>) src(%dma_wait3A_283 : memref<128xi32, #tpu.memory_space<hbm>>) dst(%arg11 : memref<128xi32, #tpu.memory_space<vmem>>)
          %dma_wait3A_284 = arith.constant 0 : i32
          %dma_wait3A_285 = tpu.memref_slice %arg4[%add3A, %add3A_277, %dma_wait3A_284] : memref<32x79x128xi32, #tpu.memory_space<hbm>> -> memref<1x1x128xi32, #tpu.memory_space<hbm>>
          %dma_wait3A_286 = tpu.memref_squeeze %dma_wait3A_285 : memref<1x1x128xi32, #tpu.memory_space<hbm>> -> memref<128xi32, #tpu.memory_space<hbm>>
          %dma_wait3A_287 = arith.constant 0 : i32
          %dma_wait3A_288 = tpu.memref_slice %arg4[%add3A, %add3A_277, %dma_wait3A_287] : memref<32x79x128xi32, #tpu.memory_space<hbm>> -> memref<1x1x128xi32, #tpu.memory_space<hbm>>
          %dma_wait3A_289 = tpu.memref_squeeze %dma_wait3A_288 : memref<1x1x128xi32, #tpu.memory_space<hbm>> -> memref<128xi32, #tpu.memory_space<hbm>>
          tpu.wait_dma2 semaphore(%arg26 : memref<!tpu.dma_semaphore, #tpu.memory_space<semaphore_mem>>) src(%dma_wait3A_289 : memref<128xi32, #tpu.memory_space<hbm>>) dst(%arg17 : memref<128xi32, #tpu.memory_space<vmem>>)
          %dma_start3A_290 = arith.constant 0 : i32
          %dma_start3A_291 = arith.constant 0 : i32
          %dma_start3A_292 = tpu.memref_slice %arg2[%dma_start3A_290, %dma_start3A_291] : memref<10000x128xf32, #tpu.memory_space<hbm>> -> memref<10000x128xf32, #tpu.memory_space<hbm>>
          tpu.enqueue_indirect_dma source(%dma_start3A_292 : memref<10000x128xf32, #tpu.memory_space<hbm>>) target(%arg20 : memref<128x128xf32, #tpu.memory_space<vmem>>) offsets(%arg11 : memref<128xi32, #tpu.memory_space<vmem>>) semaphore(%arg29 : memref<!tpu.dma_semaphore, #tpu.memory_space<semaphore_mem>>)
          %add3A_293 = arith.constant 6 : i32
          %add3A_294 = arith.addi %add3A_226, %add3A_293 : i32
          %sub3A_295 = arith.constant 1 : i32
          %sub3A_296 = arith.subi %add3A_294, %sub3A_295 : i32
          %lt3A_297 = arith.constant 79 : i32
          %lt3A_298 = arith.cmpi slt, %sub3A_296, %lt3A_297 : i32
          %convert_element_type3A_299 = arith.extui %lt3A_298 : i1 to i32
          %cond3A_300 = arith.constant 0 : i32
          %cond3A_301 = arith.cmpi ne, %convert_element_type3A_299, %cond3A_300 : i32
          scf.if %cond3A_301 {
            %add3A_302 = arith.constant 6 : i32
            %add3A_303 = arith.addi %add3A_226, %add3A_302 : i32
            %sub3A_304 = arith.constant 1 : i32
            %sub3A_305 = arith.subi %add3A_303, %sub3A_304 : i32
            %dma_start3A_306 = arith.constant 0 : i32
            %dma_start3A_307 = tpu.memref_slice %arg3[%add3A, %sub3A_305, %dma_start3A_306] : memref<32x79x128xi32, #tpu.memory_space<hbm>> -> memref<1x1x128xi32, #tpu.memory_space<hbm>>
            %dma_start3A_308 = tpu.memref_squeeze %dma_start3A_307 : memref<1x1x128xi32, #tpu.memory_space<hbm>> -> memref<128xi32, #tpu.memory_space<hbm>>
            %dma_start3A_309 = arith.constant 0 : i32
            %dma_start3A_310 = tpu.memref_slice %arg3[%add3A, %sub3A_305, %dma_start3A_309] : memref<32x79x128xi32, #tpu.memory_space<hbm>> -> memref<1x1x128xi32, #tpu.memory_space<hbm>>
            %dma_start3A_311 = tpu.memref_squeeze %dma_start3A_310 : memref<1x1x128xi32, #tpu.memory_space<hbm>> -> memref<128xi32, #tpu.memory_space<hbm>>
            tpu.enqueue_dma source(%dma_start3A_311 : memref<128xi32, #tpu.memory_space<hbm>>) target(%arg8 : memref<128xi32, #tpu.memory_space<vmem>>) target_semaphore(%arg23 : memref<!tpu.dma_semaphore, #tpu.memory_space<semaphore_mem>>)
            %dma_start3A_312 = arith.constant 0 : i32
            %dma_start3A_313 = tpu.memref_slice %arg4[%add3A, %sub3A_305, %dma_start3A_312] : memref<32x79x128xi32, #tpu.memory_space<hbm>> -> memref<1x1x128xi32, #tpu.memory_space<hbm>>
            %dma_start3A_314 = tpu.memref_squeeze %dma_start3A_313 : memref<1x1x128xi32, #tpu.memory_space<hbm>> -> memref<128xi32, #tpu.memory_space<hbm>>
            %dma_start3A_315 = arith.constant 0 : i32
            %dma_start3A_316 = tpu.memref_slice %arg4[%add3A, %sub3A_305, %dma_start3A_315] : memref<32x79x128xi32, #tpu.memory_space<hbm>> -> memref<1x1x128xi32, #tpu.memory_space<hbm>>
            %dma_start3A_317 = tpu.memref_squeeze %dma_start3A_316 : memref<1x1x128xi32, #tpu.memory_space<hbm>> -> memref<128xi32, #tpu.memory_space<hbm>>
            tpu.enqueue_dma source(%dma_start3A_317 : memref<128xi32, #tpu.memory_space<hbm>>) target(%arg14 : memref<128xi32, #tpu.memory_space<vmem>>) target_semaphore(%arg23 : memref<!tpu.dma_semaphore, #tpu.memory_space<semaphore_mem>>)
          } else {
          }
        } else {
        }
      } else {
      }
      %mul3A_232 = arith.constant 6 : i32
      %mul3A_233 = arith.muli %add3A_204, %mul3A_232 : i32
      %add3A_234 = arith.constant 3 : i32
      %add3A_235 = arith.addi %mul3A_233, %add3A_234 : i32
      %lt3A_236 = arith.constant 79 : i32
      %lt3A_237 = arith.cmpi slt, %add3A_235, %lt3A_236 : i32
      %convert_element_type3A_238 = arith.extui %lt3A_237 : i1 to i32
      %cond3A_239 = arith.constant 0 : i32
      %cond3A_240 = arith.cmpi ne, %convert_element_type3A_238, %cond3A_239 : i32
      scf.if %cond3A_240 {
        %dma_wait3A_259 = arith.constant 0 : i32
        %dma_wait3A_260 = arith.constant 0 : i32
        %dma_wait3A_261 = tpu.memref_slice %arg2[%dma_wait3A_259, %dma_wait3A_260] : memref<10000x128xf32, #tpu.memory_space<hbm>> -> memref<10000x128xf32, #tpu.memory_space<hbm>>
        tpu.wait_indirect_dma semaphore(%arg28 : memref<!tpu.dma_semaphore, #tpu.memory_space<semaphore_mem>>) src(%dma_wait3A_261 : memref<10000x128xf32, #tpu.memory_space<hbm>>) dst(%arg19 : memref<128x128xf32, #tpu.memory_space<vmem>>)
        %dma_start3A_262 = arith.constant 0 : i32
        %dma_start3A_263 = arith.constant 0 : i32
        %dma_start3A_264 = tpu.memref_slice %arg6[%dma_start3A_262, %dma_start3A_263] : memref<10016x128xf32, #tpu.memory_space<vmem_shared>> -> memref<10016x128xf32, #tpu.memory_space<vmem_shared>>
        tpu.enqueue_indirect_dma source(%arg19 : memref<128x128xf32, #tpu.memory_space<vmem>>) target(%dma_start3A_264 : memref<10016x128xf32, #tpu.memory_space<vmem_shared>>) offsets(%arg16 : memref<128xi32, #tpu.memory_space<vmem>>) semaphore(%arg31 : memref<!tpu.dma_semaphore, #tpu.memory_space<semaphore_mem>>) {add = true}
        %ge3A = arith.constant 1 : i32
        %ge3A_265 = arith.cmpi sge, %add3A_235, %ge3A : i32
        %add3A_266 = arith.constant 2 : i32
        %add3A_267 = arith.addi %add3A_235, %add3A_266 : i32
        %lt3A_268 = arith.constant 79 : i32
        %lt3A_269 = arith.cmpi slt, %add3A_267, %lt3A_268 : i32
        %and3A = arith.andi %ge3A_265, %lt3A_269 : i1
        %convert_element_type3A_270 = arith.extui %and3A : i1 to i32
        %cond3A_271 = arith.constant 0 : i32
        %cond3A_272 = arith.cmpi ne, %convert_element_type3A_270, %cond3A_271 : i32
        scf.if %cond3A_272 {
          %dma_wait3A_273 = arith.constant 0 : i32
          %dma_wait3A_274 = arith.constant 0 : i32
          %dma_wait3A_275 = tpu.memref_slice %arg6[%dma_wait3A_273, %dma_wait3A_274] : memref<10016x128xf32, #tpu.memory_space<vmem_shared>> -> memref<10016x128xf32, #tpu.memory_space<vmem_shared>>
          tpu.wait_indirect_dma semaphore(%arg33 : memref<!tpu.dma_semaphore, #tpu.memory_space<semaphore_mem>>) src(%arg21 : memref<128x128xf32, #tpu.memory_space<vmem>>) dst(%dma_wait3A_275 : memref<10016x128xf32, #tpu.memory_space<vmem_shared>>)
          %add3A_276 = arith.constant 2 : i32
          %add3A_277 = arith.addi %add3A_235, %add3A_276 : i32
          %dma_wait3A_278 = arith.constant 0 : i32
          %dma_wait3A_279 = tpu.memref_slice %arg3[%add3A, %add3A_277, %dma_wait3A_278] : memref<32x79x128xi32, #tpu.memory_space<hbm>> -> memref<1x1x128xi32, #tpu.memory_space<hbm>>
          %dma_wait3A_280 = tpu.memref_squeeze %dma_wait3A_279 : memref<1x1x128xi32, #tpu.memory_space<hbm>> -> memref<128xi32, #tpu.memory_space<hbm>>
          %dma_wait3A_281 = arith.constant 0 : i32
          %dma_wait3A_282 = tpu.memref_slice %arg3[%add3A, %add3A_277, %dma_wait3A_281] : memref<32x79x128xi32, #tpu.memory_space<hbm>> -> memref<1x1x128xi32, #tpu.memory_space<hbm>>
          %dma_wait3A_283 = tpu.memref_squeeze %dma_wait3A_282 : memref<1x1x128xi32, #tpu.memory_space<hbm>> -> memref<128xi32, #tpu.memory_space<hbm>>
          tpu.wait_dma2 semaphore(%arg27 : memref<!tpu.dma_semaphore, #tpu.memory_space<semaphore_mem>>) src(%dma_wait3A_283 : memref<128xi32, #tpu.memory_space<hbm>>) dst(%arg12 : memref<128xi32, #tpu.memory_space<vmem>>)
          %dma_wait3A_284 = arith.constant 0 : i32
          %dma_wait3A_285 = tpu.memref_slice %arg4[%add3A, %add3A_277, %dma_wait3A_284] : memref<32x79x128xi32, #tpu.memory_space<hbm>> -> memref<1x1x128xi32, #tpu.memory_space<hbm>>
          %dma_wait3A_286 = tpu.memref_squeeze %dma_wait3A_285 : memref<1x1x128xi32, #tpu.memory_space<hbm>> -> memref<128xi32, #tpu.memory_space<hbm>>
          %dma_wait3A_287 = arith.constant 0 : i32
          %dma_wait3A_288 = tpu.memref_slice %arg4[%add3A, %add3A_277, %dma_wait3A_287] : memref<32x79x128xi32, #tpu.memory_space<hbm>> -> memref<1x1x128xi32, #tpu.memory_space<hbm>>
          %dma_wait3A_289 = tpu.memref_squeeze %dma_wait3A_288 : memref<1x1x128xi32, #tpu.memory_space<hbm>> -> memref<128xi32, #tpu.memory_space<hbm>>
          tpu.wait_dma2 semaphore(%arg27 : memref<!tpu.dma_semaphore, #tpu.memory_space<semaphore_mem>>) src(%dma_wait3A_289 : memref<128xi32, #tpu.memory_space<hbm>>) dst(%arg18 : memref<128xi32, #tpu.memory_space<vmem>>)
          %dma_start3A_290 = arith.constant 0 : i32
          %dma_start3A_291 = arith.constant 0 : i32
          %dma_start3A_292 = tpu.memref_slice %arg2[%dma_start3A_290, %dma_start3A_291] : memref<10000x128xf32, #tpu.memory_space<hbm>> -> memref<10000x128xf32, #tpu.memory_space<hbm>>
          tpu.enqueue_indirect_dma source(%dma_start3A_292 : memref<10000x128xf32, #tpu.memory_space<hbm>>) target(%arg21 : memref<128x128xf32, #tpu.memory_space<vmem>>) offsets(%arg12 : memref<128xi32, #tpu.memory_space<vmem>>) semaphore(%arg30 : memref<!tpu.dma_semaphore, #tpu.memory_space<semaphore_mem>>)
          %add3A_293 = arith.constant 6 : i32
          %add3A_294 = arith.addi %add3A_235, %add3A_293 : i32
          %sub3A_295 = arith.constant 1 : i32
          %sub3A_296 = arith.subi %add3A_294, %sub3A_295 : i32
          %lt3A_297 = arith.constant 79 : i32
          %lt3A_298 = arith.cmpi slt, %sub3A_296, %lt3A_297 : i32
          %convert_element_type3A_299 = arith.extui %lt3A_298 : i1 to i32
          %cond3A_300 = arith.constant 0 : i32
          %cond3A_301 = arith.cmpi ne, %convert_element_type3A_299, %cond3A_300 : i32
          scf.if %cond3A_301 {
            %add3A_302 = arith.constant 6 : i32
            %add3A_303 = arith.addi %add3A_235, %add3A_302 : i32
            %sub3A_304 = arith.constant 1 : i32
            %sub3A_305 = arith.subi %add3A_303, %sub3A_304 : i32
            %dma_start3A_306 = arith.constant 0 : i32
            %dma_start3A_307 = tpu.memref_slice %arg3[%add3A, %sub3A_305, %dma_start3A_306] : memref<32x79x128xi32, #tpu.memory_space<hbm>> -> memref<1x1x128xi32, #tpu.memory_space<hbm>>
            %dma_start3A_308 = tpu.memref_squeeze %dma_start3A_307 : memref<1x1x128xi32, #tpu.memory_space<hbm>> -> memref<128xi32, #tpu.memory_space<hbm>>
            %dma_start3A_309 = arith.constant 0 : i32
            %dma_start3A_310 = tpu.memref_slice %arg3[%add3A, %sub3A_305, %dma_start3A_309] : memref<32x79x128xi32, #tpu.memory_space<hbm>> -> memref<1x1x128xi32, #tpu.memory_space<hbm>>
            %dma_start3A_311 = tpu.memref_squeeze %dma_start3A_310 : memref<1x1x128xi32, #tpu.memory_space<hbm>> -> memref<128xi32, #tpu.memory_space<hbm>>
            tpu.enqueue_dma source(%dma_start3A_311 : memref<128xi32, #tpu.memory_space<hbm>>) target(%arg9 : memref<128xi32, #tpu.memory_space<vmem>>) target_semaphore(%arg24 : memref<!tpu.dma_semaphore, #tpu.memory_space<semaphore_mem>>)
            %dma_start3A_312 = arith.constant 0 : i32
            %dma_start3A_313 = tpu.memref_slice %arg4[%add3A, %sub3A_305, %dma_start3A_312] : memref<32x79x128xi32, #tpu.memory_space<hbm>> -> memref<1x1x128xi32, #tpu.memory_space<hbm>>
            %dma_start3A_314 = tpu.memref_squeeze %dma_start3A_313 : memref<1x1x128xi32, #tpu.memory_space<hbm>> -> memref<128xi32, #tpu.memory_space<hbm>>
            %dma_start3A_315 = arith.constant 0 : i32
            %dma_start3A_316 = tpu.memref_slice %arg4[%add3A, %sub3A_305, %dma_start3A_315] : memref<32x79x128xi32, #tpu.memory_space<hbm>> -> memref<1x1x128xi32, #tpu.memory_space<hbm>>
            %dma_start3A_317 = tpu.memref_squeeze %dma_start3A_316 : memref<1x1x128xi32, #tpu.memory_space<hbm>> -> memref<128xi32, #tpu.memory_space<hbm>>
            tpu.enqueue_dma source(%dma_start3A_317 : memref<128xi32, #tpu.memory_space<hbm>>) target(%arg15 : memref<128xi32, #tpu.memory_space<vmem>>) target_semaphore(%arg24 : memref<!tpu.dma_semaphore, #tpu.memory_space<semaphore_mem>>)
          } else {
          }
        } else {
        }
      } else {
      }
      %mul3A_241 = arith.constant 6 : i32
      %mul3A_242 = arith.muli %add3A_204, %mul3A_241 : i32
      %add3A_243 = arith.constant 4 : i32
      %add3A_244 = arith.addi %mul3A_242, %add3A_243 : i32
      %lt3A_245 = arith.constant 79 : i32
      %lt3A_246 = arith.cmpi slt, %add3A_244, %lt3A_245 : i32
      %convert_element_type3A_247 = arith.extui %lt3A_246 : i1 to i32
      %cond3A_248 = arith.constant 0 : i32
      %cond3A_249 = arith.cmpi ne, %convert_element_type3A_247, %cond3A_248 : i32
      scf.if %cond3A_249 {
        %dma_wait3A_259 = arith.constant 0 : i32
        %dma_wait3A_260 = arith.constant 0 : i32
        %dma_wait3A_261 = tpu.memref_slice %arg2[%dma_wait3A_259, %dma_wait3A_260] : memref<10000x128xf32, #tpu.memory_space<hbm>> -> memref<10000x128xf32, #tpu.memory_space<hbm>>
        tpu.wait_indirect_dma semaphore(%arg29 : memref<!tpu.dma_semaphore, #tpu.memory_space<semaphore_mem>>) src(%dma_wait3A_261 : memref<10000x128xf32, #tpu.memory_space<hbm>>) dst(%arg20 : memref<128x128xf32, #tpu.memory_space<vmem>>)
        %dma_start3A_262 = arith.constant 0 : i32
        %dma_start3A_263 = arith.constant 0 : i32
        %dma_start3A_264 = tpu.memref_slice %arg6[%dma_start3A_262, %dma_start3A_263] : memref<10016x128xf32, #tpu.memory_space<vmem_shared>> -> memref<10016x128xf32, #tpu.memory_space<vmem_shared>>
        tpu.enqueue_indirect_dma source(%arg20 : memref<128x128xf32, #tpu.memory_space<vmem>>) target(%dma_start3A_264 : memref<10016x128xf32, #tpu.memory_space<vmem_shared>>) offsets(%arg17 : memref<128xi32, #tpu.memory_space<vmem>>) semaphore(%arg32 : memref<!tpu.dma_semaphore, #tpu.memory_space<semaphore_mem>>) {add = true}
        %ge3A = arith.constant 1 : i32
        %ge3A_265 = arith.cmpi sge, %add3A_244, %ge3A : i32
        %add3A_266 = arith.constant 2 : i32
        %add3A_267 = arith.addi %add3A_244, %add3A_266 : i32
        %lt3A_268 = arith.constant 79 : i32
        %lt3A_269 = arith.cmpi slt, %add3A_267, %lt3A_268 : i32
        %and3A = arith.andi %ge3A_265, %lt3A_269 : i1
        %convert_element_type3A_270 = arith.extui %and3A : i1 to i32
        %cond3A_271 = arith.constant 0 : i32
        %cond3A_272 = arith.cmpi ne, %convert_element_type3A_270, %cond3A_271 : i32
        scf.if %cond3A_272 {
          %dma_wait3A_273 = arith.constant 0 : i32
          %dma_wait3A_274 = arith.constant 0 : i32
          %dma_wait3A_275 = tpu.memref_slice %arg6[%dma_wait3A_273, %dma_wait3A_274] : memref<10016x128xf32, #tpu.memory_space<vmem_shared>> -> memref<10016x128xf32, #tpu.memory_space<vmem_shared>>
          tpu.wait_indirect_dma semaphore(%arg31 : memref<!tpu.dma_semaphore, #tpu.memory_space<semaphore_mem>>) src(%arg19 : memref<128x128xf32, #tpu.memory_space<vmem>>) dst(%dma_wait3A_275 : memref<10016x128xf32, #tpu.memory_space<vmem_shared>>)
          %add3A_276 = arith.constant 2 : i32
          %add3A_277 = arith.addi %add3A_244, %add3A_276 : i32
          %dma_wait3A_278 = arith.constant 0 : i32
          %dma_wait3A_279 = tpu.memref_slice %arg3[%add3A, %add3A_277, %dma_wait3A_278] : memref<32x79x128xi32, #tpu.memory_space<hbm>> -> memref<1x1x128xi32, #tpu.memory_space<hbm>>
          %dma_wait3A_280 = tpu.memref_squeeze %dma_wait3A_279 : memref<1x1x128xi32, #tpu.memory_space<hbm>> -> memref<128xi32, #tpu.memory_space<hbm>>
          %dma_wait3A_281 = arith.constant 0 : i32
          %dma_wait3A_282 = tpu.memref_slice %arg3[%add3A, %add3A_277, %dma_wait3A_281] : memref<32x79x128xi32, #tpu.memory_space<hbm>> -> memref<1x1x128xi32, #tpu.memory_space<hbm>>
          %dma_wait3A_283 = tpu.memref_squeeze %dma_wait3A_282 : memref<1x1x128xi32, #tpu.memory_space<hbm>> -> memref<128xi32, #tpu.memory_space<hbm>>
          tpu.wait_dma2 semaphore(%arg22 : memref<!tpu.dma_semaphore, #tpu.memory_space<semaphore_mem>>) src(%dma_wait3A_283 : memref<128xi32, #tpu.memory_space<hbm>>) dst(%arg7 : memref<128xi32, #tpu.memory_space<vmem>>)
          %dma_wait3A_284 = arith.constant 0 : i32
          %dma_wait3A_285 = tpu.memref_slice %arg4[%add3A, %add3A_277, %dma_wait3A_284] : memref<32x79x128xi32, #tpu.memory_space<hbm>> -> memref<1x1x128xi32, #tpu.memory_space<hbm>>
          %dma_wait3A_286 = tpu.memref_squeeze %dma_wait3A_285 : memref<1x1x128xi32, #tpu.memory_space<hbm>> -> memref<128xi32, #tpu.memory_space<hbm>>
          %dma_wait3A_287 = arith.constant 0 : i32
          %dma_wait3A_288 = tpu.memref_slice %arg4[%add3A, %add3A_277, %dma_wait3A_287] : memref<32x79x128xi32, #tpu.memory_space<hbm>> -> memref<1x1x128xi32, #tpu.memory_space<hbm>>
          %dma_wait3A_289 = tpu.memref_squeeze %dma_wait3A_288 : memref<1x1x128xi32, #tpu.memory_space<hbm>> -> memref<128xi32, #tpu.memory_space<hbm>>
          tpu.wait_dma2 semaphore(%arg22 : memref<!tpu.dma_semaphore, #tpu.memory_space<semaphore_mem>>) src(%dma_wait3A_289 : memref<128xi32, #tpu.memory_space<hbm>>) dst(%arg13 : memref<128xi32, #tpu.memory_space<vmem>>)
          %dma_start3A_290 = arith.constant 0 : i32
          %dma_start3A_291 = arith.constant 0 : i32
          %dma_start3A_292 = tpu.memref_slice %arg2[%dma_start3A_290, %dma_start3A_291] : memref<10000x128xf32, #tpu.memory_space<hbm>> -> memref<10000x128xf32, #tpu.memory_space<hbm>>
          tpu.enqueue_indirect_dma source(%dma_start3A_292 : memref<10000x128xf32, #tpu.memory_space<hbm>>) target(%arg19 : memref<128x128xf32, #tpu.memory_space<vmem>>) offsets(%arg7 : memref<128xi32, #tpu.memory_space<vmem>>) semaphore(%arg28 : memref<!tpu.dma_semaphore, #tpu.memory_space<semaphore_mem>>)
          %add3A_293 = arith.constant 6 : i32
          %add3A_294 = arith.addi %add3A_244, %add3A_293 : i32
          %sub3A_295 = arith.constant 1 : i32
          %sub3A_296 = arith.subi %add3A_294, %sub3A_295 : i32
          %lt3A_297 = arith.constant 79 : i32
          %lt3A_298 = arith.cmpi slt, %sub3A_296, %lt3A_297 : i32
          %convert_element_type3A_299 = arith.extui %lt3A_298 : i1 to i32
          %cond3A_300 = arith.constant 0 : i32
          %cond3A_301 = arith.cmpi ne, %convert_element_type3A_299, %cond3A_300 : i32
          scf.if %cond3A_301 {
            %add3A_302 = arith.constant 6 : i32
            %add3A_303 = arith.addi %add3A_244, %add3A_302 : i32
            %sub3A_304 = arith.constant 1 : i32
            %sub3A_305 = arith.subi %add3A_303, %sub3A_304 : i32
            %dma_start3A_306 = arith.constant 0 : i32
            %dma_start3A_307 = tpu.memref_slice %arg3[%add3A, %sub3A_305, %dma_start3A_306] : memref<32x79x128xi32, #tpu.memory_space<hbm>> -> memref<1x1x128xi32, #tpu.memory_space<hbm>>
            %dma_start3A_308 = tpu.memref_squeeze %dma_start3A_307 : memref<1x1x128xi32, #tpu.memory_space<hbm>> -> memref<128xi32, #tpu.memory_space<hbm>>
            %dma_start3A_309 = arith.constant 0 : i32
            %dma_start3A_310 = tpu.memref_slice %arg3[%add3A, %sub3A_305, %dma_start3A_309] : memref<32x79x128xi32, #tpu.memory_space<hbm>> -> memref<1x1x128xi32, #tpu.memory_space<hbm>>
            %dma_start3A_311 = tpu.memref_squeeze %dma_start3A_310 : memref<1x1x128xi32, #tpu.memory_space<hbm>> -> memref<128xi32, #tpu.memory_space<hbm>>
            tpu.enqueue_dma source(%dma_start3A_311 : memref<128xi32, #tpu.memory_space<hbm>>) target(%arg10 : memref<128xi32, #tpu.memory_space<vmem>>) target_semaphore(%arg25 : memref<!tpu.dma_semaphore, #tpu.memory_space<semaphore_mem>>)
            %dma_start3A_312 = arith.constant 0 : i32
            %dma_start3A_313 = tpu.memref_slice %arg4[%add3A, %sub3A_305, %dma_start3A_312] : memref<32x79x128xi32, #tpu.memory_space<hbm>> -> memref<1x1x128xi32, #tpu.memory_space<hbm>>
            %dma_start3A_314 = tpu.memref_squeeze %dma_start3A_313 : memref<1x1x128xi32, #tpu.memory_space<hbm>> -> memref<128xi32, #tpu.memory_space<hbm>>
            %dma_start3A_315 = arith.constant 0 : i32
            %dma_start3A_316 = tpu.memref_slice %arg4[%add3A, %sub3A_305, %dma_start3A_315] : memref<32x79x128xi32, #tpu.memory_space<hbm>> -> memref<1x1x128xi32, #tpu.memory_space<hbm>>
            %dma_start3A_317 = tpu.memref_squeeze %dma_start3A_316 : memref<1x1x128xi32, #tpu.memory_space<hbm>> -> memref<128xi32, #tpu.memory_space<hbm>>
            tpu.enqueue_dma source(%dma_start3A_317 : memref<128xi32, #tpu.memory_space<hbm>>) target(%arg16 : memref<128xi32, #tpu.memory_space<vmem>>) target_semaphore(%arg25 : memref<!tpu.dma_semaphore, #tpu.memory_space<semaphore_mem>>)
          } else {
          }
        } else {
        }
      } else {
      }
      %mul3A_250 = arith.constant 6 : i32
      %mul3A_251 = arith.muli %add3A_204, %mul3A_250 : i32
      %add3A_252 = arith.constant 5 : i32
      %add3A_253 = arith.addi %mul3A_251, %add3A_252 : i32
      %lt3A_254 = arith.constant 79 : i32
      %lt3A_255 = arith.cmpi slt, %add3A_253, %lt3A_254 : i32
      %convert_element_type3A_256 = arith.extui %lt3A_255 : i1 to i32
      %cond3A_257 = arith.constant 0 : i32
      %cond3A_258 = arith.cmpi ne, %convert_element_type3A_256, %cond3A_257 : i32
      scf.if %cond3A_258 {
        %dma_wait3A_259 = arith.constant 0 : i32
        %dma_wait3A_260 = arith.constant 0 : i32
        %dma_wait3A_261 = tpu.memref_slice %arg2[%dma_wait3A_259, %dma_wait3A_260] : memref<10000x128xf32, #tpu.memory_space<hbm>> -> memref<10000x128xf32, #tpu.memory_space<hbm>>
        tpu.wait_indirect_dma semaphore(%arg30 : memref<!tpu.dma_semaphore, #tpu.memory_space<semaphore_mem>>) src(%dma_wait3A_261 : memref<10000x128xf32, #tpu.memory_space<hbm>>) dst(%arg21 : memref<128x128xf32, #tpu.memory_space<vmem>>)
        %dma_start3A_262 = arith.constant 0 : i32
        %dma_start3A_263 = arith.constant 0 : i32
        %dma_start3A_264 = tpu.memref_slice %arg6[%dma_start3A_262, %dma_start3A_263] : memref<10016x128xf32, #tpu.memory_space<vmem_shared>> -> memref<10016x128xf32, #tpu.memory_space<vmem_shared>>
        tpu.enqueue_indirect_dma source(%arg21 : memref<128x128xf32, #tpu.memory_space<vmem>>) target(%dma_start3A_264 : memref<10016x128xf32, #tpu.memory_space<vmem_shared>>) offsets(%arg18 : memref<128xi32, #tpu.memory_space<vmem>>) semaphore(%arg33 : memref<!tpu.dma_semaphore, #tpu.memory_space<semaphore_mem>>) {add = true}
        %ge3A = arith.constant 1 : i32
        %ge3A_265 = arith.cmpi sge, %add3A_253, %ge3A : i32
        %add3A_266 = arith.constant 2 : i32
        %add3A_267 = arith.addi %add3A_253, %add3A_266 : i32
        %lt3A_268 = arith.constant 79 : i32
        %lt3A_269 = arith.cmpi slt, %add3A_267, %lt3A_268 : i32
        %and3A = arith.andi %ge3A_265, %lt3A_269 : i1
        %convert_element_type3A_270 = arith.extui %and3A : i1 to i32
        %cond3A_271 = arith.constant 0 : i32
        %cond3A_272 = arith.cmpi ne, %convert_element_type3A_270, %cond3A_271 : i32
        scf.if %cond3A_272 {
          %dma_wait3A_273 = arith.constant 0 : i32
          %dma_wait3A_274 = arith.constant 0 : i32
          %dma_wait3A_275 = tpu.memref_slice %arg6[%dma_wait3A_273, %dma_wait3A_274] : memref<10016x128xf32, #tpu.memory_space<vmem_shared>> -> memref<10016x128xf32, #tpu.memory_space<vmem_shared>>
          tpu.wait_indirect_dma semaphore(%arg32 : memref<!tpu.dma_semaphore, #tpu.memory_space<semaphore_mem>>) src(%arg20 : memref<128x128xf32, #tpu.memory_space<vmem>>) dst(%dma_wait3A_275 : memref<10016x128xf32, #tpu.memory_space<vmem_shared>>)
          %add3A_276 = arith.constant 2 : i32
          %add3A_277 = arith.addi %add3A_253, %add3A_276 : i32
          %dma_wait3A_278 = arith.constant 0 : i32
          %dma_wait3A_279 = tpu.memref_slice %arg3[%add3A, %add3A_277, %dma_wait3A_278] : memref<32x79x128xi32, #tpu.memory_space<hbm>> -> memref<1x1x128xi32, #tpu.memory_space<hbm>>
          %dma_wait3A_280 = tpu.memref_squeeze %dma_wait3A_279 : memref<1x1x128xi32, #tpu.memory_space<hbm>> -> memref<128xi32, #tpu.memory_space<hbm>>
          %dma_wait3A_281 = arith.constant 0 : i32
          %dma_wait3A_282 = tpu.memref_slice %arg3[%add3A, %add3A_277, %dma_wait3A_281] : memref<32x79x128xi32, #tpu.memory_space<hbm>> -> memref<1x1x128xi32, #tpu.memory_space<hbm>>
          %dma_wait3A_283 = tpu.memref_squeeze %dma_wait3A_282 : memref<1x1x128xi32, #tpu.memory_space<hbm>> -> memref<128xi32, #tpu.memory_space<hbm>>
          tpu.wait_dma2 semaphore(%arg23 : memref<!tpu.dma_semaphore, #tpu.memory_space<semaphore_mem>>) src(%dma_wait3A_283 : memref<128xi32, #tpu.memory_space<hbm>>) dst(%arg8 : memref<128xi32, #tpu.memory_space<vmem>>)
          %dma_wait3A_284 = arith.constant 0 : i32
          %dma_wait3A_285 = tpu.memref_slice %arg4[%add3A, %add3A_277, %dma_wait3A_284] : memref<32x79x128xi32, #tpu.memory_space<hbm>> -> memref<1x1x128xi32, #tpu.memory_space<hbm>>
          %dma_wait3A_286 = tpu.memref_squeeze %dma_wait3A_285 : memref<1x1x128xi32, #tpu.memory_space<hbm>> -> memref<128xi32, #tpu.memory_space<hbm>>
          %dma_wait3A_287 = arith.constant 0 : i32
          %dma_wait3A_288 = tpu.memref_slice %arg4[%add3A, %add3A_277, %dma_wait3A_287] : memref<32x79x128xi32, #tpu.memory_space<hbm>> -> memref<1x1x128xi32, #tpu.memory_space<hbm>>
          %dma_wait3A_289 = tpu.memref_squeeze %dma_wait3A_288 : memref<1x1x128xi32, #tpu.memory_space<hbm>> -> memref<128xi32, #tpu.memory_space<hbm>>
          tpu.wait_dma2 semaphore(%arg23 : memref<!tpu.dma_semaphore, #tpu.memory_space<semaphore_mem>>) src(%dma_wait3A_289 : memref<128xi32, #tpu.memory_space<hbm>>) dst(%arg14 : memref<128xi32, #tpu.memory_space<vmem>>)
          %dma_start3A_290 = arith.constant 0 : i32
          %dma_start3A_291 = arith.constant 0 : i32
          %dma_start3A_292 = tpu.memref_slice %arg2[%dma_start3A_290, %dma_start3A_291] : memref<10000x128xf32, #tpu.memory_space<hbm>> -> memref<10000x128xf32, #tpu.memory_space<hbm>>
          tpu.enqueue_indirect_dma source(%dma_start3A_292 : memref<10000x128xf32, #tpu.memory_space<hbm>>) target(%arg20 : memref<128x128xf32, #tpu.memory_space<vmem>>) offsets(%arg8 : memref<128xi32, #tpu.memory_space<vmem>>) semaphore(%arg29 : memref<!tpu.dma_semaphore, #tpu.memory_space<semaphore_mem>>)
          %add3A_293 = arith.constant 6 : i32
          %add3A_294 = arith.addi %add3A_253, %add3A_293 : i32
          %sub3A_295 = arith.constant 1 : i32
          %sub3A_296 = arith.subi %add3A_294, %sub3A_295 : i32
          %lt3A_297 = arith.constant 79 : i32
          %lt3A_298 = arith.cmpi slt, %sub3A_296, %lt3A_297 : i32
          %convert_element_type3A_299 = arith.extui %lt3A_298 : i1 to i32
          %cond3A_300 = arith.constant 0 : i32
          %cond3A_301 = arith.cmpi ne, %convert_element_type3A_299, %cond3A_300 : i32
          scf.if %cond3A_301 {
            %add3A_302 = arith.constant 6 : i32
            %add3A_303 = arith.addi %add3A_253, %add3A_302 : i32
            %sub3A_304 = arith.constant 1 : i32
            %sub3A_305 = arith.subi %add3A_303, %sub3A_304 : i32
            %dma_start3A_306 = arith.constant 0 : i32
            %dma_start3A_307 = tpu.memref_slice %arg3[%add3A, %sub3A_305, %dma_start3A_306] : memref<32x79x128xi32, #tpu.memory_space<hbm>> -> memref<1x1x128xi32, #tpu.memory_space<hbm>>
            %dma_start3A_308 = tpu.memref_squeeze %dma_start3A_307 : memref<1x1x128xi32, #tpu.memory_space<hbm>> -> memref<128xi32, #tpu.memory_space<hbm>>
            %dma_start3A_309 = arith.constant 0 : i32
            %dma_start3A_310 = tpu.memref_slice %arg3[%add3A, %sub3A_305, %dma_start3A_309] : memref<32x79x128xi32, #tpu.memory_space<hbm>> -> memref<1x1x128xi32, #tpu.memory_space<hbm>>
            %dma_start3A_311 = tpu.memref_squeeze %dma_start3A_310 : memref<1x1x128xi32, #tpu.memory_space<hbm>> -> memref<128xi32, #tpu.memory_space<hbm>>
            tpu.enqueue_dma source(%dma_start3A_311 : memref<128xi32, #tpu.memory_space<hbm>>) target(%arg11 : memref<128xi32, #tpu.memory_space<vmem>>) target_semaphore(%arg26 : memref<!tpu.dma_semaphore, #tpu.memory_space<semaphore_mem>>)
            %dma_start3A_312 = arith.constant 0 : i32
            %dma_start3A_313 = tpu.memref_slice %arg4[%add3A, %sub3A_305, %dma_start3A_312] : memref<32x79x128xi32, #tpu.memory_space<hbm>> -> memref<1x1x128xi32, #tpu.memory_space<hbm>>
            %dma_start3A_314 = tpu.memref_squeeze %dma_start3A_313 : memref<1x1x128xi32, #tpu.memory_space<hbm>> -> memref<128xi32, #tpu.memory_space<hbm>>
            %dma_start3A_315 = arith.constant 0 : i32
            %dma_start3A_316 = tpu.memref_slice %arg4[%add3A, %sub3A_305, %dma_start3A_315] : memref<32x79x128xi32, #tpu.memory_space<hbm>> -> memref<1x1x128xi32, #tpu.memory_space<hbm>>
            %dma_start3A_317 = tpu.memref_squeeze %dma_start3A_316 : memref<1x1x128xi32, #tpu.memory_space<hbm>> -> memref<128xi32, #tpu.memory_space<hbm>>
            tpu.enqueue_dma source(%dma_start3A_317 : memref<128xi32, #tpu.memory_space<hbm>>) target(%arg17 : memref<128xi32, #tpu.memory_space<vmem>>) target_semaphore(%arg26 : memref<!tpu.dma_semaphore, #tpu.memory_space<semaphore_mem>>)
          } else {
          }
        } else {
        }
      } else {
      }
    }
    %scan3A_165 = arith.constant 14 : i32
    %dma_wait3A_166 = arith.constant 0 : i32
    %dma_wait3A_167 = arith.constant 0 : i32
    %dma_wait3A_168 = tpu.memref_slice %arg6[%dma_wait3A_166, %dma_wait3A_167] : memref<10016x128xf32, #tpu.memory_space<vmem_shared>> -> memref<10016x128xf32, #tpu.memory_space<vmem_shared>>
    tpu.wait_indirect_dma semaphore(%arg31 : memref<!tpu.dma_semaphore, #tpu.memory_space<semaphore_mem>>) src(%arg19 : memref<128x128xf32, #tpu.memory_space<vmem>>) dst(%dma_wait3A_168 : memref<10016x128xf32, #tpu.memory_space<vmem_shared>>)
    %dma_wait3A_169 = arith.constant 0 : i32
    %dma_wait3A_170 = arith.constant 0 : i32
    %dma_wait3A_171 = tpu.memref_slice %arg6[%dma_wait3A_169, %dma_wait3A_170] : memref<10016x128xf32, #tpu.memory_space<vmem_shared>> -> memref<10016x128xf32, #tpu.memory_space<vmem_shared>>
    tpu.wait_indirect_dma semaphore(%arg33 : memref<!tpu.dma_semaphore, #tpu.memory_space<semaphore_mem>>) src(%arg21 : memref<128x128xf32, #tpu.memory_space<vmem>>) dst(%dma_wait3A_171 : memref<10016x128xf32, #tpu.memory_space<vmem_shared>>)
    %dma_wait3A_172 = arith.constant 0 : i32
    %dma_wait3A_173 = arith.constant 0 : i32
    %dma_wait3A_174 = tpu.memref_slice %arg6[%dma_wait3A_172, %dma_wait3A_173] : memref<10016x128xf32, #tpu.memory_space<vmem_shared>> -> memref<10016x128xf32, #tpu.memory_space<vmem_shared>>
    tpu.wait_indirect_dma semaphore(%arg32 : memref<!tpu.dma_semaphore, #tpu.memory_space<semaphore_mem>>) src(%arg20 : memref<128x128xf32, #tpu.memory_space<vmem>>) dst(%dma_wait3A_174 : memref<10016x128xf32, #tpu.memory_space<vmem_shared>>)
    %barrier3A_175 = arith.constant 0 : index
    tpu.barrier barrier_id(%barrier3A_175)
    %sub3A_176 = arith.constant 0 : i32
    %sub3A_177 = arith.subi %select_n3A, %sub3A_176 : i32
    %sub3A_178 = arith.constant 1 : i32
    %sub3A_179 = arith.constant 1 : i32
    %sub3A_180 = arith.subi %sub3A_178, %sub3A_179 : i32
    %add3A_181 = arith.addi %sub3A_177, %sub3A_180 : i32
    %div3A_182 = arith.constant 1 : i32
    %div3A_183 = arith.divsi %add3A_181, %div3A_182 : i32
    %while3A_184 = arith.constant 1 : i32
    %while3A_185 = arith.constant 0 : i32
    %while3A_186 = arith.constant 0 : i32
    %while3A_187 = arith.subi %div3A_183, %while3A_186 : i32
    %while3A_188 = arith.addi %while3A_186, %while3A_187 : i32
    %while3A_189 = arith.constant 1 : i32
    %while3A_190 = arith.divsi %while3A_187, %while3A_189 : i32
    %while3A_191 = arith.muli %while3A_190, %while3A_189 : i32
    %while3A_192 = arith.addi %while3A_186, %while3A_191 : i32
    %while3A_193 = arith.constant 1 : i32
    scf.for %while3A_200 = %while3A_186 to %while3A_192 step %while3A_193  : i32 {
      %mul3A_201 = arith.muli %while3A_200, %while3A_184 : i32
      %add3A_202 = arith.addi %while3A_185, %mul3A_201 : i32
      %mul3A_203 = arith.constant 128 : i32
      %mul3A_204 = arith.muli %add3A_202, %mul3A_203 : i32
      %add3A_205 = arith.addi %mul3A_2, %mul3A_204 : i32
      "tpu.region"() ({
        %run_scoped3A = tpu.sem_alloc : memref<!tpu.dma_semaphore, #tpu.memory_space<semaphore_mem>>
        %dma_start3A_209 = arith.constant 0 : i32
        %dma_start3A_210 = tpu.memref_slice %arg6[%add3A_205, %dma_start3A_209] : memref<10016x128xf32, #tpu.memory_space<vmem_shared>> -> memref<128x128xf32, #tpu.memory_space<vmem_shared>>
        %dma_start3A_211 = arith.constant 0 : i32
        %dma_start3A_212 = tpu.memref_slice %arg6[%add3A_205, %dma_start3A_211] : memref<10016x128xf32, #tpu.memory_space<vmem_shared>> -> memref<128x128xf32, #tpu.memory_space<vmem_shared>>
        tpu.enqueue_dma source(%dma_start3A_212 : memref<128x128xf32, #tpu.memory_space<vmem_shared>>) target(%arg19 : memref<128x128xf32, #tpu.memory_space<vmem>>) target_semaphore(%run_scoped3A : memref<!tpu.dma_semaphore, #tpu.memory_space<semaphore_mem>>)
        %dma_wait3A_213 = arith.constant 0 : i32
        %dma_wait3A_214 = tpu.memref_slice %arg6[%add3A_205, %dma_wait3A_213] : memref<10016x128xf32, #tpu.memory_space<vmem_shared>> -> memref<128x128xf32, #tpu.memory_space<vmem_shared>>
        %dma_wait3A_215 = arith.constant 0 : i32
        %dma_wait3A_216 = tpu.memref_slice %arg6[%add3A_205, %dma_wait3A_215] : memref<10016x128xf32, #tpu.memory_space<vmem_shared>> -> memref<128x128xf32, #tpu.memory_space<vmem_shared>>
        tpu.wait_dma2 semaphore(%run_scoped3A : memref<!tpu.dma_semaphore, #tpu.memory_space<semaphore_mem>>) src(%dma_wait3A_216 : memref<128x128xf32, #tpu.memory_space<vmem_shared>>) dst(%arg19 : memref<128x128xf32, #tpu.memory_space<vmem>>)
        tpu.yield
      }) : () -> ()
      %mul3A_206 = arith.constant 128 : i32
      %mul3A_207 = arith.muli %add3A_202, %mul3A_206 : i32
      %add3A_208 = arith.addi %mul3A_2, %mul3A_207 : i32
      "tpu.region"() ({
        %run_scoped3A = tpu.sem_alloc : memref<!tpu.dma_semaphore, #tpu.memory_space<semaphore_mem>>
        %dma_start3A_209 = arith.constant 0 : i32
        %dma_start3A_210 = tpu.memref_slice %arg5[%arg0, %add3A_208, %dma_start3A_209] : memref<2x10000x128xf32, #tpu.memory_space<hbm>> -> memref<1x128x128xf32, #tpu.memory_space<hbm>>
        %dma_start3A_211 = tpu.memref_squeeze %dma_start3A_210 : memref<1x128x128xf32, #tpu.memory_space<hbm>> -> memref<128x128xf32, #tpu.memory_space<hbm>>
        %dma_start3A_212 = arith.constant 0 : i32
        %dma_start3A_213 = tpu.memref_slice %arg5[%arg0, %add3A_208, %dma_start3A_212] : memref<2x10000x128xf32, #tpu.memory_space<hbm>> -> memref<1x128x128xf32, #tpu.memory_space<hbm>>
        %dma_start3A_214 = tpu.memref_squeeze %dma_start3A_213 : memref<1x128x128xf32, #tpu.memory_space<hbm>> -> memref<128x128xf32, #tpu.memory_space<hbm>>
        tpu.enqueue_dma source(%arg19 : memref<128x128xf32, #tpu.memory_space<vmem>>) target(%dma_start3A_214 : memref<128x128xf32, #tpu.memory_space<hbm>>) target_semaphore(%run_scoped3A : memref<!tpu.dma_semaphore, #tpu.memory_space<semaphore_mem>>)
        %dma_wait3A_215 = arith.constant 0 : i32
        %dma_wait3A_216 = tpu.memref_slice %arg5[%arg0, %add3A_208, %dma_wait3A_215] : memref<2x10000x128xf32, #tpu.memory_space<hbm>> -> memref<1x128x128xf32, #tpu.memory_space<hbm>>
        %dma_wait3A_217 = tpu.memref_squeeze %dma_wait3A_216 : memref<1x128x128xf32, #tpu.memory_space<hbm>> -> memref<128x128xf32, #tpu.memory_space<hbm>>
        %dma_wait3A_218 = arith.constant 0 : i32
        %dma_wait3A_219 = tpu.memref_slice %arg5[%arg0, %add3A_208, %dma_wait3A_218] : memref<2x10000x128xf32, #tpu.memory_space<hbm>> -> memref<1x128x128xf32, #tpu.memory_space<hbm>>
        %dma_wait3A_220 = tpu.memref_squeeze %dma_wait3A_219 : memref<1x128x128xf32, #tpu.memory_space<hbm>> -> memref<128x128xf32, #tpu.memory_space<hbm>>
        tpu.wait_dma2 semaphore(%run_scoped3A : memref<!tpu.dma_semaphore, #tpu.memory_space<semaphore_mem>>) src(%arg19 : memref<128x128xf32, #tpu.memory_space<vmem>>) dst(%dma_wait3A_220 : memref<128x128xf32, #tpu.memory_space<hbm>>)
        tpu.yield
      }) : () -> ()
    }
    %while3A_194 = arith.constant 1 : i32
    scf.for %while3A_200 = %while3A_192 to %while3A_188 step %while3A_194  : i32 {
      %mul3A_201 = arith.muli %while3A_200, %while3A_184 : i32
      %add3A_202 = arith.addi %while3A_185, %mul3A_201 : i32
      %mul3A_203 = arith.constant 128 : i32
      %mul3A_204 = arith.muli %add3A_202, %mul3A_203 : i32
      %add3A_205 = arith.addi %mul3A_2, %mul3A_204 : i32
      "tpu.region"() ({
        %run_scoped3A = tpu.sem_alloc : memref<!tpu.dma_semaphore, #tpu.memory_space<semaphore_mem>>
        %dma_start3A_209 = arith.constant 0 : i32
        %dma_start3A_210 = tpu.memref_slice %arg6[%add3A_205, %dma_start3A_209] : memref<10016x128xf32, #tpu.memory_space<vmem_shared>> -> memref<128x128xf32, #tpu.memory_space<vmem_shared>>
        %dma_start3A_211 = arith.constant 0 : i32
        %dma_start3A_212 = tpu.memref_slice %arg6[%add3A_205, %dma_start3A_211] : memref<10016x128xf32, #tpu.memory_space<vmem_shared>> -> memref<128x128xf32, #tpu.memory_space<vmem_shared>>
        tpu.enqueue_dma source(%dma_start3A_212 : memref<128x128xf32, #tpu.memory_space<vmem_shared>>) target(%arg19 : memref<128x128xf32, #tpu.memory_space<vmem>>) target_semaphore(%run_scoped3A : memref<!tpu.dma_semaphore, #tpu.memory_space<semaphore_mem>>)
        %dma_wait3A_213 = arith.constant 0 : i32
        %dma_wait3A_214 = tpu.memref_slice %arg6[%add3A_205, %dma_wait3A_213] : memref<10016x128xf32, #tpu.memory_space<vmem_shared>> -> memref<128x128xf32, #tpu.memory_space<vmem_shared>>
        %dma_wait3A_215 = arith.constant 0 : i32
        %dma_wait3A_216 = tpu.memref_slice %arg6[%add3A_205, %dma_wait3A_215] : memref<10016x128xf32, #tpu.memory_space<vmem_shared>> -> memref<128x128xf32, #tpu.memory_space<vmem_shared>>
        tpu.wait_dma2 semaphore(%run_scoped3A : memref<!tpu.dma_semaphore, #tpu.memory_space<semaphore_mem>>) src(%dma_wait3A_216 : memref<128x128xf32, #tpu.memory_space<vmem_shared>>) dst(%arg19 : memref<128x128xf32, #tpu.memory_space<vmem>>)
        tpu.yield
      }) : () -> ()
      %mul3A_206 = arith.constant 128 : i32
      %mul3A_207 = arith.muli %add3A_202, %mul3A_206 : i32
      %add3A_208 = arith.addi %mul3A_2, %mul3A_207 : i32
      "tpu.region"() ({
        %run_scoped3A = tpu.sem_alloc : memref<!tpu.dma_semaphore, #tpu.memory_space<semaphore_mem>>
        %dma_start3A_209 = arith.constant 0 : i32
        %dma_start3A_210 = tpu.memref_slice %arg5[%arg0, %add3A_208, %dma_start3A_209] : memref<2x10000x128xf32, #tpu.memory_space<hbm>> -> memref<1x128x128xf32, #tpu.memory_space<hbm>>
        %dma_start3A_211 = tpu.memref_squeeze %dma_start3A_210 : memref<1x128x128xf32, #tpu.memory_space<hbm>> -> memref<128x128xf32, #tpu.memory_space<hbm>>
        %dma_start3A_212 = arith.constant 0 : i32
        %dma_start3A_213 = tpu.memref_slice %arg5[%arg0, %add3A_208, %dma_start3A_212] : memref<2x10000x128xf32, #tpu.memory_space<hbm>> -> memref<1x128x128xf32, #tpu.memory_space<hbm>>
        %dma_start3A_214 = tpu.memref_squeeze %dma_start3A_213 : memref<1x128x128xf32, #tpu.memory_space<hbm>> -> memref<128x128xf32, #tpu.memory_space<hbm>>
        tpu.enqueue_dma source(%arg19 : memref<128x128xf32, #tpu.memory_space<vmem>>) target(%dma_start3A_214 : memref<128x128xf32, #tpu.memory_space<hbm>>) target_semaphore(%run_scoped3A : memref<!tpu.dma_semaphore, #tpu.memory_space<semaphore_mem>>)
        %dma_wait3A_215 = arith.constant 0 : i32
        %dma_wait3A_216 = tpu.memref_slice %arg5[%arg0, %add3A_208, %dma_wait3A_215] : memref<2x10000x128xf32, #tpu.memory_space<hbm>> -> memref<1x128x128xf32, #tpu.memory_space<hbm>>
        %dma_wait3A_217 = tpu.memref_squeeze %dma_wait3A_216 : memref<1x128x128xf32, #tpu.memory_space<hbm>> -> memref<128x128xf32, #tpu.memory_space<hbm>>
        %dma_wait3A_218 = arith.constant 0 : i32
        %dma_wait3A_219 = tpu.memref_slice %arg5[%arg0, %add3A_208, %dma_wait3A_218] : memref<2x10000x128xf32, #tpu.memory_space<hbm>> -> memref<1x128x128xf32, #tpu.memory_space<hbm>>
        %dma_wait3A_220 = tpu.memref_squeeze %dma_wait3A_219 : memref<1x128x128xf32, #tpu.memory_space<hbm>> -> memref<128x128xf32, #tpu.memory_space<hbm>>
        tpu.wait_dma2 semaphore(%run_scoped3A : memref<!tpu.dma_semaphore, #tpu.memory_space<semaphore_mem>>) src(%arg19 : memref<128x128xf32, #tpu.memory_space<vmem>>) dst(%dma_wait3A_220 : memref<128x128xf32, #tpu.memory_space<hbm>>)
        tpu.yield
      }) : () -> ()
    }
    %eq3A_195 = arith.constant 15 : i32
    %eq3A_196 = arith.cmpi eq, %arg1, %eq3A_195 : i32
    %convert_element_type3A_197 = arith.extui %eq3A_196 : i1 to i32
    %cond3A_198 = arith.constant 0 : i32
    %cond3A_199 = arith.cmpi ne, %convert_element_type3A_197, %cond3A_198 : i32
    scf.if %cond3A_199 {
      %add3A_200 = arith.constant 384 : i32
      %add3A_201 = arith.addi %mul3A_2, %add3A_200 : i32
      "tpu.region"() ({
        %run_scoped3A = tpu.sem_alloc : memref<!tpu.dma_semaphore, #tpu.memory_space<semaphore_mem>>
        %dma_start3A_204 = arith.constant 0 : i32
        %dma_start3A_205 = arith.constant 0 : i32
        %dma_start3A_206 = tpu.memref_slice %arg19[%dma_start3A_204, %dma_start3A_205] : memref<128x128xf32, #tpu.memory_space<vmem>> -> memref<16x128xf32, #tpu.memory_space<vmem>>
        %dma_start3A_207 = arith.constant 0 : i32
        %dma_start3A_208 = tpu.memref_slice %arg6[%add3A_201, %dma_start3A_207] : memref<10016x128xf32, #tpu.memory_space<vmem_shared>> -> memref<16x128xf32, #tpu.memory_space<vmem_shared>>
        %dma_start3A_209 = arith.constant 0 : i32
        %dma_start3A_210 = arith.constant 0 : i32
        %dma_start3A_211 = tpu.memref_slice %arg19[%dma_start3A_209, %dma_start3A_210] : memref<128x128xf32, #tpu.memory_space<vmem>> -> memref<16x128xf32, #tpu.memory_space<vmem>>
        %dma_start3A_212 = arith.constant 0 : i32
        %dma_start3A_213 = tpu.memref_slice %arg6[%add3A_201, %dma_start3A_212] : memref<10016x128xf32, #tpu.memory_space<vmem_shared>> -> memref<16x128xf32, #tpu.memory_space<vmem_shared>>
        tpu.enqueue_dma source(%dma_start3A_213 : memref<16x128xf32, #tpu.memory_space<vmem_shared>>) target(%dma_start3A_211 : memref<16x128xf32, #tpu.memory_space<vmem>>) target_semaphore(%run_scoped3A : memref<!tpu.dma_semaphore, #tpu.memory_space<semaphore_mem>>)
        %dma_wait3A_214 = arith.constant 0 : i32
        %dma_wait3A_215 = arith.constant 0 : i32
        %dma_wait3A_216 = tpu.memref_slice %arg19[%dma_wait3A_214, %dma_wait3A_215] : memref<128x128xf32, #tpu.memory_space<vmem>> -> memref<16x128xf32, #tpu.memory_space<vmem>>
        %dma_wait3A_217 = arith.constant 0 : i32
        %dma_wait3A_218 = tpu.memref_slice %arg6[%add3A_201, %dma_wait3A_217] : memref<10016x128xf32, #tpu.memory_space<vmem_shared>> -> memref<16x128xf32, #tpu.memory_space<vmem_shared>>
        %dma_wait3A_219 = arith.constant 0 : i32
        %dma_wait3A_220 = arith.constant 0 : i32
        %dma_wait3A_221 = tpu.memref_slice %arg19[%dma_wait3A_219, %dma_wait3A_220] : memref<128x128xf32, #tpu.memory_space<vmem>> -> memref<16x128xf32, #tpu.memory_space<vmem>>
        %dma_wait3A_222 = arith.constant 0 : i32
        %dma_wait3A_223 = tpu.memref_slice %arg6[%add3A_201, %dma_wait3A_222] : memref<10016x128xf32, #tpu.memory_space<vmem_shared>> -> memref<16x128xf32, #tpu.memory_space<vmem_shared>>
        tpu.wait_dma2 semaphore(%run_scoped3A : memref<!tpu.dma_semaphore, #tpu.memory_space<semaphore_mem>>) src(%dma_wait3A_223 : memref<16x128xf32, #tpu.memory_space<vmem_shared>>) dst(%dma_wait3A_221 : memref<16x128xf32, #tpu.memory_space<vmem>>)
        tpu.yield
      }) : () -> ()
      %add3A_202 = arith.constant 384 : i32
      %add3A_203 = arith.addi %mul3A_2, %add3A_202 : i32
      "tpu.region"() ({
        %run_scoped3A = tpu.sem_alloc : memref<!tpu.dma_semaphore, #tpu.memory_space<semaphore_mem>>
        %dma_start3A_204 = arith.constant 0 : i32
        %dma_start3A_205 = arith.constant 0 : i32
        %dma_start3A_206 = tpu.memref_slice %arg19[%dma_start3A_204, %dma_start3A_205] : memref<128x128xf32, #tpu.memory_space<vmem>> -> memref<16x128xf32, #tpu.memory_space<vmem>>
        %dma_start3A_207 = arith.constant 0 : i32
        %dma_start3A_208 = tpu.memref_slice %arg5[%arg0, %add3A_203, %dma_start3A_207] : memref<2x10000x128xf32, #tpu.memory_space<hbm>> -> memref<1x16x128xf32, #tpu.memory_space<hbm>>
        %dma_start3A_209 = tpu.memref_squeeze %dma_start3A_208 : memref<1x16x128xf32, #tpu.memory_space<hbm>> -> memref<16x128xf32, #tpu.memory_space<hbm>>
        %dma_start3A_210 = arith.constant 0 : i32
        %dma_start3A_211 = tpu.memref_slice %arg5[%arg0, %add3A_203, %dma_start3A_210] : memref<2x10000x128xf32, #tpu.memory_space<hbm>> -> memref<1x16x128xf32, #tpu.memory_space<hbm>>
        %dma_start3A_212 = tpu.memref_squeeze %dma_start3A_211 : memref<1x16x128xf32, #tpu.memory_space<hbm>> -> memref<16x128xf32, #tpu.memory_space<hbm>>
        %dma_start3A_213 = arith.constant 0 : i32
        %dma_start3A_214 = arith.constant 0 : i32
        %dma_start3A_215 = tpu.memref_slice %arg19[%dma_start3A_213, %dma_start3A_214] : memref<128x128xf32, #tpu.memory_space<vmem>> -> memref<16x128xf32, #tpu.memory_space<vmem>>
        tpu.enqueue_dma source(%dma_start3A_215 : memref<16x128xf32, #tpu.memory_space<vmem>>) target(%dma_start3A_212 : memref<16x128xf32, #tpu.memory_space<hbm>>) target_semaphore(%run_scoped3A : memref<!tpu.dma_semaphore, #tpu.memory_space<semaphore_mem>>)
        %dma_wait3A_216 = arith.constant 0 : i32
        %dma_wait3A_217 = arith.constant 0 : i32
        %dma_wait3A_218 = tpu.memref_slice %arg19[%dma_wait3A_216, %dma_wait3A_217] : memref<128x128xf32, #tpu.memory_space<vmem>> -> memref<16x128xf32, #tpu.memory_space<vmem>>
        %dma_wait3A_219 = arith.constant 0 : i32
        %dma_wait3A_220 = tpu.memref_slice %arg5[%arg0, %add3A_203, %dma_wait3A_219] : memref<2x10000x128xf32, #tpu.memory_space<hbm>> -> memref<1x16x128xf32, #tpu.memory_space<hbm>>
        %dma_wait3A_221 = tpu.memref_squeeze %dma_wait3A_220 : memref<1x16x128xf32, #tpu.memory_space<hbm>> -> memref<16x128xf32, #tpu.memory_space<hbm>>
        %dma_wait3A_222 = arith.constant 0 : i32
        %dma_wait3A_223 = tpu.memref_slice %arg5[%arg0, %add3A_203, %dma_wait3A_222] : memref<2x10000x128xf32, #tpu.memory_space<hbm>> -> memref<1x16x128xf32, #tpu.memory_space<hbm>>
        %dma_wait3A_224 = tpu.memref_squeeze %dma_wait3A_223 : memref<1x16x128xf32, #tpu.memory_space<hbm>> -> memref<16x128xf32, #tpu.memory_space<hbm>>
        %dma_wait3A_225 = arith.constant 0 : i32
        %dma_wait3A_226 = arith.constant 0 : i32
        %dma_wait3A_227 = tpu.memref_slice %arg19[%dma_wait3A_225, %dma_wait3A_226] : memref<128x128xf32, #tpu.memory_space<vmem>> -> memref<16x128xf32, #tpu.memory_space<vmem>>
        tpu.wait_dma2 semaphore(%run_scoped3A : memref<!tpu.dma_semaphore, #tpu.memory_space<semaphore_mem>>) src(%dma_wait3A_227 : memref<16x128xf32, #tpu.memory_space<vmem>>) dst(%dma_wait3A_224 : memref<16x128xf32, #tpu.memory_space<hbm>>)
        tpu.yield
      }) : () -> ()
    } else {
    }
    return
  }
}

module attributes {stable_mosaic.version = 14 : i64} {
  func.func @_prep_body(%arg0: i32, %arg1: memref<1000x1xf32, #tpu.memory_space<vmem>>, %arg2: memref<1000x1xf32, #tpu.memory_space<vmem>>, %arg3: memref<1000x1xf32, #tpu.memory_space<vmem>>, %arg4: memref<1000x1xf32, #tpu.memory_space<vmem>>, %arg5: memref<1000x128xf32, #tpu.memory_space<vmem>>, %arg6: memref<1000x1xf32, #tpu.memory_space<vmem>>, %arg7: memref<1000x1xf32, #tpu.memory_space<vmem>>, %arg8: memref<1000x128xf32, #tpu.memory_space<vmem>>) attributes {dimension_semantics = [#tpu.dimension_semantics<arbitrary>], iteration_bounds = array<i64: 10>, scalar_prefetch = 0 : i64, scratch_operands = 0 : i64, tpu.core_type = #tpu.core_type<tc>, window_params = [{transform_indices = @transform_0, window_bounds = array<i64: 1000, 1>}, {transform_indices = @transform_1, window_bounds = array<i64: 1000, 1>}, {transform_indices = @transform_2, window_bounds = array<i64: 1000, 1>}, {transform_indices = @transform_3, window_bounds = array<i64: 1000, 1>}, {transform_indices = @transform_4, window_bounds = array<i64: 1000, 128>}, {transform_indices = @transform_5, window_bounds = array<i64: 1000, 1>}, {transform_indices = @transform_6, window_bounds = array<i64: 1000, 1>}, {transform_indices = @transform_7, window_bounds = array<i64: 1000, 128>}]} {
    %get3A = arith.constant 0 : index
    %get3A_0 = arith.constant 0 : index
    %get3A_1 = vector.load %arg1[%get3A, %get3A_0] : memref<1000x1xf32, #tpu.memory_space<vmem>>, vector<1000x1xf32>
    %get3A_2 = arith.constant 0 : index
    %get3A_3 = arith.constant 0 : index
    %get3A_4 = vector.load %arg2[%get3A_2, %get3A_3] : memref<1000x1xf32, #tpu.memory_space<vmem>>, vector<1000x1xf32>
    %add3A = arith.addf %get3A_1, %get3A_4 : vector<1000x1xf32>
    %get3A_5 = arith.constant 0 : index
    %get3A_6 = arith.constant 0 : index
    %get3A_7 = vector.load %arg3[%get3A_5, %get3A_6] : memref<1000x1xf32, #tpu.memory_space<vmem>>, vector<1000x1xf32>
    %get3A_8 = arith.constant 0 : index
    %get3A_9 = arith.constant 0 : index
    %get3A_10 = vector.load %arg4[%get3A_8, %get3A_9] : memref<1000x1xf32, #tpu.memory_space<vmem>>, vector<1000x1xf32>
    %add3A_11 = arith.addf %get3A_7, %get3A_10 : vector<1000x1xf32>
    %gt3A = arith.constant 0.000000e+00 : f32
    %gt3A_12 = vector.broadcast %gt3A : f32 to vector<1000x1xf32>
    %gt3A_13 = arith.cmpf ogt, %add3A, %gt3A_12 : vector<1000x1xf32>
    %rsqrt3A = math.rsqrt %add3A : vector<1000x1xf32>
    %jit3A = arith.constant 0.000000e+00 : f32
    %broadcast_in_dim3A = vector.broadcast %jit3A : f32 to vector<1000x1xf32>
    %select_n3A = arith.select %gt3A_13, %rsqrt3A, %broadcast_in_dim3A : vector<1000x1xi1>, vector<1000x1xf32>
    %gt3A_14 = arith.constant 0.000000e+00 : f32
    %gt3A_15 = vector.broadcast %gt3A_14 : f32 to vector<1000x1xf32>
    %gt3A_16 = arith.cmpf ogt, %add3A_11, %gt3A_15 : vector<1000x1xf32>
    %rsqrt3A_17 = math.rsqrt %add3A_11 : vector<1000x1xf32>
    %jit3A_18 = arith.constant 0.000000e+00 : f32
    %broadcast_in_dim3A_19 = vector.broadcast %jit3A_18 : f32 to vector<1000x1xf32>
    %select_n3A_20 = arith.select %gt3A_16, %rsqrt3A_17, %broadcast_in_dim3A_19 : vector<1000x1xi1>, vector<1000x1xf32>
    %swap3A = arith.constant 0 : index
    %swap3A_21 = arith.constant 0 : index
    %swap3A_22 = vector.load %arg6[%swap3A, %swap3A_21] : memref<1000x1xf32, #tpu.memory_space<vmem>>, vector<1000x1xf32>
    tpu.vector_store %arg6[%swap3A, %swap3A_21], %select_n3A {strides = array<i32>} : memref<1000x1xf32, #tpu.memory_space<vmem>>, vector<1000x1xf32>,
    %swap3A_23 = arith.constant 0 : index
    %swap3A_24 = arith.constant 0 : index
    %swap3A_25 = vector.load %arg7[%swap3A_23, %swap3A_24] : memref<1000x1xf32, #tpu.memory_space<vmem>>, vector<1000x1xf32>
    tpu.vector_store %arg7[%swap3A_23, %swap3A_24], %select_n3A_20 {strides = array<i32>} : memref<1000x1xf32, #tpu.memory_space<vmem>>, vector<1000x1xf32>,
    %get3A_26 = arith.constant 0 : index
    %get3A_27 = arith.constant 0 : index
    %get3A_28 = vector.load %arg5[%get3A_26, %get3A_27] : memref<1000x128xf32, #tpu.memory_space<vmem>>, vector<1000x128xf32>
    %mul3A = vector.broadcast %select_n3A : vector<1000x1xf32> to vector<1000x128xf32>
    %mul3A_29 = arith.mulf %get3A_28, %mul3A : vector<1000x128xf32>
    %swap3A_30 = arith.constant 0 : index
    %swap3A_31 = arith.constant 0 : index
    %swap3A_32 = vector.load %arg8[%swap3A_30, %swap3A_31] : memref<1000x128xf32, #tpu.memory_space<vmem>>, vector<1000x128xf32>
    tpu.vector_store %arg8[%swap3A_30, %swap3A_31], %mul3A_29 {strides = array<i32>} : memref<1000x128xf32, #tpu.memory_space<vmem>>, vector<1000x128xf32>,
    return
  }
  func.func @transform_0(%arg0: i32) -> (i32, i32) {
    %c0_i32 = arith.constant 0 : i32
    %c0_i32_0 = arith.constant 0 : i32
    return %arg0, %c0_i32 : i32, i32
  }
  func.func @transform_1(%arg0: i32) -> (i32, i32) {
    %c0_i32 = arith.constant 0 : i32
    %c0_i32_0 = arith.constant 0 : i32
    return %arg0, %c0_i32 : i32, i32
  }
  func.func @transform_2(%arg0: i32) -> (i32, i32) {
    %c0_i32 = arith.constant 0 : i32
    %c0_i32_0 = arith.constant 0 : i32
    return %arg0, %c0_i32 : i32, i32
  }
  func.func @transform_3(%arg0: i32) -> (i32, i32) {
    %c0_i32 = arith.constant 0 : i32
    %c0_i32_0 = arith.constant 0 : i32
    return %arg0, %c0_i32 : i32, i32
  }
  func.func @transform_4(%arg0: i32) -> (i32, i32) {
    %c0_i32 = arith.constant 0 : i32
    %c0_i32_0 = arith.constant 0 : i32
    return %arg0, %c0_i32 : i32, i32
  }
  func.func @transform_5(%arg0: i32) -> (i32, i32) {
    %c0_i32 = arith.constant 0 : i32
    %c0_i32_0 = arith.constant 0 : i32
    return %arg0, %c0_i32 : i32, i32
  }
  func.func @transform_6(%arg0: i32) -> (i32, i32) {
    %c0_i32 = arith.constant 0 : i32
    %c0_i32_0 = arith.constant 0 : i32
    return %arg0, %c0_i32 : i32, i32
  }
  func.func @transform_7(%arg0: i32) -> (i32, i32) {
    %c0_i32 = arith.constant 0 : i32
    %c0_i32_0 = arith.constant 0 : i32
    return %arg0, %c0_i32 : i32, i32
  }
}

module attributes {stable_mosaic.version = 14 : i64} {
  func.func @_layer_body(%arg0: i32, %arg1: memref<2x1000x128xf32, #tpu.memory_space<vmem>>, %arg2: memref<1000x128xf32, #tpu.memory_space<vmem>>, %arg3: memref<1000x1xf32, #tpu.memory_space<vmem>>, %arg4: memref<1000x1xf32, #tpu.memory_space<vmem>>, %arg5: memref<128x128xf32, #tpu.memory_space<vmem>>, %arg6: memref<128x128xf32, #tpu.memory_space<vmem>>, %arg7: memref<1x128xf32, #tpu.memory_space<vmem>>, %arg8: memref<1000x128xf32, #tpu.memory_space<vmem>>, %arg9: memref<1000x128xf32, #tpu.memory_space<vmem>>) attributes {dimension_semantics = [#tpu.dimension_semantics<arbitrary>], iteration_bounds = array<i64: 10>, scalar_prefetch = 0 : i64, scratch_operands = 0 : i64, tpu.core_type = #tpu.core_type<tc>, window_params = [{transform_indices = @transform_0, window_bounds = array<i64: 2, 1000, 128>}, {transform_indices = @transform_1, window_bounds = array<i64: 1000, 128>}, {transform_indices = @transform_2, window_bounds = array<i64: 1000, 1>}, {transform_indices = @transform_3, window_bounds = array<i64: 1000, 1>}, {pipeline_mode = #tpu.pipeline_mode<synchronous>, transform_indices = @transform_4, window_bounds = array<i64: 128, 128>}, {pipeline_mode = #tpu.pipeline_mode<synchronous>, transform_indices = @transform_5, window_bounds = array<i64: 128, 128>}, {pipeline_mode = #tpu.pipeline_mode<synchronous>, transform_indices = @transform_6, window_bounds = array<i64: 1, 128>}, {transform_indices = @transform_7, window_bounds = array<i64: 1000, 128>}, {transform_indices = @transform_8, window_bounds = array<i64: 1000, 128>}]} {
    %get3A = arith.constant 0 : index
    %get3A_0 = arith.constant 0 : index
    %get3A_1 = arith.constant 0 : index
    %get3A_2 = vector.load %arg1[%get3A, %get3A_0, %get3A_1] : memref<2x1000x128xf32, #tpu.memory_space<vmem>>, vector<1x1000x128xf32>
    %get3A_3 = vector.shape_cast %get3A_2 : vector<1x1000x128xf32> to vector<1000x128xf32>
    %get3A_4 = arith.constant 1 : index
    %get3A_5 = arith.constant 0 : index
    %get3A_6 = arith.constant 0 : index
    %get3A_7 = vector.load %arg1[%get3A_4, %get3A_5, %get3A_6] : memref<2x1000x128xf32, #tpu.memory_space<vmem>>, vector<1x1000x128xf32>
    %get3A_8 = vector.shape_cast %get3A_7 : vector<1x1000x128xf32> to vector<1000x128xf32>
    %add3A = arith.addf %get3A_3, %get3A_8 : vector<1000x128xf32>
    %get3A_9 = arith.constant 0 : index
    %get3A_10 = arith.constant 0 : index
    %get3A_11 = vector.load %arg3[%get3A_9, %get3A_10] : memref<1000x1xf32, #tpu.memory_space<vmem>>, vector<1000x1xf32>
    %mul3A = vector.broadcast %get3A_11 : vector<1000x1xf32> to vector<1000x128xf32>
    %mul3A_12 = arith.mulf %add3A, %mul3A : vector<1000x128xf32>
    %get3A_13 = arith.constant 0 : index
    %get3A_14 = arith.constant 0 : index
    %get3A_15 = vector.load %arg5[%get3A_13, %get3A_14] : memref<128x128xf32, #tpu.memory_space<vmem>>, vector<128x128xf32>
    %dot_general3A = arith.constant dense<0.000000e+00> : vector<1000x128xf32>
    %dot_general3A_16 = tpu.matmul %mul3A_12, %get3A_15, %dot_general3A {dimension_numbers = #tpu.dot_dimension_numbers<[1], [0], [0], [1], [0, 0, 1, 1], [], []>, transpose_lhs_hint = false} : vector<1000x128xf32>, vector<128x128xf32>, vector<1000x128xf32> -> vector<1000x128xf32>
    %get3A_17 = arith.constant 0 : index
    %get3A_18 = arith.constant 0 : index
    %get3A_19 = vector.load %arg2[%get3A_17, %get3A_18] : memref<1000x128xf32, #tpu.memory_space<vmem>>, vector<1000x128xf32>
    %get3A_20 = arith.constant 0 : index
    %get3A_21 = arith.constant 0 : index
    %get3A_22 = vector.load %arg6[%get3A_20, %get3A_21] : memref<128x128xf32, #tpu.memory_space<vmem>>, vector<128x128xf32>
    %dot_general3A_23 = arith.constant dense<0.000000e+00> : vector<1000x128xf32>
    %dot_general3A_24 = tpu.matmul %get3A_19, %get3A_22, %dot_general3A_23 {dimension_numbers = #tpu.dot_dimension_numbers<[1], [0], [0], [1], [0, 0, 1, 1], [], []>, transpose_lhs_hint = false} : vector<1000x128xf32>, vector<128x128xf32>, vector<1000x128xf32> -> vector<1000x128xf32>
    %add3A_25 = arith.addf %dot_general3A_16, %dot_general3A_24 : vector<1000x128xf32>
    %get3A_26 = arith.constant 0 : index
    %get3A_27 = arith.constant 0 : index
    %get3A_28 = vector.load %arg7[%get3A_26, %get3A_27] : memref<1x128xf32, #tpu.memory_space<vmem>>, vector<1x128xf32>
    %add3A_29 = vector.broadcast %get3A_28 : vector<1x128xf32> to vector<1000x128xf32>
    %add3A_30 = arith.addf %add3A_25, %add3A_29 : vector<1000x128xf32>
    %max3A = arith.constant 0.000000e+00 : f32
    %max3A_31 = vector.broadcast %max3A : f32 to vector<1000x128xf32>
    %max3A_32 = arith.maximumf %add3A_30, %max3A_31 : vector<1000x128xf32>
    %swap3A = arith.constant 0 : index
    %swap3A_33 = arith.constant 0 : index
    %swap3A_34 = vector.load %arg8[%swap3A, %swap3A_33] : memref<1000x128xf32, #tpu.memory_space<vmem>>, vector<1000x128xf32>
    tpu.vector_store %arg8[%swap3A, %swap3A_33], %max3A_32 {strides = array<i32>} : memref<1000x128xf32, #tpu.memory_space<vmem>>, vector<1000x128xf32>,
    %get3A_35 = arith.constant 0 : index
    %get3A_36 = arith.constant 0 : index
    %get3A_37 = vector.load %arg4[%get3A_35, %get3A_36] : memref<1000x1xf32, #tpu.memory_space<vmem>>, vector<1000x1xf32>
    %mul3A_38 = vector.broadcast %get3A_37 : vector<1000x1xf32> to vector<1000x128xf32>
    %mul3A_39 = arith.mulf %max3A_32, %mul3A_38 : vector<1000x128xf32>
    %swap3A_40 = arith.constant 0 : index
    %swap3A_41 = arith.constant 0 : index
    %swap3A_42 = vector.load %arg9[%swap3A_40, %swap3A_41] : memref<1000x128xf32, #tpu.memory_space<vmem>>, vector<1000x128xf32>
    tpu.vector_store %arg9[%swap3A_40, %swap3A_41], %mul3A_39 {strides = array<i32>} : memref<1000x128xf32, #tpu.memory_space<vmem>>, vector<1000x128xf32>,
    return
  }
  func.func @transform_0(%arg0: i32) -> (i32, i32, i32) {
    %c0_i32 = arith.constant 0 : i32
    %c0_i32_0 = arith.constant 0 : i32
    %c0_i32_1 = arith.constant 0 : i32
    return %c0_i32, %arg0, %c0_i32_0 : i32, i32, i32
  }
  func.func @transform_1(%arg0: i32) -> (i32, i32) {
    %c0_i32 = arith.constant 0 : i32
    %c0_i32_0 = arith.constant 0 : i32
    return %arg0, %c0_i32 : i32, i32
  }
  func.func @transform_2(%arg0: i32) -> (i32, i32) {
    %c0_i32 = arith.constant 0 : i32
    %c0_i32_0 = arith.constant 0 : i32
    return %arg0, %c0_i32 : i32, i32
  }
  func.func @transform_3(%arg0: i32) -> (i32, i32) {
    %c0_i32 = arith.constant 0 : i32
    %c0_i32_0 = arith.constant 0 : i32
    return %arg0, %c0_i32 : i32, i32
  }
  func.func @transform_4(%arg0: i32) -> (i32, i32) {
    %c0_i32 = arith.constant 0 : i32
    %c0_i32_0 = arith.constant 0 : i32
    %c0_i32_1 = arith.constant 0 : i32
    return %c0_i32, %c0_i32_0 : i32, i32
  }
  func.func @transform_5(%arg0: i32) -> (i32, i32) {
    %c0_i32 = arith.constant 0 : i32
    %c0_i32_0 = arith.constant 0 : i32
    %c0_i32_1 = arith.constant 0 : i32
    return %c0_i32, %c0_i32_0 : i32, i32
  }
  func.func @transform_6(%arg0: i32) -> (i32, i32) {
    %c0_i32 = arith.constant 0 : i32
    %c0_i32_0 = arith.constant 0 : i32
    %c0_i32_1 = arith.constant 0 : i32
    return %c0_i32, %c0_i32_0 : i32, i32
  }
  func.func @transform_7(%arg0: i32) -> (i32, i32) {
    %c0_i32 = arith.constant 0 : i32
    %c0_i32_0 = arith.constant 0 : i32
    return %arg0, %c0_i32 : i32, i32
  }
  func.func @transform_8(%arg0: i32) -> (i32, i32) {
    %c0_i32 = arith.constant 0 : i32
    %c0_i32_0 = arith.constant 0 : i32
    return %arg0, %c0_i32 : i32, i32
  }
}

module attributes {stable_mosaic.version = 14 : i64} {
  func.func @_layer_body(%arg0: i32, %arg1: memref<2x1000x128xf32, #tpu.memory_space<vmem>>, %arg2: memref<1000x128xf32, #tpu.memory_space<vmem>>, %arg3: memref<1000x1xf32, #tpu.memory_space<vmem>>, %arg4: memref<1000x1xf32, #tpu.memory_space<vmem>>, %arg5: memref<128x128xf32, #tpu.memory_space<vmem>>, %arg6: memref<128x128xf32, #tpu.memory_space<vmem>>, %arg7: memref<1x128xf32, #tpu.memory_space<vmem>>, %arg8: memref<1000x128xf32, #tpu.memory_space<vmem>>, %arg9: memref<1000x128xf32, #tpu.memory_space<vmem>>) attributes {dimension_semantics = [#tpu.dimension_semantics<arbitrary>], iteration_bounds = array<i64: 10>, scalar_prefetch = 0 : i64, scratch_operands = 0 : i64, tpu.core_type = #tpu.core_type<tc>, window_params = [{transform_indices = @transform_0, window_bounds = array<i64: 2, 1000, 128>}, {transform_indices = @transform_1, window_bounds = array<i64: 1000, 128>}, {transform_indices = @transform_2, window_bounds = array<i64: 1000, 1>}, {transform_indices = @transform_3, window_bounds = array<i64: 1000, 1>}, {pipeline_mode = #tpu.pipeline_mode<synchronous>, transform_indices = @transform_4, window_bounds = array<i64: 128, 128>}, {pipeline_mode = #tpu.pipeline_mode<synchronous>, transform_indices = @transform_5, window_bounds = array<i64: 128, 128>}, {pipeline_mode = #tpu.pipeline_mode<synchronous>, transform_indices = @transform_6, window_bounds = array<i64: 1, 128>}, {transform_indices = @transform_7, window_bounds = array<i64: 1000, 128>}, {transform_indices = @transform_8, window_bounds = array<i64: 1000, 128>}]} {
    %get3A = arith.constant 0 : index
    %get3A_0 = arith.constant 0 : index
    %get3A_1 = arith.constant 0 : index
    %get3A_2 = vector.load %arg1[%get3A, %get3A_0, %get3A_1] : memref<2x1000x128xf32, #tpu.memory_space<vmem>>, vector<1x1000x128xf32>
    %get3A_3 = vector.shape_cast %get3A_2 : vector<1x1000x128xf32> to vector<1000x128xf32>
    %get3A_4 = arith.constant 1 : index
    %get3A_5 = arith.constant 0 : index
    %get3A_6 = arith.constant 0 : index
    %get3A_7 = vector.load %arg1[%get3A_4, %get3A_5, %get3A_6] : memref<2x1000x128xf32, #tpu.memory_space<vmem>>, vector<1x1000x128xf32>
    %get3A_8 = vector.shape_cast %get3A_7 : vector<1x1000x128xf32> to vector<1000x128xf32>
    %add3A = arith.addf %get3A_3, %get3A_8 : vector<1000x128xf32>
    %get3A_9 = arith.constant 0 : index
    %get3A_10 = arith.constant 0 : index
    %get3A_11 = vector.load %arg3[%get3A_9, %get3A_10] : memref<1000x1xf32, #tpu.memory_space<vmem>>, vector<1000x1xf32>
    %mul3A = vector.broadcast %get3A_11 : vector<1000x1xf32> to vector<1000x128xf32>
    %mul3A_12 = arith.mulf %add3A, %mul3A : vector<1000x128xf32>
    %get3A_13 = arith.constant 0 : index
    %get3A_14 = arith.constant 0 : index
    %get3A_15 = vector.load %arg5[%get3A_13, %get3A_14] : memref<128x128xf32, #tpu.memory_space<vmem>>, vector<128x128xf32>
    %dot_general3A = arith.constant dense<0.000000e+00> : vector<1000x128xf32>
    %dot_general3A_16 = tpu.matmul %mul3A_12, %get3A_15, %dot_general3A {dimension_numbers = #tpu.dot_dimension_numbers<[1], [0], [0], [1], [0, 0, 1, 1], [], []>, transpose_lhs_hint = false} : vector<1000x128xf32>, vector<128x128xf32>, vector<1000x128xf32> -> vector<1000x128xf32>
    %get3A_17 = arith.constant 0 : index
    %get3A_18 = arith.constant 0 : index
    %get3A_19 = vector.load %arg2[%get3A_17, %get3A_18] : memref<1000x128xf32, #tpu.memory_space<vmem>>, vector<1000x128xf32>
    %get3A_20 = arith.constant 0 : index
    %get3A_21 = arith.constant 0 : index
    %get3A_22 = vector.load %arg6[%get3A_20, %get3A_21] : memref<128x128xf32, #tpu.memory_space<vmem>>, vector<128x128xf32>
    %dot_general3A_23 = arith.constant dense<0.000000e+00> : vector<1000x128xf32>
    %dot_general3A_24 = tpu.matmul %get3A_19, %get3A_22, %dot_general3A_23 {dimension_numbers = #tpu.dot_dimension_numbers<[1], [0], [0], [1], [0, 0, 1, 1], [], []>, transpose_lhs_hint = false} : vector<1000x128xf32>, vector<128x128xf32>, vector<1000x128xf32> -> vector<1000x128xf32>
    %add3A_25 = arith.addf %dot_general3A_16, %dot_general3A_24 : vector<1000x128xf32>
    %get3A_26 = arith.constant 0 : index
    %get3A_27 = arith.constant 0 : index
    %get3A_28 = vector.load %arg7[%get3A_26, %get3A_27] : memref<1x128xf32, #tpu.memory_space<vmem>>, vector<1x128xf32>
    %add3A_29 = vector.broadcast %get3A_28 : vector<1x128xf32> to vector<1000x128xf32>
    %add3A_30 = arith.addf %add3A_25, %add3A_29 : vector<1000x128xf32>
    %logistic3A = arith.negf %add3A_30 : vector<1000x128xf32>
    %logistic3A_31 = math.exp %logistic3A : vector<1000x128xf32>
    %logistic3A_32 = arith.constant 1.000000e+00 : f32
    %logistic3A_33 = vector.broadcast %logistic3A_32 : f32 to vector<1000x128xf32>
    %logistic3A_34 = arith.addf %logistic3A_33, %logistic3A_31 : vector<1000x128xf32>
    %logistic3A_35 = arith.divf %logistic3A_33, %logistic3A_34 : vector<1000x128xf32>
    %swap3A = arith.constant 0 : index
    %swap3A_36 = arith.constant 0 : index
    %swap3A_37 = vector.load %arg8[%swap3A, %swap3A_36] : memref<1000x128xf32, #tpu.memory_space<vmem>>, vector<1000x128xf32>
    tpu.vector_store %arg8[%swap3A, %swap3A_36], %logistic3A_35 {strides = array<i32>} : memref<1000x128xf32, #tpu.memory_space<vmem>>, vector<1000x128xf32>,
    %get3A_38 = arith.constant 0 : index
    %get3A_39 = arith.constant 0 : index
    %get3A_40 = vector.load %arg4[%get3A_38, %get3A_39] : memref<1000x1xf32, #tpu.memory_space<vmem>>, vector<1000x1xf32>
    %mul3A_41 = vector.broadcast %get3A_40 : vector<1000x1xf32> to vector<1000x128xf32>
    %mul3A_42 = arith.mulf %logistic3A_35, %mul3A_41 : vector<1000x128xf32>
    %swap3A_43 = arith.constant 0 : index
    %swap3A_44 = arith.constant 0 : index
    %swap3A_45 = vector.load %arg9[%swap3A_43, %swap3A_44] : memref<1000x128xf32, #tpu.memory_space<vmem>>, vector<1000x128xf32>
    tpu.vector_store %arg9[%swap3A_43, %swap3A_44], %mul3A_42 {strides = array<i32>} : memref<1000x128xf32, #tpu.memory_space<vmem>>, vector<1000x128xf32>,
    return
  }
  func.func @transform_0(%arg0: i32) -> (i32, i32, i32) {
    %c0_i32 = arith.constant 0 : i32
    %c0_i32_0 = arith.constant 0 : i32
    %c0_i32_1 = arith.constant 0 : i32
    return %c0_i32, %arg0, %c0_i32_0 : i32, i32, i32
  }
  func.func @transform_1(%arg0: i32) -> (i32, i32) {
    %c0_i32 = arith.constant 0 : i32
    %c0_i32_0 = arith.constant 0 : i32
    return %arg0, %c0_i32 : i32, i32
  }
  func.func @transform_2(%arg0: i32) -> (i32, i32) {
    %c0_i32 = arith.constant 0 : i32
    %c0_i32_0 = arith.constant 0 : i32
    return %arg0, %c0_i32 : i32, i32
  }
  func.func @transform_3(%arg0: i32) -> (i32, i32) {
    %c0_i32 = arith.constant 0 : i32
    %c0_i32_0 = arith.constant 0 : i32
    return %arg0, %c0_i32 : i32, i32
  }
  func.func @transform_4(%arg0: i32) -> (i32, i32) {
    %c0_i32 = arith.constant 0 : i32
    %c0_i32_0 = arith.constant 0 : i32
    %c0_i32_1 = arith.constant 0 : i32
    return %c0_i32, %c0_i32_0 : i32, i32
  }
  func.func @transform_5(%arg0: i32) -> (i32, i32) {
    %c0_i32 = arith.constant 0 : i32
    %c0_i32_0 = arith.constant 0 : i32
    %c0_i32_1 = arith.constant 0 : i32
    return %c0_i32, %c0_i32_0 : i32, i32
  }
  func.func @transform_6(%arg0: i32) -> (i32, i32) {
    %c0_i32 = arith.constant 0 : i32
    %c0_i32_0 = arith.constant 0 : i32
    %c0_i32_1 = arith.constant 0 : i32
    return %c0_i32, %c0_i32_0 : i32, i32
  }
  func.func @transform_7(%arg0: i32) -> (i32, i32) {
    %c0_i32 = arith.constant 0 : i32
    %c0_i32_0 = arith.constant 0 : i32
    return %arg0, %c0_i32 : i32, i32
  }
  func.func @transform_8(%arg0: i32) -> (i32, i32) {
    %c0_i32 = arith.constant 0 : i32
    %c0_i32_0 = arith.constant 0 : i32
    return %arg0, %c0_i32 : i32, i32
  }
}

</mosaic_0001>

<sc_bundles>
// kernel: kernel.10.cloned.1.call-start
scs
__scs_entry_jumppad:
0x0: {  	(pc) =	sbr.rel $0x88, $3  }
0x1: {  	(tag) =	ssettag $0x0;
	lr =	simm.s32 $0x1  }
0x2: {  	[smem:$0x3F96] =	sst lr;
	_ =	strace $0xD0000000  }
0x3: {  	_ = 	snop  }
0x4: {  	_ = 	snop  }
0x5: {  	_ = 	snop  }
0x6: {  	_ = 	snop  }
0x7: {  	_ = 	snop  }
__scs_overlays_trampoline_lowered:
0x8: {  	[smem:$0x3FA5] =	sst s0  }
0x9: {  	[smem:$0x3FA6] =	sst s1  }
0xa: {  	[smem:$0x3FA7] =	sst s2  }
0xb: {  	[smem:$0x3FA8] =	sst s3  }
0xc: {  	[smem:$0x3FA9] =	sst s4  }
0xd: {  	[smem:$0x3FAA] =	sst s5  }
0xe: {  	[smem:$0x3FAB] =	sst s6  }
0xf: {  	[smem:$0x3FAC] =	sst s7  }
0x10: {  	[smem:$0x3FAD] =	sst s8  }
0x11: {  	[smem:$0x3FAE] =	sst s9;
	s0 =	simm.s32 @!p0 $0x0  }
0x12: {  	s1 =	sld [smem:$0x3F94];
	s0 =	simm.s32 @p0 $0x1  }
0x13: {  	[smem:$0x3FAF] =	sst s0;
	s0 =	simm.s32 @!p1 $0x0  }
0x14: {  	s2 =	sld [smem:$0x3F93];
	s0 =	simm.s32 @p1 $0x1  }
0x15: {  	[smem:$0x3FB0] =	sst s0;
	s0 =	simm.s32 @!p2 $0x0  }
0x16: {  	s3 =	sld [smem:$0x3FDB];
	s0 =	simm.s32 @p2 $0x1  }
0x17: {  	s4 =	simm.s32 $0x1BF5;
	[smem:$0x3FB2] =	sst s0  }
0x18: {  	s0 =	sld [smem:$0x3F95];
	_ =	swait.ge [sflag:s4], $0x0  }
0x19: {  	s7 =	sld [smem:$0x3F96]  }
0x1a: {  	s8 =	sadd.s32 $0xFFFFE003, lr  }
0x1b: {  	s9 =	sadd.s32 $0xFFFFFEF7, lr;
	s5 =	simm.s32 $0xFFFFFFFF;
	p2 =	slt.u32 s8, $0xFFFFF086  }
0x1c: {  	p1 =	slt.u32 s9, $0xF7A;
	s5 =	simm.s32 @!p2 $0x0  }
0x1d: {  	s5 =	simm.s32 @p1 $0x1;
	p0 =	seq.s32 s7, s2  }
0x1e: {  	s7 =	smul.u32 @!p0 $0xF7A, s2;
	p2 =	seq.s32 @!p0 s5, $0x0  }
0x1f: {  	s9 =	smul.u32 $0xF7A, s1;
	s8 =	simm.s32 @!p0 $0x1BF5;
	p2 =	por !p2, p0  }
0x20: {  	[sflag:s8] =	ssyncset.s32 @!p0 $0xFFFFF086;
	s6 =	sadd.s32 @!p0 s3, s7;
	s7 =	simm.s32 @!p0 $0x108  }
0x21: {  	s3 =	sadd.s32 s3, s9;
	s6 =	sadd.s32 @!p0 $0x88, s6;
	s7 =	simm.s32 @p2 $0x1082  }
0x22: {  	[simem:s7], [sflag:s8] =	dma.local @!p0 [hbm:s6], $0xF7A  }
0x23: {  	s9 =	sor.u32 $0xD0000000, s2;
	s6 =	simm.s32 $0x108;
	_ =	swait.ge @!p0 [sflag:s8], $0x0  }
0x24: {  	s3 =	sadd.s32 $0x88, s3;
	s6 =	simm.s32 @!p1 $0x1082;
	[sflag:s4] =	ssyncset.s32 $0xFFFFF086  }
0x25: {  	[simem:s6], [sflag:s4] =	dma.local [hbm:s3], $0xF7A  }
0x26: {  	[smem:$0x3F96] =	sst s1;
	(tag) =	ssettag s2;
	_ =	strace s9  }
0x27: {  	s1 =	sld [smem:$0x3FA6]  }
0x28: {  	s2 =	sld [smem:$0x3FA7]  }
0x29: {  	s4 =	sld [smem:$0x3FA9]  }
0x2a: {  	p0 =	seq.s32 s5, $0x0;
	s5 =	sld [smem:$0x3FAA]  }
0x2b: {  	s6 =	sld [smem:$0x3FAB]  }
0x2c: {  	s7 =	sld [smem:$0x3FAC]  }
0x2d: {  	s3 =	simm.s32 $0x108;
	s8 =	sld [smem:$0x3FAD]  }
0x2e: {  	s3 =	simm.s32 @!p0 $0x1082;
	s9 =	sld [smem:$0x3FAE]  }
0x2f: {  	lr =	sadd.s32 s0, s3;
	s0 =	sld [smem:$0x3FA5]  }
0x30: {  	s3 =	sld [smem:$0x3FA8]  }
0x31: {  	[smem:$0x3FB1] =	sst s10  }
0x32: {  	s10 =	sld [smem:$0x3FAF];
	_ =	sdelay $0x3  }
0x33: {  	p0 =	seq.s32 s10, $0x1;
	s10 =	sld [smem:$0x3FB1];
	_ =	sdelay $0x3  }
0x34: {  	[smem:$0x3FB1] =	sst s10  }
0x35: {  	s10 =	sld [smem:$0x3FB0];
	_ =	sdelay $0x3  }
0x36: {  	p1 =	seq.s32 s10, $0x1;
	s10 =	sld [smem:$0x3FB1];
	_ =	sdelay $0x3  }
0x37: {  	[smem:$0x3FB1] =	sst s10  }
0x38: {  	s10 =	sld [smem:$0x3FB2]  }
0x39: {  	_ = 	snop;
	(pc) =	sbr.ind lr, $3  }
0x3a: {  	_ = 	snop  }
0x3b: {  	_ = 	snop  }
0x3c: {  	p2 =	seq.s32 s10, $0x1;
	s10 =	sld [smem:$0x3FB1]  }
0x3d: {  	_ =	shalt  }
0x3e: {  	_ =	shalt  }
0x3f: {  	_ =	shalt  }
0x40: {  	_ =	shalt  }
0x41: {  	_ =	shalt  }
0x42: {  	_ =	shalt  }
0x43: {  	_ =	shalt  }
0x44: {  	_ =	shalt  }
0x45: {  	_ =	shalt  }
0x46: {  	_ =	shalt  }
0x47: {  	_ =	shalt  }
0x48: {  	_ =	shalt  }
0x49: {  	_ =	shalt  }
0x4a: {  	_ =	shalt  }
0x4b: {  	_ =	shalt  }
0x4c: {  	_ =	shalt  }
0x4d: {  	_ =	shalt  }
0x4e: {  	_ =	shalt  }
0x4f: {  	_ =	shalt  }
0x50: {  	_ =	shalt  }
0x51: {  	_ =	shalt  }
0x52: {  	_ =	shalt  }
0x53: {  	_ =	shalt  }
0x54: {  	_ =	shalt  }
0x55: {  	_ =	shalt  }
0x56: {  	_ =	shalt  }
0x57: {  	_ =	shalt  }
0x58: {  	_ =	shalt  }
0x59: {  	_ =	shalt  }
0x5a: {  	_ =	shalt  }
0x5b: {  	_ =	shalt  }
0x5c: {  	_ =	shalt  }
0x5d: {  	_ =	shalt  }
0x5e: {  	_ =	shalt  }
0x5f: {  	_ =	shalt  }
0x60: {  	_ =	shalt  }
0x61: {  	_ =	shalt  }
0x62: {  	_ =	shalt  }
0x63: {  	_ =	shalt  }
0x64: {  	_ =	shalt  }
0x65: {  	_ =	shalt  }
0x66: {  	_ =	shalt  }
0x67: {  	_ =	shalt  }
0x68: {  	_ =	shalt  }
0x69: {  	_ =	shalt  }
0x6a: {  	_ =	shalt  }
0x6b: {  	_ =	shalt  }
0x6c: {  	_ =	shalt  }
0x6d: {  	_ =	shalt  }
0x6e: {  	_ =	shalt  }
0x6f: {  	_ =	shalt  }
0x70: {  	_ =	shalt  }
0x71: {  	_ =	shalt  }
0x72: {  	_ =	shalt  }
0x73: {  	_ =	shalt  }
0x74: {  	_ =	shalt  }
0x75: {  	_ =	shalt  }
0x76: {  	_ =	shalt  }
0x77: {  	_ =	shalt  }
0x78: {  	_ =	shalt  }
0x79: {  	_ =	shalt  }
0x7a: {  	_ =	shalt  }
0x7b: {  	_ =	shalt  }
0x7c: {  	_ =	shalt  }
0x7d: {  	_ =	shalt  }
0x7e: {  	_ =	shalt  }
0x7f: {  	_ =	shalt  }
0x80: {  	_ =	shalt  }
0x81: {  	_ =	shalt  }
0x82: {  	_ =	shalt  }
0x83: {  	_ =	shalt  }
0x84: {  	_ =	shalt  }
0x85: {  	_ =	shalt  }
0x86: {  	_ =	shalt  }
0x87: {  	_ =	shalt  }
.Lfunc_end0:
.L_simem_size_0:
called_computation_lowered:
.L_overlay_start_0:
0x88: {  	s2 =	sld [smem:$0x3FD9]  }
0x89: {  	s3 =	sld [smem:$0x3FFE];
	_ =	sdelay $0x1  }
0x8a: {  	s1 =	srdreg.scid  }
0x8b: {  	s0 =	sand.u32 $0x1, s1  }
0x8c: {  	s17 =	sshll.u32 s0, $0xA;
	s2 =	sadd.s32 s3, s2  }
0x8d: {  	s2 =	sadd.s32 s2, s17  }
0x8e: {  	[smem:$0x3FBD] =	sst s2  }
0x8f: {  	_ = 	snop  }
0x90: {  	s2 =	sld [smem:$0x3FD0];
	(tm) =	ssettm $0x1  }
0x91: {  	s18 =	sld [smem:$0x3FFB];
	_ =	sdelay $0x3  }
0x92: {  	_ =	strace s18  }
0x93: {  	s3 =	sld [smem:$0x3FFC];
	_ =	sdelay $0x3  }
0x94: {  	_ =	strace s3  }
0x95: {  	s3 =	sld [smem:$0x3FFD];
	_ =	sdelay $0x3  }
0x96: {  	_ =	strace s3  }
0x97: {  	_ =	strace $0x8FFFFFFF  }
0x98: {  	s19 =	sld [smem:$0x3FDB];
	_ =	sdelay $0x1  }
0x99: {  	s4 =	simm.s32 $_scs_section_size  }
0x9a: {  	s5 =	simm.s32 $_size__tile_overlayer_lowered;
	s6 =	simm.s32 $_tile_overlayer_lowered  }
0x9b: {  	s22 =	simm.s32 $0x1BFF;
	s21 =	sshll.u32 s6, $0x1;
	s3 =	sadd.s32 s4, s19  }
0x9c: {  	s7 =	simm.s32 $0x0;
	s20 =	sshll.u32 s5, $0x1;
	s5 =	sadd.s32 s21, s3  }
0x9d: {  	[timem:s7], [sflag:s22] =	dma.local [hbm:s5], s20  }
0x9e: {  	_ =	swait.ge [sflag:s22], s20  }
0x9f: {  	s4 =	ssub.s32 $0x0, s20;
	[sflag:s22] =	ssyncset.done $0x0  }
0xa0: {  	[sflag:s22] =	ssyncadd.s32 s4;
	_ =	sdelay $0x1  }
0xa1: {  	s23 =	simm.s32 $0x1B8B  }
0xa2: {  	_ =	swait.ge [sflag:s23], $0x1  }
0xa3: {  	[sflag:s23] =	ssyncset.done $0x0  }
0xa4: {  	s25 =	simm.s32 $0x1B8E;
	s24 =	sld [smem:$0x3FFE];
	[sflag:s23] =	ssyncadd.s32 $0xFFFFFFFF  }
0xa5: {  	s26 =	simm.s32 $execute0_lowered;
	[smem:$0x3FD2] =	sst s25  }
0xa6: {  	s5 =	sshll.u32 s26, $0x1;
	_ =	strace $0x80000046;
	[dreg:$0x1] =	wrdreg $0xFFFFFFFF  }
0xa7: {  	s28 =	simm.s32 $_size_execute0_lowered;
	s3 =	sadd.s32 s3, s5;
	[dreg:$0x0] =	wrdreg $0x0  }
0xa8: {  	s5 =	sshll.u32 s28, $0x1;
	[dreg:$0x2] =	wrdreg s3  }
0xa9: {  	[dreg:$0x3] =	wrdreg s5  }
0xaa: {  	[dreg:$0x4] =	wrdreg $0xC0  }
0xab: {  	_ =	task [dreg:s7], $0x5FFFF  }
0xac: {  	[dreg:$0x1] =	wrdreg $0xFFFFFFFF  }
0xad: {  	[dreg:$0x0] =	wrdreg $0x60  }
0xae: {  	[dreg:$0x2] =	wrdreg s2  }
0xaf: {  	[dreg:$0x3] =	wrdreg s24  }
0xb0: {  	[dreg:$0x4] =	wrdreg $0x58000  }
0xb1: {  	[dreg:$0x5] =	wrdreg $0x5A780  }
0xb2: {  	[dreg:$0x6] =	wrdreg $0x9  }
0xb3: {  	_ =	task.clear_ibuf [dreg:s7], $0x7FFFF;
	_ =	strace $0x90000046  }
0xb4: {  	s29 =	simm.s32 $0x9;
	_ =	strace $0x80000048  }
0xb5: {  	_ =	swait.ge [sflag:s29], $0x1  }
0xb6: {  	[sflag:s29] =	ssyncadd.s32 $0xFFFFFFFF  }
0xb7: {  	_ =	strace $0x90000048  }
0xb8: {  	_ =	sfence  }
0xb9: {  	s30 =	sld [smem:$0x0];
	_ =	sdelay $0x2  }
0xba: {  	s31 =	sshll.u32 s1, $0xD;
	s1 =	sshrl.u32 s1, $0x2  }
0xbb: {  	s3 =	sand.u32 $0x4000, s31;
	s1 =	sadd.s32 s1, s30  }
0xbc: {  	s0 =	sor.u32 s3, s0;
	s1 =	sshll.u32 s1, $0x11  }
0xbd: {  	s0 =	sor.u32 s1, s0  }
0xbe: {  	s0 =	sadd.s32 $0x8F2B, s0  }
0xbf: {  	[sflag:s0] =	ssyncadd.remote.s32 $0x1  }
0xc0: {  	_ =	sfence.sel $0xFFFF  }
0xc1: {  	[dreg:$0x0] =	wrdreg $0xFFFFFFFF;
	(pc) =	sbr.abs _section_cstart, $3  }
0xc2: {  	[dreg:$0x1] =	wrdreg $0xFFFFFFFF  }
0xc3: {  	_ =	task.clear_ibuf [dreg:s7], $0x2FFFF;
	_ =	strace $0x9FFFFFFF  }
0xc4: {  	(tm) =	ssettm $0x7FFFFFFF  }
0xc5: {  	_ =	shalt  }
tec
execute0_lowered:
.L_overlay_start_1:
0x0: {  	(tag) =	ssettag $0x1  }
0x1: {  	s5 =	rddreg [dreg:$0x0]  }
0x2: {  	s6 =	rddreg [dreg:$0x1]  }
0x3: {  	s1 =	srdreg.scid;
	s2 =	rddreg [dreg:$0x2]  }
0x4: {  	s0 =	stileid.u32;
	s3 =	rddreg [dreg:$0x3];
	s4 =	simm.s32 $0x0  }
0x5: {  	s13 =	simm.s32 $0x2800;
	s14 =	simm.s32 $0x80;
	s15 =	simm.s32 $0x5000  }
0x6: {  	s16 =	simm.s32 $0x1;
	s17 =	simm.s32 $0x0;
	s7 =	sand.u32 $0x1, s1  }
0x7: {  	s8 =	smul.u32 $0x280, s0;
	s9 =	sshll.u32 s0, $0x1;
	s1 =	rddreg [dreg:$0x4]  }
0x8: {  	[smem:$0x7FF] =	sst s4;
	p0 =	seq.s32 s0, $0xF;
	s10 =	smul.u32 $0x2710, s7  }
0x9: {  	s9 =	sor.u32 s7, s9;
	_ =	strace $0x80000047;
	s7 =	ssub.s32 $0x2, s7  }
0xa: {  	s9 =	smul.u32 $0x500, s9;
	s31 =	sshrl.u32 s7, $0x1;
	s10 =	sadd.s32 s8, s10  }
0xb: {  	s12 =	ssub.s32 s7, s31;
	s7 =	sadd.s32 s8, s2;
	s8 =	sadd.s32 s8, s3  }
0xc: {  	s10 =	sshrl.u32 s10, $0x3;
	s11 =	sadd.s32 s9, s6;
	s5 =	sadd.s32 s5, s9  }
0xd: {  	s10 =	sadd.s32 s10, s6;
	s6 =	sadd.s32 $0x4200, s11;
	s11 =	smax.u32 s12, $0x1  }
0xe: {  	v0 =	vimm.f32 $1.000000000e+00;
	v1 =	vimm.f32 $0.0e+00;
	s12 =	simm.s32 $0x2;
	s9 =	sadd.s32 $0xE200, s10;
	s10 =	sadd.s32 $0xEC00, s10  }
.LBB2_1:
0xf: {  	[tilespmem:s4], [sflag:$0x2] =	stream.linear.gather [hbm4b:s5+s4], $0x2780, $0x38;
	[tilespmem:$0x5CF0] =	vst v63  }
0x10: {  	_ =	swait.ge [sflag:s12], $0x2780  }
0x11: {  	[sflag:s12] =	ssyncset.done $0x0  }
0x12: {  	[sflag:s12] =	ssyncadd.s32 $0xFFFFD880  }
0x13: {  	[tilespmem:s13], [sflag:$0x2] =	stream.linear.gather [hbm4b:s6+s4], $0x2780, $0x38;
	[tilespmem:$0x5CF0] =	vst v63  }
0x14: {  	_ =	swait.ge [sflag:s12], $0x2780  }
0x15: {  	[sflag:s12] =	ssyncset.done $0x0  }
0x16: {  	[sflag:s12] =	ssyncadd.s32 $0xFFFFD880  }
0x17: {  	[tilespmem:$0x5000] =	vst v0  }
0x18: {  	[tilespmem:$0x5010] =	vst v0  }
0x19: {  	[tilespmem:$0x5020] =	vst v0  }
0x1a: {  	[tilespmem:$0x5030] =	vst v0  }
0x1b: {  	[tilespmem:$0x5040] =	vst v0  }
0x1c: {  	[tilespmem:$0x5050] =	vst v0  }
0x1d: {  	[tilespmem:$0x5060] =	vst v0  }
0x1e: {  	[tilespmem:$0x5070] =	vst v0  }
0x1f: {  	[tilespmem:$0x5080] =	vst v1  }
0x20: {  	[tilespmem:$0x5090] =	vst v1  }
0x21: {  	[tilespmem:$0x50A0] =	vst v1  }
0x22: {  	[tilespmem:$0x50B0] =	vst v1  }
0x23: {  	[tilespmem:$0x50C0] =	vst v1  }
0x24: {  	[tilespmem:$0x50D0] =	vst v1  }
0x25: {  	[tilespmem:$0x50E0] =	vst v1  }
0x26: {  	[tilespmem:$0x50F0] =	vst v1  }
0x27: {  	[tilespmem:$0x5100] =	vst v1  }
0x28: {  	[tilespmem:$0x5110] =	vst v1  }
0x29: {  	[tilespmem:$0x5120] =	vst v1  }
0x2a: {  	[tilespmem:$0x5130] =	vst v1  }
0x2b: {  	[tilespmem:$0x5140] =	vst v1  }
0x2c: {  	[tilespmem:$0x5150] =	vst v1  }
0x2d: {  	[tilespmem:$0x5160] =	vst v1  }
0x2e: {  	[tilespmem:$0x5170] =	vst v1  }
0x2f: {  	[tilespmem:$0x5180] =	vst v1  }
0x30: {  	[tilespmem:$0x5190] =	vst v1  }
0x31: {  	[tilespmem:$0x51A0] =	vst v1  }
0x32: {  	[tilespmem:$0x51B0] =	vst v1  }
0x33: {  	[tilespmem:$0x51C0] =	vst v1  }
0x34: {  	[tilespmem:$0x51D0] =	vst v1  }
0x35: {  	[tilespmem:$0x51E0] =	vst v1  }
0x36: {  	[tilespmem:$0x51F0] =	vst v1  }
0x37: {  	[tilespmem:$0x5200] =	vst v1  }
0x38: {  	[tilespmem:$0x5210] =	vst v1  }
0x39: {  	[tilespmem:$0x5220] =	vst v1  }
0x3a: {  	[tilespmem:$0x5230] =	vst v1  }
0x3b: {  	[tilespmem:$0x5240] =	vst v1  }
0x3c: {  	[tilespmem:$0x5250] =	vst v1  }
0x3d: {  	[tilespmem:$0x5260] =	vst v1  }
0x3e: {  	[tilespmem:$0x5270] =	vst v1  }
0x3f: {  	[tilespmem:$0x5280] =	vst v1  }
0x40: {  	[tilespmem:$0x5290] =	vst v1  }
0x41: {  	[tilespmem:$0x52A0] =	vst v1  }
0x42: {  	[tilespmem:$0x52B0] =	vst v1  }
0x43: {  	[tilespmem:$0x52C0] =	vst v1  }
0x44: {  	[tilespmem:$0x52D0] =	vst v1  }
0x45: {  	[tilespmem:$0x52E0] =	vst v1  }
0x46: {  	s18 =	simm.s32 @p0 $0x5080;
	s19 =	simm.s32 @p0 $0x2;
	[tilespmem:$0x52F0] =	vst v1  }
0x47: {  	[spmem:s7] =	stream.linear.scatter @p0 [tilespmem:s18], [sflag:$0x2], $0x190, $0x38;
	[tilespmem:$0x5CF0] =	vst v63  }
0x48: {  	_ =	swait.ge @p0 [sflag:s19], $0x190  }
0x49: {  	[sflag:s19] =	ssyncset.done @p0 $0x0  }
0x4a: {  	[sflag:s19] =	ssyncadd.s32 @p0 $0xFFFFFE70  }
0x4b: {  	[spmem:s8] =	stream.linear.scatter @p0 [tilespmem:s18], [sflag:$0x2], $0x190, $0x38;
	[tilespmem:$0x5CF0] =	vst v63  }
0x4c: {  	_ =	swait.ge @p0 [sflag:s19], $0x190  }
0x4d: {  	[sflag:s19] =	ssyncset.done @p0 $0x0  }
0x4e: {  	s18 =	simm.s32 @!p0 $0x5080;
	[sflag:s19] =	ssyncadd.s32 @p0 $0xFFFFFE70;
	s19 =	simm.s32 @!p0 $0x2  }
0x4f: {  	[spmem:s7] =	stream.linear.scatter @!p0 [tilespmem:s18], [sflag:$0x2], $0x280, $0x38;
	[tilespmem:$0x5CF0] =	vst v63  }
0x50: {  	_ =	swait.ge @!p0 [sflag:s19], $0x280  }
0x51: {  	[sflag:s19] =	ssyncset.done @!p0 $0x0  }
0x52: {  	[sflag:s19] =	ssyncadd.s32 @!p0 $0xFFFFFD80  }
0x53: {  	[spmem:s8] =	stream.linear.scatter @!p0 [tilespmem:s18], [sflag:$0x2], $0x280, $0x38;
	[tilespmem:$0x5CF0] =	vst v63  }
0x54: {  	_ =	swait.ge @!p0 [sflag:s19], $0x280  }
0x55: {  	[sflag:s19] =	ssyncset.done @!p0 $0x0  }
0x56: {  	s31 =	simm.s32 $0x0;
	[sflag:s19] =	ssyncadd.s32 @!p0 $0xFFFFFD80  }
0x57: {  	s18 =	simm.s32 $0x200;
	s19 =	simm.s32 $0x2800;
	[bflag:$0x0] =	sbarrier.arrive $0xFFFF  }
0x58: {  	[spmem:s2] =	stream.indirect.scatter.add.f32 [tilespmem:s15], [sflag:$0x1], $0x1, s31, s14, $0xb8;
	[tilespmem:$0x5CF0] =	vst v63  }
.LBB2_2:
0x59: {  	[spmem:s3] =	stream.indirect.scatter.add.f32 [tilespmem:s15], [sflag:$0x1], $0x1, s19, s14, $0xb8;
	[tilespmem:$0x5CF0] =	vst v63  }
0x5a: {  	s19 =	smov.u32 s18;
	p1 =	sne.s32 s18, $0x9C00  }
.Ltmp0:
0x5b: {  	s18 =	sadd.s32 $0x200, s18;
	(pc) =	sbr.rel @p1 .LBB2_2-.Ltmp0, $4  }
0x5c: {  	_ = 	snop  }
0x5d: {  	s19 =	sshra.s32 s19, $0x2  }
0x5e: {  	[spmem:s2] =	stream.indirect.scatter.add.f32 [tilespmem:s15], [sflag:$0x1], $0x1, s19, s14, $0xb8;
	[tilespmem:$0x5CF0] =	vst v63  }
0x5f: {  	s19 =	sadd.s32 $0x2800, s19  }
0x60: {  	[spmem:s3] =	stream.indirect.scatter.add.f32 [tilespmem:s15], [sflag:$0x1], $0x1, s19, s14, $0xb8;
	[tilespmem:$0x5CF0] =	vst v63  }
0x61: {  	_ =	swait.ge [sflag:s16], $0x80  }
0x62: {  	s18 =	simm.s32 $0x9D;
	[sflag:s16] =	ssyncset.done $0x0  }
.LBB2_4:
0x63: {  	p1 =	sne.s32 s18, $0x1;
	s18 =	sadd.s32 $0xFFFFFFFF, s18;
	[sflag:s16] =	ssyncadd.s32 $0xFFFFFF80  }
.Ltmp1:
0x64: {  	(pc) =	sbr.rel @p1 .LBB2_4-.Ltmp1, $3  }
0x65: {  	_ =	sdelay $0x1  }
0x66: {  	_ =	swait.ge [sflag:s16], $0x80  }
0x67: {  	[sflag:s16] =	ssyncset.done $0x0  }
0x68: {  	[sflag:s16] =	ssyncadd.s32 $0xFFFFFF80  }
0x69: {  	s18 =	simm.s32 @p0 $0x5300;
	s19 =	simm.s32 @p0 $0x2;
	[bflag:$0x0] =	sbarrier.arrive $0xFFFF  }
0x6a: {  	[tilespmem:s18], [sflag:$0x2] =	stream.linear.gather @p0 [spmem:s7], $0x190, $0x38;
	[tilespmem:$0x5CF0] =	vst v63  }
0x6b: {  	_ =	swait.ge @p0 [sflag:s19], $0x190  }
0x6c: {  	[sflag:s19] =	ssyncset.done @p0 $0x0  }
0x6d: {  	s20 =	simm.s32 @p0 $0x5580;
	[sflag:s19] =	ssyncadd.s32 @p0 $0xFFFFFE70  }
0x6e: {  	[tilespmem:s20], [sflag:$0x2] =	stream.linear.gather @p0 [spmem:s8], $0x190, $0x38;
	[tilespmem:$0x5CF0] =	vst v63  }
0x6f: {  	_ =	swait.ge @p0 [sflag:s19], $0x190  }
0x70: {  	[sflag:s19] =	ssyncset.done @p0 $0x0  }
0x71: {  	s21 =	simm.s32 @p0 $0x0;
	[sflag:s19] =	ssyncadd.s32 @p0 $0xFFFFFE70  }
0x72: {  	[hbm4b:s9+s21] =	stream.linear.scatter @p0 [tilespmem:s18], [sflag:$0x2], $0x190, $0x38;
	[tilespmem:$0x5CF0] =	vst v63  }
0x73: {  	_ =	swait.ge @p0 [sflag:s19], $0x190  }
0x74: {  	[sflag:s19] =	ssyncset.done @p0 $0x0  }
0x75: {  	[sflag:s19] =	ssyncadd.s32 @p0 $0xFFFFFE70  }
0x76: {  	[hbm4b:s10+s21] =	stream.linear.scatter @p0 [tilespmem:s20], [sflag:$0x2], $0x190, $0x38;
	[tilespmem:$0x5CF0] =	vst v63  }
0x77: {  	_ =	swait.ge @p0 [sflag:s19], $0x190  }
0x78: {  	[sflag:s19] =	ssyncset.done @p0 $0x0  }
0x79: {  	s18 =	simm.s32 @!p0 $0x5300;
	[sflag:s19] =	ssyncadd.s32 @p0 $0xFFFFFE70;
	s19 =	simm.s32 @!p0 $0x2  }
0x7a: {  	[tilespmem:s18], [sflag:$0x2] =	stream.linear.gather @!p0 [spmem:s7], $0x280, $0x38;
	[tilespmem:$0x5CF0] =	vst v63  }
0x7b: {  	_ =	swait.ge @!p0 [sflag:s19], $0x280  }
0x7c: {  	[sflag:s19] =	ssyncset.done @!p0 $0x0  }
0x7d: {  	s20 =	simm.s32 @!p0 $0x5580;
	[sflag:s19] =	ssyncadd.s32 @!p0 $0xFFFFFD80  }
0x7e: {  	[tilespmem:s20], [sflag:$0x2] =	stream.linear.gather @!p0 [spmem:s8], $0x280, $0x38;
	[tilespmem:$0x5CF0] =	vst v63  }
0x7f: {  	_ =	swait.ge @!p0 [sflag:s19], $0x280  }
0x80: {  	[sflag:s19] =	ssyncset.done @!p0 $0x0  }
0x81: {  	s21 =	simm.s32 @!p0 $0x0;
	[sflag:s19] =	ssyncadd.s32 @!p0 $0xFFFFFD80  }
0x82: {  	[hbm4b:s9+s21] =	stream.linear.scatter @!p0 [tilespmem:s18], [sflag:$0x2], $0x280, $0x38;
	[tilespmem:$0x5CF0] =	vst v63  }
0x83: {  	s17 =	sadd.s32 $0x1, s17;
	_ =	swait.ge @!p0 [sflag:s19], $0x280  }
0x84: {  	p1 =	sne.s32 s17, s11;
	[sflag:s19] =	ssyncset.done @!p0 $0x0  }
.Ltmp2:
0x85: {  	[sflag:s19] =	ssyncadd.s32 @!p0 $0xFFFFFD80;
	(pc) =	sbr.rel @p1 .LBB2_1-.Ltmp2, $4  }
0x86: {  	[hbm4b:s10+s21] =	stream.linear.scatter @!p0 [tilespmem:s20], [sflag:$0x2], $0x280, $0x38;
	[tilespmem:$0x5CF0] =	vst v63  }
0x87: {  	_ =	swait.ge @!p0 [sflag:s19], $0x280  }
0x88: {  	[sflag:s19] =	ssyncset.done @!p0 $0x0  }
0x89: {  	[sflag:s19] =	ssyncadd.s32 @!p0 $0xFFFFFD80  }
0x8a: {  	_ =	sfence.sel $0x180000  }
0x8b: {  	[bflag:$0x0] =	sbarrier.arrive $0xFFFF  }
0x8c: {  	p0 =	sne.s32 s0, $0x0;
	_ =	strace $0x90000047  }
0x8d: {  	s0 =	sadd.s32 @!p0 $0x100000, s1;
	[bflag:$0x2] =	sbarrier.arrive $0xFFFF  }
0x8e: {  	[sflag:s0] =	ssyncadd.tile.s32 @!p0 $0x1;
	_ =	shalt  }
.Lfunc_end2:
_tile_overlayer_lowered:
.L_overlay_start_2:
0x8f: {  	(tag) =	ssettag $0x2  }
0x90: {  	s0 =	rddreg [dreg:$0x0];
	s2 =	stileid.u32  }
0x91: {  	s1 =	rddreg [dreg:$0x1];
	p0 =	sne.s32 s2, $0x0  }
0x92: {  	s3 =	rddreg [dreg:$0x2];
	[bflag:$0x3] =	sbarrier.arrive $0xFFFF;
	s2 =	simm.s32 @!p0 $0x1C02  }
0x93: {  	[timem:s3], [sflag:s2] =	dma.local @!p0 [hbm:s0], s1  }
0x94: {  	s0 =	simm.s32 @!p0 $0x2  }
0x95: {  	_ =	swait.ge @!p0 [sflag:s0], s1  }
0x96: {  	s1 =	ssub.s32 @!p0 $0x0, s1;
	[sflag:s0] =	ssyncset.done @!p0 $0x0  }
0x97: {  	[sflag:s0] =	ssyncadd.s32 @!p0 s1  }
0x98: {  	[bflag:$0x3] =	sbarrier.arrive $0xFFFF  }
0x99: {  	_ =	shalt  }

// kernel: kernel.13.cloned.1.call-start
scs
__scs_entry_jumppad:
0x0: {  	(pc) =	sbr.rel $0x88, $3  }
0x1: {  	(tag) =	ssettag $0x0;
	lr =	simm.s32 $0x1  }
0x2: {  	[smem:$0x3F96] =	sst lr;
	_ =	strace $0xD0000000  }
0x3: {  	_ = 	snop  }
0x4: {  	_ = 	snop  }
0x5: {  	_ = 	snop  }
0x6: {  	_ = 	snop  }
0x7: {  	_ = 	snop  }
__scs_overlays_trampoline_lowered:
0x8: {  	[smem:$0x3FA5] =	sst s0  }
0x9: {  	[smem:$0x3FA6] =	sst s1  }
0xa: {  	[smem:$0x3FA7] =	sst s2  }
0xb: {  	[smem:$0x3FA8] =	sst s3  }
0xc: {  	[smem:$0x3FA9] =	sst s4  }
0xd: {  	[smem:$0x3FAA] =	sst s5  }
0xe: {  	[smem:$0x3FAB] =	sst s6  }
0xf: {  	[smem:$0x3FAC] =	sst s7  }
0x10: {  	[smem:$0x3FAD] =	sst s8  }
0x11: {  	[smem:$0x3FAE] =	sst s9;
	s0 =	simm.s32 @!p0 $0x0  }
0x12: {  	s1 =	sld [smem:$0x3F94];
	s0 =	simm.s32 @p0 $0x1  }
0x13: {  	[smem:$0x3FAF] =	sst s0;
	s0 =	simm.s32 @!p1 $0x0  }
0x14: {  	s2 =	sld [smem:$0x3F93];
	s0 =	simm.s32 @p1 $0x1  }
0x15: {  	[smem:$0x3FB0] =	sst s0;
	s0 =	simm.s32 @!p2 $0x0  }
0x16: {  	s3 =	sld [smem:$0x3FDB];
	s0 =	simm.s32 @p2 $0x1  }
0x17: {  	s4 =	simm.s32 $0x1BF5;
	[smem:$0x3FB2] =	sst s0  }
0x18: {  	s0 =	sld [smem:$0x3F95];
	_ =	swait.ge [sflag:s4], $0x0  }
0x19: {  	s7 =	sld [smem:$0x3F96]  }
0x1a: {  	s8 =	sadd.s32 $0xFFFFE003, lr  }
0x1b: {  	s9 =	sadd.s32 $0xFFFFFEF7, lr;
	s5 =	simm.s32 $0xFFFFFFFF;
	p2 =	slt.u32 s8, $0xFFFFF086  }
0x1c: {  	p1 =	slt.u32 s9, $0xF7A;
	s5 =	simm.s32 @!p2 $0x0  }
0x1d: {  	s5 =	simm.s32 @p1 $0x1;
	p0 =	seq.s32 s7, s2  }
0x1e: {  	s7 =	smul.u32 @!p0 $0xF7A, s2;
	p2 =	seq.s32 @!p0 s5, $0x0  }
0x1f: {  	s9 =	smul.u32 $0xF7A, s1;
	s8 =	simm.s32 @!p0 $0x1BF5;
	p2 =	por !p2, p0  }
0x20: {  	[sflag:s8] =	ssyncset.s32 @!p0 $0xFFFFF086;
	s6 =	sadd.s32 @!p0 s3, s7;
	s7 =	simm.s32 @!p0 $0x108  }
0x21: {  	s3 =	sadd.s32 s3, s9;
	s6 =	sadd.s32 @!p0 $0x88, s6;
	s7 =	simm.s32 @p2 $0x1082  }
0x22: {  	[simem:s7], [sflag:s8] =	dma.local @!p0 [hbm:s6], $0xF7A  }
0x23: {  	s9 =	sor.u32 $0xD0000000, s2;
	s6 =	simm.s32 $0x108;
	_ =	swait.ge @!p0 [sflag:s8], $0x0  }
0x24: {  	s3 =	sadd.s32 $0x88, s3;
	s6 =	simm.s32 @!p1 $0x1082;
	[sflag:s4] =	ssyncset.s32 $0xFFFFF086  }
0x25: {  	[simem:s6], [sflag:s4] =	dma.local [hbm:s3], $0xF7A  }
0x26: {  	[smem:$0x3F96] =	sst s1;
	(tag) =	ssettag s2;
	_ =	strace s9  }
0x27: {  	s1 =	sld [smem:$0x3FA6]  }
0x28: {  	s2 =	sld [smem:$0x3FA7]  }
0x29: {  	s4 =	sld [smem:$0x3FA9]  }
0x2a: {  	p0 =	seq.s32 s5, $0x0;
	s5 =	sld [smem:$0x3FAA]  }
0x2b: {  	s6 =	sld [smem:$0x3FAB]  }
0x2c: {  	s7 =	sld [smem:$0x3FAC]  }
0x2d: {  	s3 =	simm.s32 $0x108;
	s8 =	sld [smem:$0x3FAD]  }
0x2e: {  	s3 =	simm.s32 @!p0 $0x1082;
	s9 =	sld [smem:$0x3FAE]  }
0x2f: {  	lr =	sadd.s32 s0, s3;
	s0 =	sld [smem:$0x3FA5]  }
0x30: {  	s3 =	sld [smem:$0x3FA8]  }
0x31: {  	[smem:$0x3FB1] =	sst s10  }
0x32: {  	s10 =	sld [smem:$0x3FAF];
	_ =	sdelay $0x3  }
0x33: {  	p0 =	seq.s32 s10, $0x1;
	s10 =	sld [smem:$0x3FB1];
	_ =	sdelay $0x3  }
0x34: {  	[smem:$0x3FB1] =	sst s10  }
0x35: {  	s10 =	sld [smem:$0x3FB0];
	_ =	sdelay $0x3  }
0x36: {  	p1 =	seq.s32 s10, $0x1;
	s10 =	sld [smem:$0x3FB1];
	_ =	sdelay $0x3  }
0x37: {  	[smem:$0x3FB1] =	sst s10  }
0x38: {  	s10 =	sld [smem:$0x3FB2]  }
0x39: {  	_ = 	snop;
	(pc) =	sbr.ind lr, $3  }
0x3a: {  	_ = 	snop  }
0x3b: {  	_ = 	snop  }
0x3c: {  	p2 =	seq.s32 s10, $0x1;
	s10 =	sld [smem:$0x3FB1]  }
0x3d: {  	_ =	shalt  }
0x3e: {  	_ =	shalt  }
0x3f: {  	_ =	shalt  }
0x40: {  	_ =	shalt  }
0x41: {  	_ =	shalt  }
0x42: {  	_ =	shalt  }
0x43: {  	_ =	shalt  }
0x44: {  	_ =	shalt  }
0x45: {  	_ =	shalt  }
0x46: {  	_ =	shalt  }
0x47: {  	_ =	shalt  }
0x48: {  	_ =	shalt  }
0x49: {  	_ =	shalt  }
0x4a: {  	_ =	shalt  }
0x4b: {  	_ =	shalt  }
0x4c: {  	_ =	shalt  }
0x4d: {  	_ =	shalt  }
0x4e: {  	_ =	shalt  }
0x4f: {  	_ =	shalt  }
0x50: {  	_ =	shalt  }
0x51: {  	_ =	shalt  }
0x52: {  	_ =	shalt  }
0x53: {  	_ =	shalt  }
0x54: {  	_ =	shalt  }
0x55: {  	_ =	shalt  }
0x56: {  	_ =	shalt  }
0x57: {  	_ =	shalt  }
0x58: {  	_ =	shalt  }
0x59: {  	_ =	shalt  }
0x5a: {  	_ =	shalt  }
0x5b: {  	_ =	shalt  }
0x5c: {  	_ =	shalt  }
0x5d: {  	_ =	shalt  }
0x5e: {  	_ =	shalt  }
0x5f: {  	_ =	shalt  }
0x60: {  	_ =	shalt  }
0x61: {  	_ =	shalt  }
0x62: {  	_ =	shalt  }
0x63: {  	_ =	shalt  }
0x64: {  	_ =	shalt  }
0x65: {  	_ =	shalt  }
0x66: {  	_ =	shalt  }
0x67: {  	_ =	shalt  }
0x68: {  	_ =	shalt  }
0x69: {  	_ =	shalt  }
0x6a: {  	_ =	shalt  }
0x6b: {  	_ =	shalt  }
0x6c: {  	_ =	shalt  }
0x6d: {  	_ =	shalt  }
0x6e: {  	_ =	shalt  }
0x6f: {  	_ =	shalt  }
0x70: {  	_ =	shalt  }
0x71: {  	_ =	shalt  }
0x72: {  	_ =	shalt  }
0x73: {  	_ =	shalt  }
0x74: {  	_ =	shalt  }
0x75: {  	_ =	shalt  }
0x76: {  	_ =	shalt  }
0x77: {  	_ =	shalt  }
0x78: {  	_ =	shalt  }
0x79: {  	_ =	shalt  }
0x7a: {  	_ =	shalt  }
0x7b: {  	_ =	shalt  }
0x7c: {  	_ =	shalt  }
0x7d: {  	_ =	shalt  }
0x7e: {  	_ =	shalt  }
0x7f: {  	_ =	shalt  }
0x80: {  	_ =	shalt  }
0x81: {  	_ =	shalt  }
0x82: {  	_ =	shalt  }
0x83: {  	_ =	shalt  }
0x84: {  	_ =	shalt  }
0x85: {  	_ =	shalt  }
0x86: {  	_ =	shalt  }
0x87: {  	_ =	shalt  }
.Lfunc_end0:
.L_simem_size_0:
called_computation.1_lowered:
.L_overlay_start_0:
0x88: {  	s2 =	sld [smem:$0x3FD9]  }
0x89: {  	s3 =	sld [smem:$0x3FFE];
	_ =	sdelay $0x1  }
0x8a: {  	s1 =	srdreg.scid  }
0x8b: {  	s0 =	sand.u32 $0x1, s1  }
0x8c: {  	s17 =	sshll.u32 s0, $0xA;
	s2 =	sadd.s32 s3, s2  }
0x8d: {  	s2 =	sadd.s32 s2, s17  }
0x8e: {  	[smem:$0x3FBD] =	sst s2  }
0x8f: {  	_ = 	snop  }
0x90: {  	s2 =	sld [smem:$0x3FD0];
	(tm) =	ssettm $0x1  }
0x91: {  	s18 =	sld [smem:$0x3FFB];
	_ =	sdelay $0x3  }
0x92: {  	_ =	strace s18  }
0x93: {  	s3 =	sld [smem:$0x3FFC];
	_ =	sdelay $0x3  }
0x94: {  	_ =	strace s3  }
0x95: {  	s3 =	sld [smem:$0x3FFD];
	_ =	sdelay $0x3  }
0x96: {  	_ =	strace s3  }
0x97: {  	_ =	strace $0x8FFFFFFF  }
0x98: {  	s19 =	sld [smem:$0x3FDB];
	_ =	sdelay $0x1  }
0x99: {  	s4 =	simm.s32 $_scs_section_size  }
0x9a: {  	s5 =	simm.s32 $_size__tile_overlayer_lowered;
	s6 =	simm.s32 $_tile_overlayer_lowered  }
0x9b: {  	s22 =	simm.s32 $0x1BFF;
	s21 =	sshll.u32 s6, $0x1;
	s3 =	sadd.s32 s4, s19  }
0x9c: {  	s7 =	simm.s32 $0x0;
	s20 =	sshll.u32 s5, $0x1;
	s5 =	sadd.s32 s21, s3  }
0x9d: {  	[timem:s7], [sflag:s22] =	dma.local [hbm:s5], s20  }
0x9e: {  	_ =	swait.ge [sflag:s22], s20  }
0x9f: {  	s4 =	ssub.s32 $0x0, s20;
	[sflag:s22] =	ssyncset.done $0x0  }
0xa0: {  	[sflag:s22] =	ssyncadd.s32 s4;
	_ =	sdelay $0x1  }
0xa1: {  	s23 =	simm.s32 $0x1B8B  }
0xa2: {  	_ =	swait.ge [sflag:s23], $0x1  }
0xa3: {  	[sflag:s23] =	ssyncset.done $0x0  }
0xa4: {  	s25 =	simm.s32 $0x1B8E;
	s24 =	sld [smem:$0x3FFE];
	[sflag:s23] =	ssyncadd.s32 $0xFFFFFFFF  }
0xa5: {  	s26 =	simm.s32 $execute0_lowered;
	[smem:$0x3FD2] =	sst s25  }
0xa6: {  	s5 =	sshll.u32 s26, $0x1;
	_ =	strace $0x80000049;
	[dreg:$0x1] =	wrdreg $0xFFFFFFFF  }
0xa7: {  	s28 =	simm.s32 $_size_execute0_lowered;
	s3 =	sadd.s32 s3, s5;
	[dreg:$0x0] =	wrdreg $0x0  }
0xa8: {  	s5 =	sshll.u32 s28, $0x1;
	[dreg:$0x2] =	wrdreg s3  }
0xa9: {  	[dreg:$0x3] =	wrdreg s5  }
0xaa: {  	[dreg:$0x4] =	wrdreg $0xC0  }
0xab: {  	_ =	task [dreg:s7], $0x5FFFF  }
0xac: {  	[dreg:$0x1] =	wrdreg $0xFFFFFFFF  }
0xad: {  	[dreg:$0x0] =	wrdreg $0x60  }
0xae: {  	[dreg:$0x2] =	wrdreg s2  }
0xaf: {  	[dreg:$0x3] =	wrdreg s24  }
0xb0: {  	[dreg:$0x4] =	wrdreg $0x0  }
0xb1: {  	[dreg:$0x5] =	wrdreg $0x9  }
0xb2: {  	_ =	task.clear_ibuf [dreg:s7], $0x6FFFF;
	_ =	strace $0x90000049  }
0xb3: {  	s29 =	simm.s32 $0x9;
	_ =	strace $0x8000004B  }
0xb4: {  	_ =	swait.ge [sflag:s29], $0x1  }
0xb5: {  	[sflag:s29] =	ssyncadd.s32 $0xFFFFFFFF  }
0xb6: {  	_ =	strace $0x9000004B  }
0xb7: {  	_ =	sfence  }
0xb8: {  	s30 =	sld [smem:$0x0];
	_ =	sdelay $0x2  }
0xb9: {  	s31 =	sshll.u32 s1, $0xD;
	s1 =	sshrl.u32 s1, $0x2  }
0xba: {  	s3 =	sand.u32 $0x4000, s31;
	s1 =	sadd.s32 s1, s30  }
0xbb: {  	s0 =	sor.u32 s3, s0;
	s1 =	sshll.u32 s1, $0x11  }
0xbc: {  	s0 =	sor.u32 s1, s0  }
0xbd: {  	s0 =	sadd.s32 $0x8F2B, s0  }
0xbe: {  	[sflag:s0] =	ssyncadd.remote.s32 $0x1  }
0xbf: {  	_ =	sfence.sel $0xFFFF  }
0xc0: {  	[dreg:$0x0] =	wrdreg $0xFFFFFFFF;
	(pc) =	sbr.abs _section_cstart, $3  }
0xc1: {  	[dreg:$0x1] =	wrdreg $0xFFFFFFFF  }
0xc2: {  	_ =	task.clear_ibuf [dreg:s7], $0x2FFFF;
	_ =	strace $0x9FFFFFFF  }
0xc3: {  	(tm) =	ssettm $0x7FFFFFFF  }
tec
execute0_lowered:
.L_overlay_start_1:
0x0: {  	(tag) =	ssettag $0x1  }
0x1: {  	s1 =	rddreg [dreg:$0x0]  }
0x2: {  	s0 =	rddreg [dreg:$0x1]  }
0x3: {  	s2 =	rddreg [dreg:$0x2]  }
0x4: {  	s3 =	simm.s32 $0x0;
	s4 =	srdreg.scid;
	s13 =	stileid.u32  }
0x5: {  	s14 =	simm.s32 $0x3;
	s28 =	simm.s32 $0x13F00;
	s29 =	simm.s32 $0xD  }
0x6: {  	s30 =	simm.s32 $0x13900;
	s31 =	simm.s32 $0x13C00;
	[smem:$0x7FF] =	sst s3  }
0x7: {  	s5 =	sadd.s32 $0xF600, s0;
	s6 =	sadd.s32 $0x4200, s0;
	s4 =	sand.u32 $0x1, s4  }
0x8: {  	s0 =	sadd.s32 $0x40800, s0;
	s8 =	sshll.u32 s13, $0x1;
	s7 =	ssub.s32 $0x2, s4  }
0x9: {  	s10 =	smul.u32 $0x50000, s13;
	s8 =	sor.u32 s4, s8;
	s9 =	sshrl.u32 s7, $0x1  }
0xa: {  	p0 =	seq.s32 s13, $0xF;
	s9 =	ssub.s32 s7, s9;
	s7 =	smul.u32 $0x2800, s8  }
0xb: {  	_ =	strace $0x8000004A;
	s14 =	simm.s32 @!p0 $0x5;
	s22 =	sshrl.u32 s10, $0x2  }
0xc: {  	[dreg:$0x4] =	wrdreg s14;
	s15 =	sadd.s32 s22, s2;
	s23 =	sshrl.u32 s7, $0x3  }
0xd: {  	s4 =	smul.u32 $0x138800, s4;
	[dreg:$0x5] =	wrdreg s15;
	s24 =	sadd.s32 s5, s23  }
0xe: {  	s25 =	sadd.s32 s6, s23;
	s26 =	sor.u32 $0x10, s23;
	[dreg:$0x6] =	wrdreg s24  }
0xf: {  	p0 =	sne.s32 s13, $0xF;
	[dreg:$0x7] =	wrdreg s25;
	s11 =	sadd.s32 s5, s26  }
0x10: {  	s12 =	sor.u32 $0x20, s23;
	s10 =	sadd.s32 s6, s26;
	[dreg:$0x8] =	wrdreg s11  }
0x11: {  	s18 =	sor.u32 $0x40, s23;
	s16 =	sadd.s32 s5, s12;
	[dreg:$0x9] =	wrdreg s10  }
0x12: {  	s17 =	sor.u32 $0x30, s23;
	s19 =	sadd.s32 s5, s18;
	[dreg:$0xa] =	wrdreg s16  }
0x13: {  	s8 =	sor.u32 $0x50, s23;
	s20 =	sadd.s32 s6, s18;
	[dreg:$0xe] =	wrdreg s19  }
0x14: {  	s22 =	sadd.s32 s5, s8;
	s23 =	sadd.s32 s6, s8;
	[dreg:$0xf] =	wrdreg s20  }
0x15: {  	s25 =	smax.u32 s9, $0x1;
	s26 =	sadd.s32 $0x138000, s2;
	[dreg:$0x11] =	wrdreg s22  }
0x16: {  	s18 =	simm.s32 $0x1;
	s8 =	simm.s32 $0x5;
	[dreg:$0x12] =	wrdreg s23  }
0x17: {  	s9 =	simm.s32 $0xC;
	s10 =	sadd.s32 s6, s12;
	[dreg:$0x14] =	wrdreg s25  }
0x18: {  	s12 =	smul.u32 $0x14000, s13;
	s16 =	sadd.s32 s5, s17;
	[dreg:$0x15] =	wrdreg s26  }
0x19: {  	s19 =	simm.s32 $0x80;
	s22 =	simm.s32 $0x17F00;
	s23 =	simm.s32 $0x1BF00  }
0x1a: {  	s25 =	simm.s32 $0x8;
	s11 =	simm.s32 $0x4;
	[dreg:$0xb] =	wrdreg s10  }
0x1b: {  	s26 =	simm.s32 $0xB;
	s20 =	simm.s32 $0x6;
	[dreg:$0xc] =	wrdreg s16  }
0x1c: {  	s10 =	sadd.s32 s6, s17;
	s17 =	simm.s32 $0x13B80;
	s21 =	sadd.s32 s12, s4  }
0x1d: {  	[dreg:$0xd] =	wrdreg s10;
	s4 =	sshrl.u32 s4, $0x3;
	s10 =	sshrl.u32 s21, $0x3  }
0x1e: {  	s12 =	simm.s32 $0x0;
	s4 =	sadd.s32 s0, s4;
	s0 =	sadd.s32 s10, s0  }
0x1f: {  	s21 =	simm.s32 $0x9;
	s24 =	sadd.s32 $0x27000, s4;
	[dreg:$0x10] =	wrdreg s0  }
0x20: {  	v0 =	vimm.f32 $0.0e+00;
	[dreg:$0x13] =	wrdreg s24;
	s24 =	simm.s32 $0x7;
	s0 =	simm.s32 $0xA  }
.LBB2_1:
0x21: {  	s4 =	simm.s32 $0x0;
	s10 =	simm.s32 $0x200  }
.LBB2_2:
0x22: {  	p1 =	sne.s32 s10, $0xFE00;
	[tilespmem:s4+$0x13F70] =	vst v0  }
0x23: {  	[tilespmem:s4+$0x13F00] =	vst v0  }
0x24: {  	[tilespmem:s4+$0x13F10] =	vst v0  }
.Ltmp0:
0x25: {  	[tilespmem:s4+$0x13F20] =	vst v0;
	(pc) =	sbr.rel @p1 .LBB2_2-.Ltmp0, $4  }
0x26: {  	[tilespmem:s4+$0x13F30] =	vst v0  }
0x27: {  	[tilespmem:s4+$0x13F40] =	vst v0  }
0x28: {  	[tilespmem:s4+$0x13F50] =	vst v0  }
0x29: {  	[tilespmem:s4+$0x13F60] =	vst v0;
	s4 =	sshra.s32 s10, $0x2;
	s10 =	sadd.s32 $0x200, s10  }
0x2a: {  	[tilespmem:s4+$0x13F70] =	vst v0  }
0x2b: {  	[tilespmem:s4+$0x13F00] =	vst v0  }
0x2c: {  	[tilespmem:s4+$0x13F10] =	vst v0  }
0x2d: {  	[tilespmem:s4+$0x13F20] =	vst v0  }
0x2e: {  	[tilespmem:s4+$0x13F30] =	vst v0  }
0x2f: {  	[tilespmem:s4+$0x13F40] =	vst v0;
	p1 =	sne.s32 s14, $0x1  }
.Ltmp1:
0x30: {  	[tilespmem:s4+$0x13F50] =	vst v0;
	(pc) =	sbr.rel @!p1 .LBB2_5-.Ltmp1, $4  }
0x31: {  	[dreg:$0x16] =	wrdreg s12;
	[tilespmem:s4+$0x13F60] =	vst v0  }
0x32: {  	[spmem:s15] =	stream.linear.scatter [tilespmem:s28], [sflag:$0xD], $0x4000, $0x38;
	[tilespmem:$0x1FF00] =	vst v63  }
0x33: {  	_ =	swait.ge [sflag:s29], $0x4000  }
0x34: {  	s4 =	sadd.s32 $0xFFFFFFFF, s14;
	s10 =	smov.u32 s15;
	[sflag:s29] =	ssyncset.done $0x0  }
.LBB2_4:
0x35: {  	p2 =	sne.s32 s4, $0x1;
	[sflag:s29] =	ssyncadd.s32 $0xFFFFC000;
	s10 =	sadd.s32 $0x4000, s10  }
.Ltmp2:
0x36: {  	s4 =	sadd.s32 $0xFFFFFFFF, s4;
	(pc) =	sbr.rel @p2 .LBB2_4-.Ltmp2, $4  }
0x37: {  	_ = 	snop  }
0x38: {  	[spmem:s10] =	stream.linear.scatter [tilespmem:s28], [sflag:$0xD], $0x4000, $0x38;
	[tilespmem:$0x1FF00] =	vst v63  }
0x39: {  	_ =	swait.ge [sflag:s29], $0x4000  }
0x3a: {  	[sflag:s29] =	ssyncset.done $0x0  }
.LBB2_5:
0x3b: {  	[sflag:s29] =	ssyncadd.s32 $0xFFFFC000;
	s4 =	simm.s32 @!p0 $0x13F00;
	s10 =	rddreg [dreg:$0x15]  }
0x3c: {  	[spmem:s10] =	stream.linear.scatter @!p0 [tilespmem:s4], [sflag:$0xD], $0x800, $0x38;
	[tilespmem:$0x1FF00] =	vst v63  }
0x3d: {  	s4 =	simm.s32 @!p0 $0xD  }
0x3e: {  	_ =	swait.ge @!p0 [sflag:s4], $0x800  }
0x3f: {  	[sflag:s4] =	ssyncset.done @!p0 $0x0  }
0x40: {  	[sflag:s4] =	ssyncadd.s32 @!p0 $0xFFFFF800  }
0x41: {  	[bflag:$0x0] =	sbarrier.arrive $0xFFFF  }
0x42: {  	s10 =	simm.s32 $0x0;
	s16 =	rddreg [dreg:$0x6]  }
0x43: {  	[tilespmem:s30], [sflag:$0x1] =	stream.linear.gather [hbm4b:s16+s10], $0x80, $0x38;
	[tilespmem:$0x1FF00] =	vst v63  }
0x44: {  	s12 =	rddreg [dreg:$0x7]  }
0x45: {  	[tilespmem:s31], [sflag:$0x1] =	stream.linear.gather [hbm4b:s12+s10], $0x80, $0x38;
	[tilespmem:$0x1FF00] =	vst v63  }
0x46: {  	s13 =	rddreg [dreg:$0x8];
	s12 =	simm.s32 $0x13980  }
0x47: {  	[tilespmem:s12], [sflag:$0x2] =	stream.linear.gather [hbm4b:s13+s10], $0x80, $0x38;
	[tilespmem:$0x1FF00] =	vst v63  }
0x48: {  	s14 =	rddreg [dreg:$0x9];
	s13 =	simm.s32 $0x13C80  }
0x49: {  	[tilespmem:s13], [sflag:$0x2] =	stream.linear.gather [hbm4b:s14+s10], $0x80, $0x38;
	[tilespmem:$0x1FF00] =	vst v63  }
0x4a: {  	s15 =	rddreg [dreg:$0xa];
	s13 =	simm.s32 $0x13A00  }
0x4b: {  	[tilespmem:s13], [sflag:$0x3] =	stream.linear.gather [hbm4b:s15+s10], $0x80, $0x38;
	[tilespmem:$0x1FF00] =	vst v63  }
0x4c: {  	s16 =	rddreg [dreg:$0xb];
	s14 =	simm.s32 $0x13D00  }
0x4d: {  	[tilespmem:s14], [sflag:$0x3] =	stream.linear.gather [hbm4b:s16+s10], $0x80, $0x38;
	[tilespmem:$0x1FF00] =	vst v63  }
0x4e: {  	s15 =	rddreg [dreg:$0xc];
	s16 =	simm.s32 $0x13A80  }
0x4f: {  	[tilespmem:s16], [sflag:$0x4] =	stream.linear.gather [hbm4b:s15+s10], $0x80, $0x38;
	[tilespmem:$0x1FF00] =	vst v63  }
0x50: {  	s15 =	rddreg [dreg:$0xd];
	s16 =	simm.s32 $0x13D80  }
0x51: {  	[tilespmem:s16], [sflag:$0x4] =	stream.linear.gather [hbm4b:s15+s10], $0x80, $0x38;
	[tilespmem:$0x1FF00] =	vst v63  }
0x52: {  	s15 =	rddreg [dreg:$0xe];
	s16 =	simm.s32 $0x13B00  }
0x53: {  	[tilespmem:s16], [sflag:$0x5] =	stream.linear.gather [hbm4b:s15+s10], $0x80, $0x38;
	[tilespmem:$0x1FF00] =	vst v63  }
0x54: {  	s15 =	rddreg [dreg:$0xf];
	s16 =	simm.s32 $0x13E00  }
0x55: {  	[tilespmem:s16], [sflag:$0x5] =	stream.linear.gather [hbm4b:s15+s10], $0x80, $0x38;
	[tilespmem:$0x1FF00] =	vst v63  }
0x56: {  	s14 =	rddreg [dreg:$0x11]  }
0x57: {  	[tilespmem:s17], [sflag:$0x6] =	stream.linear.gather [hbm4b:s14+s10], $0x80, $0x38;
	[tilespmem:$0x1FF00] =	vst v63  }
0x58: {  	s15 =	rddreg [dreg:$0x12];
	s16 =	simm.s32 $0x13E80  }
0x59: {  	[tilespmem:s16], [sflag:$0x6] =	stream.linear.gather [hbm4b:s15+s10], $0x80, $0x38;
	[tilespmem:$0x1FF00] =	vst v63  }
0x5a: {  	_ =	swait.ge [sflag:s18], $0x80  }
0x5b: {  	[sflag:s18] =	ssyncset.done $0x0  }
0x5c: {  	[sflag:s18] =	ssyncadd.s32 $0xFFFFFF80  }
0x5d: {  	_ =	swait.ge [sflag:s18], $0x80  }
0x5e: {  	[sflag:s18] =	ssyncset.done $0x0  }
0x5f: {  	s15 =	simm.s32 $0x2;
	[sflag:s18] =	ssyncadd.s32 $0xFFFFFF80  }
0x60: {  	[tilespmem:s28], [sflag:$0x7] =	stream.indirect.gather [hbm4b:s1+s19], $0x80, s30, s19, $0xb8;
	[tilespmem:$0x1FF00] =	vst v63  }
0x61: {  	_ =	swait.ge [sflag:s15], $0x80  }
0x62: {  	[sflag:s15] =	ssyncset.done $0x0  }
0x63: {  	[sflag:s15] =	ssyncadd.s32 $0xFFFFFF80  }
0x64: {  	_ =	swait.ge [sflag:s15], $0x80  }
0x65: {  	[sflag:s15] =	ssyncset.done $0x0  }
0x66: {  	s16 =	simm.s32 $0x3;
	[sflag:s15] =	ssyncadd.s32 $0xFFFFFF80  }
0x67: {  	[tilespmem:s22], [sflag:$0x8] =	stream.indirect.gather [hbm4b:s1+s19], $0x80, s12, s19, $0xb8;
	[tilespmem:$0x1FF00] =	vst v63  }
0x68: {  	_ =	swait.ge [sflag:s16], $0x80  }
0x69: {  	[sflag:s16] =	ssyncset.done $0x0  }
.Ltmp3:
0x6a: {  	[sflag:s16] =	ssyncadd.s32 $0xFFFFFF80;
	(pc) =	sbr.rel .LBB2_6-.Ltmp3, $4  }
0x6b: {  	_ =	swait.ge [sflag:s16], $0x80  }
0x6c: {  	[sflag:s16] =	ssyncset.done $0x0  }
0x6d: {  	s4 =	simm.s32 $0x500;
	[sflag:s16] =	ssyncadd.s32 $0xFFFFFF80  }
0x6e: {  	[tilespmem:s23], [sflag:$0x9] =	stream.indirect.gather [hbm4b:s1+s19], $0x80, s13, s19, $0xb8;
	[tilespmem:$0x1FF00] =	vst v63  }
.LBB2_8:
0x6f: {  	s4 =	sadd.s32 $0x300, s4  }
0x70: {  	p2 =	sne.s32 s4, $0x2F00  }
.Ltmp4:
0x71: {  	_ = 	snop;
	(pc) =	sbr.rel @!p2 .LBB2_9-.Ltmp4, $2  }
0x72: {  	_ =	sdelay $0x2  }
0x73: {  	s10 =	sadd.s32 $0x1, s10  }
.LBB2_6:
0x74: {  	_ =	swait.ge [sflag:s24], $0x4000;
	p2 =	seq.s32 s10, $0x0  }
0x75: {  	[sflag:s24] =	ssyncset.done $0x0;
	p3 =	seq.s32 @!p2 s10, $0xD  }
0x76: {  	[sflag:s24] =	ssyncadd.s32 $0xFFFFC000;
	p2 =	por p3, p2  }
0x77: {  	[spmem:s2] =	stream.indirect.scatter.add.f32 [tilespmem:s28], [sflag:$0xA], $0x80, s31, s19, $0xb8;
	[tilespmem:$0x1FF00] =	vst v63  }
0x78: {  	s12 =	simm.s32 @!p2 $0xC  }
0x79: {  	_ =	swait.ge @!p2 [sflag:s12], $0x4000  }
0x7a: {  	[sflag:s12] =	ssyncset.done @!p2 $0x0  }
0x7b: {  	[sflag:s12] =	ssyncadd.s32 @!p2 $0xFFFFC000;
	s12 =	simm.s32 @!p2 $0x3  }
0x7c: {  	_ =	swait.ge @!p2 [sflag:s12], $0x80  }
0x7d: {  	[sflag:s12] =	ssyncset.done @!p2 $0x0  }
0x7e: {  	[sflag:s12] =	ssyncadd.s32 @!p2 $0xFFFFFF80  }
0x7f: {  	_ =	swait.ge @!p2 [sflag:s12], $0x80  }
0x80: {  	s13 =	simm.s32 @!p2 $0x13A00;
	[sflag:s12] =	ssyncset.done @!p2 $0x0  }
0x81: {  	s14 =	simm.s32 @!p2 $0x1BF00;
	[sflag:s12] =	ssyncadd.s32 @!p2 $0xFFFFFF80;
	s12 =	simm.s32 @!p2 $0x80  }
0x82: {  	[tilespmem:s14], [sflag:$0x9] =	stream.indirect.gather @!p2 [hbm4b:s1+s12], $0x80, s13, s12, $0xb8;
	[tilespmem:$0x1FF00] =	vst v63  }
0x83: {  	s12 =	sadd.s32 @!p2 $0xFFFFFD80, s4  }
0x84: {  	s13 =	sand.u32 @!p2 $0x7C00, s12  }
0x85: {  	s12 =	sand.u32 @!p2 $0x380, s12;
	s13 =	sadd.s32 @!p2 s7, s13  }
0x86: {  	s12 =	sor.u32 @!p2 s12, s13  }
0x87: {  	s12 =	sshrl.u32 @!p2 s12, $0x3  }
0x88: {  	s15 =	simm.s32 @!p2 $0x13B80;
	s14 =	simm.s32 @!p2 $0x0;
	s13 =	sadd.s32 @!p2 s5, s12  }
0x89: {  	[tilespmem:s15], [sflag:$0x6] =	stream.linear.gather @!p2 [hbm4b:s13+s14], $0x80, $0x38;
	[tilespmem:$0x1FF00] =	vst v63  }
0x8a: {  	s12 =	sadd.s32 @!p2 s6, s12;
	s13 =	simm.s32 @!p2 $0x13E80  }
0x8b: {  	[tilespmem:s13], [sflag:$0x6] =	stream.linear.gather @!p2 [hbm4b:s12+s14], $0x80, $0x38;
	[tilespmem:$0x1FF00] =	vst v63  }
0x8c: {  	p2 =	sgt.u32 s10, $0xC  }
.Ltmp5:
0x8d: {  	_ = 	snop;
	(pc) =	sbr.rel @p2 .LBB2_8-.Ltmp5, $1  }
0x8e: {  	_ =	sdelay $0x3  }
0x8f: {  	_ =	swait.ge [sflag:s25], $0x4000  }
0x90: {  	[sflag:s25] =	ssyncset.done $0x0  }
0x91: {  	s12 =	simm.s32 $0x13C80;
	[sflag:s25] =	ssyncadd.s32 $0xFFFFC000  }
0x92: {  	[spmem:s2] =	stream.indirect.scatter.add.f32 [tilespmem:s22], [sflag:$0xB], $0x80, s12, s19, $0xb8;
	[tilespmem:$0x1FF00] =	vst v63  }
0x93: {  	_ =	swait.ge [sflag:s0], $0x4000  }
0x94: {  	[sflag:s0] =	ssyncset.done $0x0  }
0x95: {  	[sflag:s0] =	ssyncadd.s32 $0xFFFFC000  }
0x96: {  	_ =	swait.ge [sflag:s11], $0x80  }
0x97: {  	s15 =	sadd.s32 $0xFFFFFE00, s4;
	[sflag:s11] =	ssyncset.done $0x0  }
0x98: {  	s13 =	sand.u32 $0x7C00, s15;
	[sflag:s11] =	ssyncadd.s32 $0xFFFFFF80  }
0x99: {  	s13 =	sadd.s32 s7, s13;
	s12 =	sand.u32 $0x300, s15;
	_ =	swait.ge [sflag:s11], $0x80  }
0x9a: {  	s12 =	sor.u32 s12, s13;
	[sflag:s11] =	ssyncset.done $0x0  }
0x9b: {  	s14 =	simm.s32 $0x13A80;
	s12 =	sshrl.u32 s12, $0x3;
	[sflag:s11] =	ssyncadd.s32 $0xFFFFFF80  }
0x9c: {  	[tilespmem:s28], [sflag:$0x7] =	stream.indirect.gather [hbm4b:s1+s19], $0x80, s14, s19, $0xb8;
	[tilespmem:$0x1FF00] =	vst v63  }
0x9d: {  	s16 =	sadd.s32 s5, s12  }
0x9e: {  	[tilespmem:s30], [sflag:$0x1] =	stream.linear.gather [hbm4b:s16+s3], $0x80, $0x38;
	[tilespmem:$0x1FF00] =	vst v63  }
0x9f: {  	s12 =	sadd.s32 s6, s12  }
0xa0: {  	[tilespmem:s31], [sflag:$0x1] =	stream.linear.gather [hbm4b:s12+s3], $0x80, $0x38;
	[tilespmem:$0x1FF00] =	vst v63  }
0xa1: {  	_ =	swait.ge [sflag:s21], $0x4000  }
0xa2: {  	[sflag:s21] =	ssyncset.done $0x0  }
0xa3: {  	s13 =	simm.s32 $0x13D00;
	[sflag:s21] =	ssyncadd.s32 $0xFFFFC000  }
0xa4: {  	[spmem:s2] =	stream.indirect.scatter.add.f32 [tilespmem:s23], [sflag:$0xC], $0x80, s13, s19, $0xb8;
	[tilespmem:$0x1FF00] =	vst v63  }
0xa5: {  	_ =	swait.ge [sflag:s26], $0x4000  }
0xa6: {  	[sflag:s26] =	ssyncset.done $0x0  }
0xa7: {  	[sflag:s26] =	ssyncadd.s32 $0xFFFFC000  }
0xa8: {  	_ =	swait.ge [sflag:s8], $0x80  }
0xa9: {  	p2 =	seq.s32 s4, $0x2900;
	[sflag:s8] =	ssyncset.done $0x0  }
0xaa: {  	s12 =	sadd.s32 @!p2 $0xFFFFFE80, s4;
	[sflag:s8] =	ssyncadd.s32 $0xFFFFFF80  }
0xab: {  	s13 =	sand.u32 @!p2 $0x7C00, s12;
	_ =	swait.ge [sflag:s8], $0x80  }
0xac: {  	s12 =	sand.u32 @!p2 $0x380, s12;
	s13 =	sadd.s32 @!p2 s7, s13;
	[sflag:s8] =	ssyncset.done $0x0  }
0xad: {  	s14 =	simm.s32 $0x13B00;
	s12 =	sor.u32 @!p2 s12, s13;
	[sflag:s8] =	ssyncadd.s32 $0xFFFFFF80  }
0xae: {  	[tilespmem:s22], [sflag:$0x8] =	stream.indirect.gather [hbm4b:s1+s19], $0x80, s14, s19, $0xb8;
	[tilespmem:$0x1FF00] =	vst v63  }
0xaf: {  	s14 =	sshrl.u32 @!p2 s12, $0x3  }
0xb0: {  	s13 =	simm.s32 @!p2 $0x13980;
	s12 =	simm.s32 @!p2 $0x0;
	s15 =	sadd.s32 @!p2 s5, s14  }
0xb1: {  	[tilespmem:s13], [sflag:$0x2] =	stream.linear.gather @!p2 [hbm4b:s15+s12], $0x80, $0x38;
	[tilespmem:$0x1FF00] =	vst v63  }
0xb2: {  	s14 =	sadd.s32 @!p2 s6, s14;
	s15 =	simm.s32 @!p2 $0x13C80  }
0xb3: {  	[tilespmem:s15], [sflag:$0x2] =	stream.linear.gather @!p2 [hbm4b:s14+s12], $0x80, $0x38;
	[tilespmem:$0x1FF00] =	vst v63  }
0xb4: {  	_ =	swait.ge [sflag:s24], $0x4000  }
0xb5: {  	[sflag:s24] =	ssyncset.done $0x0  }
0xb6: {  	s15 =	simm.s32 $0x13D80;
	[sflag:s24] =	ssyncadd.s32 $0xFFFFC000  }
0xb7: {  	[spmem:s2] =	stream.indirect.scatter.add.f32 [tilespmem:s28], [sflag:$0xA], $0x80, s15, s19, $0xb8;
	[tilespmem:$0x1FF00] =	vst v63  }
0xb8: {  	_ =	swait.ge [sflag:s9], $0x4000  }
0xb9: {  	[sflag:s9] =	ssyncset.done $0x0  }
0xba: {  	[sflag:s9] =	ssyncadd.s32 $0xFFFFC000  }
0xbb: {  	_ =	swait.ge [sflag:s20], $0x80  }
0xbc: {  	s14 =	sadd.s32 @!p2 $0xFFFFFF00, s4;
	[sflag:s20] =	ssyncset.done $0x0  }
0xbd: {  	s14 =	sand.u32 @!p2 $0x7C00, s14;
	s15 =	sadd.s32 $0xFFFFFB00, s4;
	[sflag:s20] =	ssyncadd.s32 $0xFFFFFF80  }
0xbe: {  	s14 =	sadd.s32 @!p2 s7, s14;
	s15 =	sand.u32 @!p2 $0x300, s15;
	_ =	swait.ge [sflag:s20], $0x80  }
0xbf: {  	s14 =	sor.u32 @!p2 s15, s14;
	[sflag:s20] =	ssyncset.done $0x0  }
0xc0: {  	s14 =	sshrl.u32 @!p2 s14, $0x3;
	[sflag:s20] =	ssyncadd.s32 $0xFFFFFF80  }
0xc1: {  	[tilespmem:s23], [sflag:$0x9] =	stream.indirect.gather [hbm4b:s1+s19], $0x80, s17, s19, $0xb8;
	[tilespmem:$0x1FF00] =	vst v63  }
0xc2: {  	s16 =	simm.s32 @!p2 $0x13A00;
	s15 =	sadd.s32 @!p2 s5, s14  }
0xc3: {  	[tilespmem:s16], [sflag:$0x3] =	stream.linear.gather @!p2 [hbm4b:s15+s12], $0x80, $0x38;
	[tilespmem:$0x1FF00] =	vst v63  }
0xc4: {  	s14 =	sadd.s32 @!p2 s6, s14;
	s15 =	simm.s32 @!p2 $0x13D00  }
0xc5: {  	[tilespmem:s15], [sflag:$0x3] =	stream.linear.gather @!p2 [hbm4b:s14+s12], $0x80, $0x38;
	[tilespmem:$0x1FF00] =	vst v63  }
0xc6: {  	_ =	swait.ge [sflag:s25], $0x4000  }
0xc7: {  	[sflag:s25] =	ssyncset.done $0x0  }
0xc8: {  	s16 =	simm.s32 $0x13E00;
	[sflag:s25] =	ssyncadd.s32 $0xFFFFC000  }
0xc9: {  	[spmem:s2] =	stream.indirect.scatter.add.f32 [tilespmem:s22], [sflag:$0xB], $0x80, s16, s19, $0xb8;
	[tilespmem:$0x1FF00] =	vst v63  }
0xca: {  	_ =	swait.ge [sflag:s0], $0x4000  }
0xcb: {  	[sflag:s0] =	ssyncset.done $0x0  }
0xcc: {  	[sflag:s0] =	ssyncadd.s32 $0xFFFFC000  }
0xcd: {  	_ =	swait.ge [sflag:s18], $0x80  }
0xce: {  	[sflag:s18] =	ssyncset.done $0x0  }
0xcf: {  	[sflag:s18] =	ssyncadd.s32 $0xFFFFFF80  }
0xd0: {  	_ =	swait.ge [sflag:s18], $0x80  }
0xd1: {  	[sflag:s18] =	ssyncset.done $0x0  }
0xd2: {  	s14 =	simm.s32 @p2 $0x9;
	[sflag:s18] =	ssyncadd.s32 $0xFFFFFF80  }
0xd3: {  	[tilespmem:s28], [sflag:$0x7] =	stream.indirect.gather [hbm4b:s1+s19], $0x80, s30, s19, $0xb8;
	[tilespmem:$0x1FF00] =	vst v63  }
0xd4: {  	_ =	swait.ge @p2 [sflag:s14], $0x4000  }
0xd5: {  	s15 =	simm.s32 @p2 $0x13E80;
	[sflag:s14] =	ssyncset.done @p2 $0x0  }
0xd6: {  	s16 =	simm.s32 @p2 $0x1BF00;
	[sflag:s14] =	ssyncadd.s32 @p2 $0xFFFFC000;
	s14 =	simm.s32 @p2 $0x80  }
0xd7: {  	[spmem:s2] =	stream.indirect.scatter.add.f32 @p2 [tilespmem:s16], [sflag:$0xC], $0x80, s15, s14, $0xb8;
	[tilespmem:$0x1FF00] =	vst v63  }
0xd8: {  	s14 =	sadd.s32 @!p2 $0xFFFFFF80, s4  }
0xd9: {  	s15 =	sand.u32 @!p2 $0x7C00, s14  }
0xda: {  	s14 =	sand.u32 @!p2 $0x380, s14;
	s15 =	sadd.s32 @!p2 s7, s15  }
0xdb: {  	s14 =	sor.u32 @!p2 s14, s15  }
0xdc: {  	s14 =	sshrl.u32 @!p2 s14, $0x3  }
0xdd: {  	s16 =	simm.s32 @!p2 $0x13A80;
	s15 =	sadd.s32 @!p2 s5, s14  }
0xde: {  	[tilespmem:s16], [sflag:$0x4] =	stream.linear.gather @!p2 [hbm4b:s15+s12], $0x80, $0x38;
	[tilespmem:$0x1FF00] =	vst v63  }
0xdf: {  	s14 =	sadd.s32 @!p2 s6, s14;
	s15 =	simm.s32 @!p2 $0x13D80  }
0xe0: {  	[tilespmem:s15], [sflag:$0x4] =	stream.linear.gather @!p2 [hbm4b:s14+s12], $0x80, $0x38;
	[tilespmem:$0x1FF00] =	vst v63  }
0xe1: {  	s14 =	simm.s32 @!p2 $0x9  }
0xe2: {  	_ =	swait.ge @!p2 [sflag:s14], $0x4000  }
0xe3: {  	s16 =	simm.s32 @!p2 $0x1BF00;
	[sflag:s14] =	ssyncset.done @!p2 $0x0  }
0xe4: {  	s15 =	simm.s32 @!p2 $0x13E80;
	[sflag:s14] =	ssyncadd.s32 @!p2 $0xFFFFC000;
	s14 =	simm.s32 @!p2 $0x80  }
0xe5: {  	[spmem:s2] =	stream.indirect.scatter.add.f32 @!p2 [tilespmem:s16], [sflag:$0xC], $0x80, s15, s14, $0xb8;
	[tilespmem:$0x1FF00] =	vst v63  }
0xe6: {  	s15 =	simm.s32 @!p2 $0xB  }
0xe7: {  	_ =	swait.ge @!p2 [sflag:s15], $0x4000  }
0xe8: {  	[sflag:s15] =	ssyncset.done @!p2 $0x0  }
0xe9: {  	[sflag:s15] =	ssyncadd.s32 @!p2 $0xFFFFC000;
	s15 =	simm.s32 @!p2 $0x2  }
0xea: {  	_ =	swait.ge @!p2 [sflag:s15], $0x80  }
0xeb: {  	[sflag:s15] =	ssyncset.done @!p2 $0x0  }
0xec: {  	[sflag:s15] =	ssyncadd.s32 @!p2 $0xFFFFFF80  }
0xed: {  	_ =	swait.ge @!p2 [sflag:s15], $0x80  }
0xee: {  	[sflag:s15] =	ssyncset.done @!p2 $0x0  }
0xef: {  	[sflag:s15] =	ssyncadd.s32 @!p2 $0xFFFFFF80;
	s15 =	simm.s32 @!p2 $0x17F00  }
0xf0: {  	[tilespmem:s15], [sflag:$0x8] =	stream.indirect.gather @!p2 [hbm4b:s1+s14], $0x80, s13, s14, $0xb8;
	[tilespmem:$0x1FF00] =	vst v63  }
0xf1: {  	s13 =	sand.u32 @!p2 $0x7C00, s4  }
0xf2: {  	s14 =	sand.u32 @!p2 $0x300, s4;
	s13 =	sadd.s32 @!p2 s7, s13  }
0xf3: {  	s13 =	sor.u32 @!p2 s14, s13  }
.Ltmp6:
0xf4: {  	s13 =	sshrl.u32 @!p2 s13, $0x3;
	(pc) =	sbr.rel .LBB2_8-.Ltmp6, $4  }
0xf5: {  	s15 =	simm.s32 @!p2 $0x13B00;
	s14 =	sadd.s32 @!p2 s5, s13  }
0xf6: {  	[tilespmem:s15], [sflag:$0x5] =	stream.linear.gather @!p2 [hbm4b:s14+s12], $0x80, $0x38;
	[tilespmem:$0x1FF00] =	vst v63  }
0xf7: {  	s13 =	sadd.s32 @!p2 s6, s13;
	s14 =	simm.s32 @!p2 $0x13E00  }
0xf8: {  	[tilespmem:s14], [sflag:$0x5] =	stream.linear.gather @!p2 [hbm4b:s13+s12], $0x80, $0x38;
	[tilespmem:$0x1FF00] =	vst v63  }
.LBB2_9:
0xf9: {  	_ =	swait.ge [sflag:s0], $0x4000  }
0xfa: {  	[sflag:s0] =	ssyncset.done $0x0  }
0xfb: {  	[sflag:s0] =	ssyncadd.s32 $0xFFFFC000  }
0xfc: {  	_ =	swait.ge [sflag:s9], $0x4000  }
0xfd: {  	[sflag:s9] =	ssyncset.done $0x0  }
0xfe: {  	[sflag:s9] =	ssyncadd.s32 $0xFFFFC000  }
0xff: {  	_ =	swait.ge [sflag:s26], $0x4000  }
0x100: {  	[sflag:s26] =	ssyncset.done $0x0  }
0x101: {  	[sflag:s26] =	ssyncadd.s32 $0xFFFFC000  }
0x102: {  	[bflag:$0x0] =	sbarrier.arrive $0xFFFF  }
0x103: {  	s15 =	rddreg [dreg:$0x5]  }
0x104: {  	[tilespmem:s28], [sflag:$0xD] =	stream.linear.gather [spmem:s15], $0x4000, $0x38;
	[tilespmem:$0x1FF00] =	vst v63  }
0x105: {  	_ =	swait.ge [sflag:s29], $0x4000  }
0x106: {  	[sflag:s29] =	ssyncset.done $0x0  }
.Ltmp7:
0x107: {  	s10 =	rddreg [dreg:$0x10];
	[sflag:s29] =	ssyncadd.s32 $0xFFFFC000;
	(pc) =	sbr.rel @!p1 .LBB2_11-.Ltmp7, $4  }
0x108: {  	[hbm4b:s10+s3] =	stream.linear.scatter [tilespmem:s28], [sflag:$0xD], $0x4000, $0x38;
	[tilespmem:$0x1FF00] =	vst v63  }
0x109: {  	_ =	swait.ge [sflag:s29], $0x4000  }
0x10a: {  	s14 =	rddreg [dreg:$0x4]  }
0x10b: {  	s12 =	smov.u32 s15;
	[sflag:s29] =	ssyncset.done $0x0;
	s4 =	sadd.s32 $0xFFFFFFFF, s14  }
.LBB2_10:
0x10c: {  	[sflag:s29] =	ssyncadd.s32 $0xFFFFC000;
	s10 =	sadd.s32 $0x800, s10;
	s12 =	sadd.s32 $0x4000, s12  }
0x10d: {  	[tilespmem:s28], [sflag:$0xD] =	stream.linear.gather [spmem:s12], $0x4000, $0x38;
	[tilespmem:$0x1FF00] =	vst v63  }
0x10e: {  	p1 =	sne.s32 s4, $0x1;
	s4 =	sadd.s32 $0xFFFFFFFF, s4;
	_ =	swait.ge [sflag:s29], $0x4000  }
.Ltmp8:
0x10f: {  	[sflag:s29] =	ssyncset.done $0x0;
	(pc) =	sbr.rel @p1 .LBB2_10-.Ltmp8, $4  }
0x110: {  	[sflag:s29] =	ssyncadd.s32 $0xFFFFC000  }
0x111: {  	[hbm4b:s10+s3] =	stream.linear.scatter [tilespmem:s28], [sflag:$0xD], $0x4000, $0x38;
	[tilespmem:$0x1FF00] =	vst v63  }
0x112: {  	_ =	swait.ge [sflag:s29], $0x4000  }
0x113: {  	[sflag:s29] =	ssyncset.done $0x0  }
.LBB2_11:
0x114: {  	[sflag:s29] =	ssyncadd.s32 $0xFFFFC000;
	s4 =	simm.s32 @!p0 $0x13F00;
	s10 =	rddreg [dreg:$0x15]  }
0x115: {  	[tilespmem:s4], [sflag:$0xD] =	stream.linear.gather @!p0 [spmem:s10], $0x800, $0x38;
	[tilespmem:$0x1FF00] =	vst v63  }
0x116: {  	s10 =	simm.s32 @!p0 $0xD  }
0x117: {  	_ =	swait.ge @!p0 [sflag:s10], $0x800  }
0x118: {  	[sflag:s10] =	ssyncset.done @!p0 $0x0  }
0x119: {  	s12 =	simm.s32 @!p0 $0x0;
	s13 =	rddreg [dreg:$0x13];
	[sflag:s10] =	ssyncadd.s32 @!p0 $0xFFFFF800  }
0x11a: {  	[hbm4b:s13+s12] =	stream.linear.scatter @!p0 [tilespmem:s4], [sflag:$0xD], $0x800, $0x38;
	[tilespmem:$0x1FF00] =	vst v63  }
0x11b: {  	_ =	swait.ge @!p0 [sflag:s10], $0x800  }
0x11c: {  	s13 =	rddreg [dreg:$0x16]  }
0x11d: {  	s16 =	rddreg [dreg:$0x14];
	s12 =	sadd.s32 $0x1, s13  }
0x11e: {  	p1 =	sne.s32 s12, s16  }
.Ltmp9:
0x11f: {  	_ = 	snop;
	(pc) =	sbr.rel @p1 .LBB2_1-.Ltmp9, $3  }
0x120: {  	_ =	sdelay $0x1  }
0x121: {  	[sflag:s10] =	ssyncset.done @!p0 $0x0  }
0x122: {  	[sflag:s10] =	ssyncadd.s32 @!p0 $0xFFFFF800  }
0x123: {  	_ =	sfence.sel $0x180000  }
0x124: {  	[bflag:$0x0] =	sbarrier.arrive $0xFFFF  }
0x125: {  	_ =	strace $0x9000004A  }
0x126: {  	s0 =	stileid.u32;
	[bflag:$0x2] =	sbarrier.arrive $0xFFFF  }
0x127: {  	p0 =	sne.s32 s0, $0x0;
	s0 =	rddreg [dreg:$0x3]  }
0x128: {  	s0 =	sadd.s32 @!p0 $0x100000, s0  }
0x129: {  	[sflag:s0] =	ssyncadd.tile.s32 @!p0 $0x1;
	_ =	shalt  }
.Lfunc_end2:
_tile_overlayer_lowered:
.L_overlay_start_2:
0x12a: {  	(tag) =	ssettag $0x2  }
0x12b: {  	s0 =	rddreg [dreg:$0x0];
	s2 =	stileid.u32  }
0x12c: {  	s1 =	rddreg [dreg:$0x1];
	p0 =	sne.s32 s2, $0x0  }
0x12d: {  	s3 =	rddreg [dreg:$0x2];
	[bflag:$0x3] =	sbarrier.arrive $0xFFFF;
	s2 =	simm.s32 @!p0 $0x1C0D  }
0x12e: {  	[timem:s3], [sflag:s2] =	dma.local @!p0 [hbm:s0], s1  }
0x12f: {  	s0 =	simm.s32 @!p0 $0xD  }
0x130: {  	_ =	swait.ge @!p0 [sflag:s0], s1  }
0x131: {  	s1 =	ssub.s32 @!p0 $0x0, s1;
	[sflag:s0] =	ssyncset.done @!p0 $0x0  }
0x132: {  	[sflag:s0] =	ssyncadd.s32 @!p0 s1  }
0x133: {  	[bflag:$0x3] =	sbarrier.arrive $0xFFFF  }
0x134: {  	_ =	shalt  }

// kernel: kernel.16.cloned.1.call-start
scs
__scs_entry_jumppad:
0x0: {  	(pc) =	sbr.rel $0x88, $3  }
0x1: {  	(tag) =	ssettag $0x0;
	lr =	simm.s32 $0x1  }
0x2: {  	[smem:$0x3F96] =	sst lr;
	_ =	strace $0xD0000000  }
0x3: {  	_ = 	snop  }
0x4: {  	_ = 	snop  }
0x5: {  	_ = 	snop  }
0x6: {  	_ = 	snop  }
0x7: {  	_ = 	snop  }
__scs_overlays_trampoline_lowered:
0x8: {  	[smem:$0x3FA5] =	sst s0  }
0x9: {  	[smem:$0x3FA6] =	sst s1  }
0xa: {  	[smem:$0x3FA7] =	sst s2  }
0xb: {  	[smem:$0x3FA8] =	sst s3  }
0xc: {  	[smem:$0x3FA9] =	sst s4  }
0xd: {  	[smem:$0x3FAA] =	sst s5  }
0xe: {  	[smem:$0x3FAB] =	sst s6  }
0xf: {  	[smem:$0x3FAC] =	sst s7  }
0x10: {  	[smem:$0x3FAD] =	sst s8  }
0x11: {  	[smem:$0x3FAE] =	sst s9;
	s0 =	simm.s32 @!p0 $0x0  }
0x12: {  	s1 =	sld [smem:$0x3F94];
	s0 =	simm.s32 @p0 $0x1  }
0x13: {  	[smem:$0x3FAF] =	sst s0;
	s0 =	simm.s32 @!p1 $0x0  }
0x14: {  	s2 =	sld [smem:$0x3F93];
	s0 =	simm.s32 @p1 $0x1  }
0x15: {  	[smem:$0x3FB0] =	sst s0;
	s0 =	simm.s32 @!p2 $0x0  }
0x16: {  	s3 =	sld [smem:$0x3FDB];
	s0 =	simm.s32 @p2 $0x1  }
0x17: {  	s4 =	simm.s32 $0x1BF5;
	[smem:$0x3FB2] =	sst s0  }
0x18: {  	s0 =	sld [smem:$0x3F95];
	_ =	swait.ge [sflag:s4], $0x0  }
0x19: {  	s7 =	sld [smem:$0x3F96]  }
0x1a: {  	s8 =	sadd.s32 $0xFFFFE003, lr  }
0x1b: {  	s9 =	sadd.s32 $0xFFFFFEF7, lr;
	s5 =	simm.s32 $0xFFFFFFFF;
	p2 =	slt.u32 s8, $0xFFFFF086  }
0x1c: {  	p1 =	slt.u32 s9, $0xF7A;
	s5 =	simm.s32 @!p2 $0x0  }
0x1d: {  	s5 =	simm.s32 @p1 $0x1;
	p0 =	seq.s32 s7, s2  }
0x1e: {  	s7 =	smul.u32 @!p0 $0xF7A, s2;
	p2 =	seq.s32 @!p0 s5, $0x0  }
0x1f: {  	s9 =	smul.u32 $0xF7A, s1;
	s8 =	simm.s32 @!p0 $0x1BF5;
	p2 =	por !p2, p0  }
0x20: {  	[sflag:s8] =	ssyncset.s32 @!p0 $0xFFFFF086;
	s6 =	sadd.s32 @!p0 s3, s7;
	s7 =	simm.s32 @!p0 $0x108  }
0x21: {  	s3 =	sadd.s32 s3, s9;
	s6 =	sadd.s32 @!p0 $0x88, s6;
	s7 =	simm.s32 @p2 $0x1082  }
0x22: {  	[simem:s7], [sflag:s8] =	dma.local @!p0 [hbm:s6], $0xF7A  }
0x23: {  	s9 =	sor.u32 $0xD0000000, s2;
	s6 =	simm.s32 $0x108;
	_ =	swait.ge @!p0 [sflag:s8], $0x0  }
0x24: {  	s3 =	sadd.s32 $0x88, s3;
	s6 =	simm.s32 @!p1 $0x1082;
	[sflag:s4] =	ssyncset.s32 $0xFFFFF086  }
0x25: {  	[simem:s6], [sflag:s4] =	dma.local [hbm:s3], $0xF7A  }
0x26: {  	[smem:$0x3F96] =	sst s1;
	(tag) =	ssettag s2;
	_ =	strace s9  }
0x27: {  	s1 =	sld [smem:$0x3FA6]  }
0x28: {  	s2 =	sld [smem:$0x3FA7]  }
0x29: {  	s4 =	sld [smem:$0x3FA9]  }
0x2a: {  	p0 =	seq.s32 s5, $0x0;
	s5 =	sld [smem:$0x3FAA]  }
0x2b: {  	s6 =	sld [smem:$0x3FAB]  }
0x2c: {  	s7 =	sld [smem:$0x3FAC]  }
0x2d: {  	s3 =	simm.s32 $0x108;
	s8 =	sld [smem:$0x3FAD]  }
0x2e: {  	s3 =	simm.s32 @!p0 $0x1082;
	s9 =	sld [smem:$0x3FAE]  }
0x2f: {  	lr =	sadd.s32 s0, s3;
	s0 =	sld [smem:$0x3FA5]  }
0x30: {  	s3 =	sld [smem:$0x3FA8]  }
0x31: {  	[smem:$0x3FB1] =	sst s10  }
0x32: {  	s10 =	sld [smem:$0x3FAF];
	_ =	sdelay $0x3  }
0x33: {  	p0 =	seq.s32 s10, $0x1;
	s10 =	sld [smem:$0x3FB1];
	_ =	sdelay $0x3  }
0x34: {  	[smem:$0x3FB1] =	sst s10  }
0x35: {  	s10 =	sld [smem:$0x3FB0];
	_ =	sdelay $0x3  }
0x36: {  	p1 =	seq.s32 s10, $0x1;
	s10 =	sld [smem:$0x3FB1];
	_ =	sdelay $0x3  }
0x37: {  	[smem:$0x3FB1] =	sst s10  }
0x38: {  	s10 =	sld [smem:$0x3FB2]  }
0x39: {  	_ = 	snop;
	(pc) =	sbr.ind lr, $3  }
0x3a: {  	_ = 	snop  }
0x3b: {  	_ = 	snop  }
0x3c: {  	p2 =	seq.s32 s10, $0x1;
	s10 =	sld [smem:$0x3FB1]  }
0x3d: {  	_ =	shalt  }
0x3e: {  	_ =	shalt  }
0x3f: {  	_ =	shalt  }
0x40: {  	_ =	shalt  }
0x41: {  	_ =	shalt  }
0x42: {  	_ =	shalt  }
0x43: {  	_ =	shalt  }
0x44: {  	_ =	shalt  }
0x45: {  	_ =	shalt  }
0x46: {  	_ =	shalt  }
0x47: {  	_ =	shalt  }
0x48: {  	_ =	shalt  }
0x49: {  	_ =	shalt  }
0x4a: {  	_ =	shalt  }
0x4b: {  	_ =	shalt  }
0x4c: {  	_ =	shalt  }
0x4d: {  	_ =	shalt  }
0x4e: {  	_ =	shalt  }
0x4f: {  	_ =	shalt  }
0x50: {  	_ =	shalt  }
0x51: {  	_ =	shalt  }
0x52: {  	_ =	shalt  }
0x53: {  	_ =	shalt  }
0x54: {  	_ =	shalt  }
0x55: {  	_ =	shalt  }
0x56: {  	_ =	shalt  }
0x57: {  	_ =	shalt  }
0x58: {  	_ =	shalt  }
0x59: {  	_ =	shalt  }
0x5a: {  	_ =	shalt  }
0x5b: {  	_ =	shalt  }
0x5c: {  	_ =	shalt  }
0x5d: {  	_ =	shalt  }
0x5e: {  	_ =	shalt  }
0x5f: {  	_ =	shalt  }
0x60: {  	_ =	shalt  }
0x61: {  	_ =	shalt  }
0x62: {  	_ =	shalt  }
0x63: {  	_ =	shalt  }
0x64: {  	_ =	shalt  }
0x65: {  	_ =	shalt  }
0x66: {  	_ =	shalt  }
0x67: {  	_ =	shalt  }
0x68: {  	_ =	shalt  }
0x69: {  	_ =	shalt  }
0x6a: {  	_ =	shalt  }
0x6b: {  	_ =	shalt  }
0x6c: {  	_ =	shalt  }
0x6d: {  	_ =	shalt  }
0x6e: {  	_ =	shalt  }
0x6f: {  	_ =	shalt  }
0x70: {  	_ =	shalt  }
0x71: {  	_ =	shalt  }
0x72: {  	_ =	shalt  }
0x73: {  	_ =	shalt  }
0x74: {  	_ =	shalt  }
0x75: {  	_ =	shalt  }
0x76: {  	_ =	shalt  }
0x77: {  	_ =	shalt  }
0x78: {  	_ =	shalt  }
0x79: {  	_ =	shalt  }
0x7a: {  	_ =	shalt  }
0x7b: {  	_ =	shalt  }
0x7c: {  	_ =	shalt  }
0x7d: {  	_ =	shalt  }
0x7e: {  	_ =	shalt  }
0x7f: {  	_ =	shalt  }
0x80: {  	_ =	shalt  }
0x81: {  	_ =	shalt  }
0x82: {  	_ =	shalt  }
0x83: {  	_ =	shalt  }
0x84: {  	_ =	shalt  }
0x85: {  	_ =	shalt  }
0x86: {  	_ =	shalt  }
0x87: {  	_ =	shalt  }
.Lfunc_end0:
.L_simem_size_0:
called_computation.2_lowered:
.L_overlay_start_0:
0x88: {  	s2 =	sld [smem:$0x3FD9]  }
0x89: {  	s3 =	sld [smem:$0x3FFE];
	_ =	sdelay $0x1  }
0x8a: {  	s1 =	srdreg.scid  }
0x8b: {  	s0 =	sand.u32 $0x1, s1  }
0x8c: {  	s17 =	sshll.u32 s0, $0xA;
	s2 =	sadd.s32 s3, s2  }
0x8d: {  	s2 =	sadd.s32 s2, s17  }
0x8e: {  	[smem:$0x3FBD] =	sst s2  }
0x8f: {  	_ = 	snop  }
0x90: {  	s2 =	sld [smem:$0x3FD0];
	(tm) =	ssettm $0x1  }
0x91: {  	s18 =	sld [smem:$0x3FFB];
	_ =	sdelay $0x3  }
0x92: {  	_ =	strace s18  }
0x93: {  	s3 =	sld [smem:$0x3FFC];
	_ =	sdelay $0x3  }
0x94: {  	_ =	strace s3  }
0x95: {  	s3 =	sld [smem:$0x3FFD];
	_ =	sdelay $0x3  }
0x96: {  	_ =	strace s3  }
0x97: {  	_ =	strace $0x8FFFFFFF  }
0x98: {  	s19 =	sld [smem:$0x3FDB];
	_ =	sdelay $0x1  }
0x99: {  	s4 =	simm.s32 $_scs_section_size  }
0x9a: {  	s5 =	simm.s32 $_size__tile_overlayer_lowered;
	s6 =	simm.s32 $_tile_overlayer_lowered  }
0x9b: {  	s22 =	simm.s32 $0x1BFF;
	s21 =	sshll.u32 s6, $0x1;
	s3 =	sadd.s32 s4, s19  }
0x9c: {  	s7 =	simm.s32 $0x0;
	s20 =	sshll.u32 s5, $0x1;
	s5 =	sadd.s32 s21, s3  }
0x9d: {  	[timem:s7], [sflag:s22] =	dma.local [hbm:s5], s20  }
0x9e: {  	_ =	swait.ge [sflag:s22], s20  }
0x9f: {  	s4 =	ssub.s32 $0x0, s20;
	[sflag:s22] =	ssyncset.done $0x0  }
0xa0: {  	[sflag:s22] =	ssyncadd.s32 s4;
	_ =	sdelay $0x1  }
0xa1: {  	s23 =	simm.s32 $0x1B8B  }
0xa2: {  	_ =	swait.ge [sflag:s23], $0x1  }
0xa3: {  	[sflag:s23] =	ssyncset.done $0x0  }
0xa4: {  	s25 =	simm.s32 $0x1B8E;
	s24 =	sld [smem:$0x3FFE];
	[sflag:s23] =	ssyncadd.s32 $0xFFFFFFFF  }
0xa5: {  	s26 =	simm.s32 $execute0_lowered;
	[smem:$0x3FD2] =	sst s25  }
0xa6: {  	s5 =	sshll.u32 s26, $0x1;
	_ =	strace $0x8000004C;
	[dreg:$0x1] =	wrdreg $0xFFFFFFFF  }
0xa7: {  	s28 =	simm.s32 $_size_execute0_lowered;
	s3 =	sadd.s32 s3, s5;
	[dreg:$0x0] =	wrdreg $0x0  }
0xa8: {  	s5 =	sshll.u32 s28, $0x1;
	[dreg:$0x2] =	wrdreg s3  }
0xa9: {  	[dreg:$0x3] =	wrdreg s5  }
0xaa: {  	[dreg:$0x4] =	wrdreg $0xC0  }
0xab: {  	_ =	task [dreg:s7], $0x5FFFF  }
0xac: {  	[dreg:$0x1] =	wrdreg $0xFFFFFFFF  }
0xad: {  	[dreg:$0x0] =	wrdreg $0x60  }
0xae: {  	[dreg:$0x2] =	wrdreg s2  }
0xaf: {  	[dreg:$0x3] =	wrdreg s24  }
0xb0: {  	[dreg:$0x4] =	wrdreg $0x0  }
0xb1: {  	[dreg:$0x5] =	wrdreg $0x9  }
0xb2: {  	_ =	task.clear_ibuf [dreg:s7], $0x6FFFF;
	_ =	strace $0x9000004C  }
0xb3: {  	s29 =	simm.s32 $0x9;
	_ =	strace $0x8000004E  }
0xb4: {  	_ =	swait.ge [sflag:s29], $0x1  }
0xb5: {  	[sflag:s29] =	ssyncadd.s32 $0xFFFFFFFF  }
0xb6: {  	_ =	strace $0x9000004E  }
0xb7: {  	_ =	sfence  }
0xb8: {  	s30 =	sld [smem:$0x0];
	_ =	sdelay $0x2  }
0xb9: {  	s31 =	sshll.u32 s1, $0xD;
	s1 =	sshrl.u32 s1, $0x2  }
0xba: {  	s3 =	sand.u32 $0x4000, s31;
	s1 =	sadd.s32 s1, s30  }
0xbb: {  	s0 =	sor.u32 s3, s0;
	s1 =	sshll.u32 s1, $0x11  }
0xbc: {  	s0 =	sor.u32 s1, s0  }
0xbd: {  	s0 =	sadd.s32 $0x8F2B, s0  }
0xbe: {  	[sflag:s0] =	ssyncadd.remote.s32 $0x1  }
0xbf: {  	_ =	sfence.sel $0xFFFF  }
0xc0: {  	[dreg:$0x0] =	wrdreg $0xFFFFFFFF;
	(pc) =	sbr.abs _section_cstart, $3  }
0xc1: {  	[dreg:$0x1] =	wrdreg $0xFFFFFFFF  }
0xc2: {  	_ =	task.clear_ibuf [dreg:s7], $0x2FFFF;
	_ =	strace $0x9FFFFFFF  }
0xc3: {  	(tm) =	ssettm $0x7FFFFFFF  }
tec
execute0_lowered:
.L_overlay_start_1:
0x0: {  	(tag) =	ssettag $0x1  }
0x1: {  	s1 =	rddreg [dreg:$0x0]  }
0x2: {  	s0 =	rddreg [dreg:$0x1]  }
0x3: {  	s2 =	rddreg [dreg:$0x2]  }
0x4: {  	s3 =	simm.s32 $0x0;
	s4 =	srdreg.scid;
	s13 =	stileid.u32  }
0x5: {  	s14 =	simm.s32 $0x3;
	s28 =	simm.s32 $0x13F00;
	s29 =	simm.s32 $0xD  }
0x6: {  	s30 =	simm.s32 $0x13900;
	s31 =	simm.s32 $0x13C00;
	[smem:$0x7FF] =	sst s3  }
0x7: {  	s5 =	sadd.s32 $0xF600, s0;
	s6 =	sadd.s32 $0x4200, s0;
	s4 =	sand.u32 $0x1, s4  }
0x8: {  	s0 =	sadd.s32 $0x40800, s0;
	s8 =	sshll.u32 s13, $0x1;
	s7 =	ssub.s32 $0x2, s4  }
0x9: {  	s10 =	smul.u32 $0x50000, s13;
	s8 =	sor.u32 s4, s8;
	s9 =	sshrl.u32 s7, $0x1  }
0xa: {  	p0 =	seq.s32 s13, $0xF;
	s9 =	ssub.s32 s7, s9;
	s7 =	smul.u32 $0x2800, s8  }
0xb: {  	_ =	strace $0x8000004D;
	s14 =	simm.s32 @!p0 $0x5;
	s22 =	sshrl.u32 s10, $0x2  }
0xc: {  	[dreg:$0x4] =	wrdreg s14;
	s15 =	sadd.s32 s22, s2;
	s23 =	sshrl.u32 s7, $0x3  }
0xd: {  	s4 =	smul.u32 $0x138800, s4;
	[dreg:$0x5] =	wrdreg s15;
	s24 =	sadd.s32 s5, s23  }
0xe: {  	s25 =	sadd.s32 s6, s23;
	s26 =	sor.u32 $0x10, s23;
	[dreg:$0x6] =	wrdreg s24  }
0xf: {  	p0 =	sne.s32 s13, $0xF;
	[dreg:$0x7] =	wrdreg s25;
	s11 =	sadd.s32 s5, s26  }
0x10: {  	s12 =	sor.u32 $0x20, s23;
	s10 =	sadd.s32 s6, s26;
	[dreg:$0x8] =	wrdreg s11  }
0x11: {  	s18 =	sor.u32 $0x40, s23;
	s16 =	sadd.s32 s5, s12;
	[dreg:$0x9] =	wrdreg s10  }
0x12: {  	s17 =	sor.u32 $0x30, s23;
	s19 =	sadd.s32 s5, s18;
	[dreg:$0xa] =	wrdreg s16  }
0x13: {  	s8 =	sor.u32 $0x50, s23;
	s20 =	sadd.s32 s6, s18;
	[dreg:$0xe] =	wrdreg s19  }
0x14: {  	s22 =	sadd.s32 s5, s8;
	s23 =	sadd.s32 s6, s8;
	[dreg:$0xf] =	wrdreg s20  }
0x15: {  	s25 =	smax.u32 s9, $0x1;
	s26 =	sadd.s32 $0x138000, s2;
	[dreg:$0x11] =	wrdreg s22  }
0x16: {  	s18 =	simm.s32 $0x1;
	s8 =	simm.s32 $0x5;
	[dreg:$0x12] =	wrdreg s23  }
0x17: {  	s9 =	simm.s32 $0xC;
	s10 =	sadd.s32 s6, s12;
	[dreg:$0x14] =	wrdreg s25  }
0x18: {  	s12 =	smul.u32 $0x14000, s13;
	s16 =	sadd.s32 s5, s17;
	[dreg:$0x15] =	wrdreg s26  }
0x19: {  	s19 =	simm.s32 $0x80;
	s22 =	simm.s32 $0x17F00;
	s23 =	simm.s32 $0x1BF00  }
0x1a: {  	s25 =	simm.s32 $0x8;
	s11 =	simm.s32 $0x4;
	[dreg:$0xb] =	wrdreg s10  }
0x1b: {  	s26 =	simm.s32 $0xB;
	s20 =	simm.s32 $0x6;
	[dreg:$0xc] =	wrdreg s16  }
0x1c: {  	s10 =	sadd.s32 s6, s17;
	s17 =	simm.s32 $0x13B80;
	s21 =	sadd.s32 s12, s4  }
0x1d: {  	[dreg:$0xd] =	wrdreg s10;
	s4 =	sshrl.u32 s4, $0x3;
	s10 =	sshrl.u32 s21, $0x3  }
0x1e: {  	s12 =	simm.s32 $0x0;
	s4 =	sadd.s32 s0, s4;
	s0 =	sadd.s32 s10, s0  }
0x1f: {  	s21 =	simm.s32 $0x9;
	s24 =	sadd.s32 $0x27000, s4;
	[dreg:$0x10] =	wrdreg s0  }
0x20: {  	v0 =	vimm.f32 $0.0e+00;
	[dreg:$0x13] =	wrdreg s24;
	s24 =	simm.s32 $0x7;
	s0 =	simm.s32 $0xA  }
.LBB2_1:
0x21: {  	s4 =	simm.s32 $0x0;
	s10 =	simm.s32 $0x200  }
.LBB2_2:
0x22: {  	p1 =	sne.s32 s10, $0xFE00;
	[tilespmem:s4+$0x13F70] =	vst v0  }
0x23: {  	[tilespmem:s4+$0x13F00] =	vst v0  }
0x24: {  	[tilespmem:s4+$0x13F10] =	vst v0  }
.Ltmp0:
0x25: {  	[tilespmem:s4+$0x13F20] =	vst v0;
	(pc) =	sbr.rel @p1 .LBB2_2-.Ltmp0, $4  }
0x26: {  	[tilespmem:s4+$0x13F30] =	vst v0  }
0x27: {  	[tilespmem:s4+$0x13F40] =	vst v0  }
0x28: {  	[tilespmem:s4+$0x13F50] =	vst v0  }
0x29: {  	[tilespmem:s4+$0x13F60] =	vst v0;
	s4 =	sshra.s32 s10, $0x2;
	s10 =	sadd.s32 $0x200, s10  }
0x2a: {  	[tilespmem:s4+$0x13F70] =	vst v0  }
0x2b: {  	[tilespmem:s4+$0x13F00] =	vst v0  }
0x2c: {  	[tilespmem:s4+$0x13F10] =	vst v0  }
0x2d: {  	[tilespmem:s4+$0x13F20] =	vst v0  }
0x2e: {  	[tilespmem:s4+$0x13F30] =	vst v0  }
0x2f: {  	[tilespmem:s4+$0x13F40] =	vst v0;
	p1 =	sne.s32 s14, $0x1  }
.Ltmp1:
0x30: {  	[tilespmem:s4+$0x13F50] =	vst v0;
	(pc) =	sbr.rel @!p1 .LBB2_5-.Ltmp1, $4  }
0x31: {  	[dreg:$0x16] =	wrdreg s12;
	[tilespmem:s4+$0x13F60] =	vst v0  }
0x32: {  	[spmem:s15] =	stream.linear.scatter [tilespmem:s28], [sflag:$0xD], $0x4000, $0x38;
	[tilespmem:$0x1FF00] =	vst v63  }
0x33: {  	_ =	swait.ge [sflag:s29], $0x4000  }
0x34: {  	s4 =	sadd.s32 $0xFFFFFFFF, s14;
	s10 =	smov.u32 s15;
	[sflag:s29] =	ssyncset.done $0x0  }
.LBB2_4:
0x35: {  	p2 =	sne.s32 s4, $0x1;
	[sflag:s29] =	ssyncadd.s32 $0xFFFFC000;
	s10 =	sadd.s32 $0x4000, s10  }
.Ltmp2:
0x36: {  	s4 =	sadd.s32 $0xFFFFFFFF, s4;
	(pc) =	sbr.rel @p2 .LBB2_4-.Ltmp2, $4  }
0x37: {  	_ = 	snop  }
0x38: {  	[spmem:s10] =	stream.linear.scatter [tilespmem:s28], [sflag:$0xD], $0x4000, $0x38;
	[tilespmem:$0x1FF00] =	vst v63  }
0x39: {  	_ =	swait.ge [sflag:s29], $0x4000  }
0x3a: {  	[sflag:s29] =	ssyncset.done $0x0  }
.LBB2_5:
0x3b: {  	[sflag:s29] =	ssyncadd.s32 $0xFFFFC000;
	s4 =	simm.s32 @!p0 $0x13F00;
	s10 =	rddreg [dreg:$0x15]  }
0x3c: {  	[spmem:s10] =	stream.linear.scatter @!p0 [tilespmem:s4], [sflag:$0xD], $0x800, $0x38;
	[tilespmem:$0x1FF00] =	vst v63  }
0x3d: {  	s4 =	simm.s32 @!p0 $0xD  }
0x3e: {  	_ =	swait.ge @!p0 [sflag:s4], $0x800  }
0x3f: {  	[sflag:s4] =	ssyncset.done @!p0 $0x0  }
0x40: {  	[sflag:s4] =	ssyncadd.s32 @!p0 $0xFFFFF800  }
0x41: {  	[bflag:$0x0] =	sbarrier.arrive $0xFFFF  }
0x42: {  	s10 =	simm.s32 $0x0;
	s16 =	rddreg [dreg:$0x6]  }
0x43: {  	[tilespmem:s30], [sflag:$0x1] =	stream.linear.gather [hbm4b:s16+s10], $0x80, $0x38;
	[tilespmem:$0x1FF00] =	vst v63  }
0x44: {  	s12 =	rddreg [dreg:$0x7]  }
0x45: {  	[tilespmem:s31], [sflag:$0x1] =	stream.linear.gather [hbm4b:s12+s10], $0x80, $0x38;
	[tilespmem:$0x1FF00] =	vst v63  }
0x46: {  	s13 =	rddreg [dreg:$0x8];
	s12 =	simm.s32 $0x13980  }
0x47: {  	[tilespmem:s12], [sflag:$0x2] =	stream.linear.gather [hbm4b:s13+s10], $0x80, $0x38;
	[tilespmem:$0x1FF00] =	vst v63  }
0x48: {  	s14 =	rddreg [dreg:$0x9];
	s13 =	simm.s32 $0x13C80  }
0x49: {  	[tilespmem:s13], [sflag:$0x2] =	stream.linear.gather [hbm4b:s14+s10], $0x80, $0x38;
	[tilespmem:$0x1FF00] =	vst v63  }
0x4a: {  	s15 =	rddreg [dreg:$0xa];
	s13 =	simm.s32 $0x13A00  }
0x4b: {  	[tilespmem:s13], [sflag:$0x3] =	stream.linear.gather [hbm4b:s15+s10], $0x80, $0x38;
	[tilespmem:$0x1FF00] =	vst v63  }
0x4c: {  	s16 =	rddreg [dreg:$0xb];
	s14 =	simm.s32 $0x13D00  }
0x4d: {  	[tilespmem:s14], [sflag:$0x3] =	stream.linear.gather [hbm4b:s16+s10], $0x80, $0x38;
	[tilespmem:$0x1FF00] =	vst v63  }
0x4e: {  	s15 =	rddreg [dreg:$0xc];
	s16 =	simm.s32 $0x13A80  }
0x4f: {  	[tilespmem:s16], [sflag:$0x4] =	stream.linear.gather [hbm4b:s15+s10], $0x80, $0x38;
	[tilespmem:$0x1FF00] =	vst v63  }
0x50: {  	s15 =	rddreg [dreg:$0xd];
	s16 =	simm.s32 $0x13D80  }
0x51: {  	[tilespmem:s16], [sflag:$0x4] =	stream.linear.gather [hbm4b:s15+s10], $0x80, $0x38;
	[tilespmem:$0x1FF00] =	vst v63  }
0x52: {  	s15 =	rddreg [dreg:$0xe];
	s16 =	simm.s32 $0x13B00  }
0x53: {  	[tilespmem:s16], [sflag:$0x5] =	stream.linear.gather [hbm4b:s15+s10], $0x80, $0x38;
	[tilespmem:$0x1FF00] =	vst v63  }
0x54: {  	s15 =	rddreg [dreg:$0xf];
	s16 =	simm.s32 $0x13E00  }
0x55: {  	[tilespmem:s16], [sflag:$0x5] =	stream.linear.gather [hbm4b:s15+s10], $0x80, $0x38;
	[tilespmem:$0x1FF00] =	vst v63  }
0x56: {  	s14 =	rddreg [dreg:$0x11]  }
0x57: {  	[tilespmem:s17], [sflag:$0x6] =	stream.linear.gather [hbm4b:s14+s10], $0x80, $0x38;
	[tilespmem:$0x1FF00] =	vst v63  }
0x58: {  	s15 =	rddreg [dreg:$0x12];
	s16 =	simm.s32 $0x13E80  }
0x59: {  	[tilespmem:s16], [sflag:$0x6] =	stream.linear.gather [hbm4b:s15+s10], $0x80, $0x38;
	[tilespmem:$0x1FF00] =	vst v63  }
0x5a: {  	_ =	swait.ge [sflag:s18], $0x80  }
0x5b: {  	[sflag:s18] =	ssyncset.done $0x0  }
0x5c: {  	[sflag:s18] =	ssyncadd.s32 $0xFFFFFF80  }
0x5d: {  	_ =	swait.ge [sflag:s18], $0x80  }
0x5e: {  	[sflag:s18] =	ssyncset.done $0x0  }
0x5f: {  	s15 =	simm.s32 $0x2;
	[sflag:s18] =	ssyncadd.s32 $0xFFFFFF80  }
0x60: {  	[tilespmem:s28], [sflag:$0x7] =	stream.indirect.gather [hbm4b:s1+s19], $0x80, s30, s19, $0xb8;
	[tilespmem:$0x1FF00] =	vst v63  }
0x61: {  	_ =	swait.ge [sflag:s15], $0x80  }
0x62: {  	[sflag:s15] =	ssyncset.done $0x0  }
0x63: {  	[sflag:s15] =	ssyncadd.s32 $0xFFFFFF80  }
0x64: {  	_ =	swait.ge [sflag:s15], $0x80  }
0x65: {  	[sflag:s15] =	ssyncset.done $0x0  }
0x66: {  	s16 =	simm.s32 $0x3;
	[sflag:s15] =	ssyncadd.s32 $0xFFFFFF80  }
0x67: {  	[tilespmem:s22], [sflag:$0x8] =	stream.indirect.gather [hbm4b:s1+s19], $0x80, s12, s19, $0xb8;
	[tilespmem:$0x1FF00] =	vst v63  }
0x68: {  	_ =	swait.ge [sflag:s16], $0x80  }
0x69: {  	[sflag:s16] =	ssyncset.done $0x0  }
.Ltmp3:
0x6a: {  	[sflag:s16] =	ssyncadd.s32 $0xFFFFFF80;
	(pc) =	sbr.rel .LBB2_6-.Ltmp3, $4  }
0x6b: {  	_ =	swait.ge [sflag:s16], $0x80  }
0x6c: {  	[sflag:s16] =	ssyncset.done $0x0  }
0x6d: {  	s4 =	simm.s32 $0x500;
	[sflag:s16] =	ssyncadd.s32 $0xFFFFFF80  }
0x6e: {  	[tilespmem:s23], [sflag:$0x9] =	stream.indirect.gather [hbm4b:s1+s19], $0x80, s13, s19, $0xb8;
	[tilespmem:$0x1FF00] =	vst v63  }
.LBB2_8:
0x6f: {  	s4 =	sadd.s32 $0x300, s4  }
0x70: {  	p2 =	sne.s32 s4, $0x2F00  }
.Ltmp4:
0x71: {  	_ = 	snop;
	(pc) =	sbr.rel @!p2 .LBB2_9-.Ltmp4, $2  }
0x72: {  	_ =	sdelay $0x2  }
0x73: {  	s10 =	sadd.s32 $0x1, s10  }
.LBB2_6:
0x74: {  	_ =	swait.ge [sflag:s24], $0x4000;
	p2 =	seq.s32 s10, $0x0  }
0x75: {  	[sflag:s24] =	ssyncset.done $0x0;
	p3 =	seq.s32 @!p2 s10, $0xD  }
0x76: {  	[sflag:s24] =	ssyncadd.s32 $0xFFFFC000;
	p2 =	por p3, p2  }
0x77: {  	[spmem:s2] =	stream.indirect.scatter.add.f32 [tilespmem:s28], [sflag:$0xA], $0x80, s31, s19, $0xb8;
	[tilespmem:$0x1FF00] =	vst v63  }
0x78: {  	s12 =	simm.s32 @!p2 $0xC  }
0x79: {  	_ =	swait.ge @!p2 [sflag:s12], $0x4000  }
0x7a: {  	[sflag:s12] =	ssyncset.done @!p2 $0x0  }
0x7b: {  	[sflag:s12] =	ssyncadd.s32 @!p2 $0xFFFFC000;
	s12 =	simm.s32 @!p2 $0x3  }
0x7c: {  	_ =	swait.ge @!p2 [sflag:s12], $0x80  }
0x7d: {  	[sflag:s12] =	ssyncset.done @!p2 $0x0  }
0x7e: {  	[sflag:s12] =	ssyncadd.s32 @!p2 $0xFFFFFF80  }
0x7f: {  	_ =	swait.ge @!p2 [sflag:s12], $0x80  }
0x80: {  	s13 =	simm.s32 @!p2 $0x13A00;
	[sflag:s12] =	ssyncset.done @!p2 $0x0  }
0x81: {  	s14 =	simm.s32 @!p2 $0x1BF00;
	[sflag:s12] =	ssyncadd.s32 @!p2 $0xFFFFFF80;
	s12 =	simm.s32 @!p2 $0x80  }
0x82: {  	[tilespmem:s14], [sflag:$0x9] =	stream.indirect.gather @!p2 [hbm4b:s1+s12], $0x80, s13, s12, $0xb8;
	[tilespmem:$0x1FF00] =	vst v63  }
0x83: {  	s12 =	sadd.s32 @!p2 $0xFFFFFD80, s4  }
0x84: {  	s13 =	sand.u32 @!p2 $0x7C00, s12  }
0x85: {  	s12 =	sand.u32 @!p2 $0x380, s12;
	s13 =	sadd.s32 @!p2 s7, s13  }
0x86: {  	s12 =	sor.u32 @!p2 s12, s13  }
0x87: {  	s12 =	sshrl.u32 @!p2 s12, $0x3  }
0x88: {  	s15 =	simm.s32 @!p2 $0x13B80;
	s14 =	simm.s32 @!p2 $0x0;
	s13 =	sadd.s32 @!p2 s5, s12  }
0x89: {  	[tilespmem:s15], [sflag:$0x6] =	stream.linear.gather @!p2 [hbm4b:s13+s14], $0x80, $0x38;
	[tilespmem:$0x1FF00] =	vst v63  }
0x8a: {  	s12 =	sadd.s32 @!p2 s6, s12;
	s13 =	simm.s32 @!p2 $0x13E80  }
0x8b: {  	[tilespmem:s13], [sflag:$0x6] =	stream.linear.gather @!p2 [hbm4b:s12+s14], $0x80, $0x38;
	[tilespmem:$0x1FF00] =	vst v63  }
0x8c: {  	p2 =	sgt.u32 s10, $0xC  }
.Ltmp5:
0x8d: {  	_ = 	snop;
	(pc) =	sbr.rel @p2 .LBB2_8-.Ltmp5, $1  }
0x8e: {  	_ =	sdelay $0x3  }
0x8f: {  	_ =	swait.ge [sflag:s25], $0x4000  }
0x90: {  	[sflag:s25] =	ssyncset.done $0x0  }
0x91: {  	s12 =	simm.s32 $0x13C80;
	[sflag:s25] =	ssyncadd.s32 $0xFFFFC000  }
0x92: {  	[spmem:s2] =	stream.indirect.scatter.add.f32 [tilespmem:s22], [sflag:$0xB], $0x80, s12, s19, $0xb8;
	[tilespmem:$0x1FF00] =	vst v63  }
0x93: {  	_ =	swait.ge [sflag:s0], $0x4000  }
0x94: {  	[sflag:s0] =	ssyncset.done $0x0  }
0x95: {  	[sflag:s0] =	ssyncadd.s32 $0xFFFFC000  }
0x96: {  	_ =	swait.ge [sflag:s11], $0x80  }
0x97: {  	s15 =	sadd.s32 $0xFFFFFE00, s4;
	[sflag:s11] =	ssyncset.done $0x0  }
0x98: {  	s13 =	sand.u32 $0x7C00, s15;
	[sflag:s11] =	ssyncadd.s32 $0xFFFFFF80  }
0x99: {  	s13 =	sadd.s32 s7, s13;
	s12 =	sand.u32 $0x300, s15;
	_ =	swait.ge [sflag:s11], $0x80  }
0x9a: {  	s12 =	sor.u32 s12, s13;
	[sflag:s11] =	ssyncset.done $0x0  }
0x9b: {  	s14 =	simm.s32 $0x13A80;
	s12 =	sshrl.u32 s12, $0x3;
	[sflag:s11] =	ssyncadd.s32 $0xFFFFFF80  }
0x9c: {  	[tilespmem:s28], [sflag:$0x7] =	stream.indirect.gather [hbm4b:s1+s19], $0x80, s14, s19, $0xb8;
	[tilespmem:$0x1FF00] =	vst v63  }
0x9d: {  	s16 =	sadd.s32 s5, s12  }
0x9e: {  	[tilespmem:s30], [sflag:$0x1] =	stream.linear.gather [hbm4b:s16+s3], $0x80, $0x38;
	[tilespmem:$0x1FF00] =	vst v63  }
0x9f: {  	s12 =	sadd.s32 s6, s12  }
0xa0: {  	[tilespmem:s31], [sflag:$0x1] =	stream.linear.gather [hbm4b:s12+s3], $0x80, $0x38;
	[tilespmem:$0x1FF00] =	vst v63  }
0xa1: {  	_ =	swait.ge [sflag:s21], $0x4000  }
0xa2: {  	[sflag:s21] =	ssyncset.done $0x0  }
0xa3: {  	s13 =	simm.s32 $0x13D00;
	[sflag:s21] =	ssyncadd.s32 $0xFFFFC000  }
0xa4: {  	[spmem:s2] =	stream.indirect.scatter.add.f32 [tilespmem:s23], [sflag:$0xC], $0x80, s13, s19, $0xb8;
	[tilespmem:$0x1FF00] =	vst v63  }
0xa5: {  	_ =	swait.ge [sflag:s26], $0x4000  }
0xa6: {  	[sflag:s26] =	ssyncset.done $0x0  }
0xa7: {  	[sflag:s26] =	ssyncadd.s32 $0xFFFFC000  }
0xa8: {  	_ =	swait.ge [sflag:s8], $0x80  }
0xa9: {  	p2 =	seq.s32 s4, $0x2900;
	[sflag:s8] =	ssyncset.done $0x0  }
0xaa: {  	s12 =	sadd.s32 @!p2 $0xFFFFFE80, s4;
	[sflag:s8] =	ssyncadd.s32 $0xFFFFFF80  }
0xab: {  	s13 =	sand.u32 @!p2 $0x7C00, s12;
	_ =	swait.ge [sflag:s8], $0x80  }
0xac: {  	s12 =	sand.u32 @!p2 $0x380, s12;
	s13 =	sadd.s32 @!p2 s7, s13;
	[sflag:s8] =	ssyncset.done $0x0  }
0xad: {  	s14 =	simm.s32 $0x13B00;
	s12 =	sor.u32 @!p2 s12, s13;
	[sflag:s8] =	ssyncadd.s32 $0xFFFFFF80  }
0xae: {  	[tilespmem:s22], [sflag:$0x8] =	stream.indirect.gather [hbm4b:s1+s19], $0x80, s14, s19, $0xb8;
	[tilespmem:$0x1FF00] =	vst v63  }
0xaf: {  	s14 =	sshrl.u32 @!p2 s12, $0x3  }
0xb0: {  	s13 =	simm.s32 @!p2 $0x13980;
	s12 =	simm.s32 @!p2 $0x0;
	s15 =	sadd.s32 @!p2 s5, s14  }
0xb1: {  	[tilespmem:s13], [sflag:$0x2] =	stream.linear.gather @!p2 [hbm4b:s15+s12], $0x80, $0x38;
	[tilespmem:$0x1FF00] =	vst v63  }
0xb2: {  	s14 =	sadd.s32 @!p2 s6, s14;
	s15 =	simm.s32 @!p2 $0x13C80  }
0xb3: {  	[tilespmem:s15], [sflag:$0x2] =	stream.linear.gather @!p2 [hbm4b:s14+s12], $0x80, $0x38;
	[tilespmem:$0x1FF00] =	vst v63  }
0xb4: {  	_ =	swait.ge [sflag:s24], $0x4000  }
0xb5: {  	[sflag:s24] =	ssyncset.done $0x0  }
0xb6: {  	s15 =	simm.s32 $0x13D80;
	[sflag:s24] =	ssyncadd.s32 $0xFFFFC000  }
0xb7: {  	[spmem:s2] =	stream.indirect.scatter.add.f32 [tilespmem:s28], [sflag:$0xA], $0x80, s15, s19, $0xb8;
	[tilespmem:$0x1FF00] =	vst v63  }
0xb8: {  	_ =	swait.ge [sflag:s9], $0x4000  }
0xb9: {  	[sflag:s9] =	ssyncset.done $0x0  }
0xba: {  	[sflag:s9] =	ssyncadd.s32 $0xFFFFC000  }
0xbb: {  	_ =	swait.ge [sflag:s20], $0x80  }
0xbc: {  	s14 =	sadd.s32 @!p2 $0xFFFFFF00, s4;
	[sflag:s20] =	ssyncset.done $0x0  }
0xbd: {  	s14 =	sand.u32 @!p2 $0x7C00, s14;
	s15 =	sadd.s32 $0xFFFFFB00, s4;
	[sflag:s20] =	ssyncadd.s32 $0xFFFFFF80  }
0xbe: {  	s14 =	sadd.s32 @!p2 s7, s14;
	s15 =	sand.u32 @!p2 $0x300, s15;
	_ =	swait.ge [sflag:s20], $0x80  }
0xbf: {  	s14 =	sor.u32 @!p2 s15, s14;
	[sflag:s20] =	ssyncset.done $0x0  }
0xc0: {  	s14 =	sshrl.u32 @!p2 s14, $0x3;
	[sflag:s20] =	ssyncadd.s32 $0xFFFFFF80  }
0xc1: {  	[tilespmem:s23], [sflag:$0x9] =	stream.indirect.gather [hbm4b:s1+s19], $0x80, s17, s19, $0xb8;
	[tilespmem:$0x1FF00] =	vst v63  }
0xc2: {  	s16 =	simm.s32 @!p2 $0x13A00;
	s15 =	sadd.s32 @!p2 s5, s14  }
0xc3: {  	[tilespmem:s16], [sflag:$0x3] =	stream.linear.gather @!p2 [hbm4b:s15+s12], $0x80, $0x38;
	[tilespmem:$0x1FF00] =	vst v63  }
0xc4: {  	s14 =	sadd.s32 @!p2 s6, s14;
	s15 =	simm.s32 @!p2 $0x13D00  }
0xc5: {  	[tilespmem:s15], [sflag:$0x3] =	stream.linear.gather @!p2 [hbm4b:s14+s12], $0x80, $0x38;
	[tilespmem:$0x1FF00] =	vst v63  }
0xc6: {  	_ =	swait.ge [sflag:s25], $0x4000  }
0xc7: {  	[sflag:s25] =	ssyncset.done $0x0  }
0xc8: {  	s16 =	simm.s32 $0x13E00;
	[sflag:s25] =	ssyncadd.s32 $0xFFFFC000  }
0xc9: {  	[spmem:s2] =	stream.indirect.scatter.add.f32 [tilespmem:s22], [sflag:$0xB], $0x80, s16, s19, $0xb8;
	[tilespmem:$0x1FF00] =	vst v63  }
0xca: {  	_ =	swait.ge [sflag:s0], $0x4000  }
0xcb: {  	[sflag:s0] =	ssyncset.done $0x0  }
0xcc: {  	[sflag:s0] =	ssyncadd.s32 $0xFFFFC000  }
0xcd: {  	_ =	swait.ge [sflag:s18], $0x80  }
0xce: {  	[sflag:s18] =	ssyncset.done $0x0  }
0xcf: {  	[sflag:s18] =	ssyncadd.s32 $0xFFFFFF80  }
0xd0: {  	_ =	swait.ge [sflag:s18], $0x80  }
0xd1: {  	[sflag:s18] =	ssyncset.done $0x0  }
0xd2: {  	s14 =	simm.s32 @p2 $0x9;
	[sflag:s18] =	ssyncadd.s32 $0xFFFFFF80  }
0xd3: {  	[tilespmem:s28], [sflag:$0x7] =	stream.indirect.gather [hbm4b:s1+s19], $0x80, s30, s19, $0xb8;
	[tilespmem:$0x1FF00] =	vst v63  }
0xd4: {  	_ =	swait.ge @p2 [sflag:s14], $0x4000  }
0xd5: {  	s15 =	simm.s32 @p2 $0x13E80;
	[sflag:s14] =	ssyncset.done @p2 $0x0  }
0xd6: {  	s16 =	simm.s32 @p2 $0x1BF00;
	[sflag:s14] =	ssyncadd.s32 @p2 $0xFFFFC000;
	s14 =	simm.s32 @p2 $0x80  }
0xd7: {  	[spmem:s2] =	stream.indirect.scatter.add.f32 @p2 [tilespmem:s16], [sflag:$0xC], $0x80, s15, s14, $0xb8;
	[tilespmem:$0x1FF00] =	vst v63  }
0xd8: {  	s14 =	sadd.s32 @!p2 $0xFFFFFF80, s4  }
0xd9: {  	s15 =	sand.u32 @!p2 $0x7C00, s14  }
0xda: {  	s14 =	sand.u32 @!p2 $0x380, s14;
	s15 =	sadd.s32 @!p2 s7, s15  }
0xdb: {  	s14 =	sor.u32 @!p2 s14, s15  }
0xdc: {  	s14 =	sshrl.u32 @!p2 s14, $0x3  }
0xdd: {  	s16 =	simm.s32 @!p2 $0x13A80;
	s15 =	sadd.s32 @!p2 s5, s14  }
0xde: {  	[tilespmem:s16], [sflag:$0x4] =	stream.linear.gather @!p2 [hbm4b:s15+s12], $0x80, $0x38;
	[tilespmem:$0x1FF00] =	vst v63  }
0xdf: {  	s14 =	sadd.s32 @!p2 s6, s14;
	s15 =	simm.s32 @!p2 $0x13D80  }
0xe0: {  	[tilespmem:s15], [sflag:$0x4] =	stream.linear.gather @!p2 [hbm4b:s14+s12], $0x80, $0x38;
	[tilespmem:$0x1FF00] =	vst v63  }
0xe1: {  	s14 =	simm.s32 @!p2 $0x9  }
0xe2: {  	_ =	swait.ge @!p2 [sflag:s14], $0x4000  }
0xe3: {  	s16 =	simm.s32 @!p2 $0x1BF00;
	[sflag:s14] =	ssyncset.done @!p2 $0x0  }
0xe4: {  	s15 =	simm.s32 @!p2 $0x13E80;
	[sflag:s14] =	ssyncadd.s32 @!p2 $0xFFFFC000;
	s14 =	simm.s32 @!p2 $0x80  }
0xe5: {  	[spmem:s2] =	stream.indirect.scatter.add.f32 @!p2 [tilespmem:s16], [sflag:$0xC], $0x80, s15, s14, $0xb8;
	[tilespmem:$0x1FF00] =	vst v63  }
0xe6: {  	s15 =	simm.s32 @!p2 $0xB  }
0xe7: {  	_ =	swait.ge @!p2 [sflag:s15], $0x4000  }
0xe8: {  	[sflag:s15] =	ssyncset.done @!p2 $0x0  }
0xe9: {  	[sflag:s15] =	ssyncadd.s32 @!p2 $0xFFFFC000;
	s15 =	simm.s32 @!p2 $0x2  }
0xea: {  	_ =	swait.ge @!p2 [sflag:s15], $0x80  }
0xeb: {  	[sflag:s15] =	ssyncset.done @!p2 $0x0  }
0xec: {  	[sflag:s15] =	ssyncadd.s32 @!p2 $0xFFFFFF80  }
0xed: {  	_ =	swait.ge @!p2 [sflag:s15], $0x80  }
0xee: {  	[sflag:s15] =	ssyncset.done @!p2 $0x0  }
0xef: {  	[sflag:s15] =	ssyncadd.s32 @!p2 $0xFFFFFF80;
	s15 =	simm.s32 @!p2 $0x17F00  }
0xf0: {  	[tilespmem:s15], [sflag:$0x8] =	stream.indirect.gather @!p2 [hbm4b:s1+s14], $0x80, s13, s14, $0xb8;
	[tilespmem:$0x1FF00] =	vst v63  }
0xf1: {  	s13 =	sand.u32 @!p2 $0x7C00, s4  }
0xf2: {  	s14 =	sand.u32 @!p2 $0x300, s4;
	s13 =	sadd.s32 @!p2 s7, s13  }
0xf3: {  	s13 =	sor.u32 @!p2 s14, s13  }
.Ltmp6:
0xf4: {  	s13 =	sshrl.u32 @!p2 s13, $0x3;
	(pc) =	sbr.rel .LBB2_8-.Ltmp6, $4  }
0xf5: {  	s15 =	simm.s32 @!p2 $0x13B00;
	s14 =	sadd.s32 @!p2 s5, s13  }
0xf6: {  	[tilespmem:s15], [sflag:$0x5] =	stream.linear.gather @!p2 [hbm4b:s14+s12], $0x80, $0x38;
	[tilespmem:$0x1FF00] =	vst v63  }
0xf7: {  	s13 =	sadd.s32 @!p2 s6, s13;
	s14 =	simm.s32 @!p2 $0x13E00  }
0xf8: {  	[tilespmem:s14], [sflag:$0x5] =	stream.linear.gather @!p2 [hbm4b:s13+s12], $0x80, $0x38;
	[tilespmem:$0x1FF00] =	vst v63  }
.LBB2_9:
0xf9: {  	_ =	swait.ge [sflag:s0], $0x4000  }
0xfa: {  	[sflag:s0] =	ssyncset.done $0x0  }
0xfb: {  	[sflag:s0] =	ssyncadd.s32 $0xFFFFC000  }
0xfc: {  	_ =	swait.ge [sflag:s9], $0x4000  }
0xfd: {  	[sflag:s9] =	ssyncset.done $0x0  }
0xfe: {  	[sflag:s9] =	ssyncadd.s32 $0xFFFFC000  }
0xff: {  	_ =	swait.ge [sflag:s26], $0x4000  }
0x100: {  	[sflag:s26] =	ssyncset.done $0x0  }
0x101: {  	[sflag:s26] =	ssyncadd.s32 $0xFFFFC000  }
0x102: {  	[bflag:$0x0] =	sbarrier.arrive $0xFFFF  }
0x103: {  	s15 =	rddreg [dreg:$0x5]  }
0x104: {  	[tilespmem:s28], [sflag:$0xD] =	stream.linear.gather [spmem:s15], $0x4000, $0x38;
	[tilespmem:$0x1FF00] =	vst v63  }
0x105: {  	_ =	swait.ge [sflag:s29], $0x4000  }
0x106: {  	[sflag:s29] =	ssyncset.done $0x0  }
.Ltmp7:
0x107: {  	s10 =	rddreg [dreg:$0x10];
	[sflag:s29] =	ssyncadd.s32 $0xFFFFC000;
	(pc) =	sbr.rel @!p1 .LBB2_11-.Ltmp7, $4  }
0x108: {  	[hbm4b:s10+s3] =	stream.linear.scatter [tilespmem:s28], [sflag:$0xD], $0x4000, $0x38;
	[tilespmem:$0x1FF00] =	vst v63  }
0x109: {  	_ =	swait.ge [sflag:s29], $0x4000  }
0x10a: {  	s14 =	rddreg [dreg:$0x4]  }
0x10b: {  	s12 =	smov.u32 s15;
	[sflag:s29] =	ssyncset.done $0x0;
	s4 =	sadd.s32 $0xFFFFFFFF, s14  }
.LBB2_10:
0x10c: {  	[sflag:s29] =	ssyncadd.s32 $0xFFFFC000;
	s10 =	sadd.s32 $0x800, s10;
	s12 =	sadd.s32 $0x4000, s12  }
0x10d: {  	[tilespmem:s28], [sflag:$0xD] =	stream.linear.gather [spmem:s12], $0x4000, $0x38;
	[tilespmem:$0x1FF00] =	vst v63  }
0x10e: {  	p1 =	sne.s32 s4, $0x1;
	s4 =	sadd.s32 $0xFFFFFFFF, s4;
	_ =	swait.ge [sflag:s29], $0x4000  }
.Ltmp8:
0x10f: {  	[sflag:s29] =	ssyncset.done $0x0;
	(pc) =	sbr.rel @p1 .LBB2_10-.Ltmp8, $4  }
0x110: {  	[sflag:s29] =	ssyncadd.s32 $0xFFFFC000  }
0x111: {  	[hbm4b:s10+s3] =	stream.linear.scatter [tilespmem:s28], [sflag:$0xD], $0x4000, $0x38;
	[tilespmem:$0x1FF00] =	vst v63  }
0x112: {  	_ =	swait.ge [sflag:s29], $0x4000  }
0x113: {  	[sflag:s29] =	ssyncset.done $0x0  }
.LBB2_11:
0x114: {  	[sflag:s29] =	ssyncadd.s32 $0xFFFFC000;
	s4 =	simm.s32 @!p0 $0x13F00;
	s10 =	rddreg [dreg:$0x15]  }
0x115: {  	[tilespmem:s4], [sflag:$0xD] =	stream.linear.gather @!p0 [spmem:s10], $0x800, $0x38;
	[tilespmem:$0x1FF00] =	vst v63  }
0x116: {  	s10 =	simm.s32 @!p0 $0xD  }
0x117: {  	_ =	swait.ge @!p0 [sflag:s10], $0x800  }
0x118: {  	[sflag:s10] =	ssyncset.done @!p0 $0x0  }
0x119: {  	s12 =	simm.s32 @!p0 $0x0;
	s13 =	rddreg [dreg:$0x13];
	[sflag:s10] =	ssyncadd.s32 @!p0 $0xFFFFF800  }
0x11a: {  	[hbm4b:s13+s12] =	stream.linear.scatter @!p0 [tilespmem:s4], [sflag:$0xD], $0x800, $0x38;
	[tilespmem:$0x1FF00] =	vst v63  }
0x11b: {  	_ =	swait.ge @!p0 [sflag:s10], $0x800  }
0x11c: {  	s13 =	rddreg [dreg:$0x16]  }
0x11d: {  	s16 =	rddreg [dreg:$0x14];
	s12 =	sadd.s32 $0x1, s13  }
0x11e: {  	p1 =	sne.s32 s12, s16  }
.Ltmp9:
0x11f: {  	_ = 	snop;
	(pc) =	sbr.rel @p1 .LBB2_1-.Ltmp9, $3  }
0x120: {  	_ =	sdelay $0x1  }
0x121: {  	[sflag:s10] =	ssyncset.done @!p0 $0x0  }
0x122: {  	[sflag:s10] =	ssyncadd.s32 @!p0 $0xFFFFF800  }
0x123: {  	_ =	sfence.sel $0x180000  }
0x124: {  	[bflag:$0x0] =	sbarrier.arrive $0xFFFF  }
0x125: {  	_ =	strace $0x9000004D  }
0x126: {  	s0 =	stileid.u32;
	[bflag:$0x2] =	sbarrier.arrive $0xFFFF  }
0x127: {  	p0 =	sne.s32 s0, $0x0;
	s0 =	rddreg [dreg:$0x3]  }
0x128: {  	s0 =	sadd.s32 @!p0 $0x100000, s0  }
0x129: {  	[sflag:s0] =	ssyncadd.tile.s32 @!p0 $0x1;
	_ =	shalt  }
.Lfunc_end2:
_tile_overlayer_lowered:
.L_overlay_start_2:
0x12a: {  	(tag) =	ssettag $0x2  }
0x12b: {  	s0 =	rddreg [dreg:$0x0];
	s2 =	stileid.u32  }
0x12c: {  	s1 =	rddreg [dreg:$0x1];
	p0 =	sne.s32 s2, $0x0  }
0x12d: {  	s3 =	rddreg [dreg:$0x2];
	[bflag:$0x3] =	sbarrier.arrive $0xFFFF;
	s2 =	simm.s32 @!p0 $0x1C0D  }
0x12e: {  	[timem:s3], [sflag:s2] =	dma.local @!p0 [hbm:s0], s1  }
0x12f: {  	s0 =	simm.s32 @!p0 $0xD  }
0x130: {  	_ =	swait.ge @!p0 [sflag:s0], s1  }
0x131: {  	s1 =	ssub.s32 @!p0 $0x0, s1;
	[sflag:s0] =	ssyncset.done @!p0 $0x0  }
0x132: {  	[sflag:s0] =	ssyncadd.s32 @!p0 s1  }
0x133: {  	[bflag:$0x3] =	sbarrier.arrive $0xFFFF  }
0x134: {  	_ =	shalt  }

// kernel: kernel.19.cloned.1.call-start
scs
__scs_entry_jumppad:
0x0: {  	(pc) =	sbr.rel $0x88, $3  }
0x1: {  	(tag) =	ssettag $0x0;
	lr =	simm.s32 $0x1  }
0x2: {  	[smem:$0x3F96] =	sst lr;
	_ =	strace $0xD0000000  }
0x3: {  	_ = 	snop  }
0x4: {  	_ = 	snop  }
0x5: {  	_ = 	snop  }
0x6: {  	_ = 	snop  }
0x7: {  	_ = 	snop  }
__scs_overlays_trampoline_lowered:
0x8: {  	[smem:$0x3FA5] =	sst s0  }
0x9: {  	[smem:$0x3FA6] =	sst s1  }
0xa: {  	[smem:$0x3FA7] =	sst s2  }
0xb: {  	[smem:$0x3FA8] =	sst s3  }
0xc: {  	[smem:$0x3FA9] =	sst s4  }
0xd: {  	[smem:$0x3FAA] =	sst s5  }
0xe: {  	[smem:$0x3FAB] =	sst s6  }
0xf: {  	[smem:$0x3FAC] =	sst s7  }
0x10: {  	[smem:$0x3FAD] =	sst s8  }
0x11: {  	[smem:$0x3FAE] =	sst s9;
	s0 =	simm.s32 @!p0 $0x0  }
0x12: {  	s1 =	sld [smem:$0x3F94];
	s0 =	simm.s32 @p0 $0x1  }
0x13: {  	[smem:$0x3FAF] =	sst s0;
	s0 =	simm.s32 @!p1 $0x0  }
0x14: {  	s2 =	sld [smem:$0x3F93];
	s0 =	simm.s32 @p1 $0x1  }
0x15: {  	[smem:$0x3FB0] =	sst s0;
	s0 =	simm.s32 @!p2 $0x0  }
0x16: {  	s3 =	sld [smem:$0x3FDB];
	s0 =	simm.s32 @p2 $0x1  }
0x17: {  	s4 =	simm.s32 $0x1BF5;
	[smem:$0x3FB2] =	sst s0  }
0x18: {  	s0 =	sld [smem:$0x3F95];
	_ =	swait.ge [sflag:s4], $0x0  }
0x19: {  	s7 =	sld [smem:$0x3F96]  }
0x1a: {  	s8 =	sadd.s32 $0xFFFFE003, lr  }
0x1b: {  	s9 =	sadd.s32 $0xFFFFFEF7, lr;
	s5 =	simm.s32 $0xFFFFFFFF;
	p2 =	slt.u32 s8, $0xFFFFF086  }
0x1c: {  	p1 =	slt.u32 s9, $0xF7A;
	s5 =	simm.s32 @!p2 $0x0  }
0x1d: {  	s5 =	simm.s32 @p1 $0x1;
	p0 =	seq.s32 s7, s2  }
0x1e: {  	s7 =	smul.u32 @!p0 $0xF7A, s2;
	p2 =	seq.s32 @!p0 s5, $0x0  }
0x1f: {  	s9 =	smul.u32 $0xF7A, s1;
	s8 =	simm.s32 @!p0 $0x1BF5;
	p2 =	por !p2, p0  }
0x20: {  	[sflag:s8] =	ssyncset.s32 @!p0 $0xFFFFF086;
	s6 =	sadd.s32 @!p0 s3, s7;
	s7 =	simm.s32 @!p0 $0x108  }
0x21: {  	s3 =	sadd.s32 s3, s9;
	s6 =	sadd.s32 @!p0 $0x88, s6;
	s7 =	simm.s32 @p2 $0x1082  }
0x22: {  	[simem:s7], [sflag:s8] =	dma.local @!p0 [hbm:s6], $0xF7A  }
0x23: {  	s9 =	sor.u32 $0xD0000000, s2;
	s6 =	simm.s32 $0x108;
	_ =	swait.ge @!p0 [sflag:s8], $0x0  }
0x24: {  	s3 =	sadd.s32 $0x88, s3;
	s6 =	simm.s32 @!p1 $0x1082;
	[sflag:s4] =	ssyncset.s32 $0xFFFFF086  }
0x25: {  	[simem:s6], [sflag:s4] =	dma.local [hbm:s3], $0xF7A  }
0x26: {  	[smem:$0x3F96] =	sst s1;
	(tag) =	ssettag s2;
	_ =	strace s9  }
0x27: {  	s1 =	sld [smem:$0x3FA6]  }
0x28: {  	s2 =	sld [smem:$0x3FA7]  }
0x29: {  	s4 =	sld [smem:$0x3FA9]  }
0x2a: {  	p0 =	seq.s32 s5, $0x0;
	s5 =	sld [smem:$0x3FAA]  }
0x2b: {  	s6 =	sld [smem:$0x3FAB]  }
0x2c: {  	s7 =	sld [smem:$0x3FAC]  }
0x2d: {  	s3 =	simm.s32 $0x108;
	s8 =	sld [smem:$0x3FAD]  }
0x2e: {  	s3 =	simm.s32 @!p0 $0x1082;
	s9 =	sld [smem:$0x3FAE]  }
0x2f: {  	lr =	sadd.s32 s0, s3;
	s0 =	sld [smem:$0x3FA5]  }
0x30: {  	s3 =	sld [smem:$0x3FA8]  }
0x31: {  	[smem:$0x3FB1] =	sst s10  }
0x32: {  	s10 =	sld [smem:$0x3FAF];
	_ =	sdelay $0x3  }
0x33: {  	p0 =	seq.s32 s10, $0x1;
	s10 =	sld [smem:$0x3FB1];
	_ =	sdelay $0x3  }
0x34: {  	[smem:$0x3FB1] =	sst s10  }
0x35: {  	s10 =	sld [smem:$0x3FB0];
	_ =	sdelay $0x3  }
0x36: {  	p1 =	seq.s32 s10, $0x1;
	s10 =	sld [smem:$0x3FB1];
	_ =	sdelay $0x3  }
0x37: {  	[smem:$0x3FB1] =	sst s10  }
0x38: {  	s10 =	sld [smem:$0x3FB2]  }
0x39: {  	_ = 	snop;
	(pc) =	sbr.ind lr, $3  }
0x3a: {  	_ = 	snop  }
0x3b: {  	_ = 	snop  }
0x3c: {  	p2 =	seq.s32 s10, $0x1;
	s10 =	sld [smem:$0x3FB1]  }
0x3d: {  	_ =	shalt  }
0x3e: {  	_ =	shalt  }
0x3f: {  	_ =	shalt  }
0x40: {  	_ =	shalt  }
0x41: {  	_ =	shalt  }
0x42: {  	_ =	shalt  }
0x43: {  	_ =	shalt  }
0x44: {  	_ =	shalt  }
0x45: {  	_ =	shalt  }
0x46: {  	_ =	shalt  }
0x47: {  	_ =	shalt  }
0x48: {  	_ =	shalt  }
0x49: {  	_ =	shalt  }
0x4a: {  	_ =	shalt  }
0x4b: {  	_ =	shalt  }
0x4c: {  	_ =	shalt  }
0x4d: {  	_ =	shalt  }
0x4e: {  	_ =	shalt  }
0x4f: {  	_ =	shalt  }
0x50: {  	_ =	shalt  }
0x51: {  	_ =	shalt  }
0x52: {  	_ =	shalt  }
0x53: {  	_ =	shalt  }
0x54: {  	_ =	shalt  }
0x55: {  	_ =	shalt  }
0x56: {  	_ =	shalt  }
0x57: {  	_ =	shalt  }
0x58: {  	_ =	shalt  }
0x59: {  	_ =	shalt  }
0x5a: {  	_ =	shalt  }
0x5b: {  	_ =	shalt  }
0x5c: {  	_ =	shalt  }
0x5d: {  	_ =	shalt  }
0x5e: {  	_ =	shalt  }
0x5f: {  	_ =	shalt  }
0x60: {  	_ =	shalt  }
0x61: {  	_ =	shalt  }
0x62: {  	_ =	shalt  }
0x63: {  	_ =	shalt  }
0x64: {  	_ =	shalt  }
0x65: {  	_ =	shalt  }
0x66: {  	_ =	shalt  }
0x67: {  	_ =	shalt  }
0x68: {  	_ =	shalt  }
0x69: {  	_ =	shalt  }
0x6a: {  	_ =	shalt  }
0x6b: {  	_ =	shalt  }
0x6c: {  	_ =	shalt  }
0x6d: {  	_ =	shalt  }
0x6e: {  	_ =	shalt  }
0x6f: {  	_ =	shalt  }
0x70: {  	_ =	shalt  }
0x71: {  	_ =	shalt  }
0x72: {  	_ =	shalt  }
0x73: {  	_ =	shalt  }
0x74: {  	_ =	shalt  }
0x75: {  	_ =	shalt  }
0x76: {  	_ =	shalt  }
0x77: {  	_ =	shalt  }
0x78: {  	_ =	shalt  }
0x79: {  	_ =	shalt  }
0x7a: {  	_ =	shalt  }
0x7b: {  	_ =	shalt  }
0x7c: {  	_ =	shalt  }
0x7d: {  	_ =	shalt  }
0x7e: {  	_ =	shalt  }
0x7f: {  	_ =	shalt  }
0x80: {  	_ =	shalt  }
0x81: {  	_ =	shalt  }
0x82: {  	_ =	shalt  }
0x83: {  	_ =	shalt  }
0x84: {  	_ =	shalt  }
0x85: {  	_ =	shalt  }
0x86: {  	_ =	shalt  }
0x87: {  	_ =	shalt  }
.Lfunc_end0:
.L_simem_size_0:
called_computation.3_lowered:
.L_overlay_start_0:
0x88: {  	s2 =	sld [smem:$0x3FD9]  }
0x89: {  	s3 =	sld [smem:$0x3FFE];
	_ =	sdelay $0x1  }
0x8a: {  	s1 =	srdreg.scid  }
0x8b: {  	s0 =	sand.u32 $0x1, s1  }
0x8c: {  	s17 =	sshll.u32 s0, $0xA;
	s2 =	sadd.s32 s3, s2  }
0x8d: {  	s2 =	sadd.s32 s2, s17  }
0x8e: {  	[smem:$0x3FBD] =	sst s2  }
0x8f: {  	_ = 	snop  }
0x90: {  	s2 =	sld [smem:$0x3FD0];
	(tm) =	ssettm $0x1  }
0x91: {  	s18 =	sld [smem:$0x3FFB];
	_ =	sdelay $0x3  }
0x92: {  	_ =	strace s18  }
0x93: {  	s3 =	sld [smem:$0x3FFC];
	_ =	sdelay $0x3  }
0x94: {  	_ =	strace s3  }
0x95: {  	s3 =	sld [smem:$0x3FFD];
	_ =	sdelay $0x3  }
0x96: {  	_ =	strace s3  }
0x97: {  	_ =	strace $0x8FFFFFFF  }
0x98: {  	s19 =	sld [smem:$0x3FDB];
	_ =	sdelay $0x1  }
0x99: {  	s4 =	simm.s32 $_scs_section_size  }
0x9a: {  	s5 =	simm.s32 $_size__tile_overlayer_lowered;
	s6 =	simm.s32 $_tile_overlayer_lowered  }
0x9b: {  	s22 =	simm.s32 $0x1BFF;
	s21 =	sshll.u32 s6, $0x1;
	s3 =	sadd.s32 s4, s19  }
0x9c: {  	s7 =	simm.s32 $0x0;
	s20 =	sshll.u32 s5, $0x1;
	s5 =	sadd.s32 s21, s3  }
0x9d: {  	[timem:s7], [sflag:s22] =	dma.local [hbm:s5], s20  }
0x9e: {  	_ =	swait.ge [sflag:s22], s20  }
0x9f: {  	s4 =	ssub.s32 $0x0, s20;
	[sflag:s22] =	ssyncset.done $0x0  }
0xa0: {  	[sflag:s22] =	ssyncadd.s32 s4;
	_ =	sdelay $0x1  }
0xa1: {  	s23 =	simm.s32 $0x1B8B  }
0xa2: {  	_ =	swait.ge [sflag:s23], $0x1  }
0xa3: {  	[sflag:s23] =	ssyncset.done $0x0  }
0xa4: {  	s25 =	simm.s32 $0x1B8E;
	s24 =	sld [smem:$0x3FFE];
	[sflag:s23] =	ssyncadd.s32 $0xFFFFFFFF  }
0xa5: {  	s26 =	simm.s32 $execute0_lowered;
	[smem:$0x3FD2] =	sst s25  }
0xa6: {  	s5 =	sshll.u32 s26, $0x1;
	_ =	strace $0x8000004F;
	[dreg:$0x1] =	wrdreg $0xFFFFFFFF  }
0xa7: {  	s28 =	simm.s32 $_size_execute0_lowered;
	s3 =	sadd.s32 s3, s5;
	[dreg:$0x0] =	wrdreg $0x0  }
0xa8: {  	s5 =	sshll.u32 s28, $0x1;
	[dreg:$0x2] =	wrdreg s3  }
0xa9: {  	[dreg:$0x3] =	wrdreg s5  }
0xaa: {  	[dreg:$0x4] =	wrdreg $0xC0  }
0xab: {  	_ =	task [dreg:s7], $0x5FFFF  }
0xac: {  	[dreg:$0x1] =	wrdreg $0xFFFFFFFF  }
0xad: {  	[dreg:$0x0] =	wrdreg $0x60  }
0xae: {  	[dreg:$0x2] =	wrdreg s2  }
0xaf: {  	[dreg:$0x3] =	wrdreg s24  }
0xb0: {  	[dreg:$0x4] =	wrdreg $0x0  }
0xb1: {  	[dreg:$0x5] =	wrdreg $0x9  }
0xb2: {  	_ =	task.clear_ibuf [dreg:s7], $0x6FFFF;
	_ =	strace $0x9000004F  }
0xb3: {  	s29 =	simm.s32 $0x9;
	_ =	strace $0x80000051  }
0xb4: {  	_ =	swait.ge [sflag:s29], $0x1  }
0xb5: {  	[sflag:s29] =	ssyncadd.s32 $0xFFFFFFFF  }
0xb6: {  	_ =	strace $0x90000051  }
0xb7: {  	_ =	sfence  }
0xb8: {  	s30 =	sld [smem:$0x0];
	_ =	sdelay $0x2  }
0xb9: {  	s31 =	sshll.u32 s1, $0xD;
	s1 =	sshrl.u32 s1, $0x2  }
0xba: {  	s3 =	sand.u32 $0x4000, s31;
	s1 =	sadd.s32 s1, s30  }
0xbb: {  	s0 =	sor.u32 s3, s0;
	s1 =	sshll.u32 s1, $0x11  }
0xbc: {  	s0 =	sor.u32 s1, s0  }
0xbd: {  	s0 =	sadd.s32 $0x8F2B, s0  }
0xbe: {  	[sflag:s0] =	ssyncadd.remote.s32 $0x1  }
0xbf: {  	_ =	sfence.sel $0xFFFF  }
0xc0: {  	[dreg:$0x0] =	wrdreg $0xFFFFFFFF;
	(pc) =	sbr.abs _section_cstart, $3  }
0xc1: {  	[dreg:$0x1] =	wrdreg $0xFFFFFFFF  }
0xc2: {  	_ =	task.clear_ibuf [dreg:s7], $0x2FFFF;
	_ =	strace $0x9FFFFFFF  }
0xc3: {  	(tm) =	ssettm $0x7FFFFFFF  }
tec
execute0_lowered:
.L_overlay_start_1:
0x0: {  	(tag) =	ssettag $0x1  }
0x1: {  	s1 =	rddreg [dreg:$0x0]  }
0x2: {  	s0 =	rddreg [dreg:$0x1]  }
0x3: {  	s2 =	rddreg [dreg:$0x2]  }
0x4: {  	s3 =	simm.s32 $0x0;
	s4 =	srdreg.scid;
	s13 =	stileid.u32  }
0x5: {  	s14 =	simm.s32 $0x3;
	s28 =	simm.s32 $0x13F00;
	s29 =	simm.s32 $0xD  }
0x6: {  	s30 =	simm.s32 $0x13900;
	s31 =	simm.s32 $0x13C00;
	[smem:$0x7FF] =	sst s3  }
0x7: {  	s5 =	sadd.s32 $0xF600, s0;
	s6 =	sadd.s32 $0x4200, s0;
	s4 =	sand.u32 $0x1, s4  }
0x8: {  	s0 =	sadd.s32 $0x40800, s0;
	s8 =	sshll.u32 s13, $0x1;
	s7 =	ssub.s32 $0x2, s4  }
0x9: {  	s10 =	smul.u32 $0x50000, s13;
	s8 =	sor.u32 s4, s8;
	s9 =	sshrl.u32 s7, $0x1  }
0xa: {  	p0 =	seq.s32 s13, $0xF;
	s9 =	ssub.s32 s7, s9;
	s7 =	smul.u32 $0x2800, s8  }
0xb: {  	_ =	strace $0x80000050;
	s14 =	simm.s32 @!p0 $0x5;
	s22 =	sshrl.u32 s10, $0x2  }
0xc: {  	[dreg:$0x4] =	wrdreg s14;
	s15 =	sadd.s32 s22, s2;
	s23 =	sshrl.u32 s7, $0x3  }
0xd: {  	s4 =	smul.u32 $0x138800, s4;
	[dreg:$0x5] =	wrdreg s15;
	s24 =	sadd.s32 s5, s23  }
0xe: {  	s25 =	sadd.s32 s6, s23;
	s26 =	sor.u32 $0x10, s23;
	[dreg:$0x6] =	wrdreg s24  }
0xf: {  	p0 =	sne.s32 s13, $0xF;
	[dreg:$0x7] =	wrdreg s25;
	s11 =	sadd.s32 s5, s26  }
0x10: {  	s12 =	sor.u32 $0x20, s23;
	s10 =	sadd.s32 s6, s26;
	[dreg:$0x8] =	wrdreg s11  }
0x11: {  	s18 =	sor.u32 $0x40, s23;
	s16 =	sadd.s32 s5, s12;
	[dreg:$0x9] =	wrdreg s10  }
0x12: {  	s17 =	sor.u32 $0x30, s23;
	s19 =	sadd.s32 s5, s18;
	[dreg:$0xa] =	wrdreg s16  }
0x13: {  	s8 =	sor.u32 $0x50, s23;
	s20 =	sadd.s32 s6, s18;
	[dreg:$0xe] =	wrdreg s19  }
0x14: {  	s22 =	sadd.s32 s5, s8;
	s23 =	sadd.s32 s6, s8;
	[dreg:$0xf] =	wrdreg s20  }
0x15: {  	s25 =	smax.u32 s9, $0x1;
	s26 =	sadd.s32 $0x138000, s2;
	[dreg:$0x11] =	wrdreg s22  }
0x16: {  	s18 =	simm.s32 $0x1;
	s8 =	simm.s32 $0x5;
	[dreg:$0x12] =	wrdreg s23  }
0x17: {  	s9 =	simm.s32 $0xC;
	s10 =	sadd.s32 s6, s12;
	[dreg:$0x14] =	wrdreg s25  }
0x18: {  	s12 =	smul.u32 $0x14000, s13;
	s16 =	sadd.s32 s5, s17;
	[dreg:$0x15] =	wrdreg s26  }
0x19: {  	s19 =	simm.s32 $0x80;
	s22 =	simm.s32 $0x17F00;
	s23 =	simm.s32 $0x1BF00  }
0x1a: {  	s25 =	simm.s32 $0x8;
	s11 =	simm.s32 $0x4;
	[dreg:$0xb] =	wrdreg s10  }
0x1b: {  	s26 =	simm.s32 $0xB;
	s20 =	simm.s32 $0x6;
	[dreg:$0xc] =	wrdreg s16  }
0x1c: {  	s10 =	sadd.s32 s6, s17;
	s17 =	simm.s32 $0x13B80;
	s21 =	sadd.s32 s12, s4  }
0x1d: {  	[dreg:$0xd] =	wrdreg s10;
	s4 =	sshrl.u32 s4, $0x3;
	s10 =	sshrl.u32 s21, $0x3  }
0x1e: {  	s12 =	simm.s32 $0x0;
	s4 =	sadd.s32 s0, s4;
	s0 =	sadd.s32 s10, s0  }
0x1f: {  	s21 =	simm.s32 $0x9;
	s24 =	sadd.s32 $0x27000, s4;
	[dreg:$0x10] =	wrdreg s0  }
0x20: {  	v0 =	vimm.f32 $0.0e+00;
	[dreg:$0x13] =	wrdreg s24;
	s24 =	simm.s32 $0x7;
	s0 =	simm.s32 $0xA  }
.LBB2_1:
0x21: {  	s4 =	simm.s32 $0x0;
	s10 =	simm.s32 $0x200  }
.LBB2_2:
0x22: {  	p1 =	sne.s32 s10, $0xFE00;
	[tilespmem:s4+$0x13F70] =	vst v0  }
0x23: {  	[tilespmem:s4+$0x13F00] =	vst v0  }
0x24: {  	[tilespmem:s4+$0x13F10] =	vst v0  }
.Ltmp0:
0x25: {  	[tilespmem:s4+$0x13F20] =	vst v0;
	(pc) =	sbr.rel @p1 .LBB2_2-.Ltmp0, $4  }
0x26: {  	[tilespmem:s4+$0x13F30] =	vst v0  }
0x27: {  	[tilespmem:s4+$0x13F40] =	vst v0  }
0x28: {  	[tilespmem:s4+$0x13F50] =	vst v0  }
0x29: {  	[tilespmem:s4+$0x13F60] =	vst v0;
	s4 =	sshra.s32 s10, $0x2;
	s10 =	sadd.s32 $0x200, s10  }
0x2a: {  	[tilespmem:s4+$0x13F70] =	vst v0  }
0x2b: {  	[tilespmem:s4+$0x13F00] =	vst v0  }
0x2c: {  	[tilespmem:s4+$0x13F10] =	vst v0  }
0x2d: {  	[tilespmem:s4+$0x13F20] =	vst v0  }
0x2e: {  	[tilespmem:s4+$0x13F30] =	vst v0  }
0x2f: {  	[tilespmem:s4+$0x13F40] =	vst v0;
	p1 =	sne.s32 s14, $0x1  }
.Ltmp1:
0x30: {  	[tilespmem:s4+$0x13F50] =	vst v0;
	(pc) =	sbr.rel @!p1 .LBB2_5-.Ltmp1, $4  }
0x31: {  	[dreg:$0x16] =	wrdreg s12;
	[tilespmem:s4+$0x13F60] =	vst v0  }
0x32: {  	[spmem:s15] =	stream.linear.scatter [tilespmem:s28], [sflag:$0xD], $0x4000, $0x38;
	[tilespmem:$0x1FF00] =	vst v63  }
0x33: {  	_ =	swait.ge [sflag:s29], $0x4000  }
0x34: {  	s4 =	sadd.s32 $0xFFFFFFFF, s14;
	s10 =	smov.u32 s15;
	[sflag:s29] =	ssyncset.done $0x0  }
.LBB2_4:
0x35: {  	p2 =	sne.s32 s4, $0x1;
	[sflag:s29] =	ssyncadd.s32 $0xFFFFC000;
	s10 =	sadd.s32 $0x4000, s10  }
.Ltmp2:
0x36: {  	s4 =	sadd.s32 $0xFFFFFFFF, s4;
	(pc) =	sbr.rel @p2 .LBB2_4-.Ltmp2, $4  }
0x37: {  	_ = 	snop  }
0x38: {  	[spmem:s10] =	stream.linear.scatter [tilespmem:s28], [sflag:$0xD], $0x4000, $0x38;
	[tilespmem:$0x1FF00] =	vst v63  }
0x39: {  	_ =	swait.ge [sflag:s29], $0x4000  }
0x3a: {  	[sflag:s29] =	ssyncset.done $0x0  }
.LBB2_5:
0x3b: {  	[sflag:s29] =	ssyncadd.s32 $0xFFFFC000;
	s4 =	simm.s32 @!p0 $0x13F00;
	s10 =	rddreg [dreg:$0x15]  }
0x3c: {  	[spmem:s10] =	stream.linear.scatter @!p0 [tilespmem:s4], [sflag:$0xD], $0x800, $0x38;
	[tilespmem:$0x1FF00] =	vst v63  }
0x3d: {  	s4 =	simm.s32 @!p0 $0xD  }
0x3e: {  	_ =	swait.ge @!p0 [sflag:s4], $0x800  }
0x3f: {  	[sflag:s4] =	ssyncset.done @!p0 $0x0  }
0x40: {  	[sflag:s4] =	ssyncadd.s32 @!p0 $0xFFFFF800  }
0x41: {  	[bflag:$0x0] =	sbarrier.arrive $0xFFFF  }
0x42: {  	s10 =	simm.s32 $0x0;
	s16 =	rddreg [dreg:$0x6]  }
0x43: {  	[tilespmem:s30], [sflag:$0x1] =	stream.linear.gather [hbm4b:s16+s10], $0x80, $0x38;
	[tilespmem:$0x1FF00] =	vst v63  }
0x44: {  	s12 =	rddreg [dreg:$0x7]  }
0x45: {  	[tilespmem:s31], [sflag:$0x1] =	stream.linear.gather [hbm4b:s12+s10], $0x80, $0x38;
	[tilespmem:$0x1FF00] =	vst v63  }
0x46: {  	s13 =	rddreg [dreg:$0x8];
	s12 =	simm.s32 $0x13980  }
0x47: {  	[tilespmem:s12], [sflag:$0x2] =	stream.linear.gather [hbm4b:s13+s10], $0x80, $0x38;
	[tilespmem:$0x1FF00] =	vst v63  }
0x48: {  	s14 =	rddreg [dreg:$0x9];
	s13 =	simm.s32 $0x13C80  }
0x49: {  	[tilespmem:s13], [sflag:$0x2] =	stream.linear.gather [hbm4b:s14+s10], $0x80, $0x38;
	[tilespmem:$0x1FF00] =	vst v63  }
0x4a: {  	s15 =	rddreg [dreg:$0xa];
	s13 =	simm.s32 $0x13A00  }
0x4b: {  	[tilespmem:s13], [sflag:$0x3] =	stream.linear.gather [hbm4b:s15+s10], $0x80, $0x38;
	[tilespmem:$0x1FF00] =	vst v63  }
0x4c: {  	s16 =	rddreg [dreg:$0xb];
	s14 =	simm.s32 $0x13D00  }
0x4d: {  	[tilespmem:s14], [sflag:$0x3] =	stream.linear.gather [hbm4b:s16+s10], $0x80, $0x38;
	[tilespmem:$0x1FF00] =	vst v63  }
0x4e: {  	s15 =	rddreg [dreg:$0xc];
	s16 =	simm.s32 $0x13A80  }
0x4f: {  	[tilespmem:s16], [sflag:$0x4] =	stream.linear.gather [hbm4b:s15+s10], $0x80, $0x38;
	[tilespmem:$0x1FF00] =	vst v63  }
0x50: {  	s15 =	rddreg [dreg:$0xd];
	s16 =	simm.s32 $0x13D80  }
0x51: {  	[tilespmem:s16], [sflag:$0x4] =	stream.linear.gather [hbm4b:s15+s10], $0x80, $0x38;
	[tilespmem:$0x1FF00] =	vst v63  }
0x52: {  	s15 =	rddreg [dreg:$0xe];
	s16 =	simm.s32 $0x13B00  }
0x53: {  	[tilespmem:s16], [sflag:$0x5] =	stream.linear.gather [hbm4b:s15+s10], $0x80, $0x38;
	[tilespmem:$0x1FF00] =	vst v63  }
0x54: {  	s15 =	rddreg [dreg:$0xf];
	s16 =	simm.s32 $0x13E00  }
0x55: {  	[tilespmem:s16], [sflag:$0x5] =	stream.linear.gather [hbm4b:s15+s10], $0x80, $0x38;
	[tilespmem:$0x1FF00] =	vst v63  }
0x56: {  	s14 =	rddreg [dreg:$0x11]  }
0x57: {  	[tilespmem:s17], [sflag:$0x6] =	stream.linear.gather [hbm4b:s14+s10], $0x80, $0x38;
	[tilespmem:$0x1FF00] =	vst v63  }
0x58: {  	s15 =	rddreg [dreg:$0x12];
	s16 =	simm.s32 $0x13E80  }
0x59: {  	[tilespmem:s16], [sflag:$0x6] =	stream.linear.gather [hbm4b:s15+s10], $0x80, $0x38;
	[tilespmem:$0x1FF00] =	vst v63  }
0x5a: {  	_ =	swait.ge [sflag:s18], $0x80  }
0x5b: {  	[sflag:s18] =	ssyncset.done $0x0  }
0x5c: {  	[sflag:s18] =	ssyncadd.s32 $0xFFFFFF80  }
0x5d: {  	_ =	swait.ge [sflag:s18], $0x80  }
0x5e: {  	[sflag:s18] =	ssyncset.done $0x0  }
0x5f: {  	s15 =	simm.s32 $0x2;
	[sflag:s18] =	ssyncadd.s32 $0xFFFFFF80  }
0x60: {  	[tilespmem:s28], [sflag:$0x7] =	stream.indirect.gather [hbm4b:s1+s19], $0x80, s30, s19, $0xb8;
	[tilespmem:$0x1FF00] =	vst v63  }
0x61: {  	_ =	swait.ge [sflag:s15], $0x80  }
0x62: {  	[sflag:s15] =	ssyncset.done $0x0  }
0x63: {  	[sflag:s15] =	ssyncadd.s32 $0xFFFFFF80  }
0x64: {  	_ =	swait.ge [sflag:s15], $0x80  }
0x65: {  	[sflag:s15] =	ssyncset.done $0x0  }
0x66: {  	s16 =	simm.s32 $0x3;
	[sflag:s15] =	ssyncadd.s32 $0xFFFFFF80  }
0x67: {  	[tilespmem:s22], [sflag:$0x8] =	stream.indirect.gather [hbm4b:s1+s19], $0x80, s12, s19, $0xb8;
	[tilespmem:$0x1FF00] =	vst v63  }
0x68: {  	_ =	swait.ge [sflag:s16], $0x80  }
0x69: {  	[sflag:s16] =	ssyncset.done $0x0  }
.Ltmp3:
0x6a: {  	[sflag:s16] =	ssyncadd.s32 $0xFFFFFF80;
	(pc) =	sbr.rel .LBB2_6-.Ltmp3, $4  }
0x6b: {  	_ =	swait.ge [sflag:s16], $0x80  }
0x6c: {  	[sflag:s16] =	ssyncset.done $0x0  }
0x6d: {  	s4 =	simm.s32 $0x500;
	[sflag:s16] =	ssyncadd.s32 $0xFFFFFF80  }
0x6e: {  	[tilespmem:s23], [sflag:$0x9] =	stream.indirect.gather [hbm4b:s1+s19], $0x80, s13, s19, $0xb8;
	[tilespmem:$0x1FF00] =	vst v63  }
.LBB2_8:
0x6f: {  	s4 =	sadd.s32 $0x300, s4  }
0x70: {  	p2 =	sne.s32 s4, $0x2F00  }
.Ltmp4:
0x71: {  	_ = 	snop;
	(pc) =	sbr.rel @!p2 .LBB2_9-.Ltmp4, $2  }
0x72: {  	_ =	sdelay $0x2  }
0x73: {  	s10 =	sadd.s32 $0x1, s10  }
.LBB2_6:
0x74: {  	_ =	swait.ge [sflag:s24], $0x4000;
	p2 =	seq.s32 s10, $0x0  }
0x75: {  	[sflag:s24] =	ssyncset.done $0x0;
	p3 =	seq.s32 @!p2 s10, $0xD  }
0x76: {  	[sflag:s24] =	ssyncadd.s32 $0xFFFFC000;
	p2 =	por p3, p2  }
0x77: {  	[spmem:s2] =	stream.indirect.scatter.add.f32 [tilespmem:s28], [sflag:$0xA], $0x80, s31, s19, $0xb8;
	[tilespmem:$0x1FF00] =	vst v63  }
0x78: {  	s12 =	simm.s32 @!p2 $0xC  }
0x79: {  	_ =	swait.ge @!p2 [sflag:s12], $0x4000  }
0x7a: {  	[sflag:s12] =	ssyncset.done @!p2 $0x0  }
0x7b: {  	[sflag:s12] =	ssyncadd.s32 @!p2 $0xFFFFC000;
	s12 =	simm.s32 @!p2 $0x3  }
0x7c: {  	_ =	swait.ge @!p2 [sflag:s12], $0x80  }
0x7d: {  	[sflag:s12] =	ssyncset.done @!p2 $0x0  }
0x7e: {  	[sflag:s12] =	ssyncadd.s32 @!p2 $0xFFFFFF80  }
0x7f: {  	_ =	swait.ge @!p2 [sflag:s12], $0x80  }
0x80: {  	s13 =	simm.s32 @!p2 $0x13A00;
	[sflag:s12] =	ssyncset.done @!p2 $0x0  }
0x81: {  	s14 =	simm.s32 @!p2 $0x1BF00;
	[sflag:s12] =	ssyncadd.s32 @!p2 $0xFFFFFF80;
	s12 =	simm.s32 @!p2 $0x80  }
0x82: {  	[tilespmem:s14], [sflag:$0x9] =	stream.indirect.gather @!p2 [hbm4b:s1+s12], $0x80, s13, s12, $0xb8;
	[tilespmem:$0x1FF00] =	vst v63  }
0x83: {  	s12 =	sadd.s32 @!p2 $0xFFFFFD80, s4  }
0x84: {  	s13 =	sand.u32 @!p2 $0x7C00, s12  }
0x85: {  	s12 =	sand.u32 @!p2 $0x380, s12;
	s13 =	sadd.s32 @!p2 s7, s13  }
0x86: {  	s12 =	sor.u32 @!p2 s12, s13  }
0x87: {  	s12 =	sshrl.u32 @!p2 s12, $0x3  }
0x88: {  	s15 =	simm.s32 @!p2 $0x13B80;
	s14 =	simm.s32 @!p2 $0x0;
	s13 =	sadd.s32 @!p2 s5, s12  }
0x89: {  	[tilespmem:s15], [sflag:$0x6] =	stream.linear.gather @!p2 [hbm4b:s13+s14], $0x80, $0x38;
	[tilespmem:$0x1FF00] =	vst v63  }
0x8a: {  	s12 =	sadd.s32 @!p2 s6, s12;
	s13 =	simm.s32 @!p2 $0x13E80  }
0x8b: {  	[tilespmem:s13], [sflag:$0x6] =	stream.linear.gather @!p2 [hbm4b:s12+s14], $0x80, $0x38;
	[tilespmem:$0x1FF00] =	vst v63  }
0x8c: {  	p2 =	sgt.u32 s10, $0xC  }
.Ltmp5:
0x8d: {  	_ = 	snop;
	(pc) =	sbr.rel @p2 .LBB2_8-.Ltmp5, $1  }
0x8e: {  	_ =	sdelay $0x3  }
0x8f: {  	_ =	swait.ge [sflag:s25], $0x4000  }
0x90: {  	[sflag:s25] =	ssyncset.done $0x0  }
0x91: {  	s12 =	simm.s32 $0x13C80;
	[sflag:s25] =	ssyncadd.s32 $0xFFFFC000  }
0x92: {  	[spmem:s2] =	stream.indirect.scatter.add.f32 [tilespmem:s22], [sflag:$0xB], $0x80, s12, s19, $0xb8;
	[tilespmem:$0x1FF00] =	vst v63  }
0x93: {  	_ =	swait.ge [sflag:s0], $0x4000  }
0x94: {  	[sflag:s0] =	ssyncset.done $0x0  }
0x95: {  	[sflag:s0] =	ssyncadd.s32 $0xFFFFC000  }
0x96: {  	_ =	swait.ge [sflag:s11], $0x80  }
0x97: {  	s15 =	sadd.s32 $0xFFFFFE00, s4;
	[sflag:s11] =	ssyncset.done $0x0  }
0x98: {  	s13 =	sand.u32 $0x7C00, s15;
	[sflag:s11] =	ssyncadd.s32 $0xFFFFFF80  }
0x99: {  	s13 =	sadd.s32 s7, s13;
	s12 =	sand.u32 $0x300, s15;
	_ =	swait.ge [sflag:s11], $0x80  }
0x9a: {  	s12 =	sor.u32 s12, s13;
	[sflag:s11] =	ssyncset.done $0x0  }
0x9b: {  	s14 =	simm.s32 $0x13A80;
	s12 =	sshrl.u32 s12, $0x3;
	[sflag:s11] =	ssyncadd.s32 $0xFFFFFF80  }
0x9c: {  	[tilespmem:s28], [sflag:$0x7] =	stream.indirect.gather [hbm4b:s1+s19], $0x80, s14, s19, $0xb8;
	[tilespmem:$0x1FF00] =	vst v63  }
0x9d: {  	s16 =	sadd.s32 s5, s12  }
0x9e: {  	[tilespmem:s30], [sflag:$0x1] =	stream.linear.gather [hbm4b:s16+s3], $0x80, $0x38;
	[tilespmem:$0x1FF00] =	vst v63  }
0x9f: {  	s12 =	sadd.s32 s6, s12  }
0xa0: {  	[tilespmem:s31], [sflag:$0x1] =	stream.linear.gather [hbm4b:s12+s3], $0x80, $0x38;
	[tilespmem:$0x1FF00] =	vst v63  }
0xa1: {  	_ =	swait.ge [sflag:s21], $0x4000  }
0xa2: {  	[sflag:s21] =	ssyncset.done $0x0  }
0xa3: {  	s13 =	simm.s32 $0x13D00;
	[sflag:s21] =	ssyncadd.s32 $0xFFFFC000  }
0xa4: {  	[spmem:s2] =	stream.indirect.scatter.add.f32 [tilespmem:s23], [sflag:$0xC], $0x80, s13, s19, $0xb8;
	[tilespmem:$0x1FF00] =	vst v63  }
0xa5: {  	_ =	swait.ge [sflag:s26], $0x4000  }
0xa6: {  	[sflag:s26] =	ssyncset.done $0x0  }
0xa7: {  	[sflag:s26] =	ssyncadd.s32 $0xFFFFC000  }
0xa8: {  	_ =	swait.ge [sflag:s8], $0x80  }
0xa9: {  	p2 =	seq.s32 s4, $0x2900;
	[sflag:s8] =	ssyncset.done $0x0  }
0xaa: {  	s12 =	sadd.s32 @!p2 $0xFFFFFE80, s4;
	[sflag:s8] =	ssyncadd.s32 $0xFFFFFF80  }
0xab: {  	s13 =	sand.u32 @!p2 $0x7C00, s12;
	_ =	swait.ge [sflag:s8], $0x80  }
0xac: {  	s12 =	sand.u32 @!p2 $0x380, s12;
	s13 =	sadd.s32 @!p2 s7, s13;
	[sflag:s8] =	ssyncset.done $0x0  }
0xad: {  	s14 =	simm.s32 $0x13B00;
	s12 =	sor.u32 @!p2 s12, s13;
	[sflag:s8] =	ssyncadd.s32 $0xFFFFFF80  }
0xae: {  	[tilespmem:s22], [sflag:$0x8] =	stream.indirect.gather [hbm4b:s1+s19], $0x80, s14, s19, $0xb8;
	[tilespmem:$0x1FF00] =	vst v63  }
0xaf: {  	s14 =	sshrl.u32 @!p2 s12, $0x3  }
0xb0: {  	s13 =	simm.s32 @!p2 $0x13980;
	s12 =	simm.s32 @!p2 $0x0;
	s15 =	sadd.s32 @!p2 s5, s14  }
0xb1: {  	[tilespmem:s13], [sflag:$0x2] =	stream.linear.gather @!p2 [hbm4b:s15+s12], $0x80, $0x38;
	[tilespmem:$0x1FF00] =	vst v63  }
0xb2: {  	s14 =	sadd.s32 @!p2 s6, s14;
	s15 =	simm.s32 @!p2 $0x13C80  }
0xb3: {  	[tilespmem:s15], [sflag:$0x2] =	stream.linear.gather @!p2 [hbm4b:s14+s12], $0x80, $0x38;
	[tilespmem:$0x1FF00] =	vst v63  }
0xb4: {  	_ =	swait.ge [sflag:s24], $0x4000  }
0xb5: {  	[sflag:s24] =	ssyncset.done $0x0  }
0xb6: {  	s15 =	simm.s32 $0x13D80;
	[sflag:s24] =	ssyncadd.s32 $0xFFFFC000  }
0xb7: {  	[spmem:s2] =	stream.indirect.scatter.add.f32 [tilespmem:s28], [sflag:$0xA], $0x80, s15, s19, $0xb8;
	[tilespmem:$0x1FF00] =	vst v63  }
0xb8: {  	_ =	swait.ge [sflag:s9], $0x4000  }
0xb9: {  	[sflag:s9] =	ssyncset.done $0x0  }
0xba: {  	[sflag:s9] =	ssyncadd.s32 $0xFFFFC000  }
0xbb: {  	_ =	swait.ge [sflag:s20], $0x80  }
0xbc: {  	s14 =	sadd.s32 @!p2 $0xFFFFFF00, s4;
	[sflag:s20] =	ssyncset.done $0x0  }
0xbd: {  	s14 =	sand.u32 @!p2 $0x7C00, s14;
	s15 =	sadd.s32 $0xFFFFFB00, s4;
	[sflag:s20] =	ssyncadd.s32 $0xFFFFFF80  }
0xbe: {  	s14 =	sadd.s32 @!p2 s7, s14;
	s15 =	sand.u32 @!p2 $0x300, s15;
	_ =	swait.ge [sflag:s20], $0x80  }
0xbf: {  	s14 =	sor.u32 @!p2 s15, s14;
	[sflag:s20] =	ssyncset.done $0x0  }
0xc0: {  	s14 =	sshrl.u32 @!p2 s14, $0x3;
	[sflag:s20] =	ssyncadd.s32 $0xFFFFFF80  }
0xc1: {  	[tilespmem:s23], [sflag:$0x9] =	stream.indirect.gather [hbm4b:s1+s19], $0x80, s17, s19, $0xb8;
	[tilespmem:$0x1FF00] =	vst v63  }
0xc2: {  	s16 =	simm.s32 @!p2 $0x13A00;
	s15 =	sadd.s32 @!p2 s5, s14  }
0xc3: {  	[tilespmem:s16], [sflag:$0x3] =	stream.linear.gather @!p2 [hbm4b:s15+s12], $0x80, $0x38;
	[tilespmem:$0x1FF00] =	vst v63  }
0xc4: {  	s14 =	sadd.s32 @!p2 s6, s14;
	s15 =	simm.s32 @!p2 $0x13D00  }
0xc5: {  	[tilespmem:s15], [sflag:$0x3] =	stream.linear.gather @!p2 [hbm4b:s14+s12], $0x80, $0x38;
	[tilespmem:$0x1FF00] =	vst v63  }
0xc6: {  	_ =	swait.ge [sflag:s25], $0x4000  }
0xc7: {  	[sflag:s25] =	ssyncset.done $0x0  }
0xc8: {  	s16 =	simm.s32 $0x13E00;
	[sflag:s25] =	ssyncadd.s32 $0xFFFFC000  }
0xc9: {  	[spmem:s2] =	stream.indirect.scatter.add.f32 [tilespmem:s22], [sflag:$0xB], $0x80, s16, s19, $0xb8;
	[tilespmem:$0x1FF00] =	vst v63  }
0xca: {  	_ =	swait.ge [sflag:s0], $0x4000  }
0xcb: {  	[sflag:s0] =	ssyncset.done $0x0  }
0xcc: {  	[sflag:s0] =	ssyncadd.s32 $0xFFFFC000  }
0xcd: {  	_ =	swait.ge [sflag:s18], $0x80  }
0xce: {  	[sflag:s18] =	ssyncset.done $0x0  }
0xcf: {  	[sflag:s18] =	ssyncadd.s32 $0xFFFFFF80  }
0xd0: {  	_ =	swait.ge [sflag:s18], $0x80  }
0xd1: {  	[sflag:s18] =	ssyncset.done $0x0  }
0xd2: {  	s14 =	simm.s32 @p2 $0x9;
	[sflag:s18] =	ssyncadd.s32 $0xFFFFFF80  }
0xd3: {  	[tilespmem:s28], [sflag:$0x7] =	stream.indirect.gather [hbm4b:s1+s19], $0x80, s30, s19, $0xb8;
	[tilespmem:$0x1FF00] =	vst v63  }
0xd4: {  	_ =	swait.ge @p2 [sflag:s14], $0x4000  }
0xd5: {  	s15 =	simm.s32 @p2 $0x13E80;
	[sflag:s14] =	ssyncset.done @p2 $0x0  }
0xd6: {  	s16 =	simm.s32 @p2 $0x1BF00;
	[sflag:s14] =	ssyncadd.s32 @p2 $0xFFFFC000;
	s14 =	simm.s32 @p2 $0x80  }
0xd7: {  	[spmem:s2] =	stream.indirect.scatter.add.f32 @p2 [tilespmem:s16], [sflag:$0xC], $0x80, s15, s14, $0xb8;
	[tilespmem:$0x1FF00] =	vst v63  }
0xd8: {  	s14 =	sadd.s32 @!p2 $0xFFFFFF80, s4  }
0xd9: {  	s15 =	sand.u32 @!p2 $0x7C00, s14  }
0xda: {  	s14 =	sand.u32 @!p2 $0x380, s14;
	s15 =	sadd.s32 @!p2 s7, s15  }
0xdb: {  	s14 =	sor.u32 @!p2 s14, s15  }
0xdc: {  	s14 =	sshrl.u32 @!p2 s14, $0x3  }
0xdd: {  	s16 =	simm.s32 @!p2 $0x13A80;
	s15 =	sadd.s32 @!p2 s5, s14  }
0xde: {  	[tilespmem:s16], [sflag:$0x4] =	stream.linear.gather @!p2 [hbm4b:s15+s12], $0x80, $0x38;
	[tilespmem:$0x1FF00] =	vst v63  }
0xdf: {  	s14 =	sadd.s32 @!p2 s6, s14;
	s15 =	simm.s32 @!p2 $0x13D80  }
0xe0: {  	[tilespmem:s15], [sflag:$0x4] =	stream.linear.gather @!p2 [hbm4b:s14+s12], $0x80, $0x38;
	[tilespmem:$0x1FF00] =	vst v63  }
0xe1: {  	s14 =	simm.s32 @!p2 $0x9  }
0xe2: {  	_ =	swait.ge @!p2 [sflag:s14], $0x4000  }
0xe3: {  	s16 =	simm.s32 @!p2 $0x1BF00;
	[sflag:s14] =	ssyncset.done @!p2 $0x0  }
0xe4: {  	s15 =	simm.s32 @!p2 $0x13E80;
	[sflag:s14] =	ssyncadd.s32 @!p2 $0xFFFFC000;
	s14 =	simm.s32 @!p2 $0x80  }
0xe5: {  	[spmem:s2] =	stream.indirect.scatter.add.f32 @!p2 [tilespmem:s16], [sflag:$0xC], $0x80, s15, s14, $0xb8;
	[tilespmem:$0x1FF00] =	vst v63  }
0xe6: {  	s15 =	simm.s32 @!p2 $0xB  }
0xe7: {  	_ =	swait.ge @!p2 [sflag:s15], $0x4000  }
0xe8: {  	[sflag:s15] =	ssyncset.done @!p2 $0x0  }
0xe9: {  	[sflag:s15] =	ssyncadd.s32 @!p2 $0xFFFFC000;
	s15 =	simm.s32 @!p2 $0x2  }
0xea: {  	_ =	swait.ge @!p2 [sflag:s15], $0x80  }
0xeb: {  	[sflag:s15] =	ssyncset.done @!p2 $0x0  }
0xec: {  	[sflag:s15] =	ssyncadd.s32 @!p2 $0xFFFFFF80  }
0xed: {  	_ =	swait.ge @!p2 [sflag:s15], $0x80  }
0xee: {  	[sflag:s15] =	ssyncset.done @!p2 $0x0  }
0xef: {  	[sflag:s15] =	ssyncadd.s32 @!p2 $0xFFFFFF80;
	s15 =	simm.s32 @!p2 $0x17F00  }
0xf0: {  	[tilespmem:s15], [sflag:$0x8] =	stream.indirect.gather @!p2 [hbm4b:s1+s14], $0x80, s13, s14, $0xb8;
	[tilespmem:$0x1FF00] =	vst v63  }
0xf1: {  	s13 =	sand.u32 @!p2 $0x7C00, s4  }
0xf2: {  	s14 =	sand.u32 @!p2 $0x300, s4;
	s13 =	sadd.s32 @!p2 s7, s13  }
0xf3: {  	s13 =	sor.u32 @!p2 s14, s13  }
.Ltmp6:
0xf4: {  	s13 =	sshrl.u32 @!p2 s13, $0x3;
	(pc) =	sbr.rel .LBB2_8-.Ltmp6, $4  }
0xf5: {  	s15 =	simm.s32 @!p2 $0x13B00;
	s14 =	sadd.s32 @!p2 s5, s13  }
0xf6: {  	[tilespmem:s15], [sflag:$0x5] =	stream.linear.gather @!p2 [hbm4b:s14+s12], $0x80, $0x38;
	[tilespmem:$0x1FF00] =	vst v63  }
0xf7: {  	s13 =	sadd.s32 @!p2 s6, s13;
	s14 =	simm.s32 @!p2 $0x13E00  }
0xf8: {  	[tilespmem:s14], [sflag:$0x5] =	stream.linear.gather @!p2 [hbm4b:s13+s12], $0x80, $0x38;
	[tilespmem:$0x1FF00] =	vst v63  }
.LBB2_9:
0xf9: {  	_ =	swait.ge [sflag:s0], $0x4000  }
0xfa: {  	[sflag:s0] =	ssyncset.done $0x0  }
0xfb: {  	[sflag:s0] =	ssyncadd.s32 $0xFFFFC000  }
0xfc: {  	_ =	swait.ge [sflag:s9], $0x4000  }
0xfd: {  	[sflag:s9] =	ssyncset.done $0x0  }
0xfe: {  	[sflag:s9] =	ssyncadd.s32 $0xFFFFC000  }
0xff: {  	_ =	swait.ge [sflag:s26], $0x4000  }
0x100: {  	[sflag:s26] =	ssyncset.done $0x0  }
0x101: {  	[sflag:s26] =	ssyncadd.s32 $0xFFFFC000  }
0x102: {  	[bflag:$0x0] =	sbarrier.arrive $0xFFFF  }
0x103: {  	s15 =	rddreg [dreg:$0x5]  }
0x104: {  	[tilespmem:s28], [sflag:$0xD] =	stream.linear.gather [spmem:s15], $0x4000, $0x38;
	[tilespmem:$0x1FF00] =	vst v63  }
0x105: {  	_ =	swait.ge [sflag:s29], $0x4000  }
0x106: {  	[sflag:s29] =	ssyncset.done $0x0  }
.Ltmp7:
0x107: {  	s10 =	rddreg [dreg:$0x10];
	[sflag:s29] =	ssyncadd.s32 $0xFFFFC000;
	(pc) =	sbr.rel @!p1 .LBB2_11-.Ltmp7, $4  }
0x108: {  	[hbm4b:s10+s3] =	stream.linear.scatter [tilespmem:s28], [sflag:$0xD], $0x4000, $0x38;
	[tilespmem:$0x1FF00] =	vst v63  }
0x109: {  	_ =	swait.ge [sflag:s29], $0x4000  }
0x10a: {  	s14 =	rddreg [dreg:$0x4]  }
0x10b: {  	s12 =	smov.u32 s15;
	[sflag:s29] =	ssyncset.done $0x0;
	s4 =	sadd.s32 $0xFFFFFFFF, s14  }
.LBB2_10:
0x10c: {  	[sflag:s29] =	ssyncadd.s32 $0xFFFFC000;
	s10 =	sadd.s32 $0x800, s10;
	s12 =	sadd.s32 $0x4000, s12  }
0x10d: {  	[tilespmem:s28], [sflag:$0xD] =	stream.linear.gather [spmem:s12], $0x4000, $0x38;
	[tilespmem:$0x1FF00] =	vst v63  }
0x10e: {  	p1 =	sne.s32 s4, $0x1;
	s4 =	sadd.s32 $0xFFFFFFFF, s4;
	_ =	swait.ge [sflag:s29], $0x4000  }
.Ltmp8:
0x10f: {  	[sflag:s29] =	ssyncset.done $0x0;
	(pc) =	sbr.rel @p1 .LBB2_10-.Ltmp8, $4  }
0x110: {  	[sflag:s29] =	ssyncadd.s32 $0xFFFFC000  }
0x111: {  	[hbm4b:s10+s3] =	stream.linear.scatter [tilespmem:s28], [sflag:$0xD], $0x4000, $0x38;
	[tilespmem:$0x1FF00] =	vst v63  }
0x112: {  	_ =	swait.ge [sflag:s29], $0x4000  }
0x113: {  	[sflag:s29] =	ssyncset.done $0x0  }
.LBB2_11:
0x114: {  	[sflag:s29] =	ssyncadd.s32 $0xFFFFC000;
	s4 =	simm.s32 @!p0 $0x13F00;
	s10 =	rddreg [dreg:$0x15]  }
0x115: {  	[tilespmem:s4], [sflag:$0xD] =	stream.linear.gather @!p0 [spmem:s10], $0x800, $0x38;
	[tilespmem:$0x1FF00] =	vst v63  }
0x116: {  	s10 =	simm.s32 @!p0 $0xD  }
0x117: {  	_ =	swait.ge @!p0 [sflag:s10], $0x800  }
0x118: {  	[sflag:s10] =	ssyncset.done @!p0 $0x0  }
0x119: {  	s12 =	simm.s32 @!p0 $0x0;
	s13 =	rddreg [dreg:$0x13];
	[sflag:s10] =	ssyncadd.s32 @!p0 $0xFFFFF800  }
0x11a: {  	[hbm4b:s13+s12] =	stream.linear.scatter @!p0 [tilespmem:s4], [sflag:$0xD], $0x800, $0x38;
	[tilespmem:$0x1FF00] =	vst v63  }
0x11b: {  	_ =	swait.ge @!p0 [sflag:s10], $0x800  }
0x11c: {  	s13 =	rddreg [dreg:$0x16]  }
0x11d: {  	s16 =	rddreg [dreg:$0x14];
	s12 =	sadd.s32 $0x1, s13  }
0x11e: {  	p1 =	sne.s32 s12, s16  }
.Ltmp9:
0x11f: {  	_ = 	snop;
	(pc) =	sbr.rel @p1 .LBB2_1-.Ltmp9, $3  }
0x120: {  	_ =	sdelay $0x1  }
0x121: {  	[sflag:s10] =	ssyncset.done @!p0 $0x0  }
0x122: {  	[sflag:s10] =	ssyncadd.s32 @!p0 $0xFFFFF800  }
0x123: {  	_ =	sfence.sel $0x180000  }
0x124: {  	[bflag:$0x0] =	sbarrier.arrive $0xFFFF  }
0x125: {  	_ =	strace $0x90000050  }
0x126: {  	s0 =	stileid.u32;
	[bflag:$0x2] =	sbarrier.arrive $0xFFFF  }
0x127: {  	p0 =	sne.s32 s0, $0x0;
	s0 =	rddreg [dreg:$0x3]  }
0x128: {  	s0 =	sadd.s32 @!p0 $0x100000, s0  }
0x129: {  	[sflag:s0] =	ssyncadd.tile.s32 @!p0 $0x1;
	_ =	shalt  }
.Lfunc_end2:
_tile_overlayer_lowered:
.L_overlay_start_2:
0x12a: {  	(tag) =	ssettag $0x2  }
0x12b: {  	s0 =	rddreg [dreg:$0x0];
	s2 =	stileid.u32  }
0x12c: {  	s1 =	rddreg [dreg:$0x1];
	p0 =	sne.s32 s2, $0x0  }
0x12d: {  	s3 =	rddreg [dreg:$0x2];
	[bflag:$0x3] =	sbarrier.arrive $0xFFFF;
	s2 =	simm.s32 @!p0 $0x1C0D  }
0x12e: {  	[timem:s3], [sflag:s2] =	dma.local @!p0 [hbm:s0], s1  }
0x12f: {  	s0 =	simm.s32 @!p0 $0xD  }
0x130: {  	_ =	swait.ge @!p0 [sflag:s0], s1  }
0x131: {  	s1 =	ssub.s32 @!p0 $0x0, s1;
	[sflag:s0] =	ssyncset.done @!p0 $0x0  }
0x132: {  	[sflag:s0] =	ssyncadd.s32 @!p0 s1  }
0x133: {  	[bflag:$0x3] =	sbarrier.arrive $0xFFFF  }
0x134: {  	_ =	shalt  }

</sc_bundles>
